<compile_context>
chip_gen: v7x
topology: tpu7x:2x2x1
jax: 0.10.2.dev20260603
libtpu: 0.0.44.dev20260713+nightly
codegen_flags: <defaults>
</compile_context>

<pallas_src>
import functools

import jax
import jax.numpy as jnp
import numpy as np
from jax import lax
from jax.experimental import pallas as pl
from jax.experimental.pallas import tpu as pltpu
from jax.experimental.pallas import tpu_sc as plsc

B, T, D = 4, 4096, 768
VOCAB = 100000
NUM_TABLES = 16
EMB = 32
TOTAL_EMBED = NUM_TABLES * EMB
KSZ = 4
P = B * T

_NC, _NS = 2, 16
_NW = _NC * _NS
_PPW = P // _NW
_CH = 512
_NCH = _PPW // _CH
_TPB = T // _PPW

_BP = 512
_NT = T // _BP


def _sc_body(ids_hbm, hm_hbm, tab_hbm, out_hbm, ids_v, hm_v, idx_v, rows_v, sem, wsem):
    wid = lax.axis_index("s") * _NC + lax.axis_index("c")
    b = wid // _TPB
    t0 = (wid % _TPB) * _PPW
    pltpu.sync_copy(ids_hbm.at[pl.ds(b * (T + 8) + t0, _PPW + 8)], ids_v)
    pltpu.sync_copy(hm_hbm, hm_v)
    m0 = hm_v[0]
    m1 = hm_v[1]
    m2 = hm_v[2]

    def hash_step(j, carry):
        k = j * 16
        s0 = ids_v[pl.ds(8 + k, 16)]
        s1 = ids_v[pl.ds(7 + k, 16)]
        s2 = ids_v[pl.ds(6 + k, 16)]
        h2 = (s0 * m0) ^ (s1 * m1)
        h3 = h2 ^ (s2 * m2)
        for i in range(NUM_TABLES):
            h = h2 if i < 8 else h3
            r = lax.rem(h + (i % 8) * 104729, VOCAB)
            r = r + jnp.where(r < 0, VOCAB, 0)
            idx_v[pl.ds(i * _PPW + k, 16)] = r + i * VOCAB
        return carry

    lax.fori_loop(0, _PPW // 16, hash_step, 0)

    gd = [None] * NUM_TABLES
    wd = [None] * NUM_TABLES

    def start_wb(i):
        wd[i] = pltpu.async_copy(
            rows_v.at[i % 4], out_hbm.at[pl.ds(wid * _PPW, _CH), i], wsem
        )

    for i in range(NUM_TABLES):
        if i >= 4:
            wd[i - 4].wait()
        gd[i] = pltpu.async_copy(
            tab_hbm.at[idx_v.at[pl.ds(i * _PPW, _CH)]], rows_v.at[i % 4], sem
        )
        if i >= 2:
            gd[i - 2].wait()
            start_wb(i - 2)
    for i in (NUM_TABLES - 2, NUM_TABLES - 1):
        gd[i].wait()
        start_wb(i)
    for i in range(NUM_TABLES - 4, NUM_TABLES):
        wd[i].wait()


@functools.cache
def _sc_gather():
    return pl.kernel(
        _sc_body,
        out_type=jax.ShapeDtypeStruct((P, NUM_TABLES, EMB), jnp.float32),
        mesh=plsc.VectorSubcoreMesh(
            core_axis_name="c", subcore_axis_name="s", num_cores=_NC, num_subcores=_NS
        ),
        scratch_types=[
            pltpu.VMEM((_PPW + 8,), jnp.int32),
            pltpu.VMEM((8, 16), jnp.int32),
            pltpu.VMEM((NUM_TABLES * _PPW,), jnp.int32),
            pltpu.VMEM((4, _CH, EMB), jnp.float32),
            pltpu.SemaphoreType.DMA,
            pltpu.SemaphoreType.DMA,
        ],
        compiler_params=pltpu.CompilerParams(use_tc_tiling_on_sc=False),
    )


def _tc_body(emb_ref, hid_ref, wk_ref, wv_ref, nk_ref, nq_ref, cw_ref, out_ref, prev_ref):
    it = pl.program_id(1)

    @pl.when(it == 0)
    def _():
        prev_ref[...] = jnp.zeros_like(prev_ref)

    emb16 = emb_ref[0].astype(jnp.bfloat16)
    hid = hid_ref[0]
    dn = (((1,), (0,)), ((), ()))
    key = lax.dot_general(emb16, wk_ref[...], dn, preferred_element_type=jnp.float32)
    kn = key * lax.rsqrt(jnp.mean(key * key, axis=-1, keepdims=True) + 1e-5)
    kn = kn * nk_ref[...]
    qn = hid * lax.rsqrt(jnp.mean(hid * hid, axis=-1, keepdims=True) + 1e-5)
    qn = qn * nq_ref[...]
    g = jnp.sum(kn * qn, axis=-1, keepdims=True) * np.float32(1.0 / np.sqrt(D))
    ga = jnp.clip(jnp.abs(g), 1e-8, 100.0)
    g = jnp.sqrt(ga) * jnp.sign(g)
    g = jax.nn.sigmoid(jnp.clip(g, -10.0, 10.0))
    val = g * lax.dot_general(emb16, wv_ref[...], dn, preferred_element_type=jnp.float32)

    prev = prev_ref[...]
    cw = cw_ref[...]
    vc = val * cw[KSZ - 1]
    for s in range(1, KSZ):
        shifted = jnp.concatenate([prev[8 - s :], val[: _BP - s]], axis=0)
        vc = vc + shifted * cw[KSZ - 1 - s]
    out_ref[0] = val + vc * jax.nn.sigmoid(vc)
    prev_ref[...] = val[_BP - 8 :]


_tc_dense = pl.pallas_call(
    _tc_body,
    grid=(B, _NT),
    in_specs=[
        pl.BlockSpec((1, _BP, TOTAL_EMBED), lambda ib, it: (ib, it, 0)),
        pl.BlockSpec((1, _BP, D), lambda ib, it: (ib, it, 0)),
        pl.BlockSpec((TOTAL_EMBED, D), lambda ib, it: (0, 0)),
        pl.BlockSpec((TOTAL_EMBED, D), lambda ib, it: (0, 0)),
        pl.BlockSpec((1, D), lambda ib, it: (0, 0)),
        pl.BlockSpec((1, D), lambda ib, it: (0, 0)),
        pl.BlockSpec((KSZ, D), lambda ib, it: (0, 0)),
    ],
    out_specs=pl.BlockSpec((1, _BP, D), lambda ib, it: (ib, it, 0)),
    out_shape=jax.ShapeDtypeStruct((B, T, D), jnp.float32),
    scratch_shapes=[pltpu.VMEM((8, D), jnp.float32)],
)


def kernel(hidden_states, emb_tables, Wk, Wv, norm_k_w, norm_q_w, conv_w, input_ids, hash_mult):
    ids_pad = jnp.pad(input_ids.astype(jnp.int32), ((0, 0), (8, 0))).reshape(-1)
    hm_b = jnp.broadcast_to(
        jnp.pad(hash_mult.astype(jnp.int32), (0, 5)).reshape(8, 1), (8, 16)
    )
    tab_flat = emb_tables.reshape(NUM_TABLES * VOCAB, EMB)
    gath = _sc_gather()(ids_pad, hm_b, tab_flat)
    emb = gath.reshape(B, T, TOTAL_EMBED)
    wk_t = Wk.T.astype(jnp.bfloat16)
    wv_t = Wv.T.astype(jnp.bfloat16)
    return _tc_dense(
        emb,
        hidden_states,
        wk_t,
        wv_t,
        norm_k_w.reshape(1, D),
        norm_q_w.reshape(1, D),
        conv_w.T,
    )

# --- scband reference (transcript-rebuilt; emitter-appended) ---
"""Pipeline reference for scband-llama-engram-25305947308158 (READ-ONLY COPY).

The authoritative reference and input builder live on the scoring server;
editing this copy changes nothing except your own understanding.
"""

import jax, jax.numpy as jnp
import numpy as np

B, T, D = 4, 4096, 768
VOCAB = 100000
NUM_HEADS = 8
MAX_NGRAM = 3
EMB_PER_HEAD = 32  # 256 // 8
NUM_TABLES = (MAX_NGRAM - 1) * NUM_HEADS  # 16
TOTAL_EMBED = (MAX_NGRAM - 1) * 256  # 512
KSZ = 4


def setup_inputs(seed: int = 0) -> dict:
    key = jax.random.key(seed)
    ks = jax.random.split(key, 8)
    hidden_states = jax.random.normal(ks[0], (B, T, D), dtype=jnp.float32)
    input_ids = jax.random.randint(ks[1], (B, T), 0, 32000, dtype=jnp.int32)
    emb_tables = jax.random.normal(ks[2], (NUM_TABLES, VOCAB, EMB_PER_HEAD), dtype=jnp.float32) * 0.02
    Wk = jax.random.normal(ks[3], (D, TOTAL_EMBED), dtype=jnp.float32) * 0.01
    Wv = jax.random.normal(ks[4], (D, TOTAL_EMBED), dtype=jnp.float32) * 0.01
    norm_k_w = jnp.ones((D,), dtype=jnp.float32)
    norm_q_w = jnp.ones((D,), dtype=jnp.float32)
    conv_w = jnp.zeros((D, KSZ), dtype=jnp.float32)  # depthwise conv, init zeros per module
    # fixed odd hash multipliers (torch draws them from a seeded RNG; values < 2*2**31//200000+1)
    hash_mult = jnp.array([12829, 18251, 9377], dtype=jnp.int32)
    return {
        "hidden_states": hidden_states,
        "emb_tables": emb_tables,
        "Wk": Wk,
        "Wv": Wv,
        "norm_k_w": norm_k_w,
        "norm_q_w": norm_q_w,
        "conv_w": conv_w,
        "input_ids": input_ids,
        "hash_mult": hash_mult,
    }


def _hash_ngrams(input_ids, hash_mult):
    ids = input_ids.astype(jnp.int32)
    idx_list = []
    for n in range(2, MAX_NGRAM + 1):
        toks = [ids]
        for off in range(1, n):
            shifted = jnp.pad(ids[:, :-off], ((0, 0), (off, 0)))
            toks.append(shifted)
        h = toks[0] * hash_mult[0]
        for i in range(1, n):
            h = h ^ (toks[i] * hash_mult[i])
        for head in range(NUM_HEADS):
            idx = jnp.clip((h + head * 104729) % VOCAB, 0, VOCAB - 1)
            idx_list.append(idx)
    return idx_list


def _rms_norm(x, w, eps=1e-5):
    return x * jax.lax.rsqrt(jnp.mean(x * x, axis=-1, keepdims=True) + eps) * w


def reference(hidden_states, emb_tables, Wk, Wv, norm_k_w, norm_q_w, conv_w, input_ids, hash_mult):
    Bv, Tv, Dv = hidden_states.shape
    idxs = _hash_ngrams(input_ids, hash_mult)
    embeds = [jnp.take(emb_tables[i], idxs[i], axis=0) for i in range(NUM_TABLES)]
    emb = jnp.concatenate(embeds, axis=-1)  # [B, T, 512]
    key_ = emb @ Wk.T
    query = hidden_states
    gate = jnp.sum(_rms_norm(key_, norm_k_w) * _rms_norm(query, norm_q_w), axis=-1, keepdims=True)
    gate = gate / np.sqrt(Dv)
    gate_abs = jnp.clip(jnp.abs(gate), 1e-8, 100.0)
    gate = jnp.sqrt(gate_abs) * jnp.sign(gate)
    gate = jax.nn.sigmoid(jnp.clip(gate, -10.0, 10.0))
    value = gate * (emb @ Wv.T)
    # causal depthwise conv1d (torch Conv1d padding=K-1, sliced to first T outputs)
    xp = jnp.pad(value, ((0, 0), (KSZ - 1, 0), (0, 0)))
    value_conv = jnp.zeros_like(value)
    for j in range(KSZ):
        value_conv = value_conv + xp[:, j:j + Tv, :] * conv_w[:, j]
    value_conv = jax.nn.silu(value_conv)
    return value + value_conv

if __name__ == "__main__":
    import jax
    _d = setup_inputs()
    print(jax.jit(kernel)(*tuple(_d.values())))

</pallas_src>

<mosaic_0001>
#map = affine_map<(d0, d1) -> (0)>
#map1 = affine_map<(d0, d1) -> (0, 0)>
#map2 = affine_map<(d0, d1) -> (0, 0, 0)>
module attributes {stable_mosaic.version = 14 : i64} {
  func.func @_sc_body(%arg0: i32, %arg1: i32, %arg2: memref<16416xi32, #tpu.memory_space<hbm>>, %arg3: memref<8x16xi32, #tpu.memory_space<hbm>>, %arg4: memref<1600000x32xf32, #tpu.memory_space<hbm>>, %arg5: memref<16384x16x32xf32, #tpu.memory_space<hbm>>, %arg6: memref<520xi32, #tpu.memory_space<vmem>>, %arg7: memref<8x16xi32, #tpu.memory_space<vmem>>, %arg8: memref<8192xi32, #tpu.memory_space<vmem>>, %arg9: memref<4x512x32xf32, #tpu.memory_space<vmem>>, %arg10: memref<!tpu.dma_semaphore, #tpu.memory_space<semaphore_mem>>, %arg11: memref<!tpu.dma_semaphore, #tpu.memory_space<semaphore_mem>>) attributes {dimension_semantics = [#tpu.dimension_semantics<core_parallel>, #tpu.dimension_semantics<subcore_parallel>], iteration_bounds = array<i64: 2, 16>, scalar_prefetch = 0 : i64, scratch_operands = 6 : i64, tpu.core_type = #tpu.core_type<sc_vector_subcore>, window_params = [{transform_indices = #map}, {transform_indices = #map1}, {transform_indices = #map1}, {transform_indices = #map2}]} {
    %mul3A = arith.constant 2 : i32
    %mul3A_0 = arith.muli %arg1, %mul3A : i32
    %add3A = arith.addi %mul3A_0, %arg0 : i32
    %jit3A = arith.constant 8 : i32
    %div3A = arith.divsi %add3A, %jit3A : i32
    %sign3A = arith.constant 0 : i32
    %sign3A_1 = arith.cmpi sgt, %add3A, %sign3A : i32
    %sign3A_2 = arith.extui %sign3A_1 : i1 to i32
    %sign3A_3 = arith.constant 0 : i32
    %sign3A_4 = arith.cmpi slt, %add3A, %sign3A_3 : i32
    %sign3A_5 = arith.extui %sign3A_4 : i1 to i32
    %sign3A_6 = arith.subi %sign3A_2, %sign3A_5 : i32
    %sign3A_7 = arith.constant 0 : i32
    %sign3A_8 = arith.cmpi sgt, %jit3A, %sign3A_7 : i32
    %sign3A_9 = arith.extui %sign3A_8 : i1 to i32
    %sign3A_10 = arith.constant 0 : i32
    %sign3A_11 = arith.cmpi slt, %jit3A, %sign3A_10 : i32
    %sign3A_12 = arith.extui %sign3A_11 : i1 to i32
    %sign3A_13 = arith.subi %sign3A_9, %sign3A_12 : i32
    %ne3A = arith.cmpi ne, %sign3A_6, %sign3A_13 : i32
    %rem3A = arith.remsi %add3A, %jit3A : i32
    %ne3A_14 = arith.constant 0 : i32
    %ne3A_15 = arith.cmpi ne, %rem3A, %ne3A_14 : i32
    %and3A = arith.andi %ne3A, %ne3A_15 : i1
    %sub3A = arith.constant 1 : i32
    %sub3A_16 = arith.subi %div3A, %sub3A : i32
    %select_n3A = arith.select %and3A, %sub3A_16, %div3A : i32
    %jit3A_17 = arith.constant 8 : i32
    %eq3A = arith.constant 0 : i32
    %eq3A_18 = arith.cmpi eq, %jit3A_17, %eq3A : i32
    %jit3A_19 = arith.constant 1 : i32
    %select_n3A_20 = arith.select %eq3A_18, %jit3A_19, %jit3A_17 : i32
    %rem3A_21 = arith.remsi %add3A, %select_n3A_20 : i32
    %ne3A_22 = arith.constant 0 : i32
    %ne3A_23 = arith.cmpi ne, %rem3A_21, %ne3A_22 : i32
    %lt3A = arith.constant 0 : i32
    %lt3A_24 = arith.cmpi slt, %rem3A_21, %lt3A : i32
    %lt3A_25 = arith.constant 0 : i32
    %lt3A_26 = arith.cmpi slt, %select_n3A_20, %lt3A_25 : i32
    %ne3A_27 = arith.xori %lt3A_24, %lt3A_26 : i1
    %and3A_28 = arith.andi %ne3A_27, %ne3A_23 : i1
    %add3A_29 = arith.addi %rem3A_21, %select_n3A_20 : i32
    %select_n3A_30 = arith.select %and3A_28, %add3A_29, %rem3A_21 : i32
    %mul3A_31 = arith.constant 512 : i32
    %mul3A_32 = arith.muli %select_n3A_30, %mul3A_31 : i32
    %mul3A_33 = arith.constant 4104 : i32
    %mul3A_34 = arith.muli %select_n3A, %mul3A_33 : i32
    %add3A_35 = arith.addi %mul3A_34, %mul3A_32 : i32
    "tpu.region"() ({
      %run_scoped3A = tpu.sem_alloc : memref<!tpu.dma_semaphore, #tpu.memory_space<semaphore_mem>>
      %dma_start3A_917 = tpu.memref_slice %arg2[%add3A_35] : memref<16416xi32, #tpu.memory_space<hbm>> -> memref<520xi32, #tpu.memory_space<hbm>>
      %dma_start3A_918 = tpu.memref_slice %arg2[%add3A_35] : memref<16416xi32, #tpu.memory_space<hbm>> -> memref<520xi32, #tpu.memory_space<hbm>>
      tpu.enqueue_dma source(%dma_start3A_918 : memref<520xi32, #tpu.memory_space<hbm>>) target(%arg6 : memref<520xi32, #tpu.memory_space<vmem>>) target_semaphore(%run_scoped3A : memref<!tpu.dma_semaphore, #tpu.memory_space<semaphore_mem>>)
      %dma_wait3A_919 = tpu.memref_slice %arg2[%add3A_35] : memref<16416xi32, #tpu.memory_space<hbm>> -> memref<520xi32, #tpu.memory_space<hbm>>
      %dma_wait3A_920 = tpu.memref_slice %arg2[%add3A_35] : memref<16416xi32, #tpu.memory_space<hbm>> -> memref<520xi32, #tpu.memory_space<hbm>>
      tpu.wait_dma2 semaphore(%run_scoped3A : memref<!tpu.dma_semaphore, #tpu.memory_space<semaphore_mem>>) src(%dma_wait3A_920 : memref<520xi32, #tpu.memory_space<hbm>>) dst(%arg6 : memref<520xi32, #tpu.memory_space<vmem>>)
      tpu.yield
    }) : () -> ()
    "tpu.region"() ({
      %run_scoped3A = tpu.sem_alloc : memref<!tpu.dma_semaphore, #tpu.memory_space<semaphore_mem>>
      tpu.enqueue_dma source(%arg3 : memref<8x16xi32, #tpu.memory_space<hbm>>) target(%arg7 : memref<8x16xi32, #tpu.memory_space<vmem>>) target_semaphore(%run_scoped3A : memref<!tpu.dma_semaphore, #tpu.memory_space<semaphore_mem>>)
      tpu.wait_dma2 semaphore(%run_scoped3A : memref<!tpu.dma_semaphore, #tpu.memory_space<semaphore_mem>>) src(%arg3 : memref<8x16xi32, #tpu.memory_space<hbm>>) dst(%arg7 : memref<8x16xi32, #tpu.memory_space<vmem>>)
      tpu.yield
    }) : () -> ()
    %get3A = arith.constant 0 : i32
    %get3A_36 = arith.index_cast %get3A : i32 to index
    %get3A_37 = arith.constant 0 : index
    %get3A_38 = tpu.vector_load %arg7[%get3A_36, %get3A_37] {strides = array<i32>} : memref<8x16xi32, #tpu.memory_space<vmem>>, vector<1x16xi32>,
    %get3A_39 = vector.shape_cast %get3A_38 : vector<1x16xi32> to vector<16xi32>
    %get3A_40 = arith.constant 1 : i32
    %get3A_41 = arith.index_cast %get3A_40 : i32 to index
    %get3A_42 = arith.constant 0 : index
    %get3A_43 = tpu.vector_load %arg7[%get3A_41, %get3A_42] {strides = array<i32>} : memref<8x16xi32, #tpu.memory_space<vmem>>, vector<1x16xi32>,
    %get3A_44 = vector.shape_cast %get3A_43 : vector<1x16xi32> to vector<16xi32>
    %get3A_45 = arith.constant 2 : i32
    %get3A_46 = arith.index_cast %get3A_45 : i32 to index
    %get3A_47 = arith.constant 0 : index
    %get3A_48 = tpu.vector_load %arg7[%get3A_46, %get3A_47] {strides = array<i32>} : memref<8x16xi32, #tpu.memory_space<vmem>>, vector<1x16xi32>,
    %get3A_49 = vector.shape_cast %get3A_48 : vector<1x16xi32> to vector<16xi32>
    %scan3A = arith.constant 0 : i32
    %scan3A_50 = arith.constant 0 : i32
    %scan3A_51 = arith.constant 32 : i32
    %scan3A_52 = arith.addi %scan3A_50, %scan3A_51 : i32
    %scan3A_53 = arith.constant 1 : i32
    scf.for %scan3A_917 = %scan3A_50 to %scan3A_52 step %scan3A_53  : i32 {
      %mul3A_918 = arith.constant 16 : i32
      %mul3A_919 = arith.muli %scan3A_917, %mul3A_918 : i32
      %add3A_920 = arith.constant 8 : i32
      %add3A_921 = arith.addi %add3A_920, %mul3A_919 : i32
      %get3A_922 = arith.index_cast %add3A_921 : i32 to index
      %get3A_923 = tpu.vector_load %arg6[%get3A_922] {strides = array<i32>} : memref<520xi32, #tpu.memory_space<vmem>>, vector<16xi32>,
      %get3A_924 = vector.shape_cast %get3A_923 : vector<16xi32> to vector<16xi32>
      %add3A_925 = arith.constant 7 : i32
      %add3A_926 = arith.addi %add3A_925, %mul3A_919 : i32
      %get3A_927 = arith.index_cast %add3A_926 : i32 to index
      %get3A_928 = tpu.vector_load %arg6[%get3A_927] {strides = array<i32>} : memref<520xi32, #tpu.memory_space<vmem>>, vector<16xi32>,
      %get3A_929 = vector.shape_cast %get3A_928 : vector<16xi32> to vector<16xi32>
      %add3A_930 = arith.constant 6 : i32
      %add3A_931 = arith.addi %add3A_930, %mul3A_919 : i32
      %get3A_932 = arith.index_cast %add3A_931 : i32 to index
      %get3A_933 = tpu.vector_load %arg6[%get3A_932] {strides = array<i32>} : memref<520xi32, #tpu.memory_space<vmem>>, vector<16xi32>,
      %get3A_934 = vector.shape_cast %get3A_933 : vector<16xi32> to vector<16xi32>
      %mul3A_935 = arith.muli %get3A_924, %get3A_39 : vector<16xi32>
      %mul3A_936 = arith.muli %get3A_929, %get3A_44 : vector<16xi32>
      %xor3A = arith.xori %mul3A_935, %mul3A_936 : vector<16xi32>
      %mul3A_937 = arith.muli %get3A_934, %get3A_49 : vector<16xi32>
      %xor3A_938 = arith.xori %xor3A, %mul3A_937 : vector<16xi32>
      %add3A_939 = arith.constant 0 : i32
      %add3A_940 = vector.broadcast %add3A_939 : i32 to vector<16xi32>
      %add3A_941 = arith.addi %xor3A, %add3A_940 : vector<16xi32>
      %rem3A_942 = arith.constant 100000 : i32
      %rem3A_943 = vector.broadcast %rem3A_942 : i32 to vector<16xi32>
      %rem3A_944 = arith.remsi %add3A_941, %rem3A_943 : vector<16xi32>
      %lt3A_945 = arith.constant 0 : i32
      %lt3A_946 = vector.broadcast %lt3A_945 : i32 to vector<16xi32>
      %lt3A_947 = arith.cmpi slt, %rem3A_944, %lt3A_946 : vector<16xi32>
      %jit3A_948 = arith.constant 100000 : i32
      %jit3A_949 = arith.constant 0 : i32
      %broadcast_in_dim3A = vector.broadcast %jit3A_948 : i32 to vector<16xi32>
      %broadcast_in_dim3A_950 = vector.broadcast %jit3A_949 : i32 to vector<16xi32>
      %select_n3A_951 = arith.select %lt3A_947, %broadcast_in_dim3A, %broadcast_in_dim3A_950 : vector<16xi1>, vector<16xi32>
      %add3A_952 = arith.addi %rem3A_944, %select_n3A_951 : vector<16xi32>
      %add3A_953 = arith.constant 0 : i32
      %add3A_954 = vector.broadcast %add3A_953 : i32 to vector<16xi32>
      %add3A_955 = arith.addi %add3A_952, %add3A_954 : vector<16xi32>
      %add3A_956 = arith.constant 0 : i32
      %add3A_957 = arith.addi %add3A_956, %mul3A_919 : i32
      %swap3A = arith.index_cast %add3A_957 : i32 to index
      %swap3A_958 = tpu.vector_load %arg8[%swap3A] {strides = array<i32>} : memref<8192xi32, #tpu.memory_space<vmem>>, vector<16xi32>,
      %swap3A_959 = vector.shape_cast %swap3A_958 : vector<16xi32> to vector<16xi32>
      %swap3A_960 = vector.shape_cast %add3A_955 : vector<16xi32> to vector<16xi32>
      tpu.vector_store %arg8[%swap3A], %swap3A_960 {strides = array<i32>} : memref<8192xi32, #tpu.memory_space<vmem>>, vector<16xi32>,
      %add3A_961 = arith.constant 104729 : i32
      %add3A_962 = vector.broadcast %add3A_961 : i32 to vector<16xi32>
      %add3A_963 = arith.addi %xor3A, %add3A_962 : vector<16xi32>
      %rem3A_964 = arith.constant 100000 : i32
      %rem3A_965 = vector.broadcast %rem3A_964 : i32 to vector<16xi32>
      %rem3A_966 = arith.remsi %add3A_963, %rem3A_965 : vector<16xi32>
      %lt3A_967 = arith.constant 0 : i32
      %lt3A_968 = vector.broadcast %lt3A_967 : i32 to vector<16xi32>
      %lt3A_969 = arith.cmpi slt, %rem3A_966, %lt3A_968 : vector<16xi32>
      %jit3A_970 = arith.constant 100000 : i32
      %jit3A_971 = arith.constant 0 : i32
      %broadcast_in_dim3A_972 = vector.broadcast %jit3A_970 : i32 to vector<16xi32>
      %broadcast_in_dim3A_973 = vector.broadcast %jit3A_971 : i32 to vector<16xi32>
      %select_n3A_974 = arith.select %lt3A_969, %broadcast_in_dim3A_972, %broadcast_in_dim3A_973 : vector<16xi1>, vector<16xi32>
      %add3A_975 = arith.addi %rem3A_966, %select_n3A_974 : vector<16xi32>
      %add3A_976 = arith.constant 100000 : i32
      %add3A_977 = vector.broadcast %add3A_976 : i32 to vector<16xi32>
      %add3A_978 = arith.addi %add3A_975, %add3A_977 : vector<16xi32>
      %add3A_979 = arith.constant 512 : i32
      %add3A_980 = arith.addi %add3A_979, %mul3A_919 : i32
      %swap3A_981 = arith.index_cast %add3A_980 : i32 to index
      %swap3A_982 = tpu.vector_load %arg8[%swap3A_981] {strides = array<i32>} : memref<8192xi32, #tpu.memory_space<vmem>>, vector<16xi32>,
      %swap3A_983 = vector.shape_cast %swap3A_982 : vector<16xi32> to vector<16xi32>
      %swap3A_984 = vector.shape_cast %add3A_978 : vector<16xi32> to vector<16xi32>
      tpu.vector_store %arg8[%swap3A_981], %swap3A_984 {strides = array<i32>} : memref<8192xi32, #tpu.memory_space<vmem>>, vector<16xi32>,
      %add3A_985 = arith.constant 209458 : i32
      %add3A_986 = vector.broadcast %add3A_985 : i32 to vector<16xi32>
      %add3A_987 = arith.addi %xor3A, %add3A_986 : vector<16xi32>
      %rem3A_988 = arith.constant 100000 : i32
      %rem3A_989 = vector.broadcast %rem3A_988 : i32 to vector<16xi32>
      %rem3A_990 = arith.remsi %add3A_987, %rem3A_989 : vector<16xi32>
      %lt3A_991 = arith.constant 0 : i32
      %lt3A_992 = vector.broadcast %lt3A_991 : i32 to vector<16xi32>
      %lt3A_993 = arith.cmpi slt, %rem3A_990, %lt3A_992 : vector<16xi32>
      %jit3A_994 = arith.constant 100000 : i32
      %jit3A_995 = arith.constant 0 : i32
      %broadcast_in_dim3A_996 = vector.broadcast %jit3A_994 : i32 to vector<16xi32>
      %broadcast_in_dim3A_997 = vector.broadcast %jit3A_995 : i32 to vector<16xi32>
      %select_n3A_998 = arith.select %lt3A_993, %broadcast_in_dim3A_996, %broadcast_in_dim3A_997 : vector<16xi1>, vector<16xi32>
      %add3A_999 = arith.addi %rem3A_990, %select_n3A_998 : vector<16xi32>
      %add3A_1000 = arith.constant 200000 : i32
      %add3A_1001 = vector.broadcast %add3A_1000 : i32 to vector<16xi32>
      %add3A_1002 = arith.addi %add3A_999, %add3A_1001 : vector<16xi32>
      %add3A_1003 = arith.constant 1024 : i32
      %add3A_1004 = arith.addi %add3A_1003, %mul3A_919 : i32
      %swap3A_1005 = arith.index_cast %add3A_1004 : i32 to index
      %swap3A_1006 = tpu.vector_load %arg8[%swap3A_1005] {strides = array<i32>} : memref<8192xi32, #tpu.memory_space<vmem>>, vector<16xi32>,
      %swap3A_1007 = vector.shape_cast %swap3A_1006 : vector<16xi32> to vector<16xi32>
      %swap3A_1008 = vector.shape_cast %add3A_1002 : vector<16xi32> to vector<16xi32>
      tpu.vector_store %arg8[%swap3A_1005], %swap3A_1008 {strides = array<i32>} : memref<8192xi32, #tpu.memory_space<vmem>>, vector<16xi32>,
      %add3A_1009 = arith.constant 314187 : i32
      %add3A_1010 = vector.broadcast %add3A_1009 : i32 to vector<16xi32>
      %add3A_1011 = arith.addi %xor3A, %add3A_1010 : vector<16xi32>
      %rem3A_1012 = arith.constant 100000 : i32
      %rem3A_1013 = vector.broadcast %rem3A_1012 : i32 to vector<16xi32>
      %rem3A_1014 = arith.remsi %add3A_1011, %rem3A_1013 : vector<16xi32>
      %lt3A_1015 = arith.constant 0 : i32
      %lt3A_1016 = vector.broadcast %lt3A_1015 : i32 to vector<16xi32>
      %lt3A_1017 = arith.cmpi slt, %rem3A_1014, %lt3A_1016 : vector<16xi32>
      %jit3A_1018 = arith.constant 100000 : i32
      %jit3A_1019 = arith.constant 0 : i32
      %broadcast_in_dim3A_1020 = vector.broadcast %jit3A_1018 : i32 to vector<16xi32>
      %broadcast_in_dim3A_1021 = vector.broadcast %jit3A_1019 : i32 to vector<16xi32>
      %select_n3A_1022 = arith.select %lt3A_1017, %broadcast_in_dim3A_1020, %broadcast_in_dim3A_1021 : vector<16xi1>, vector<16xi32>
      %add3A_1023 = arith.addi %rem3A_1014, %select_n3A_1022 : vector<16xi32>
      %add3A_1024 = arith.constant 300000 : i32
      %add3A_1025 = vector.broadcast %add3A_1024 : i32 to vector<16xi32>
      %add3A_1026 = arith.addi %add3A_1023, %add3A_1025 : vector<16xi32>
      %add3A_1027 = arith.constant 1536 : i32
      %add3A_1028 = arith.addi %add3A_1027, %mul3A_919 : i32
      %swap3A_1029 = arith.index_cast %add3A_1028 : i32 to index
      %swap3A_1030 = tpu.vector_load %arg8[%swap3A_1029] {strides = array<i32>} : memref<8192xi32, #tpu.memory_space<vmem>>, vector<16xi32>,
      %swap3A_1031 = vector.shape_cast %swap3A_1030 : vector<16xi32> to vector<16xi32>
      %swap3A_1032 = vector.shape_cast %add3A_1026 : vector<16xi32> to vector<16xi32>
      tpu.vector_store %arg8[%swap3A_1029], %swap3A_1032 {strides = array<i32>} : memref<8192xi32, #tpu.memory_space<vmem>>, vector<16xi32>,
      %add3A_1033 = arith.constant 418916 : i32
      %add3A_1034 = vector.broadcast %add3A_1033 : i32 to vector<16xi32>
      %add3A_1035 = arith.addi %xor3A, %add3A_1034 : vector<16xi32>
      %rem3A_1036 = arith.constant 100000 : i32
      %rem3A_1037 = vector.broadcast %rem3A_1036 : i32 to vector<16xi32>
      %rem3A_1038 = arith.remsi %add3A_1035, %rem3A_1037 : vector<16xi32>
      %lt3A_1039 = arith.constant 0 : i32
      %lt3A_1040 = vector.broadcast %lt3A_1039 : i32 to vector<16xi32>
      %lt3A_1041 = arith.cmpi slt, %rem3A_1038, %lt3A_1040 : vector<16xi32>
      %jit3A_1042 = arith.constant 100000 : i32
      %jit3A_1043 = arith.constant 0 : i32
      %broadcast_in_dim3A_1044 = vector.broadcast %jit3A_1042 : i32 to vector<16xi32>
      %broadcast_in_dim3A_1045 = vector.broadcast %jit3A_1043 : i32 to vector<16xi32>
      %select_n3A_1046 = arith.select %lt3A_1041, %broadcast_in_dim3A_1044, %broadcast_in_dim3A_1045 : vector<16xi1>, vector<16xi32>
      %add3A_1047 = arith.addi %rem3A_1038, %select_n3A_1046 : vector<16xi32>
      %add3A_1048 = arith.constant 400000 : i32
      %add3A_1049 = vector.broadcast %add3A_1048 : i32 to vector<16xi32>
      %add3A_1050 = arith.addi %add3A_1047, %add3A_1049 : vector<16xi32>
      %add3A_1051 = arith.constant 2048 : i32
      %add3A_1052 = arith.addi %add3A_1051, %mul3A_919 : i32
      %swap3A_1053 = arith.index_cast %add3A_1052 : i32 to index
      %swap3A_1054 = tpu.vector_load %arg8[%swap3A_1053] {strides = array<i32>} : memref<8192xi32, #tpu.memory_space<vmem>>, vector<16xi32>,
      %swap3A_1055 = vector.shape_cast %swap3A_1054 : vector<16xi32> to vector<16xi32>
      %swap3A_1056 = vector.shape_cast %add3A_1050 : vector<16xi32> to vector<16xi32>
      tpu.vector_store %arg8[%swap3A_1053], %swap3A_1056 {strides = array<i32>} : memref<8192xi32, #tpu.memory_space<vmem>>, vector<16xi32>,
      %add3A_1057 = arith.constant 523645 : i32
      %add3A_1058 = vector.broadcast %add3A_1057 : i32 to vector<16xi32>
      %add3A_1059 = arith.addi %xor3A, %add3A_1058 : vector<16xi32>
      %rem3A_1060 = arith.constant 100000 : i32
      %rem3A_1061 = vector.broadcast %rem3A_1060 : i32 to vector<16xi32>
      %rem3A_1062 = arith.remsi %add3A_1059, %rem3A_1061 : vector<16xi32>
      %lt3A_1063 = arith.constant 0 : i32
      %lt3A_1064 = vector.broadcast %lt3A_1063 : i32 to vector<16xi32>
      %lt3A_1065 = arith.cmpi slt, %rem3A_1062, %lt3A_1064 : vector<16xi32>
      %jit3A_1066 = arith.constant 100000 : i32
      %jit3A_1067 = arith.constant 0 : i32
      %broadcast_in_dim3A_1068 = vector.broadcast %jit3A_1066 : i32 to vector<16xi32>
      %broadcast_in_dim3A_1069 = vector.broadcast %jit3A_1067 : i32 to vector<16xi32>
      %select_n3A_1070 = arith.select %lt3A_1065, %broadcast_in_dim3A_1068, %broadcast_in_dim3A_1069 : vector<16xi1>, vector<16xi32>
      %add3A_1071 = arith.addi %rem3A_1062, %select_n3A_1070 : vector<16xi32>
      %add3A_1072 = arith.constant 500000 : i32
      %add3A_1073 = vector.broadcast %add3A_1072 : i32 to vector<16xi32>
      %add3A_1074 = arith.addi %add3A_1071, %add3A_1073 : vector<16xi32>
      %add3A_1075 = arith.constant 2560 : i32
      %add3A_1076 = arith.addi %add3A_1075, %mul3A_919 : i32
      %swap3A_1077 = arith.index_cast %add3A_1076 : i32 to index
      %swap3A_1078 = tpu.vector_load %arg8[%swap3A_1077] {strides = array<i32>} : memref<8192xi32, #tpu.memory_space<vmem>>, vector<16xi32>,
      %swap3A_1079 = vector.shape_cast %swap3A_1078 : vector<16xi32> to vector<16xi32>
      %swap3A_1080 = vector.shape_cast %add3A_1074 : vector<16xi32> to vector<16xi32>
      tpu.vector_store %arg8[%swap3A_1077], %swap3A_1080 {strides = array<i32>} : memref<8192xi32, #tpu.memory_space<vmem>>, vector<16xi32>,
      %add3A_1081 = arith.constant 628374 : i32
      %add3A_1082 = vector.broadcast %add3A_1081 : i32 to vector<16xi32>
      %add3A_1083 = arith.addi %xor3A, %add3A_1082 : vector<16xi32>
      %rem3A_1084 = arith.constant 100000 : i32
      %rem3A_1085 = vector.broadcast %rem3A_1084 : i32 to vector<16xi32>
      %rem3A_1086 = arith.remsi %add3A_1083, %rem3A_1085 : vector<16xi32>
      %lt3A_1087 = arith.constant 0 : i32
      %lt3A_1088 = vector.broadcast %lt3A_1087 : i32 to vector<16xi32>
      %lt3A_1089 = arith.cmpi slt, %rem3A_1086, %lt3A_1088 : vector<16xi32>
      %jit3A_1090 = arith.constant 100000 : i32
      %jit3A_1091 = arith.constant 0 : i32
      %broadcast_in_dim3A_1092 = vector.broadcast %jit3A_1090 : i32 to vector<16xi32>
      %broadcast_in_dim3A_1093 = vector.broadcast %jit3A_1091 : i32 to vector<16xi32>
      %select_n3A_1094 = arith.select %lt3A_1089, %broadcast_in_dim3A_1092, %broadcast_in_dim3A_1093 : vector<16xi1>, vector<16xi32>
      %add3A_1095 = arith.addi %rem3A_1086, %select_n3A_1094 : vector<16xi32>
      %add3A_1096 = arith.constant 600000 : i32
      %add3A_1097 = vector.broadcast %add3A_1096 : i32 to vector<16xi32>
      %add3A_1098 = arith.addi %add3A_1095, %add3A_1097 : vector<16xi32>
      %add3A_1099 = arith.constant 3072 : i32
      %add3A_1100 = arith.addi %add3A_1099, %mul3A_919 : i32
      %swap3A_1101 = arith.index_cast %add3A_1100 : i32 to index
      %swap3A_1102 = tpu.vector_load %arg8[%swap3A_1101] {strides = array<i32>} : memref<8192xi32, #tpu.memory_space<vmem>>, vector<16xi32>,
      %swap3A_1103 = vector.shape_cast %swap3A_1102 : vector<16xi32> to vector<16xi32>
      %swap3A_1104 = vector.shape_cast %add3A_1098 : vector<16xi32> to vector<16xi32>
      tpu.vector_store %arg8[%swap3A_1101], %swap3A_1104 {strides = array<i32>} : memref<8192xi32, #tpu.memory_space<vmem>>, vector<16xi32>,
      %add3A_1105 = arith.constant 733103 : i32
      %add3A_1106 = vector.broadcast %add3A_1105 : i32 to vector<16xi32>
      %add3A_1107 = arith.addi %xor3A, %add3A_1106 : vector<16xi32>
      %rem3A_1108 = arith.constant 100000 : i32
      %rem3A_1109 = vector.broadcast %rem3A_1108 : i32 to vector<16xi32>
      %rem3A_1110 = arith.remsi %add3A_1107, %rem3A_1109 : vector<16xi32>
      %lt3A_1111 = arith.constant 0 : i32
      %lt3A_1112 = vector.broadcast %lt3A_1111 : i32 to vector<16xi32>
      %lt3A_1113 = arith.cmpi slt, %rem3A_1110, %lt3A_1112 : vector<16xi32>
      %jit3A_1114 = arith.constant 100000 : i32
      %jit3A_1115 = arith.constant 0 : i32
      %broadcast_in_dim3A_1116 = vector.broadcast %jit3A_1114 : i32 to vector<16xi32>
      %broadcast_in_dim3A_1117 = vector.broadcast %jit3A_1115 : i32 to vector<16xi32>
      %select_n3A_1118 = arith.select %lt3A_1113, %broadcast_in_dim3A_1116, %broadcast_in_dim3A_1117 : vector<16xi1>, vector<16xi32>
      %add3A_1119 = arith.addi %rem3A_1110, %select_n3A_1118 : vector<16xi32>
      %add3A_1120 = arith.constant 700000 : i32
      %add3A_1121 = vector.broadcast %add3A_1120 : i32 to vector<16xi32>
      %add3A_1122 = arith.addi %add3A_1119, %add3A_1121 : vector<16xi32>
      %add3A_1123 = arith.constant 3584 : i32
      %add3A_1124 = arith.addi %add3A_1123, %mul3A_919 : i32
      %swap3A_1125 = arith.index_cast %add3A_1124 : i32 to index
      %swap3A_1126 = tpu.vector_load %arg8[%swap3A_1125] {strides = array<i32>} : memref<8192xi32, #tpu.memory_space<vmem>>, vector<16xi32>,
      %swap3A_1127 = vector.shape_cast %swap3A_1126 : vector<16xi32> to vector<16xi32>
      %swap3A_1128 = vector.shape_cast %add3A_1122 : vector<16xi32> to vector<16xi32>
      tpu.vector_store %arg8[%swap3A_1125], %swap3A_1128 {strides = array<i32>} : memref<8192xi32, #tpu.memory_space<vmem>>, vector<16xi32>,
      %add3A_1129 = arith.constant 0 : i32
      %add3A_1130 = vector.broadcast %add3A_1129 : i32 to vector<16xi32>
      %add3A_1131 = arith.addi %xor3A_938, %add3A_1130 : vector<16xi32>
      %rem3A_1132 = arith.constant 100000 : i32
      %rem3A_1133 = vector.broadcast %rem3A_1132 : i32 to vector<16xi32>
      %rem3A_1134 = arith.remsi %add3A_1131, %rem3A_1133 : vector<16xi32>
      %lt3A_1135 = arith.constant 0 : i32
      %lt3A_1136 = vector.broadcast %lt3A_1135 : i32 to vector<16xi32>
      %lt3A_1137 = arith.cmpi slt, %rem3A_1134, %lt3A_1136 : vector<16xi32>
      %jit3A_1138 = arith.constant 100000 : i32
      %jit3A_1139 = arith.constant 0 : i32
      %broadcast_in_dim3A_1140 = vector.broadcast %jit3A_1138 : i32 to vector<16xi32>
      %broadcast_in_dim3A_1141 = vector.broadcast %jit3A_1139 : i32 to vector<16xi32>
      %select_n3A_1142 = arith.select %lt3A_1137, %broadcast_in_dim3A_1140, %broadcast_in_dim3A_1141 : vector<16xi1>, vector<16xi32>
      %add3A_1143 = arith.addi %rem3A_1134, %select_n3A_1142 : vector<16xi32>
      %add3A_1144 = arith.constant 800000 : i32
      %add3A_1145 = vector.broadcast %add3A_1144 : i32 to vector<16xi32>
      %add3A_1146 = arith.addi %add3A_1143, %add3A_1145 : vector<16xi32>
      %add3A_1147 = arith.constant 4096 : i32
      %add3A_1148 = arith.addi %add3A_1147, %mul3A_919 : i32
      %swap3A_1149 = arith.index_cast %add3A_1148 : i32 to index
      %swap3A_1150 = tpu.vector_load %arg8[%swap3A_1149] {strides = array<i32>} : memref<8192xi32, #tpu.memory_space<vmem>>, vector<16xi32>,
      %swap3A_1151 = vector.shape_cast %swap3A_1150 : vector<16xi32> to vector<16xi32>
      %swap3A_1152 = vector.shape_cast %add3A_1146 : vector<16xi32> to vector<16xi32>
      tpu.vector_store %arg8[%swap3A_1149], %swap3A_1152 {strides = array<i32>} : memref<8192xi32, #tpu.memory_space<vmem>>, vector<16xi32>,
      %add3A_1153 = arith.constant 104729 : i32
      %add3A_1154 = vector.broadcast %add3A_1153 : i32 to vector<16xi32>
      %add3A_1155 = arith.addi %xor3A_938, %add3A_1154 : vector<16xi32>
      %rem3A_1156 = arith.constant 100000 : i32
      %rem3A_1157 = vector.broadcast %rem3A_1156 : i32 to vector<16xi32>
      %rem3A_1158 = arith.remsi %add3A_1155, %rem3A_1157 : vector<16xi32>
      %lt3A_1159 = arith.constant 0 : i32
      %lt3A_1160 = vector.broadcast %lt3A_1159 : i32 to vector<16xi32>
      %lt3A_1161 = arith.cmpi slt, %rem3A_1158, %lt3A_1160 : vector<16xi32>
      %jit3A_1162 = arith.constant 100000 : i32
      %jit3A_1163 = arith.constant 0 : i32
      %broadcast_in_dim3A_1164 = vector.broadcast %jit3A_1162 : i32 to vector<16xi32>
      %broadcast_in_dim3A_1165 = vector.broadcast %jit3A_1163 : i32 to vector<16xi32>
      %select_n3A_1166 = arith.select %lt3A_1161, %broadcast_in_dim3A_1164, %broadcast_in_dim3A_1165 : vector<16xi1>, vector<16xi32>
      %add3A_1167 = arith.addi %rem3A_1158, %select_n3A_1166 : vector<16xi32>
      %add3A_1168 = arith.constant 900000 : i32
      %add3A_1169 = vector.broadcast %add3A_1168 : i32 to vector<16xi32>
      %add3A_1170 = arith.addi %add3A_1167, %add3A_1169 : vector<16xi32>
      %add3A_1171 = arith.constant 4608 : i32
      %add3A_1172 = arith.addi %add3A_1171, %mul3A_919 : i32
      %swap3A_1173 = arith.index_cast %add3A_1172 : i32 to index
      %swap3A_1174 = tpu.vector_load %arg8[%swap3A_1173] {strides = array<i32>} : memref<8192xi32, #tpu.memory_space<vmem>>, vector<16xi32>,
      %swap3A_1175 = vector.shape_cast %swap3A_1174 : vector<16xi32> to vector<16xi32>
      %swap3A_1176 = vector.shape_cast %add3A_1170 : vector<16xi32> to vector<16xi32>
      tpu.vector_store %arg8[%swap3A_1173], %swap3A_1176 {strides = array<i32>} : memref<8192xi32, #tpu.memory_space<vmem>>, vector<16xi32>,
      %add3A_1177 = arith.constant 209458 : i32
      %add3A_1178 = vector.broadcast %add3A_1177 : i32 to vector<16xi32>
      %add3A_1179 = arith.addi %xor3A_938, %add3A_1178 : vector<16xi32>
      %rem3A_1180 = arith.constant 100000 : i32
      %rem3A_1181 = vector.broadcast %rem3A_1180 : i32 to vector<16xi32>
      %rem3A_1182 = arith.remsi %add3A_1179, %rem3A_1181 : vector<16xi32>
      %lt3A_1183 = arith.constant 0 : i32
      %lt3A_1184 = vector.broadcast %lt3A_1183 : i32 to vector<16xi32>
      %lt3A_1185 = arith.cmpi slt, %rem3A_1182, %lt3A_1184 : vector<16xi32>
      %jit3A_1186 = arith.constant 100000 : i32
      %jit3A_1187 = arith.constant 0 : i32
      %broadcast_in_dim3A_1188 = vector.broadcast %jit3A_1186 : i32 to vector<16xi32>
      %broadcast_in_dim3A_1189 = vector.broadcast %jit3A_1187 : i32 to vector<16xi32>
      %select_n3A_1190 = arith.select %lt3A_1185, %broadcast_in_dim3A_1188, %broadcast_in_dim3A_1189 : vector<16xi1>, vector<16xi32>
      %add3A_1191 = arith.addi %rem3A_1182, %select_n3A_1190 : vector<16xi32>
      %add3A_1192 = arith.constant 1000000 : i32
      %add3A_1193 = vector.broadcast %add3A_1192 : i32 to vector<16xi32>
      %add3A_1194 = arith.addi %add3A_1191, %add3A_1193 : vector<16xi32>
      %add3A_1195 = arith.constant 5120 : i32
      %add3A_1196 = arith.addi %add3A_1195, %mul3A_919 : i32
      %swap3A_1197 = arith.index_cast %add3A_1196 : i32 to index
      %swap3A_1198 = tpu.vector_load %arg8[%swap3A_1197] {strides = array<i32>} : memref<8192xi32, #tpu.memory_space<vmem>>, vector<16xi32>,
      %swap3A_1199 = vector.shape_cast %swap3A_1198 : vector<16xi32> to vector<16xi32>
      %swap3A_1200 = vector.shape_cast %add3A_1194 : vector<16xi32> to vector<16xi32>
      tpu.vector_store %arg8[%swap3A_1197], %swap3A_1200 {strides = array<i32>} : memref<8192xi32, #tpu.memory_space<vmem>>, vector<16xi32>,
      %add3A_1201 = arith.constant 314187 : i32
      %add3A_1202 = vector.broadcast %add3A_1201 : i32 to vector<16xi32>
      %add3A_1203 = arith.addi %xor3A_938, %add3A_1202 : vector<16xi32>
      %rem3A_1204 = arith.constant 100000 : i32
      %rem3A_1205 = vector.broadcast %rem3A_1204 : i32 to vector<16xi32>
      %rem3A_1206 = arith.remsi %add3A_1203, %rem3A_1205 : vector<16xi32>
      %lt3A_1207 = arith.constant 0 : i32
      %lt3A_1208 = vector.broadcast %lt3A_1207 : i32 to vector<16xi32>
      %lt3A_1209 = arith.cmpi slt, %rem3A_1206, %lt3A_1208 : vector<16xi32>
      %jit3A_1210 = arith.constant 100000 : i32
      %jit3A_1211 = arith.constant 0 : i32
      %broadcast_in_dim3A_1212 = vector.broadcast %jit3A_1210 : i32 to vector<16xi32>
      %broadcast_in_dim3A_1213 = vector.broadcast %jit3A_1211 : i32 to vector<16xi32>
      %select_n3A_1214 = arith.select %lt3A_1209, %broadcast_in_dim3A_1212, %broadcast_in_dim3A_1213 : vector<16xi1>, vector<16xi32>
      %add3A_1215 = arith.addi %rem3A_1206, %select_n3A_1214 : vector<16xi32>
      %add3A_1216 = arith.constant 1100000 : i32
      %add3A_1217 = vector.broadcast %add3A_1216 : i32 to vector<16xi32>
      %add3A_1218 = arith.addi %add3A_1215, %add3A_1217 : vector<16xi32>
      %add3A_1219 = arith.constant 5632 : i32
      %add3A_1220 = arith.addi %add3A_1219, %mul3A_919 : i32
      %swap3A_1221 = arith.index_cast %add3A_1220 : i32 to index
      %swap3A_1222 = tpu.vector_load %arg8[%swap3A_1221] {strides = array<i32>} : memref<8192xi32, #tpu.memory_space<vmem>>, vector<16xi32>,
      %swap3A_1223 = vector.shape_cast %swap3A_1222 : vector<16xi32> to vector<16xi32>
      %swap3A_1224 = vector.shape_cast %add3A_1218 : vector<16xi32> to vector<16xi32>
      tpu.vector_store %arg8[%swap3A_1221], %swap3A_1224 {strides = array<i32>} : memref<8192xi32, #tpu.memory_space<vmem>>, vector<16xi32>,
      %add3A_1225 = arith.constant 418916 : i32
      %add3A_1226 = vector.broadcast %add3A_1225 : i32 to vector<16xi32>
      %add3A_1227 = arith.addi %xor3A_938, %add3A_1226 : vector<16xi32>
      %rem3A_1228 = arith.constant 100000 : i32
      %rem3A_1229 = vector.broadcast %rem3A_1228 : i32 to vector<16xi32>
      %rem3A_1230 = arith.remsi %add3A_1227, %rem3A_1229 : vector<16xi32>
      %lt3A_1231 = arith.constant 0 : i32
      %lt3A_1232 = vector.broadcast %lt3A_1231 : i32 to vector<16xi32>
      %lt3A_1233 = arith.cmpi slt, %rem3A_1230, %lt3A_1232 : vector<16xi32>
      %jit3A_1234 = arith.constant 100000 : i32
      %jit3A_1235 = arith.constant 0 : i32
      %broadcast_in_dim3A_1236 = vector.broadcast %jit3A_1234 : i32 to vector<16xi32>
      %broadcast_in_dim3A_1237 = vector.broadcast %jit3A_1235 : i32 to vector<16xi32>
      %select_n3A_1238 = arith.select %lt3A_1233, %broadcast_in_dim3A_1236, %broadcast_in_dim3A_1237 : vector<16xi1>, vector<16xi32>
      %add3A_1239 = arith.addi %rem3A_1230, %select_n3A_1238 : vector<16xi32>
      %add3A_1240 = arith.constant 1200000 : i32
      %add3A_1241 = vector.broadcast %add3A_1240 : i32 to vector<16xi32>
      %add3A_1242 = arith.addi %add3A_1239, %add3A_1241 : vector<16xi32>
      %add3A_1243 = arith.constant 6144 : i32
      %add3A_1244 = arith.addi %add3A_1243, %mul3A_919 : i32
      %swap3A_1245 = arith.index_cast %add3A_1244 : i32 to index
      %swap3A_1246 = tpu.vector_load %arg8[%swap3A_1245] {strides = array<i32>} : memref<8192xi32, #tpu.memory_space<vmem>>, vector<16xi32>,
      %swap3A_1247 = vector.shape_cast %swap3A_1246 : vector<16xi32> to vector<16xi32>
      %swap3A_1248 = vector.shape_cast %add3A_1242 : vector<16xi32> to vector<16xi32>
      tpu.vector_store %arg8[%swap3A_1245], %swap3A_1248 {strides = array<i32>} : memref<8192xi32, #tpu.memory_space<vmem>>, vector<16xi32>,
      %add3A_1249 = arith.constant 523645 : i32
      %add3A_1250 = vector.broadcast %add3A_1249 : i32 to vector<16xi32>
      %add3A_1251 = arith.addi %xor3A_938, %add3A_1250 : vector<16xi32>
      %rem3A_1252 = arith.constant 100000 : i32
      %rem3A_1253 = vector.broadcast %rem3A_1252 : i32 to vector<16xi32>
      %rem3A_1254 = arith.remsi %add3A_1251, %rem3A_1253 : vector<16xi32>
      %lt3A_1255 = arith.constant 0 : i32
      %lt3A_1256 = vector.broadcast %lt3A_1255 : i32 to vector<16xi32>
      %lt3A_1257 = arith.cmpi slt, %rem3A_1254, %lt3A_1256 : vector<16xi32>
      %jit3A_1258 = arith.constant 100000 : i32
      %jit3A_1259 = arith.constant 0 : i32
      %broadcast_in_dim3A_1260 = vector.broadcast %jit3A_1258 : i32 to vector<16xi32>
      %broadcast_in_dim3A_1261 = vector.broadcast %jit3A_1259 : i32 to vector<16xi32>
      %select_n3A_1262 = arith.select %lt3A_1257, %broadcast_in_dim3A_1260, %broadcast_in_dim3A_1261 : vector<16xi1>, vector<16xi32>
      %add3A_1263 = arith.addi %rem3A_1254, %select_n3A_1262 : vector<16xi32>
      %add3A_1264 = arith.constant 1300000 : i32
      %add3A_1265 = vector.broadcast %add3A_1264 : i32 to vector<16xi32>
      %add3A_1266 = arith.addi %add3A_1263, %add3A_1265 : vector<16xi32>
      %add3A_1267 = arith.constant 6656 : i32
      %add3A_1268 = arith.addi %add3A_1267, %mul3A_919 : i32
      %swap3A_1269 = arith.index_cast %add3A_1268 : i32 to index
      %swap3A_1270 = tpu.vector_load %arg8[%swap3A_1269] {strides = array<i32>} : memref<8192xi32, #tpu.memory_space<vmem>>, vector<16xi32>,
      %swap3A_1271 = vector.shape_cast %swap3A_1270 : vector<16xi32> to vector<16xi32>
      %swap3A_1272 = vector.shape_cast %add3A_1266 : vector<16xi32> to vector<16xi32>
      tpu.vector_store %arg8[%swap3A_1269], %swap3A_1272 {strides = array<i32>} : memref<8192xi32, #tpu.memory_space<vmem>>, vector<16xi32>,
      %add3A_1273 = arith.constant 628374 : i32
      %add3A_1274 = vector.broadcast %add3A_1273 : i32 to vector<16xi32>
      %add3A_1275 = arith.addi %xor3A_938, %add3A_1274 : vector<16xi32>
      %rem3A_1276 = arith.constant 100000 : i32
      %rem3A_1277 = vector.broadcast %rem3A_1276 : i32 to vector<16xi32>
      %rem3A_1278 = arith.remsi %add3A_1275, %rem3A_1277 : vector<16xi32>
      %lt3A_1279 = arith.constant 0 : i32
      %lt3A_1280 = vector.broadcast %lt3A_1279 : i32 to vector<16xi32>
      %lt3A_1281 = arith.cmpi slt, %rem3A_1278, %lt3A_1280 : vector<16xi32>
      %jit3A_1282 = arith.constant 100000 : i32
      %jit3A_1283 = arith.constant 0 : i32
      %broadcast_in_dim3A_1284 = vector.broadcast %jit3A_1282 : i32 to vector<16xi32>
      %broadcast_in_dim3A_1285 = vector.broadcast %jit3A_1283 : i32 to vector<16xi32>
      %select_n3A_1286 = arith.select %lt3A_1281, %broadcast_in_dim3A_1284, %broadcast_in_dim3A_1285 : vector<16xi1>, vector<16xi32>
      %add3A_1287 = arith.addi %rem3A_1278, %select_n3A_1286 : vector<16xi32>
      %add3A_1288 = arith.constant 1400000 : i32
      %add3A_1289 = vector.broadcast %add3A_1288 : i32 to vector<16xi32>
      %add3A_1290 = arith.addi %add3A_1287, %add3A_1289 : vector<16xi32>
      %add3A_1291 = arith.constant 7168 : i32
      %add3A_1292 = arith.addi %add3A_1291, %mul3A_919 : i32
      %swap3A_1293 = arith.index_cast %add3A_1292 : i32 to index
      %swap3A_1294 = tpu.vector_load %arg8[%swap3A_1293] {strides = array<i32>} : memref<8192xi32, #tpu.memory_space<vmem>>, vector<16xi32>,
      %swap3A_1295 = vector.shape_cast %swap3A_1294 : vector<16xi32> to vector<16xi32>
      %swap3A_1296 = vector.shape_cast %add3A_1290 : vector<16xi32> to vector<16xi32>
      tpu.vector_store %arg8[%swap3A_1293], %swap3A_1296 {strides = array<i32>} : memref<8192xi32, #tpu.memory_space<vmem>>, vector<16xi32>,
      %add3A_1297 = arith.constant 733103 : i32
      %add3A_1298 = vector.broadcast %add3A_1297 : i32 to vector<16xi32>
      %add3A_1299 = arith.addi %xor3A_938, %add3A_1298 : vector<16xi32>
      %rem3A_1300 = arith.constant 100000 : i32
      %rem3A_1301 = vector.broadcast %rem3A_1300 : i32 to vector<16xi32>
      %rem3A_1302 = arith.remsi %add3A_1299, %rem3A_1301 : vector<16xi32>
      %lt3A_1303 = arith.constant 0 : i32
      %lt3A_1304 = vector.broadcast %lt3A_1303 : i32 to vector<16xi32>
      %lt3A_1305 = arith.cmpi slt, %rem3A_1302, %lt3A_1304 : vector<16xi32>
      %jit3A_1306 = arith.constant 100000 : i32
      %jit3A_1307 = arith.constant 0 : i32
      %broadcast_in_dim3A_1308 = vector.broadcast %jit3A_1306 : i32 to vector<16xi32>
      %broadcast_in_dim3A_1309 = vector.broadcast %jit3A_1307 : i32 to vector<16xi32>
      %select_n3A_1310 = arith.select %lt3A_1305, %broadcast_in_dim3A_1308, %broadcast_in_dim3A_1309 : vector<16xi1>, vector<16xi32>
      %add3A_1311 = arith.addi %rem3A_1302, %select_n3A_1310 : vector<16xi32>
      %add3A_1312 = arith.constant 1500000 : i32
      %add3A_1313 = vector.broadcast %add3A_1312 : i32 to vector<16xi32>
      %add3A_1314 = arith.addi %add3A_1311, %add3A_1313 : vector<16xi32>
      %add3A_1315 = arith.constant 7680 : i32
      %add3A_1316 = arith.addi %add3A_1315, %mul3A_919 : i32
      %swap3A_1317 = arith.index_cast %add3A_1316 : i32 to index
      %swap3A_1318 = tpu.vector_load %arg8[%swap3A_1317] {strides = array<i32>} : memref<8192xi32, #tpu.memory_space<vmem>>, vector<16xi32>,
      %swap3A_1319 = vector.shape_cast %swap3A_1318 : vector<16xi32> to vector<16xi32>
      %swap3A_1320 = vector.shape_cast %add3A_1314 : vector<16xi32> to vector<16xi32>
      tpu.vector_store %arg8[%swap3A_1317], %swap3A_1320 {strides = array<i32>} : memref<8192xi32, #tpu.memory_space<vmem>>, vector<16xi32>,
    }
    %scan3A_54 = arith.constant 32 : i32
    %dma_start3A = arith.constant 0 : i32
    %dma_start3A_55 = arith.constant 0 : i32
    %dma_start3A_56 = arith.constant 0 : i32
    %dma_start3A_57 = tpu.memref_slice %arg9[%dma_start3A, %dma_start3A_55, %dma_start3A_56] : memref<4x512x32xf32, #tpu.memory_space<vmem>> -> memref<1x512x32xf32, #tpu.memory_space<vmem>>
    %dma_start3A_58 = tpu.memref_squeeze %dma_start3A_57 : memref<1x512x32xf32, #tpu.memory_space<vmem>> -> memref<512x32xf32, #tpu.memory_space<vmem>>
    %dma_start3A_59 = arith.constant 0 : i32
    %dma_start3A_60 = tpu.memref_slice %arg8[%dma_start3A_59] : memref<8192xi32, #tpu.memory_space<vmem>> -> memref<512xi32, #tpu.memory_space<vmem>>
    %dma_start3A_61 = arith.constant 0 : i32
    %dma_start3A_62 = arith.constant 0 : i32
    %dma_start3A_63 = tpu.memref_slice %arg4[%dma_start3A_61, %dma_start3A_62] : memref<1600000x32xf32, #tpu.memory_space<hbm>> -> memref<1600000x32xf32, #tpu.memory_space<hbm>>
    tpu.enqueue_indirect_dma source(%dma_start3A_63 : memref<1600000x32xf32, #tpu.memory_space<hbm>>) target(%dma_start3A_58 : memref<512x32xf32, #tpu.memory_space<vmem>>) offsets(%dma_start3A_60 : memref<512xi32, #tpu.memory_space<vmem>>) semaphore(%arg10 : memref<!tpu.dma_semaphore, #tpu.memory_space<semaphore_mem>>)
    %dma_start3A_64 = arith.constant 1 : i32
    %dma_start3A_65 = arith.constant 0 : i32
    %dma_start3A_66 = arith.constant 0 : i32
    %dma_start3A_67 = tpu.memref_slice %arg9[%dma_start3A_64, %dma_start3A_65, %dma_start3A_66] : memref<4x512x32xf32, #tpu.memory_space<vmem>> -> memref<1x512x32xf32, #tpu.memory_space<vmem>>
    %dma_start3A_68 = tpu.memref_squeeze %dma_start3A_67 : memref<1x512x32xf32, #tpu.memory_space<vmem>> -> memref<512x32xf32, #tpu.memory_space<vmem>>
    %dma_start3A_69 = arith.constant 512 : i32
    %dma_start3A_70 = tpu.memref_slice %arg8[%dma_start3A_69] : memref<8192xi32, #tpu.memory_space<vmem>> -> memref<512xi32, #tpu.memory_space<vmem>>
    %dma_start3A_71 = arith.constant 0 : i32
    %dma_start3A_72 = arith.constant 0 : i32
    %dma_start3A_73 = tpu.memref_slice %arg4[%dma_start3A_71, %dma_start3A_72] : memref<1600000x32xf32, #tpu.memory_space<hbm>> -> memref<1600000x32xf32, #tpu.memory_space<hbm>>
    tpu.enqueue_indirect_dma source(%dma_start3A_73 : memref<1600000x32xf32, #tpu.memory_space<hbm>>) target(%dma_start3A_68 : memref<512x32xf32, #tpu.memory_space<vmem>>) offsets(%dma_start3A_70 : memref<512xi32, #tpu.memory_space<vmem>>) semaphore(%arg10 : memref<!tpu.dma_semaphore, #tpu.memory_space<semaphore_mem>>)
    %dma_start3A_74 = arith.constant 2 : i32
    %dma_start3A_75 = arith.constant 0 : i32
    %dma_start3A_76 = arith.constant 0 : i32
    %dma_start3A_77 = tpu.memref_slice %arg9[%dma_start3A_74, %dma_start3A_75, %dma_start3A_76] : memref<4x512x32xf32, #tpu.memory_space<vmem>> -> memref<1x512x32xf32, #tpu.memory_space<vmem>>
    %dma_start3A_78 = tpu.memref_squeeze %dma_start3A_77 : memref<1x512x32xf32, #tpu.memory_space<vmem>> -> memref<512x32xf32, #tpu.memory_space<vmem>>
    %dma_start3A_79 = arith.constant 1024 : i32
    %dma_start3A_80 = tpu.memref_slice %arg8[%dma_start3A_79] : memref<8192xi32, #tpu.memory_space<vmem>> -> memref<512xi32, #tpu.memory_space<vmem>>
    %dma_start3A_81 = arith.constant 0 : i32
    %dma_start3A_82 = arith.constant 0 : i32
    %dma_start3A_83 = tpu.memref_slice %arg4[%dma_start3A_81, %dma_start3A_82] : memref<1600000x32xf32, #tpu.memory_space<hbm>> -> memref<1600000x32xf32, #tpu.memory_space<hbm>>
    tpu.enqueue_indirect_dma source(%dma_start3A_83 : memref<1600000x32xf32, #tpu.memory_space<hbm>>) target(%dma_start3A_78 : memref<512x32xf32, #tpu.memory_space<vmem>>) offsets(%dma_start3A_80 : memref<512xi32, #tpu.memory_space<vmem>>) semaphore(%arg10 : memref<!tpu.dma_semaphore, #tpu.memory_space<semaphore_mem>>)
    %dma_wait3A = arith.constant 0 : i32
    %dma_wait3A_84 = arith.constant 0 : i32
    %dma_wait3A_85 = arith.constant 0 : i32
    %dma_wait3A_86 = tpu.memref_slice %arg9[%dma_wait3A, %dma_wait3A_84, %dma_wait3A_85] : memref<4x512x32xf32, #tpu.memory_space<vmem>> -> memref<1x512x32xf32, #tpu.memory_space<vmem>>
    %dma_wait3A_87 = tpu.memref_squeeze %dma_wait3A_86 : memref<1x512x32xf32, #tpu.memory_space<vmem>> -> memref<512x32xf32, #tpu.memory_space<vmem>>
    %dma_wait3A_88 = arith.constant 0 : i32
    %dma_wait3A_89 = tpu.memref_slice %arg8[%dma_wait3A_88] : memref<8192xi32, #tpu.memory_space<vmem>> -> memref<512xi32, #tpu.memory_space<vmem>>
    %dma_wait3A_90 = arith.constant 0 : i32
    %dma_wait3A_91 = arith.constant 0 : i32
    %dma_wait3A_92 = tpu.memref_slice %arg4[%dma_wait3A_90, %dma_wait3A_91] : memref<1600000x32xf32, #tpu.memory_space<hbm>> -> memref<1600000x32xf32, #tpu.memory_space<hbm>>
    tpu.wait_indirect_dma semaphore(%arg10 : memref<!tpu.dma_semaphore, #tpu.memory_space<semaphore_mem>>) src(%dma_wait3A_92 : memref<1600000x32xf32, #tpu.memory_space<hbm>>) dst(%dma_wait3A_87 : memref<512x32xf32, #tpu.memory_space<vmem>>)
    %mul3A_93 = arith.constant 512 : i32
    %mul3A_94 = arith.muli %add3A, %mul3A_93 : i32
    %dma_start3A_95 = arith.constant 0 : i32
    %dma_start3A_96 = arith.constant 0 : i32
    %dma_start3A_97 = arith.constant 0 : i32
    %dma_start3A_98 = arith.constant 0 : i32
    %dma_start3A_99 = tpu.memref_slice %arg9[%dma_start3A_95, %dma_start3A_97, %dma_start3A_98] : memref<4x512x32xf32, #tpu.memory_space<vmem>> -> memref<1x512x32xf32, #tpu.memory_space<vmem>>
    %dma_start3A_100 = tpu.memref_squeeze %dma_start3A_99 : memref<1x512x32xf32, #tpu.memory_space<vmem>> -> memref<512x32xf32, #tpu.memory_space<vmem>>
    %dma_start3A_101 = arith.constant 0 : i32
    %dma_start3A_102 = tpu.memref_slice %arg5[%mul3A_94, %dma_start3A_96, %dma_start3A_101] : memref<16384x16x32xf32, #tpu.memory_space<hbm>> -> memref<512x1x32xf32, #tpu.memory_space<hbm>>
    %dma_start3A_103 = tpu.memref_squeeze %dma_start3A_102 : memref<512x1x32xf32, #tpu.memory_space<hbm>> -> memref<512x32xf32, #tpu.memory_space<hbm>>
    %dma_start3A_104 = arith.constant 0 : i32
    %dma_start3A_105 = tpu.memref_slice %arg5[%mul3A_94, %dma_start3A_96, %dma_start3A_104] : memref<16384x16x32xf32, #tpu.memory_space<hbm>> -> memref<512x1x32xf32, #tpu.memory_space<hbm>>
    %dma_start3A_106 = tpu.memref_squeeze %dma_start3A_105 : memref<512x1x32xf32, #tpu.memory_space<hbm>> -> memref<512x32xf32, #tpu.memory_space<hbm>>
    %dma_start3A_107 = arith.constant 0 : i32
    %dma_start3A_108 = arith.constant 0 : i32
    %dma_start3A_109 = tpu.memref_slice %arg9[%dma_start3A_95, %dma_start3A_107, %dma_start3A_108] : memref<4x512x32xf32, #tpu.memory_space<vmem>> -> memref<1x512x32xf32, #tpu.memory_space<vmem>>
    %dma_start3A_110 = tpu.memref_squeeze %dma_start3A_109 : memref<1x512x32xf32, #tpu.memory_space<vmem>> -> memref<512x32xf32, #tpu.memory_space<vmem>>
    tpu.enqueue_dma source(%dma_start3A_110 : memref<512x32xf32, #tpu.memory_space<vmem>>) target(%dma_start3A_106 : memref<512x32xf32, #tpu.memory_space<hbm>>) target_semaphore(%arg11 : memref<!tpu.dma_semaphore, #tpu.memory_space<semaphore_mem>>)
    %dma_start3A_111 = arith.constant 3 : i32
    %dma_start3A_112 = arith.constant 0 : i32
    %dma_start3A_113 = arith.constant 0 : i32
    %dma_start3A_114 = tpu.memref_slice %arg9[%dma_start3A_111, %dma_start3A_112, %dma_start3A_113] : memref<4x512x32xf32, #tpu.memory_space<vmem>> -> memref<1x512x32xf32, #tpu.memory_space<vmem>>
    %dma_start3A_115 = tpu.memref_squeeze %dma_start3A_114 : memref<1x512x32xf32, #tpu.memory_space<vmem>> -> memref<512x32xf32, #tpu.memory_space<vmem>>
    %dma_start3A_116 = arith.constant 1536 : i32
    %dma_start3A_117 = tpu.memref_slice %arg8[%dma_start3A_116] : memref<8192xi32, #tpu.memory_space<vmem>> -> memref<512xi32, #tpu.memory_space<vmem>>
    %dma_start3A_118 = arith.constant 0 : i32
    %dma_start3A_119 = arith.constant 0 : i32
    %dma_start3A_120 = tpu.memref_slice %arg4[%dma_start3A_118, %dma_start3A_119] : memref<1600000x32xf32, #tpu.memory_space<hbm>> -> memref<1600000x32xf32, #tpu.memory_space<hbm>>
    tpu.enqueue_indirect_dma source(%dma_start3A_120 : memref<1600000x32xf32, #tpu.memory_space<hbm>>) target(%dma_start3A_115 : memref<512x32xf32, #tpu.memory_space<vmem>>) offsets(%dma_start3A_117 : memref<512xi32, #tpu.memory_space<vmem>>) semaphore(%arg10 : memref<!tpu.dma_semaphore, #tpu.memory_space<semaphore_mem>>)
    %dma_wait3A_121 = arith.constant 1 : i32
    %dma_wait3A_122 = arith.constant 0 : i32
    %dma_wait3A_123 = arith.constant 0 : i32
    %dma_wait3A_124 = tpu.memref_slice %arg9[%dma_wait3A_121, %dma_wait3A_122, %dma_wait3A_123] : memref<4x512x32xf32, #tpu.memory_space<vmem>> -> memref<1x512x32xf32, #tpu.memory_space<vmem>>
    %dma_wait3A_125 = tpu.memref_squeeze %dma_wait3A_124 : memref<1x512x32xf32, #tpu.memory_space<vmem>> -> memref<512x32xf32, #tpu.memory_space<vmem>>
    %dma_wait3A_126 = arith.constant 512 : i32
    %dma_wait3A_127 = tpu.memref_slice %arg8[%dma_wait3A_126] : memref<8192xi32, #tpu.memory_space<vmem>> -> memref<512xi32, #tpu.memory_space<vmem>>
    %dma_wait3A_128 = arith.constant 0 : i32
    %dma_wait3A_129 = arith.constant 0 : i32
    %dma_wait3A_130 = tpu.memref_slice %arg4[%dma_wait3A_128, %dma_wait3A_129] : memref<1600000x32xf32, #tpu.memory_space<hbm>> -> memref<1600000x32xf32, #tpu.memory_space<hbm>>
    tpu.wait_indirect_dma semaphore(%arg10 : memref<!tpu.dma_semaphore, #tpu.memory_space<semaphore_mem>>) src(%dma_wait3A_130 : memref<1600000x32xf32, #tpu.memory_space<hbm>>) dst(%dma_wait3A_125 : memref<512x32xf32, #tpu.memory_space<vmem>>)
    %mul3A_131 = arith.constant 512 : i32
    %mul3A_132 = arith.muli %add3A, %mul3A_131 : i32
    %dma_start3A_133 = arith.constant 1 : i32
    %dma_start3A_134 = arith.constant 1 : i32
    %dma_start3A_135 = arith.constant 0 : i32
    %dma_start3A_136 = arith.constant 0 : i32
    %dma_start3A_137 = tpu.memref_slice %arg9[%dma_start3A_133, %dma_start3A_135, %dma_start3A_136] : memref<4x512x32xf32, #tpu.memory_space<vmem>> -> memref<1x512x32xf32, #tpu.memory_space<vmem>>
    %dma_start3A_138 = tpu.memref_squeeze %dma_start3A_137 : memref<1x512x32xf32, #tpu.memory_space<vmem>> -> memref<512x32xf32, #tpu.memory_space<vmem>>
    %dma_start3A_139 = arith.constant 0 : i32
    %dma_start3A_140 = tpu.memref_slice %arg5[%mul3A_132, %dma_start3A_134, %dma_start3A_139] : memref<16384x16x32xf32, #tpu.memory_space<hbm>> -> memref<512x1x32xf32, #tpu.memory_space<hbm>>
    %dma_start3A_141 = tpu.memref_squeeze %dma_start3A_140 : memref<512x1x32xf32, #tpu.memory_space<hbm>> -> memref<512x32xf32, #tpu.memory_space<hbm>>
    %dma_start3A_142 = arith.constant 0 : i32
    %dma_start3A_143 = tpu.memref_slice %arg5[%mul3A_132, %dma_start3A_134, %dma_start3A_142] : memref<16384x16x32xf32, #tpu.memory_space<hbm>> -> memref<512x1x32xf32, #tpu.memory_space<hbm>>
    %dma_start3A_144 = tpu.memref_squeeze %dma_start3A_143 : memref<512x1x32xf32, #tpu.memory_space<hbm>> -> memref<512x32xf32, #tpu.memory_space<hbm>>
    %dma_start3A_145 = arith.constant 0 : i32
    %dma_start3A_146 = arith.constant 0 : i32
    %dma_start3A_147 = tpu.memref_slice %arg9[%dma_start3A_133, %dma_start3A_145, %dma_start3A_146] : memref<4x512x32xf32, #tpu.memory_space<vmem>> -> memref<1x512x32xf32, #tpu.memory_space<vmem>>
    %dma_start3A_148 = tpu.memref_squeeze %dma_start3A_147 : memref<1x512x32xf32, #tpu.memory_space<vmem>> -> memref<512x32xf32, #tpu.memory_space<vmem>>
    tpu.enqueue_dma source(%dma_start3A_148 : memref<512x32xf32, #tpu.memory_space<vmem>>) target(%dma_start3A_144 : memref<512x32xf32, #tpu.memory_space<hbm>>) target_semaphore(%arg11 : memref<!tpu.dma_semaphore, #tpu.memory_space<semaphore_mem>>)
    %dma_wait3A_149 = arith.constant 0 : i32
    %dma_wait3A_150 = arith.constant 0 : i32
    %dma_wait3A_151 = arith.constant 0 : i32
    %dma_wait3A_152 = arith.constant 0 : i32
    %dma_wait3A_153 = tpu.memref_slice %arg9[%dma_wait3A_149, %dma_wait3A_151, %dma_wait3A_152] : memref<4x512x32xf32, #tpu.memory_space<vmem>> -> memref<1x512x32xf32, #tpu.memory_space<vmem>>
    %dma_wait3A_154 = tpu.memref_squeeze %dma_wait3A_153 : memref<1x512x32xf32, #tpu.memory_space<vmem>> -> memref<512x32xf32, #tpu.memory_space<vmem>>
    %dma_wait3A_155 = arith.constant 0 : i32
    %dma_wait3A_156 = tpu.memref_slice %arg5[%mul3A_94, %dma_wait3A_150, %dma_wait3A_155] : memref<16384x16x32xf32, #tpu.memory_space<hbm>> -> memref<512x1x32xf32, #tpu.memory_space<hbm>>
    %dma_wait3A_157 = tpu.memref_squeeze %dma_wait3A_156 : memref<512x1x32xf32, #tpu.memory_space<hbm>> -> memref<512x32xf32, #tpu.memory_space<hbm>>
    %dma_wait3A_158 = arith.constant 0 : i32
    %dma_wait3A_159 = tpu.memref_slice %arg5[%mul3A_94, %dma_wait3A_150, %dma_wait3A_158] : memref<16384x16x32xf32, #tpu.memory_space<hbm>> -> memref<512x1x32xf32, #tpu.memory_space<hbm>>
    %dma_wait3A_160 = tpu.memref_squeeze %dma_wait3A_159 : memref<512x1x32xf32, #tpu.memory_space<hbm>> -> memref<512x32xf32, #tpu.memory_space<hbm>>
    %dma_wait3A_161 = arith.constant 0 : i32
    %dma_wait3A_162 = arith.constant 0 : i32
    %dma_wait3A_163 = tpu.memref_slice %arg9[%dma_wait3A_149, %dma_wait3A_161, %dma_wait3A_162] : memref<4x512x32xf32, #tpu.memory_space<vmem>> -> memref<1x512x32xf32, #tpu.memory_space<vmem>>
    %dma_wait3A_164 = tpu.memref_squeeze %dma_wait3A_163 : memref<1x512x32xf32, #tpu.memory_space<vmem>> -> memref<512x32xf32, #tpu.memory_space<vmem>>
    tpu.wait_dma2 semaphore(%arg11 : memref<!tpu.dma_semaphore, #tpu.memory_space<semaphore_mem>>) src(%dma_wait3A_164 : memref<512x32xf32, #tpu.memory_space<vmem>>) dst(%dma_wait3A_160 : memref<512x32xf32, #tpu.memory_space<hbm>>)
    %dma_start3A_165 = arith.constant 0 : i32
    %dma_start3A_166 = arith.constant 0 : i32
    %dma_start3A_167 = arith.constant 0 : i32
    %dma_start3A_168 = tpu.memref_slice %arg9[%dma_start3A_165, %dma_start3A_166, %dma_start3A_167] : memref<4x512x32xf32, #tpu.memory_space<vmem>> -> memref<1x512x32xf32, #tpu.memory_space<vmem>>
    %dma_start3A_169 = tpu.memref_squeeze %dma_start3A_168 : memref<1x512x32xf32, #tpu.memory_space<vmem>> -> memref<512x32xf32, #tpu.memory_space<vmem>>
    %dma_start3A_170 = arith.constant 2048 : i32
    %dma_start3A_171 = tpu.memref_slice %arg8[%dma_start3A_170] : memref<8192xi32, #tpu.memory_space<vmem>> -> memref<512xi32, #tpu.memory_space<vmem>>
    %dma_start3A_172 = arith.constant 0 : i32
    %dma_start3A_173 = arith.constant 0 : i32
    %dma_start3A_174 = tpu.memref_slice %arg4[%dma_start3A_172, %dma_start3A_173] : memref<1600000x32xf32, #tpu.memory_space<hbm>> -> memref<1600000x32xf32, #tpu.memory_space<hbm>>
    tpu.enqueue_indirect_dma source(%dma_start3A_174 : memref<1600000x32xf32, #tpu.memory_space<hbm>>) target(%dma_start3A_169 : memref<512x32xf32, #tpu.memory_space<vmem>>) offsets(%dma_start3A_171 : memref<512xi32, #tpu.memory_space<vmem>>) semaphore(%arg10 : memref<!tpu.dma_semaphore, #tpu.memory_space<semaphore_mem>>)
    %dma_wait3A_175 = arith.constant 2 : i32
    %dma_wait3A_176 = arith.constant 0 : i32
    %dma_wait3A_177 = arith.constant 0 : i32
    %dma_wait3A_178 = tpu.memref_slice %arg9[%dma_wait3A_175, %dma_wait3A_176, %dma_wait3A_177] : memref<4x512x32xf32, #tpu.memory_space<vmem>> -> memref<1x512x32xf32, #tpu.memory_space<vmem>>
    %dma_wait3A_179 = tpu.memref_squeeze %dma_wait3A_178 : memref<1x512x32xf32, #tpu.memory_space<vmem>> -> memref<512x32xf32, #tpu.memory_space<vmem>>
    %dma_wait3A_180 = arith.constant 1024 : i32
    %dma_wait3A_181 = tpu.memref_slice %arg8[%dma_wait3A_180] : memref<8192xi32, #tpu.memory_space<vmem>> -> memref<512xi32, #tpu.memory_space<vmem>>
    %dma_wait3A_182 = arith.constant 0 : i32
    %dma_wait3A_183 = arith.constant 0 : i32
    %dma_wait3A_184 = tpu.memref_slice %arg4[%dma_wait3A_182, %dma_wait3A_183] : memref<1600000x32xf32, #tpu.memory_space<hbm>> -> memref<1600000x32xf32, #tpu.memory_space<hbm>>
    tpu.wait_indirect_dma semaphore(%arg10 : memref<!tpu.dma_semaphore, #tpu.memory_space<semaphore_mem>>) src(%dma_wait3A_184 : memref<1600000x32xf32, #tpu.memory_space<hbm>>) dst(%dma_wait3A_179 : memref<512x32xf32, #tpu.memory_space<vmem>>)
    %mul3A_185 = arith.constant 512 : i32
    %mul3A_186 = arith.muli %add3A, %mul3A_185 : i32
    %dma_start3A_187 = arith.constant 2 : i32
    %dma_start3A_188 = arith.constant 2 : i32
    %dma_start3A_189 = arith.constant 0 : i32
    %dma_start3A_190 = arith.constant 0 : i32
    %dma_start3A_191 = tpu.memref_slice %arg9[%dma_start3A_187, %dma_start3A_189, %dma_start3A_190] : memref<4x512x32xf32, #tpu.memory_space<vmem>> -> memref<1x512x32xf32, #tpu.memory_space<vmem>>
    %dma_start3A_192 = tpu.memref_squeeze %dma_start3A_191 : memref<1x512x32xf32, #tpu.memory_space<vmem>> -> memref<512x32xf32, #tpu.memory_space<vmem>>
    %dma_start3A_193 = arith.constant 0 : i32
    %dma_start3A_194 = tpu.memref_slice %arg5[%mul3A_186, %dma_start3A_188, %dma_start3A_193] : memref<16384x16x32xf32, #tpu.memory_space<hbm>> -> memref<512x1x32xf32, #tpu.memory_space<hbm>>
    %dma_start3A_195 = tpu.memref_squeeze %dma_start3A_194 : memref<512x1x32xf32, #tpu.memory_space<hbm>> -> memref<512x32xf32, #tpu.memory_space<hbm>>
    %dma_start3A_196 = arith.constant 0 : i32
    %dma_start3A_197 = tpu.memref_slice %arg5[%mul3A_186, %dma_start3A_188, %dma_start3A_196] : memref<16384x16x32xf32, #tpu.memory_space<hbm>> -> memref<512x1x32xf32, #tpu.memory_space<hbm>>
    %dma_start3A_198 = tpu.memref_squeeze %dma_start3A_197 : memref<512x1x32xf32, #tpu.memory_space<hbm>> -> memref<512x32xf32, #tpu.memory_space<hbm>>
    %dma_start3A_199 = arith.constant 0 : i32
    %dma_start3A_200 = arith.constant 0 : i32
    %dma_start3A_201 = tpu.memref_slice %arg9[%dma_start3A_187, %dma_start3A_199, %dma_start3A_200] : memref<4x512x32xf32, #tpu.memory_space<vmem>> -> memref<1x512x32xf32, #tpu.memory_space<vmem>>
    %dma_start3A_202 = tpu.memref_squeeze %dma_start3A_201 : memref<1x512x32xf32, #tpu.memory_space<vmem>> -> memref<512x32xf32, #tpu.memory_space<vmem>>
    tpu.enqueue_dma source(%dma_start3A_202 : memref<512x32xf32, #tpu.memory_space<vmem>>) target(%dma_start3A_198 : memref<512x32xf32, #tpu.memory_space<hbm>>) target_semaphore(%arg11 : memref<!tpu.dma_semaphore, #tpu.memory_space<semaphore_mem>>)
    %dma_wait3A_203 = arith.constant 1 : i32
    %dma_wait3A_204 = arith.constant 1 : i32
    %dma_wait3A_205 = arith.constant 0 : i32
    %dma_wait3A_206 = arith.constant 0 : i32
    %dma_wait3A_207 = tpu.memref_slice %arg9[%dma_wait3A_203, %dma_wait3A_205, %dma_wait3A_206] : memref<4x512x32xf32, #tpu.memory_space<vmem>> -> memref<1x512x32xf32, #tpu.memory_space<vmem>>
    %dma_wait3A_208 = tpu.memref_squeeze %dma_wait3A_207 : memref<1x512x32xf32, #tpu.memory_space<vmem>> -> memref<512x32xf32, #tpu.memory_space<vmem>>
    %dma_wait3A_209 = arith.constant 0 : i32
    %dma_wait3A_210 = tpu.memref_slice %arg5[%mul3A_132, %dma_wait3A_204, %dma_wait3A_209] : memref<16384x16x32xf32, #tpu.memory_space<hbm>> -> memref<512x1x32xf32, #tpu.memory_space<hbm>>
    %dma_wait3A_211 = tpu.memref_squeeze %dma_wait3A_210 : memref<512x1x32xf32, #tpu.memory_space<hbm>> -> memref<512x32xf32, #tpu.memory_space<hbm>>
    %dma_wait3A_212 = arith.constant 0 : i32
    %dma_wait3A_213 = tpu.memref_slice %arg5[%mul3A_132, %dma_wait3A_204, %dma_wait3A_212] : memref<16384x16x32xf32, #tpu.memory_space<hbm>> -> memref<512x1x32xf32, #tpu.memory_space<hbm>>
    %dma_wait3A_214 = tpu.memref_squeeze %dma_wait3A_213 : memref<512x1x32xf32, #tpu.memory_space<hbm>> -> memref<512x32xf32, #tpu.memory_space<hbm>>
    %dma_wait3A_215 = arith.constant 0 : i32
    %dma_wait3A_216 = arith.constant 0 : i32
    %dma_wait3A_217 = tpu.memref_slice %arg9[%dma_wait3A_203, %dma_wait3A_215, %dma_wait3A_216] : memref<4x512x32xf32, #tpu.memory_space<vmem>> -> memref<1x512x32xf32, #tpu.memory_space<vmem>>
    %dma_wait3A_218 = tpu.memref_squeeze %dma_wait3A_217 : memref<1x512x32xf32, #tpu.memory_space<vmem>> -> memref<512x32xf32, #tpu.memory_space<vmem>>
    tpu.wait_dma2 semaphore(%arg11 : memref<!tpu.dma_semaphore, #tpu.memory_space<semaphore_mem>>) src(%dma_wait3A_218 : memref<512x32xf32, #tpu.memory_space<vmem>>) dst(%dma_wait3A_214 : memref<512x32xf32, #tpu.memory_space<hbm>>)
    %dma_start3A_219 = arith.constant 1 : i32
    %dma_start3A_220 = arith.constant 0 : i32
    %dma_start3A_221 = arith.constant 0 : i32
    %dma_start3A_222 = tpu.memref_slice %arg9[%dma_start3A_219, %dma_start3A_220, %dma_start3A_221] : memref<4x512x32xf32, #tpu.memory_space<vmem>> -> memref<1x512x32xf32, #tpu.memory_space<vmem>>
    %dma_start3A_223 = tpu.memref_squeeze %dma_start3A_222 : memref<1x512x32xf32, #tpu.memory_space<vmem>> -> memref<512x32xf32, #tpu.memory_space<vmem>>
    %dma_start3A_224 = arith.constant 2560 : i32
    %dma_start3A_225 = tpu.memref_slice %arg8[%dma_start3A_224] : memref<8192xi32, #tpu.memory_space<vmem>> -> memref<512xi32, #tpu.memory_space<vmem>>
    %dma_start3A_226 = arith.constant 0 : i32
    %dma_start3A_227 = arith.constant 0 : i32
    %dma_start3A_228 = tpu.memref_slice %arg4[%dma_start3A_226, %dma_start3A_227] : memref<1600000x32xf32, #tpu.memory_space<hbm>> -> memref<1600000x32xf32, #tpu.memory_space<hbm>>
    tpu.enqueue_indirect_dma source(%dma_start3A_228 : memref<1600000x32xf32, #tpu.memory_space<hbm>>) target(%dma_start3A_223 : memref<512x32xf32, #tpu.memory_space<vmem>>) offsets(%dma_start3A_225 : memref<512xi32, #tpu.memory_space<vmem>>) semaphore(%arg10 : memref<!tpu.dma_semaphore, #tpu.memory_space<semaphore_mem>>)
    %dma_wait3A_229 = arith.constant 3 : i32
    %dma_wait3A_230 = arith.constant 0 : i32
    %dma_wait3A_231 = arith.constant 0 : i32
    %dma_wait3A_232 = tpu.memref_slice %arg9[%dma_wait3A_229, %dma_wait3A_230, %dma_wait3A_231] : memref<4x512x32xf32, #tpu.memory_space<vmem>> -> memref<1x512x32xf32, #tpu.memory_space<vmem>>
    %dma_wait3A_233 = tpu.memref_squeeze %dma_wait3A_232 : memref<1x512x32xf32, #tpu.memory_space<vmem>> -> memref<512x32xf32, #tpu.memory_space<vmem>>
    %dma_wait3A_234 = arith.constant 1536 : i32
    %dma_wait3A_235 = tpu.memref_slice %arg8[%dma_wait3A_234] : memref<8192xi32, #tpu.memory_space<vmem>> -> memref<512xi32, #tpu.memory_space<vmem>>
    %dma_wait3A_236 = arith.constant 0 : i32
    %dma_wait3A_237 = arith.constant 0 : i32
    %dma_wait3A_238 = tpu.memref_slice %arg4[%dma_wait3A_236, %dma_wait3A_237] : memref<1600000x32xf32, #tpu.memory_space<hbm>> -> memref<1600000x32xf32, #tpu.memory_space<hbm>>
    tpu.wait_indirect_dma semaphore(%arg10 : memref<!tpu.dma_semaphore, #tpu.memory_space<semaphore_mem>>) src(%dma_wait3A_238 : memref<1600000x32xf32, #tpu.memory_space<hbm>>) dst(%dma_wait3A_233 : memref<512x32xf32, #tpu.memory_space<vmem>>)
    %mul3A_239 = arith.constant 512 : i32
    %mul3A_240 = arith.muli %add3A, %mul3A_239 : i32
    %dma_start3A_241 = arith.constant 3 : i32
    %dma_start3A_242 = arith.constant 3 : i32
    %dma_start3A_243 = arith.constant 0 : i32
    %dma_start3A_244 = arith.constant 0 : i32
    %dma_start3A_245 = tpu.memref_slice %arg9[%dma_start3A_241, %dma_start3A_243, %dma_start3A_244] : memref<4x512x32xf32, #tpu.memory_space<vmem>> -> memref<1x512x32xf32, #tpu.memory_space<vmem>>
    %dma_start3A_246 = tpu.memref_squeeze %dma_start3A_245 : memref<1x512x32xf32, #tpu.memory_space<vmem>> -> memref<512x32xf32, #tpu.memory_space<vmem>>
    %dma_start3A_247 = arith.constant 0 : i32
    %dma_start3A_248 = tpu.memref_slice %arg5[%mul3A_240, %dma_start3A_242, %dma_start3A_247] : memref<16384x16x32xf32, #tpu.memory_space<hbm>> -> memref<512x1x32xf32, #tpu.memory_space<hbm>>
    %dma_start3A_249 = tpu.memref_squeeze %dma_start3A_248 : memref<512x1x32xf32, #tpu.memory_space<hbm>> -> memref<512x32xf32, #tpu.memory_space<hbm>>
    %dma_start3A_250 = arith.constant 0 : i32
    %dma_start3A_251 = tpu.memref_slice %arg5[%mul3A_240, %dma_start3A_242, %dma_start3A_250] : memref<16384x16x32xf32, #tpu.memory_space<hbm>> -> memref<512x1x32xf32, #tpu.memory_space<hbm>>
    %dma_start3A_252 = tpu.memref_squeeze %dma_start3A_251 : memref<512x1x32xf32, #tpu.memory_space<hbm>> -> memref<512x32xf32, #tpu.memory_space<hbm>>
    %dma_start3A_253 = arith.constant 0 : i32
    %dma_start3A_254 = arith.constant 0 : i32
    %dma_start3A_255 = tpu.memref_slice %arg9[%dma_start3A_241, %dma_start3A_253, %dma_start3A_254] : memref<4x512x32xf32, #tpu.memory_space<vmem>> -> memref<1x512x32xf32, #tpu.memory_space<vmem>>
    %dma_start3A_256 = tpu.memref_squeeze %dma_start3A_255 : memref<1x512x32xf32, #tpu.memory_space<vmem>> -> memref<512x32xf32, #tpu.memory_space<vmem>>
    tpu.enqueue_dma source(%dma_start3A_256 : memref<512x32xf32, #tpu.memory_space<vmem>>) target(%dma_start3A_252 : memref<512x32xf32, #tpu.memory_space<hbm>>) target_semaphore(%arg11 : memref<!tpu.dma_semaphore, #tpu.memory_space<semaphore_mem>>)
    %dma_wait3A_257 = arith.constant 2 : i32
    %dma_wait3A_258 = arith.constant 2 : i32
    %dma_wait3A_259 = arith.constant 0 : i32
    %dma_wait3A_260 = arith.constant 0 : i32
    %dma_wait3A_261 = tpu.memref_slice %arg9[%dma_wait3A_257, %dma_wait3A_259, %dma_wait3A_260] : memref<4x512x32xf32, #tpu.memory_space<vmem>> -> memref<1x512x32xf32, #tpu.memory_space<vmem>>
    %dma_wait3A_262 = tpu.memref_squeeze %dma_wait3A_261 : memref<1x512x32xf32, #tpu.memory_space<vmem>> -> memref<512x32xf32, #tpu.memory_space<vmem>>
    %dma_wait3A_263 = arith.constant 0 : i32
    %dma_wait3A_264 = tpu.memref_slice %arg5[%mul3A_186, %dma_wait3A_258, %dma_wait3A_263] : memref<16384x16x32xf32, #tpu.memory_space<hbm>> -> memref<512x1x32xf32, #tpu.memory_space<hbm>>
    %dma_wait3A_265 = tpu.memref_squeeze %dma_wait3A_264 : memref<512x1x32xf32, #tpu.memory_space<hbm>> -> memref<512x32xf32, #tpu.memory_space<hbm>>
    %dma_wait3A_266 = arith.constant 0 : i32
    %dma_wait3A_267 = tpu.memref_slice %arg5[%mul3A_186, %dma_wait3A_258, %dma_wait3A_266] : memref<16384x16x32xf32, #tpu.memory_space<hbm>> -> memref<512x1x32xf32, #tpu.memory_space<hbm>>
    %dma_wait3A_268 = tpu.memref_squeeze %dma_wait3A_267 : memref<512x1x32xf32, #tpu.memory_space<hbm>> -> memref<512x32xf32, #tpu.memory_space<hbm>>
    %dma_wait3A_269 = arith.constant 0 : i32
    %dma_wait3A_270 = arith.constant 0 : i32
    %dma_wait3A_271 = tpu.memref_slice %arg9[%dma_wait3A_257, %dma_wait3A_269, %dma_wait3A_270] : memref<4x512x32xf32, #tpu.memory_space<vmem>> -> memref<1x512x32xf32, #tpu.memory_space<vmem>>
    %dma_wait3A_272 = tpu.memref_squeeze %dma_wait3A_271 : memref<1x512x32xf32, #tpu.memory_space<vmem>> -> memref<512x32xf32, #tpu.memory_space<vmem>>
    tpu.wait_dma2 semaphore(%arg11 : memref<!tpu.dma_semaphore, #tpu.memory_space<semaphore_mem>>) src(%dma_wait3A_272 : memref<512x32xf32, #tpu.memory_space<vmem>>) dst(%dma_wait3A_268 : memref<512x32xf32, #tpu.memory_space<hbm>>)
    %dma_start3A_273 = arith.constant 2 : i32
    %dma_start3A_274 = arith.constant 0 : i32
    %dma_start3A_275 = arith.constant 0 : i32
    %dma_start3A_276 = tpu.memref_slice %arg9[%dma_start3A_273, %dma_start3A_274, %dma_start3A_275] : memref<4x512x32xf32, #tpu.memory_space<vmem>> -> memref<1x512x32xf32, #tpu.memory_space<vmem>>
    %dma_start3A_277 = tpu.memref_squeeze %dma_start3A_276 : memref<1x512x32xf32, #tpu.memory_space<vmem>> -> memref<512x32xf32, #tpu.memory_space<vmem>>
    %dma_start3A_278 = arith.constant 3072 : i32
    %dma_start3A_279 = tpu.memref_slice %arg8[%dma_start3A_278] : memref<8192xi32, #tpu.memory_space<vmem>> -> memref<512xi32, #tpu.memory_space<vmem>>
    %dma_start3A_280 = arith.constant 0 : i32
    %dma_start3A_281 = arith.constant 0 : i32
    %dma_start3A_282 = tpu.memref_slice %arg4[%dma_start3A_280, %dma_start3A_281] : memref<1600000x32xf32, #tpu.memory_space<hbm>> -> memref<1600000x32xf32, #tpu.memory_space<hbm>>
    tpu.enqueue_indirect_dma source(%dma_start3A_282 : memref<1600000x32xf32, #tpu.memory_space<hbm>>) target(%dma_start3A_277 : memref<512x32xf32, #tpu.memory_space<vmem>>) offsets(%dma_start3A_279 : memref<512xi32, #tpu.memory_space<vmem>>) semaphore(%arg10 : memref<!tpu.dma_semaphore, #tpu.memory_space<semaphore_mem>>)
    %dma_wait3A_283 = arith.constant 0 : i32
    %dma_wait3A_284 = arith.constant 0 : i32
    %dma_wait3A_285 = arith.constant 0 : i32
    %dma_wait3A_286 = tpu.memref_slice %arg9[%dma_wait3A_283, %dma_wait3A_284, %dma_wait3A_285] : memref<4x512x32xf32, #tpu.memory_space<vmem>> -> memref<1x512x32xf32, #tpu.memory_space<vmem>>
    %dma_wait3A_287 = tpu.memref_squeeze %dma_wait3A_286 : memref<1x512x32xf32, #tpu.memory_space<vmem>> -> memref<512x32xf32, #tpu.memory_space<vmem>>
    %dma_wait3A_288 = arith.constant 2048 : i32
    %dma_wait3A_289 = tpu.memref_slice %arg8[%dma_wait3A_288] : memref<8192xi32, #tpu.memory_space<vmem>> -> memref<512xi32, #tpu.memory_space<vmem>>
    %dma_wait3A_290 = arith.constant 0 : i32
    %dma_wait3A_291 = arith.constant 0 : i32
    %dma_wait3A_292 = tpu.memref_slice %arg4[%dma_wait3A_290, %dma_wait3A_291] : memref<1600000x32xf32, #tpu.memory_space<hbm>> -> memref<1600000x32xf32, #tpu.memory_space<hbm>>
    tpu.wait_indirect_dma semaphore(%arg10 : memref<!tpu.dma_semaphore, #tpu.memory_space<semaphore_mem>>) src(%dma_wait3A_292 : memref<1600000x32xf32, #tpu.memory_space<hbm>>) dst(%dma_wait3A_287 : memref<512x32xf32, #tpu.memory_space<vmem>>)
    %mul3A_293 = arith.constant 512 : i32
    %mul3A_294 = arith.muli %add3A, %mul3A_293 : i32
    %dma_start3A_295 = arith.constant 0 : i32
    %dma_start3A_296 = arith.constant 4 : i32
    %dma_start3A_297 = arith.constant 0 : i32
    %dma_start3A_298 = arith.constant 0 : i32
    %dma_start3A_299 = tpu.memref_slice %arg9[%dma_start3A_295, %dma_start3A_297, %dma_start3A_298] : memref<4x512x32xf32, #tpu.memory_space<vmem>> -> memref<1x512x32xf32, #tpu.memory_space<vmem>>
    %dma_start3A_300 = tpu.memref_squeeze %dma_start3A_299 : memref<1x512x32xf32, #tpu.memory_space<vmem>> -> memref<512x32xf32, #tpu.memory_space<vmem>>
    %dma_start3A_301 = arith.constant 0 : i32
    %dma_start3A_302 = tpu.memref_slice %arg5[%mul3A_294, %dma_start3A_296, %dma_start3A_301] : memref<16384x16x32xf32, #tpu.memory_space<hbm>> -> memref<512x1x32xf32, #tpu.memory_space<hbm>>
    %dma_start3A_303 = tpu.memref_squeeze %dma_start3A_302 : memref<512x1x32xf32, #tpu.memory_space<hbm>> -> memref<512x32xf32, #tpu.memory_space<hbm>>
    %dma_start3A_304 = arith.constant 0 : i32
    %dma_start3A_305 = tpu.memref_slice %arg5[%mul3A_294, %dma_start3A_296, %dma_start3A_304] : memref<16384x16x32xf32, #tpu.memory_space<hbm>> -> memref<512x1x32xf32, #tpu.memory_space<hbm>>
    %dma_start3A_306 = tpu.memref_squeeze %dma_start3A_305 : memref<512x1x32xf32, #tpu.memory_space<hbm>> -> memref<512x32xf32, #tpu.memory_space<hbm>>
    %dma_start3A_307 = arith.constant 0 : i32
    %dma_start3A_308 = arith.constant 0 : i32
    %dma_start3A_309 = tpu.memref_slice %arg9[%dma_start3A_295, %dma_start3A_307, %dma_start3A_308] : memref<4x512x32xf32, #tpu.memory_space<vmem>> -> memref<1x512x32xf32, #tpu.memory_space<vmem>>
    %dma_start3A_310 = tpu.memref_squeeze %dma_start3A_309 : memref<1x512x32xf32, #tpu.memory_space<vmem>> -> memref<512x32xf32, #tpu.memory_space<vmem>>
    tpu.enqueue_dma source(%dma_start3A_310 : memref<512x32xf32, #tpu.memory_space<vmem>>) target(%dma_start3A_306 : memref<512x32xf32, #tpu.memory_space<hbm>>) target_semaphore(%arg11 : memref<!tpu.dma_semaphore, #tpu.memory_space<semaphore_mem>>)
    %dma_wait3A_311 = arith.constant 3 : i32
    %dma_wait3A_312 = arith.constant 3 : i32
    %dma_wait3A_313 = arith.constant 0 : i32
    %dma_wait3A_314 = arith.constant 0 : i32
    %dma_wait3A_315 = tpu.memref_slice %arg9[%dma_wait3A_311, %dma_wait3A_313, %dma_wait3A_314] : memref<4x512x32xf32, #tpu.memory_space<vmem>> -> memref<1x512x32xf32, #tpu.memory_space<vmem>>
    %dma_wait3A_316 = tpu.memref_squeeze %dma_wait3A_315 : memref<1x512x32xf32, #tpu.memory_space<vmem>> -> memref<512x32xf32, #tpu.memory_space<vmem>>
    %dma_wait3A_317 = arith.constant 0 : i32
    %dma_wait3A_318 = tpu.memref_slice %arg5[%mul3A_240, %dma_wait3A_312, %dma_wait3A_317] : memref<16384x16x32xf32, #tpu.memory_space<hbm>> -> memref<512x1x32xf32, #tpu.memory_space<hbm>>
    %dma_wait3A_319 = tpu.memref_squeeze %dma_wait3A_318 : memref<512x1x32xf32, #tpu.memory_space<hbm>> -> memref<512x32xf32, #tpu.memory_space<hbm>>
    %dma_wait3A_320 = arith.constant 0 : i32
    %dma_wait3A_321 = tpu.memref_slice %arg5[%mul3A_240, %dma_wait3A_312, %dma_wait3A_320] : memref<16384x16x32xf32, #tpu.memory_space<hbm>> -> memref<512x1x32xf32, #tpu.memory_space<hbm>>
    %dma_wait3A_322 = tpu.memref_squeeze %dma_wait3A_321 : memref<512x1x32xf32, #tpu.memory_space<hbm>> -> memref<512x32xf32, #tpu.memory_space<hbm>>
    %dma_wait3A_323 = arith.constant 0 : i32
    %dma_wait3A_324 = arith.constant 0 : i32
    %dma_wait3A_325 = tpu.memref_slice %arg9[%dma_wait3A_311, %dma_wait3A_323, %dma_wait3A_324] : memref<4x512x32xf32, #tpu.memory_space<vmem>> -> memref<1x512x32xf32, #tpu.memory_space<vmem>>
    %dma_wait3A_326 = tpu.memref_squeeze %dma_wait3A_325 : memref<1x512x32xf32, #tpu.memory_space<vmem>> -> memref<512x32xf32, #tpu.memory_space<vmem>>
    tpu.wait_dma2 semaphore(%arg11 : memref<!tpu.dma_semaphore, #tpu.memory_space<semaphore_mem>>) src(%dma_wait3A_326 : memref<512x32xf32, #tpu.memory_space<vmem>>) dst(%dma_wait3A_322 : memref<512x32xf32, #tpu.memory_space<hbm>>)
    %dma_start3A_327 = arith.constant 3 : i32
    %dma_start3A_328 = arith.constant 0 : i32
    %dma_start3A_329 = arith.constant 0 : i32
    %dma_start3A_330 = tpu.memref_slice %arg9[%dma_start3A_327, %dma_start3A_328, %dma_start3A_329] : memref<4x512x32xf32, #tpu.memory_space<vmem>> -> memref<1x512x32xf32, #tpu.memory_space<vmem>>
    %dma_start3A_331 = tpu.memref_squeeze %dma_start3A_330 : memref<1x512x32xf32, #tpu.memory_space<vmem>> -> memref<512x32xf32, #tpu.memory_space<vmem>>
    %dma_start3A_332 = arith.constant 3584 : i32
    %dma_start3A_333 = tpu.memref_slice %arg8[%dma_start3A_332] : memref<8192xi32, #tpu.memory_space<vmem>> -> memref<512xi32, #tpu.memory_space<vmem>>
    %dma_start3A_334 = arith.constant 0 : i32
    %dma_start3A_335 = arith.constant 0 : i32
    %dma_start3A_336 = tpu.memref_slice %arg4[%dma_start3A_334, %dma_start3A_335] : memref<1600000x32xf32, #tpu.memory_space<hbm>> -> memref<1600000x32xf32, #tpu.memory_space<hbm>>
    tpu.enqueue_indirect_dma source(%dma_start3A_336 : memref<1600000x32xf32, #tpu.memory_space<hbm>>) target(%dma_start3A_331 : memref<512x32xf32, #tpu.memory_space<vmem>>) offsets(%dma_start3A_333 : memref<512xi32, #tpu.memory_space<vmem>>) semaphore(%arg10 : memref<!tpu.dma_semaphore, #tpu.memory_space<semaphore_mem>>)
    %dma_wait3A_337 = arith.constant 1 : i32
    %dma_wait3A_338 = arith.constant 0 : i32
    %dma_wait3A_339 = arith.constant 0 : i32
    %dma_wait3A_340 = tpu.memref_slice %arg9[%dma_wait3A_337, %dma_wait3A_338, %dma_wait3A_339] : memref<4x512x32xf32, #tpu.memory_space<vmem>> -> memref<1x512x32xf32, #tpu.memory_space<vmem>>
    %dma_wait3A_341 = tpu.memref_squeeze %dma_wait3A_340 : memref<1x512x32xf32, #tpu.memory_space<vmem>> -> memref<512x32xf32, #tpu.memory_space<vmem>>
    %dma_wait3A_342 = arith.constant 2560 : i32
    %dma_wait3A_343 = tpu.memref_slice %arg8[%dma_wait3A_342] : memref<8192xi32, #tpu.memory_space<vmem>> -> memref<512xi32, #tpu.memory_space<vmem>>
    %dma_wait3A_344 = arith.constant 0 : i32
    %dma_wait3A_345 = arith.constant 0 : i32
    %dma_wait3A_346 = tpu.memref_slice %arg4[%dma_wait3A_344, %dma_wait3A_345] : memref<1600000x32xf32, #tpu.memory_space<hbm>> -> memref<1600000x32xf32, #tpu.memory_space<hbm>>
    tpu.wait_indirect_dma semaphore(%arg10 : memref<!tpu.dma_semaphore, #tpu.memory_space<semaphore_mem>>) src(%dma_wait3A_346 : memref<1600000x32xf32, #tpu.memory_space<hbm>>) dst(%dma_wait3A_341 : memref<512x32xf32, #tpu.memory_space<vmem>>)
    %mul3A_347 = arith.constant 512 : i32
    %mul3A_348 = arith.muli %add3A, %mul3A_347 : i32
    %dma_start3A_349 = arith.constant 1 : i32
    %dma_start3A_350 = arith.constant 5 : i32
    %dma_start3A_351 = arith.constant 0 : i32
    %dma_start3A_352 = arith.constant 0 : i32
    %dma_start3A_353 = tpu.memref_slice %arg9[%dma_start3A_349, %dma_start3A_351, %dma_start3A_352] : memref<4x512x32xf32, #tpu.memory_space<vmem>> -> memref<1x512x32xf32, #tpu.memory_space<vmem>>
    %dma_start3A_354 = tpu.memref_squeeze %dma_start3A_353 : memref<1x512x32xf32, #tpu.memory_space<vmem>> -> memref<512x32xf32, #tpu.memory_space<vmem>>
    %dma_start3A_355 = arith.constant 0 : i32
    %dma_start3A_356 = tpu.memref_slice %arg5[%mul3A_348, %dma_start3A_350, %dma_start3A_355] : memref<16384x16x32xf32, #tpu.memory_space<hbm>> -> memref<512x1x32xf32, #tpu.memory_space<hbm>>
    %dma_start3A_357 = tpu.memref_squeeze %dma_start3A_356 : memref<512x1x32xf32, #tpu.memory_space<hbm>> -> memref<512x32xf32, #tpu.memory_space<hbm>>
    %dma_start3A_358 = arith.constant 0 : i32
    %dma_start3A_359 = tpu.memref_slice %arg5[%mul3A_348, %dma_start3A_350, %dma_start3A_358] : memref<16384x16x32xf32, #tpu.memory_space<hbm>> -> memref<512x1x32xf32, #tpu.memory_space<hbm>>
    %dma_start3A_360 = tpu.memref_squeeze %dma_start3A_359 : memref<512x1x32xf32, #tpu.memory_space<hbm>> -> memref<512x32xf32, #tpu.memory_space<hbm>>
    %dma_start3A_361 = arith.constant 0 : i32
    %dma_start3A_362 = arith.constant 0 : i32
    %dma_start3A_363 = tpu.memref_slice %arg9[%dma_start3A_349, %dma_start3A_361, %dma_start3A_362] : memref<4x512x32xf32, #tpu.memory_space<vmem>> -> memref<1x512x32xf32, #tpu.memory_space<vmem>>
    %dma_start3A_364 = tpu.memref_squeeze %dma_start3A_363 : memref<1x512x32xf32, #tpu.memory_space<vmem>> -> memref<512x32xf32, #tpu.memory_space<vmem>>
    tpu.enqueue_dma source(%dma_start3A_364 : memref<512x32xf32, #tpu.memory_space<vmem>>) target(%dma_start3A_360 : memref<512x32xf32, #tpu.memory_space<hbm>>) target_semaphore(%arg11 : memref<!tpu.dma_semaphore, #tpu.memory_space<semaphore_mem>>)
    %dma_wait3A_365 = arith.constant 0 : i32
    %dma_wait3A_366 = arith.constant 4 : i32
    %dma_wait3A_367 = arith.constant 0 : i32
    %dma_wait3A_368 = arith.constant 0 : i32
    %dma_wait3A_369 = tpu.memref_slice %arg9[%dma_wait3A_365, %dma_wait3A_367, %dma_wait3A_368] : memref<4x512x32xf32, #tpu.memory_space<vmem>> -> memref<1x512x32xf32, #tpu.memory_space<vmem>>
    %dma_wait3A_370 = tpu.memref_squeeze %dma_wait3A_369 : memref<1x512x32xf32, #tpu.memory_space<vmem>> -> memref<512x32xf32, #tpu.memory_space<vmem>>
    %dma_wait3A_371 = arith.constant 0 : i32
    %dma_wait3A_372 = tpu.memref_slice %arg5[%mul3A_294, %dma_wait3A_366, %dma_wait3A_371] : memref<16384x16x32xf32, #tpu.memory_space<hbm>> -> memref<512x1x32xf32, #tpu.memory_space<hbm>>
    %dma_wait3A_373 = tpu.memref_squeeze %dma_wait3A_372 : memref<512x1x32xf32, #tpu.memory_space<hbm>> -> memref<512x32xf32, #tpu.memory_space<hbm>>
    %dma_wait3A_374 = arith.constant 0 : i32
    %dma_wait3A_375 = tpu.memref_slice %arg5[%mul3A_294, %dma_wait3A_366, %dma_wait3A_374] : memref<16384x16x32xf32, #tpu.memory_space<hbm>> -> memref<512x1x32xf32, #tpu.memory_space<hbm>>
    %dma_wait3A_376 = tpu.memref_squeeze %dma_wait3A_375 : memref<512x1x32xf32, #tpu.memory_space<hbm>> -> memref<512x32xf32, #tpu.memory_space<hbm>>
    %dma_wait3A_377 = arith.constant 0 : i32
    %dma_wait3A_378 = arith.constant 0 : i32
    %dma_wait3A_379 = tpu.memref_slice %arg9[%dma_wait3A_365, %dma_wait3A_377, %dma_wait3A_378] : memref<4x512x32xf32, #tpu.memory_space<vmem>> -> memref<1x512x32xf32, #tpu.memory_space<vmem>>
    %dma_wait3A_380 = tpu.memref_squeeze %dma_wait3A_379 : memref<1x512x32xf32, #tpu.memory_space<vmem>> -> memref<512x32xf32, #tpu.memory_space<vmem>>
    tpu.wait_dma2 semaphore(%arg11 : memref<!tpu.dma_semaphore, #tpu.memory_space<semaphore_mem>>) src(%dma_wait3A_380 : memref<512x32xf32, #tpu.memory_space<vmem>>) dst(%dma_wait3A_376 : memref<512x32xf32, #tpu.memory_space<hbm>>)
    %dma_start3A_381 = arith.constant 0 : i32
    %dma_start3A_382 = arith.constant 0 : i32
    %dma_start3A_383 = arith.constant 0 : i32
    %dma_start3A_384 = tpu.memref_slice %arg9[%dma_start3A_381, %dma_start3A_382, %dma_start3A_383] : memref<4x512x32xf32, #tpu.memory_space<vmem>> -> memref<1x512x32xf32, #tpu.memory_space<vmem>>
    %dma_start3A_385 = tpu.memref_squeeze %dma_start3A_384 : memref<1x512x32xf32, #tpu.memory_space<vmem>> -> memref<512x32xf32, #tpu.memory_space<vmem>>
    %dma_start3A_386 = arith.constant 4096 : i32
    %dma_start3A_387 = tpu.memref_slice %arg8[%dma_start3A_386] : memref<8192xi32, #tpu.memory_space<vmem>> -> memref<512xi32, #tpu.memory_space<vmem>>
    %dma_start3A_388 = arith.constant 0 : i32
    %dma_start3A_389 = arith.constant 0 : i32
    %dma_start3A_390 = tpu.memref_slice %arg4[%dma_start3A_388, %dma_start3A_389] : memref<1600000x32xf32, #tpu.memory_space<hbm>> -> memref<1600000x32xf32, #tpu.memory_space<hbm>>
    tpu.enqueue_indirect_dma source(%dma_start3A_390 : memref<1600000x32xf32, #tpu.memory_space<hbm>>) target(%dma_start3A_385 : memref<512x32xf32, #tpu.memory_space<vmem>>) offsets(%dma_start3A_387 : memref<512xi32, #tpu.memory_space<vmem>>) semaphore(%arg10 : memref<!tpu.dma_semaphore, #tpu.memory_space<semaphore_mem>>)
    %dma_wait3A_391 = arith.constant 2 : i32
    %dma_wait3A_392 = arith.constant 0 : i32
    %dma_wait3A_393 = arith.constant 0 : i32
    %dma_wait3A_394 = tpu.memref_slice %arg9[%dma_wait3A_391, %dma_wait3A_392, %dma_wait3A_393] : memref<4x512x32xf32, #tpu.memory_space<vmem>> -> memref<1x512x32xf32, #tpu.memory_space<vmem>>
    %dma_wait3A_395 = tpu.memref_squeeze %dma_wait3A_394 : memref<1x512x32xf32, #tpu.memory_space<vmem>> -> memref<512x32xf32, #tpu.memory_space<vmem>>
    %dma_wait3A_396 = arith.constant 3072 : i32
    %dma_wait3A_397 = tpu.memref_slice %arg8[%dma_wait3A_396] : memref<8192xi32, #tpu.memory_space<vmem>> -> memref<512xi32, #tpu.memory_space<vmem>>
    %dma_wait3A_398 = arith.constant 0 : i32
    %dma_wait3A_399 = arith.constant 0 : i32
    %dma_wait3A_400 = tpu.memref_slice %arg4[%dma_wait3A_398, %dma_wait3A_399] : memref<1600000x32xf32, #tpu.memory_space<hbm>> -> memref<1600000x32xf32, #tpu.memory_space<hbm>>
    tpu.wait_indirect_dma semaphore(%arg10 : memref<!tpu.dma_semaphore, #tpu.memory_space<semaphore_mem>>) src(%dma_wait3A_400 : memref<1600000x32xf32, #tpu.memory_space<hbm>>) dst(%dma_wait3A_395 : memref<512x32xf32, #tpu.memory_space<vmem>>)
    %mul3A_401 = arith.constant 512 : i32
    %mul3A_402 = arith.muli %add3A, %mul3A_401 : i32
    %dma_start3A_403 = arith.constant 2 : i32
    %dma_start3A_404 = arith.constant 6 : i32
    %dma_start3A_405 = arith.constant 0 : i32
    %dma_start3A_406 = arith.constant 0 : i32
    %dma_start3A_407 = tpu.memref_slice %arg9[%dma_start3A_403, %dma_start3A_405, %dma_start3A_406] : memref<4x512x32xf32, #tpu.memory_space<vmem>> -> memref<1x512x32xf32, #tpu.memory_space<vmem>>
    %dma_start3A_408 = tpu.memref_squeeze %dma_start3A_407 : memref<1x512x32xf32, #tpu.memory_space<vmem>> -> memref<512x32xf32, #tpu.memory_space<vmem>>
    %dma_start3A_409 = arith.constant 0 : i32
    %dma_start3A_410 = tpu.memref_slice %arg5[%mul3A_402, %dma_start3A_404, %dma_start3A_409] : memref<16384x16x32xf32, #tpu.memory_space<hbm>> -> memref<512x1x32xf32, #tpu.memory_space<hbm>>
    %dma_start3A_411 = tpu.memref_squeeze %dma_start3A_410 : memref<512x1x32xf32, #tpu.memory_space<hbm>> -> memref<512x32xf32, #tpu.memory_space<hbm>>
    %dma_start3A_412 = arith.constant 0 : i32
    %dma_start3A_413 = tpu.memref_slice %arg5[%mul3A_402, %dma_start3A_404, %dma_start3A_412] : memref<16384x16x32xf32, #tpu.memory_space<hbm>> -> memref<512x1x32xf32, #tpu.memory_space<hbm>>
    %dma_start3A_414 = tpu.memref_squeeze %dma_start3A_413 : memref<512x1x32xf32, #tpu.memory_space<hbm>> -> memref<512x32xf32, #tpu.memory_space<hbm>>
    %dma_start3A_415 = arith.constant 0 : i32
    %dma_start3A_416 = arith.constant 0 : i32
    %dma_start3A_417 = tpu.memref_slice %arg9[%dma_start3A_403, %dma_start3A_415, %dma_start3A_416] : memref<4x512x32xf32, #tpu.memory_space<vmem>> -> memref<1x512x32xf32, #tpu.memory_space<vmem>>
    %dma_start3A_418 = tpu.memref_squeeze %dma_start3A_417 : memref<1x512x32xf32, #tpu.memory_space<vmem>> -> memref<512x32xf32, #tpu.memory_space<vmem>>
    tpu.enqueue_dma source(%dma_start3A_418 : memref<512x32xf32, #tpu.memory_space<vmem>>) target(%dma_start3A_414 : memref<512x32xf32, #tpu.memory_space<hbm>>) target_semaphore(%arg11 : memref<!tpu.dma_semaphore, #tpu.memory_space<semaphore_mem>>)
    %dma_wait3A_419 = arith.constant 1 : i32
    %dma_wait3A_420 = arith.constant 5 : i32
    %dma_wait3A_421 = arith.constant 0 : i32
    %dma_wait3A_422 = arith.constant 0 : i32
    %dma_wait3A_423 = tpu.memref_slice %arg9[%dma_wait3A_419, %dma_wait3A_421, %dma_wait3A_422] : memref<4x512x32xf32, #tpu.memory_space<vmem>> -> memref<1x512x32xf32, #tpu.memory_space<vmem>>
    %dma_wait3A_424 = tpu.memref_squeeze %dma_wait3A_423 : memref<1x512x32xf32, #tpu.memory_space<vmem>> -> memref<512x32xf32, #tpu.memory_space<vmem>>
    %dma_wait3A_425 = arith.constant 0 : i32
    %dma_wait3A_426 = tpu.memref_slice %arg5[%mul3A_348, %dma_wait3A_420, %dma_wait3A_425] : memref<16384x16x32xf32, #tpu.memory_space<hbm>> -> memref<512x1x32xf32, #tpu.memory_space<hbm>>
    %dma_wait3A_427 = tpu.memref_squeeze %dma_wait3A_426 : memref<512x1x32xf32, #tpu.memory_space<hbm>> -> memref<512x32xf32, #tpu.memory_space<hbm>>
    %dma_wait3A_428 = arith.constant 0 : i32
    %dma_wait3A_429 = tpu.memref_slice %arg5[%mul3A_348, %dma_wait3A_420, %dma_wait3A_428] : memref<16384x16x32xf32, #tpu.memory_space<hbm>> -> memref<512x1x32xf32, #tpu.memory_space<hbm>>
    %dma_wait3A_430 = tpu.memref_squeeze %dma_wait3A_429 : memref<512x1x32xf32, #tpu.memory_space<hbm>> -> memref<512x32xf32, #tpu.memory_space<hbm>>
    %dma_wait3A_431 = arith.constant 0 : i32
    %dma_wait3A_432 = arith.constant 0 : i32
    %dma_wait3A_433 = tpu.memref_slice %arg9[%dma_wait3A_419, %dma_wait3A_431, %dma_wait3A_432] : memref<4x512x32xf32, #tpu.memory_space<vmem>> -> memref<1x512x32xf32, #tpu.memory_space<vmem>>
    %dma_wait3A_434 = tpu.memref_squeeze %dma_wait3A_433 : memref<1x512x32xf32, #tpu.memory_space<vmem>> -> memref<512x32xf32, #tpu.memory_space<vmem>>
    tpu.wait_dma2 semaphore(%arg11 : memref<!tpu.dma_semaphore, #tpu.memory_space<semaphore_mem>>) src(%dma_wait3A_434 : memref<512x32xf32, #tpu.memory_space<vmem>>) dst(%dma_wait3A_430 : memref<512x32xf32, #tpu.memory_space<hbm>>)
    %dma_start3A_435 = arith.constant 1 : i32
    %dma_start3A_436 = arith.constant 0 : i32
    %dma_start3A_437 = arith.constant 0 : i32
    %dma_start3A_438 = tpu.memref_slice %arg9[%dma_start3A_435, %dma_start3A_436, %dma_start3A_437] : memref<4x512x32xf32, #tpu.memory_space<vmem>> -> memref<1x512x32xf32, #tpu.memory_space<vmem>>
    %dma_start3A_439 = tpu.memref_squeeze %dma_start3A_438 : memref<1x512x32xf32, #tpu.memory_space<vmem>> -> memref<512x32xf32, #tpu.memory_space<vmem>>
    %dma_start3A_440 = arith.constant 4608 : i32
    %dma_start3A_441 = tpu.memref_slice %arg8[%dma_start3A_440] : memref<8192xi32, #tpu.memory_space<vmem>> -> memref<512xi32, #tpu.memory_space<vmem>>
    %dma_start3A_442 = arith.constant 0 : i32
    %dma_start3A_443 = arith.constant 0 : i32
    %dma_start3A_444 = tpu.memref_slice %arg4[%dma_start3A_442, %dma_start3A_443] : memref<1600000x32xf32, #tpu.memory_space<hbm>> -> memref<1600000x32xf32, #tpu.memory_space<hbm>>
    tpu.enqueue_indirect_dma source(%dma_start3A_444 : memref<1600000x32xf32, #tpu.memory_space<hbm>>) target(%dma_start3A_439 : memref<512x32xf32, #tpu.memory_space<vmem>>) offsets(%dma_start3A_441 : memref<512xi32, #tpu.memory_space<vmem>>) semaphore(%arg10 : memref<!tpu.dma_semaphore, #tpu.memory_space<semaphore_mem>>)
    %dma_wait3A_445 = arith.constant 3 : i32
    %dma_wait3A_446 = arith.constant 0 : i32
    %dma_wait3A_447 = arith.constant 0 : i32
    %dma_wait3A_448 = tpu.memref_slice %arg9[%dma_wait3A_445, %dma_wait3A_446, %dma_wait3A_447] : memref<4x512x32xf32, #tpu.memory_space<vmem>> -> memref<1x512x32xf32, #tpu.memory_space<vmem>>
    %dma_wait3A_449 = tpu.memref_squeeze %dma_wait3A_448 : memref<1x512x32xf32, #tpu.memory_space<vmem>> -> memref<512x32xf32, #tpu.memory_space<vmem>>
    %dma_wait3A_450 = arith.constant 3584 : i32
    %dma_wait3A_451 = tpu.memref_slice %arg8[%dma_wait3A_450] : memref<8192xi32, #tpu.memory_space<vmem>> -> memref<512xi32, #tpu.memory_space<vmem>>
    %dma_wait3A_452 = arith.constant 0 : i32
    %dma_wait3A_453 = arith.constant 0 : i32
    %dma_wait3A_454 = tpu.memref_slice %arg4[%dma_wait3A_452, %dma_wait3A_453] : memref<1600000x32xf32, #tpu.memory_space<hbm>> -> memref<1600000x32xf32, #tpu.memory_space<hbm>>
    tpu.wait_indirect_dma semaphore(%arg10 : memref<!tpu.dma_semaphore, #tpu.memory_space<semaphore_mem>>) src(%dma_wait3A_454 : memref<1600000x32xf32, #tpu.memory_space<hbm>>) dst(%dma_wait3A_449 : memref<512x32xf32, #tpu.memory_space<vmem>>)
    %mul3A_455 = arith.constant 512 : i32
    %mul3A_456 = arith.muli %add3A, %mul3A_455 : i32
    %dma_start3A_457 = arith.constant 3 : i32
    %dma_start3A_458 = arith.constant 7 : i32
    %dma_start3A_459 = arith.constant 0 : i32
    %dma_start3A_460 = arith.constant 0 : i32
    %dma_start3A_461 = tpu.memref_slice %arg9[%dma_start3A_457, %dma_start3A_459, %dma_start3A_460] : memref<4x512x32xf32, #tpu.memory_space<vmem>> -> memref<1x512x32xf32, #tpu.memory_space<vmem>>
    %dma_start3A_462 = tpu.memref_squeeze %dma_start3A_461 : memref<1x512x32xf32, #tpu.memory_space<vmem>> -> memref<512x32xf32, #tpu.memory_space<vmem>>
    %dma_start3A_463 = arith.constant 0 : i32
    %dma_start3A_464 = tpu.memref_slice %arg5[%mul3A_456, %dma_start3A_458, %dma_start3A_463] : memref<16384x16x32xf32, #tpu.memory_space<hbm>> -> memref<512x1x32xf32, #tpu.memory_space<hbm>>
    %dma_start3A_465 = tpu.memref_squeeze %dma_start3A_464 : memref<512x1x32xf32, #tpu.memory_space<hbm>> -> memref<512x32xf32, #tpu.memory_space<hbm>>
    %dma_start3A_466 = arith.constant 0 : i32
    %dma_start3A_467 = tpu.memref_slice %arg5[%mul3A_456, %dma_start3A_458, %dma_start3A_466] : memref<16384x16x32xf32, #tpu.memory_space<hbm>> -> memref<512x1x32xf32, #tpu.memory_space<hbm>>
    %dma_start3A_468 = tpu.memref_squeeze %dma_start3A_467 : memref<512x1x32xf32, #tpu.memory_space<hbm>> -> memref<512x32xf32, #tpu.memory_space<hbm>>
    %dma_start3A_469 = arith.constant 0 : i32
    %dma_start3A_470 = arith.constant 0 : i32
    %dma_start3A_471 = tpu.memref_slice %arg9[%dma_start3A_457, %dma_start3A_469, %dma_start3A_470] : memref<4x512x32xf32, #tpu.memory_space<vmem>> -> memref<1x512x32xf32, #tpu.memory_space<vmem>>
    %dma_start3A_472 = tpu.memref_squeeze %dma_start3A_471 : memref<1x512x32xf32, #tpu.memory_space<vmem>> -> memref<512x32xf32, #tpu.memory_space<vmem>>
    tpu.enqueue_dma source(%dma_start3A_472 : memref<512x32xf32, #tpu.memory_space<vmem>>) target(%dma_start3A_468 : memref<512x32xf32, #tpu.memory_space<hbm>>) target_semaphore(%arg11 : memref<!tpu.dma_semaphore, #tpu.memory_space<semaphore_mem>>)
    %dma_wait3A_473 = arith.constant 2 : i32
    %dma_wait3A_474 = arith.constant 6 : i32
    %dma_wait3A_475 = arith.constant 0 : i32
    %dma_wait3A_476 = arith.constant 0 : i32
    %dma_wait3A_477 = tpu.memref_slice %arg9[%dma_wait3A_473, %dma_wait3A_475, %dma_wait3A_476] : memref<4x512x32xf32, #tpu.memory_space<vmem>> -> memref<1x512x32xf32, #tpu.memory_space<vmem>>
    %dma_wait3A_478 = tpu.memref_squeeze %dma_wait3A_477 : memref<1x512x32xf32, #tpu.memory_space<vmem>> -> memref<512x32xf32, #tpu.memory_space<vmem>>
    %dma_wait3A_479 = arith.constant 0 : i32
    %dma_wait3A_480 = tpu.memref_slice %arg5[%mul3A_402, %dma_wait3A_474, %dma_wait3A_479] : memref<16384x16x32xf32, #tpu.memory_space<hbm>> -> memref<512x1x32xf32, #tpu.memory_space<hbm>>
    %dma_wait3A_481 = tpu.memref_squeeze %dma_wait3A_480 : memref<512x1x32xf32, #tpu.memory_space<hbm>> -> memref<512x32xf32, #tpu.memory_space<hbm>>
    %dma_wait3A_482 = arith.constant 0 : i32
    %dma_wait3A_483 = tpu.memref_slice %arg5[%mul3A_402, %dma_wait3A_474, %dma_wait3A_482] : memref<16384x16x32xf32, #tpu.memory_space<hbm>> -> memref<512x1x32xf32, #tpu.memory_space<hbm>>
    %dma_wait3A_484 = tpu.memref_squeeze %dma_wait3A_483 : memref<512x1x32xf32, #tpu.memory_space<hbm>> -> memref<512x32xf32, #tpu.memory_space<hbm>>
    %dma_wait3A_485 = arith.constant 0 : i32
    %dma_wait3A_486 = arith.constant 0 : i32
    %dma_wait3A_487 = tpu.memref_slice %arg9[%dma_wait3A_473, %dma_wait3A_485, %dma_wait3A_486] : memref<4x512x32xf32, #tpu.memory_space<vmem>> -> memref<1x512x32xf32, #tpu.memory_space<vmem>>
    %dma_wait3A_488 = tpu.memref_squeeze %dma_wait3A_487 : memref<1x512x32xf32, #tpu.memory_space<vmem>> -> memref<512x32xf32, #tpu.memory_space<vmem>>
    tpu.wait_dma2 semaphore(%arg11 : memref<!tpu.dma_semaphore, #tpu.memory_space<semaphore_mem>>) src(%dma_wait3A_488 : memref<512x32xf32, #tpu.memory_space<vmem>>) dst(%dma_wait3A_484 : memref<512x32xf32, #tpu.memory_space<hbm>>)
    %dma_start3A_489 = arith.constant 2 : i32
    %dma_start3A_490 = arith.constant 0 : i32
    %dma_start3A_491 = arith.constant 0 : i32
    %dma_start3A_492 = tpu.memref_slice %arg9[%dma_start3A_489, %dma_start3A_490, %dma_start3A_491] : memref<4x512x32xf32, #tpu.memory_space<vmem>> -> memref<1x512x32xf32, #tpu.memory_space<vmem>>
    %dma_start3A_493 = tpu.memref_squeeze %dma_start3A_492 : memref<1x512x32xf32, #tpu.memory_space<vmem>> -> memref<512x32xf32, #tpu.memory_space<vmem>>
    %dma_start3A_494 = arith.constant 5120 : i32
    %dma_start3A_495 = tpu.memref_slice %arg8[%dma_start3A_494] : memref<8192xi32, #tpu.memory_space<vmem>> -> memref<512xi32, #tpu.memory_space<vmem>>
    %dma_start3A_496 = arith.constant 0 : i32
    %dma_start3A_497 = arith.constant 0 : i32
    %dma_start3A_498 = tpu.memref_slice %arg4[%dma_start3A_496, %dma_start3A_497] : memref<1600000x32xf32, #tpu.memory_space<hbm>> -> memref<1600000x32xf32, #tpu.memory_space<hbm>>
    tpu.enqueue_indirect_dma source(%dma_start3A_498 : memref<1600000x32xf32, #tpu.memory_space<hbm>>) target(%dma_start3A_493 : memref<512x32xf32, #tpu.memory_space<vmem>>) offsets(%dma_start3A_495 : memref<512xi32, #tpu.memory_space<vmem>>) semaphore(%arg10 : memref<!tpu.dma_semaphore, #tpu.memory_space<semaphore_mem>>)
    %dma_wait3A_499 = arith.constant 0 : i32
    %dma_wait3A_500 = arith.constant 0 : i32
    %dma_wait3A_501 = arith.constant 0 : i32
    %dma_wait3A_502 = tpu.memref_slice %arg9[%dma_wait3A_499, %dma_wait3A_500, %dma_wait3A_501] : memref<4x512x32xf32, #tpu.memory_space<vmem>> -> memref<1x512x32xf32, #tpu.memory_space<vmem>>
    %dma_wait3A_503 = tpu.memref_squeeze %dma_wait3A_502 : memref<1x512x32xf32, #tpu.memory_space<vmem>> -> memref<512x32xf32, #tpu.memory_space<vmem>>
    %dma_wait3A_504 = arith.constant 4096 : i32
    %dma_wait3A_505 = tpu.memref_slice %arg8[%dma_wait3A_504] : memref<8192xi32, #tpu.memory_space<vmem>> -> memref<512xi32, #tpu.memory_space<vmem>>
    %dma_wait3A_506 = arith.constant 0 : i32
    %dma_wait3A_507 = arith.constant 0 : i32
    %dma_wait3A_508 = tpu.memref_slice %arg4[%dma_wait3A_506, %dma_wait3A_507] : memref<1600000x32xf32, #tpu.memory_space<hbm>> -> memref<1600000x32xf32, #tpu.memory_space<hbm>>
    tpu.wait_indirect_dma semaphore(%arg10 : memref<!tpu.dma_semaphore, #tpu.memory_space<semaphore_mem>>) src(%dma_wait3A_508 : memref<1600000x32xf32, #tpu.memory_space<hbm>>) dst(%dma_wait3A_503 : memref<512x32xf32, #tpu.memory_space<vmem>>)
    %mul3A_509 = arith.constant 512 : i32
    %mul3A_510 = arith.muli %add3A, %mul3A_509 : i32
    %dma_start3A_511 = arith.constant 0 : i32
    %dma_start3A_512 = arith.constant 8 : i32
    %dma_start3A_513 = arith.constant 0 : i32
    %dma_start3A_514 = arith.constant 0 : i32
    %dma_start3A_515 = tpu.memref_slice %arg9[%dma_start3A_511, %dma_start3A_513, %dma_start3A_514] : memref<4x512x32xf32, #tpu.memory_space<vmem>> -> memref<1x512x32xf32, #tpu.memory_space<vmem>>
    %dma_start3A_516 = tpu.memref_squeeze %dma_start3A_515 : memref<1x512x32xf32, #tpu.memory_space<vmem>> -> memref<512x32xf32, #tpu.memory_space<vmem>>
    %dma_start3A_517 = arith.constant 0 : i32
    %dma_start3A_518 = tpu.memref_slice %arg5[%mul3A_510, %dma_start3A_512, %dma_start3A_517] : memref<16384x16x32xf32, #tpu.memory_space<hbm>> -> memref<512x1x32xf32, #tpu.memory_space<hbm>>
    %dma_start3A_519 = tpu.memref_squeeze %dma_start3A_518 : memref<512x1x32xf32, #tpu.memory_space<hbm>> -> memref<512x32xf32, #tpu.memory_space<hbm>>
    %dma_start3A_520 = arith.constant 0 : i32
    %dma_start3A_521 = tpu.memref_slice %arg5[%mul3A_510, %dma_start3A_512, %dma_start3A_520] : memref<16384x16x32xf32, #tpu.memory_space<hbm>> -> memref<512x1x32xf32, #tpu.memory_space<hbm>>
    %dma_start3A_522 = tpu.memref_squeeze %dma_start3A_521 : memref<512x1x32xf32, #tpu.memory_space<hbm>> -> memref<512x32xf32, #tpu.memory_space<hbm>>
    %dma_start3A_523 = arith.constant 0 : i32
    %dma_start3A_524 = arith.constant 0 : i32
    %dma_start3A_525 = tpu.memref_slice %arg9[%dma_start3A_511, %dma_start3A_523, %dma_start3A_524] : memref<4x512x32xf32, #tpu.memory_space<vmem>> -> memref<1x512x32xf32, #tpu.memory_space<vmem>>
    %dma_start3A_526 = tpu.memref_squeeze %dma_start3A_525 : memref<1x512x32xf32, #tpu.memory_space<vmem>> -> memref<512x32xf32, #tpu.memory_space<vmem>>
    tpu.enqueue_dma source(%dma_start3A_526 : memref<512x32xf32, #tpu.memory_space<vmem>>) target(%dma_start3A_522 : memref<512x32xf32, #tpu.memory_space<hbm>>) target_semaphore(%arg11 : memref<!tpu.dma_semaphore, #tpu.memory_space<semaphore_mem>>)
    %dma_wait3A_527 = arith.constant 3 : i32
    %dma_wait3A_528 = arith.constant 7 : i32
    %dma_wait3A_529 = arith.constant 0 : i32
    %dma_wait3A_530 = arith.constant 0 : i32
    %dma_wait3A_531 = tpu.memref_slice %arg9[%dma_wait3A_527, %dma_wait3A_529, %dma_wait3A_530] : memref<4x512x32xf32, #tpu.memory_space<vmem>> -> memref<1x512x32xf32, #tpu.memory_space<vmem>>
    %dma_wait3A_532 = tpu.memref_squeeze %dma_wait3A_531 : memref<1x512x32xf32, #tpu.memory_space<vmem>> -> memref<512x32xf32, #tpu.memory_space<vmem>>
    %dma_wait3A_533 = arith.constant 0 : i32
    %dma_wait3A_534 = tpu.memref_slice %arg5[%mul3A_456, %dma_wait3A_528, %dma_wait3A_533] : memref<16384x16x32xf32, #tpu.memory_space<hbm>> -> memref<512x1x32xf32, #tpu.memory_space<hbm>>
    %dma_wait3A_535 = tpu.memref_squeeze %dma_wait3A_534 : memref<512x1x32xf32, #tpu.memory_space<hbm>> -> memref<512x32xf32, #tpu.memory_space<hbm>>
    %dma_wait3A_536 = arith.constant 0 : i32
    %dma_wait3A_537 = tpu.memref_slice %arg5[%mul3A_456, %dma_wait3A_528, %dma_wait3A_536] : memref<16384x16x32xf32, #tpu.memory_space<hbm>> -> memref<512x1x32xf32, #tpu.memory_space<hbm>>
    %dma_wait3A_538 = tpu.memref_squeeze %dma_wait3A_537 : memref<512x1x32xf32, #tpu.memory_space<hbm>> -> memref<512x32xf32, #tpu.memory_space<hbm>>
    %dma_wait3A_539 = arith.constant 0 : i32
    %dma_wait3A_540 = arith.constant 0 : i32
    %dma_wait3A_541 = tpu.memref_slice %arg9[%dma_wait3A_527, %dma_wait3A_539, %dma_wait3A_540] : memref<4x512x32xf32, #tpu.memory_space<vmem>> -> memref<1x512x32xf32, #tpu.memory_space<vmem>>
    %dma_wait3A_542 = tpu.memref_squeeze %dma_wait3A_541 : memref<1x512x32xf32, #tpu.memory_space<vmem>> -> memref<512x32xf32, #tpu.memory_space<vmem>>
    tpu.wait_dma2 semaphore(%arg11 : memref<!tpu.dma_semaphore, #tpu.memory_space<semaphore_mem>>) src(%dma_wait3A_542 : memref<512x32xf32, #tpu.memory_space<vmem>>) dst(%dma_wait3A_538 : memref<512x32xf32, #tpu.memory_space<hbm>>)
    %dma_start3A_543 = arith.constant 3 : i32
    %dma_start3A_544 = arith.constant 0 : i32
    %dma_start3A_545 = arith.constant 0 : i32
    %dma_start3A_546 = tpu.memref_slice %arg9[%dma_start3A_543, %dma_start3A_544, %dma_start3A_545] : memref<4x512x32xf32, #tpu.memory_space<vmem>> -> memref<1x512x32xf32, #tpu.memory_space<vmem>>
    %dma_start3A_547 = tpu.memref_squeeze %dma_start3A_546 : memref<1x512x32xf32, #tpu.memory_space<vmem>> -> memref<512x32xf32, #tpu.memory_space<vmem>>
    %dma_start3A_548 = arith.constant 5632 : i32
    %dma_start3A_549 = tpu.memref_slice %arg8[%dma_start3A_548] : memref<8192xi32, #tpu.memory_space<vmem>> -> memref<512xi32, #tpu.memory_space<vmem>>
    %dma_start3A_550 = arith.constant 0 : i32
    %dma_start3A_551 = arith.constant 0 : i32
    %dma_start3A_552 = tpu.memref_slice %arg4[%dma_start3A_550, %dma_start3A_551] : memref<1600000x32xf32, #tpu.memory_space<hbm>> -> memref<1600000x32xf32, #tpu.memory_space<hbm>>
    tpu.enqueue_indirect_dma source(%dma_start3A_552 : memref<1600000x32xf32, #tpu.memory_space<hbm>>) target(%dma_start3A_547 : memref<512x32xf32, #tpu.memory_space<vmem>>) offsets(%dma_start3A_549 : memref<512xi32, #tpu.memory_space<vmem>>) semaphore(%arg10 : memref<!tpu.dma_semaphore, #tpu.memory_space<semaphore_mem>>)
    %dma_wait3A_553 = arith.constant 1 : i32
    %dma_wait3A_554 = arith.constant 0 : i32
    %dma_wait3A_555 = arith.constant 0 : i32
    %dma_wait3A_556 = tpu.memref_slice %arg9[%dma_wait3A_553, %dma_wait3A_554, %dma_wait3A_555] : memref<4x512x32xf32, #tpu.memory_space<vmem>> -> memref<1x512x32xf32, #tpu.memory_space<vmem>>
    %dma_wait3A_557 = tpu.memref_squeeze %dma_wait3A_556 : memref<1x512x32xf32, #tpu.memory_space<vmem>> -> memref<512x32xf32, #tpu.memory_space<vmem>>
    %dma_wait3A_558 = arith.constant 4608 : i32
    %dma_wait3A_559 = tpu.memref_slice %arg8[%dma_wait3A_558] : memref<8192xi32, #tpu.memory_space<vmem>> -> memref<512xi32, #tpu.memory_space<vmem>>
    %dma_wait3A_560 = arith.constant 0 : i32
    %dma_wait3A_561 = arith.constant 0 : i32
    %dma_wait3A_562 = tpu.memref_slice %arg4[%dma_wait3A_560, %dma_wait3A_561] : memref<1600000x32xf32, #tpu.memory_space<hbm>> -> memref<1600000x32xf32, #tpu.memory_space<hbm>>
    tpu.wait_indirect_dma semaphore(%arg10 : memref<!tpu.dma_semaphore, #tpu.memory_space<semaphore_mem>>) src(%dma_wait3A_562 : memref<1600000x32xf32, #tpu.memory_space<hbm>>) dst(%dma_wait3A_557 : memref<512x32xf32, #tpu.memory_space<vmem>>)
    %mul3A_563 = arith.constant 512 : i32
    %mul3A_564 = arith.muli %add3A, %mul3A_563 : i32
    %dma_start3A_565 = arith.constant 1 : i32
    %dma_start3A_566 = arith.constant 9 : i32
    %dma_start3A_567 = arith.constant 0 : i32
    %dma_start3A_568 = arith.constant 0 : i32
    %dma_start3A_569 = tpu.memref_slice %arg9[%dma_start3A_565, %dma_start3A_567, %dma_start3A_568] : memref<4x512x32xf32, #tpu.memory_space<vmem>> -> memref<1x512x32xf32, #tpu.memory_space<vmem>>
    %dma_start3A_570 = tpu.memref_squeeze %dma_start3A_569 : memref<1x512x32xf32, #tpu.memory_space<vmem>> -> memref<512x32xf32, #tpu.memory_space<vmem>>
    %dma_start3A_571 = arith.constant 0 : i32
    %dma_start3A_572 = tpu.memref_slice %arg5[%mul3A_564, %dma_start3A_566, %dma_start3A_571] : memref<16384x16x32xf32, #tpu.memory_space<hbm>> -> memref<512x1x32xf32, #tpu.memory_space<hbm>>
    %dma_start3A_573 = tpu.memref_squeeze %dma_start3A_572 : memref<512x1x32xf32, #tpu.memory_space<hbm>> -> memref<512x32xf32, #tpu.memory_space<hbm>>
    %dma_start3A_574 = arith.constant 0 : i32
    %dma_start3A_575 = tpu.memref_slice %arg5[%mul3A_564, %dma_start3A_566, %dma_start3A_574] : memref<16384x16x32xf32, #tpu.memory_space<hbm>> -> memref<512x1x32xf32, #tpu.memory_space<hbm>>
    %dma_start3A_576 = tpu.memref_squeeze %dma_start3A_575 : memref<512x1x32xf32, #tpu.memory_space<hbm>> -> memref<512x32xf32, #tpu.memory_space<hbm>>
    %dma_start3A_577 = arith.constant 0 : i32
    %dma_start3A_578 = arith.constant 0 : i32
    %dma_start3A_579 = tpu.memref_slice %arg9[%dma_start3A_565, %dma_start3A_577, %dma_start3A_578] : memref<4x512x32xf32, #tpu.memory_space<vmem>> -> memref<1x512x32xf32, #tpu.memory_space<vmem>>
    %dma_start3A_580 = tpu.memref_squeeze %dma_start3A_579 : memref<1x512x32xf32, #tpu.memory_space<vmem>> -> memref<512x32xf32, #tpu.memory_space<vmem>>
    tpu.enqueue_dma source(%dma_start3A_580 : memref<512x32xf32, #tpu.memory_space<vmem>>) target(%dma_start3A_576 : memref<512x32xf32, #tpu.memory_space<hbm>>) target_semaphore(%arg11 : memref<!tpu.dma_semaphore, #tpu.memory_space<semaphore_mem>>)
    %dma_wait3A_581 = arith.constant 0 : i32
    %dma_wait3A_582 = arith.constant 8 : i32
    %dma_wait3A_583 = arith.constant 0 : i32
    %dma_wait3A_584 = arith.constant 0 : i32
    %dma_wait3A_585 = tpu.memref_slice %arg9[%dma_wait3A_581, %dma_wait3A_583, %dma_wait3A_584] : memref<4x512x32xf32, #tpu.memory_space<vmem>> -> memref<1x512x32xf32, #tpu.memory_space<vmem>>
    %dma_wait3A_586 = tpu.memref_squeeze %dma_wait3A_585 : memref<1x512x32xf32, #tpu.memory_space<vmem>> -> memref<512x32xf32, #tpu.memory_space<vmem>>
    %dma_wait3A_587 = arith.constant 0 : i32
    %dma_wait3A_588 = tpu.memref_slice %arg5[%mul3A_510, %dma_wait3A_582, %dma_wait3A_587] : memref<16384x16x32xf32, #tpu.memory_space<hbm>> -> memref<512x1x32xf32, #tpu.memory_space<hbm>>
    %dma_wait3A_589 = tpu.memref_squeeze %dma_wait3A_588 : memref<512x1x32xf32, #tpu.memory_space<hbm>> -> memref<512x32xf32, #tpu.memory_space<hbm>>
    %dma_wait3A_590 = arith.constant 0 : i32
    %dma_wait3A_591 = tpu.memref_slice %arg5[%mul3A_510, %dma_wait3A_582, %dma_wait3A_590] : memref<16384x16x32xf32, #tpu.memory_space<hbm>> -> memref<512x1x32xf32, #tpu.memory_space<hbm>>
    %dma_wait3A_592 = tpu.memref_squeeze %dma_wait3A_591 : memref<512x1x32xf32, #tpu.memory_space<hbm>> -> memref<512x32xf32, #tpu.memory_space<hbm>>
    %dma_wait3A_593 = arith.constant 0 : i32
    %dma_wait3A_594 = arith.constant 0 : i32
    %dma_wait3A_595 = tpu.memref_slice %arg9[%dma_wait3A_581, %dma_wait3A_593, %dma_wait3A_594] : memref<4x512x32xf32, #tpu.memory_space<vmem>> -> memref<1x512x32xf32, #tpu.memory_space<vmem>>
    %dma_wait3A_596 = tpu.memref_squeeze %dma_wait3A_595 : memref<1x512x32xf32, #tpu.memory_space<vmem>> -> memref<512x32xf32, #tpu.memory_space<vmem>>
    tpu.wait_dma2 semaphore(%arg11 : memref<!tpu.dma_semaphore, #tpu.memory_space<semaphore_mem>>) src(%dma_wait3A_596 : memref<512x32xf32, #tpu.memory_space<vmem>>) dst(%dma_wait3A_592 : memref<512x32xf32, #tpu.memory_space<hbm>>)
    %dma_start3A_597 = arith.constant 0 : i32
    %dma_start3A_598 = arith.constant 0 : i32
    %dma_start3A_599 = arith.constant 0 : i32
    %dma_start3A_600 = tpu.memref_slice %arg9[%dma_start3A_597, %dma_start3A_598, %dma_start3A_599] : memref<4x512x32xf32, #tpu.memory_space<vmem>> -> memref<1x512x32xf32, #tpu.memory_space<vmem>>
    %dma_start3A_601 = tpu.memref_squeeze %dma_start3A_600 : memref<1x512x32xf32, #tpu.memory_space<vmem>> -> memref<512x32xf32, #tpu.memory_space<vmem>>
    %dma_start3A_602 = arith.constant 6144 : i32
    %dma_start3A_603 = tpu.memref_slice %arg8[%dma_start3A_602] : memref<8192xi32, #tpu.memory_space<vmem>> -> memref<512xi32, #tpu.memory_space<vmem>>
    %dma_start3A_604 = arith.constant 0 : i32
    %dma_start3A_605 = arith.constant 0 : i32
    %dma_start3A_606 = tpu.memref_slice %arg4[%dma_start3A_604, %dma_start3A_605] : memref<1600000x32xf32, #tpu.memory_space<hbm>> -> memref<1600000x32xf32, #tpu.memory_space<hbm>>
    tpu.enqueue_indirect_dma source(%dma_start3A_606 : memref<1600000x32xf32, #tpu.memory_space<hbm>>) target(%dma_start3A_601 : memref<512x32xf32, #tpu.memory_space<vmem>>) offsets(%dma_start3A_603 : memref<512xi32, #tpu.memory_space<vmem>>) semaphore(%arg10 : memref<!tpu.dma_semaphore, #tpu.memory_space<semaphore_mem>>)
    %dma_wait3A_607 = arith.constant 2 : i32
    %dma_wait3A_608 = arith.constant 0 : i32
    %dma_wait3A_609 = arith.constant 0 : i32
    %dma_wait3A_610 = tpu.memref_slice %arg9[%dma_wait3A_607, %dma_wait3A_608, %dma_wait3A_609] : memref<4x512x32xf32, #tpu.memory_space<vmem>> -> memref<1x512x32xf32, #tpu.memory_space<vmem>>
    %dma_wait3A_611 = tpu.memref_squeeze %dma_wait3A_610 : memref<1x512x32xf32, #tpu.memory_space<vmem>> -> memref<512x32xf32, #tpu.memory_space<vmem>>
    %dma_wait3A_612 = arith.constant 5120 : i32
    %dma_wait3A_613 = tpu.memref_slice %arg8[%dma_wait3A_612] : memref<8192xi32, #tpu.memory_space<vmem>> -> memref<512xi32, #tpu.memory_space<vmem>>
    %dma_wait3A_614 = arith.constant 0 : i32
    %dma_wait3A_615 = arith.constant 0 : i32
    %dma_wait3A_616 = tpu.memref_slice %arg4[%dma_wait3A_614, %dma_wait3A_615] : memref<1600000x32xf32, #tpu.memory_space<hbm>> -> memref<1600000x32xf32, #tpu.memory_space<hbm>>
    tpu.wait_indirect_dma semaphore(%arg10 : memref<!tpu.dma_semaphore, #tpu.memory_space<semaphore_mem>>) src(%dma_wait3A_616 : memref<1600000x32xf32, #tpu.memory_space<hbm>>) dst(%dma_wait3A_611 : memref<512x32xf32, #tpu.memory_space<vmem>>)
    %mul3A_617 = arith.constant 512 : i32
    %mul3A_618 = arith.muli %add3A, %mul3A_617 : i32
    %dma_start3A_619 = arith.constant 2 : i32
    %dma_start3A_620 = arith.constant 10 : i32
    %dma_start3A_621 = arith.constant 0 : i32
    %dma_start3A_622 = arith.constant 0 : i32
    %dma_start3A_623 = tpu.memref_slice %arg9[%dma_start3A_619, %dma_start3A_621, %dma_start3A_622] : memref<4x512x32xf32, #tpu.memory_space<vmem>> -> memref<1x512x32xf32, #tpu.memory_space<vmem>>
    %dma_start3A_624 = tpu.memref_squeeze %dma_start3A_623 : memref<1x512x32xf32, #tpu.memory_space<vmem>> -> memref<512x32xf32, #tpu.memory_space<vmem>>
    %dma_start3A_625 = arith.constant 0 : i32
    %dma_start3A_626 = tpu.memref_slice %arg5[%mul3A_618, %dma_start3A_620, %dma_start3A_625] : memref<16384x16x32xf32, #tpu.memory_space<hbm>> -> memref<512x1x32xf32, #tpu.memory_space<hbm>>
    %dma_start3A_627 = tpu.memref_squeeze %dma_start3A_626 : memref<512x1x32xf32, #tpu.memory_space<hbm>> -> memref<512x32xf32, #tpu.memory_space<hbm>>
    %dma_start3A_628 = arith.constant 0 : i32
    %dma_start3A_629 = tpu.memref_slice %arg5[%mul3A_618, %dma_start3A_620, %dma_start3A_628] : memref<16384x16x32xf32, #tpu.memory_space<hbm>> -> memref<512x1x32xf32, #tpu.memory_space<hbm>>
    %dma_start3A_630 = tpu.memref_squeeze %dma_start3A_629 : memref<512x1x32xf32, #tpu.memory_space<hbm>> -> memref<512x32xf32, #tpu.memory_space<hbm>>
    %dma_start3A_631 = arith.constant 0 : i32
    %dma_start3A_632 = arith.constant 0 : i32
    %dma_start3A_633 = tpu.memref_slice %arg9[%dma_start3A_619, %dma_start3A_631, %dma_start3A_632] : memref<4x512x32xf32, #tpu.memory_space<vmem>> -> memref<1x512x32xf32, #tpu.memory_space<vmem>>
    %dma_start3A_634 = tpu.memref_squeeze %dma_start3A_633 : memref<1x512x32xf32, #tpu.memory_space<vmem>> -> memref<512x32xf32, #tpu.memory_space<vmem>>
    tpu.enqueue_dma source(%dma_start3A_634 : memref<512x32xf32, #tpu.memory_space<vmem>>) target(%dma_start3A_630 : memref<512x32xf32, #tpu.memory_space<hbm>>) target_semaphore(%arg11 : memref<!tpu.dma_semaphore, #tpu.memory_space<semaphore_mem>>)
    %dma_wait3A_635 = arith.constant 1 : i32
    %dma_wait3A_636 = arith.constant 9 : i32
    %dma_wait3A_637 = arith.constant 0 : i32
    %dma_wait3A_638 = arith.constant 0 : i32
    %dma_wait3A_639 = tpu.memref_slice %arg9[%dma_wait3A_635, %dma_wait3A_637, %dma_wait3A_638] : memref<4x512x32xf32, #tpu.memory_space<vmem>> -> memref<1x512x32xf32, #tpu.memory_space<vmem>>
    %dma_wait3A_640 = tpu.memref_squeeze %dma_wait3A_639 : memref<1x512x32xf32, #tpu.memory_space<vmem>> -> memref<512x32xf32, #tpu.memory_space<vmem>>
    %dma_wait3A_641 = arith.constant 0 : i32
    %dma_wait3A_642 = tpu.memref_slice %arg5[%mul3A_564, %dma_wait3A_636, %dma_wait3A_641] : memref<16384x16x32xf32, #tpu.memory_space<hbm>> -> memref<512x1x32xf32, #tpu.memory_space<hbm>>
    %dma_wait3A_643 = tpu.memref_squeeze %dma_wait3A_642 : memref<512x1x32xf32, #tpu.memory_space<hbm>> -> memref<512x32xf32, #tpu.memory_space<hbm>>
    %dma_wait3A_644 = arith.constant 0 : i32
    %dma_wait3A_645 = tpu.memref_slice %arg5[%mul3A_564, %dma_wait3A_636, %dma_wait3A_644] : memref<16384x16x32xf32, #tpu.memory_space<hbm>> -> memref<512x1x32xf32, #tpu.memory_space<hbm>>
    %dma_wait3A_646 = tpu.memref_squeeze %dma_wait3A_645 : memref<512x1x32xf32, #tpu.memory_space<hbm>> -> memref<512x32xf32, #tpu.memory_space<hbm>>
    %dma_wait3A_647 = arith.constant 0 : i32
    %dma_wait3A_648 = arith.constant 0 : i32
    %dma_wait3A_649 = tpu.memref_slice %arg9[%dma_wait3A_635, %dma_wait3A_647, %dma_wait3A_648] : memref<4x512x32xf32, #tpu.memory_space<vmem>> -> memref<1x512x32xf32, #tpu.memory_space<vmem>>
    %dma_wait3A_650 = tpu.memref_squeeze %dma_wait3A_649 : memref<1x512x32xf32, #tpu.memory_space<vmem>> -> memref<512x32xf32, #tpu.memory_space<vmem>>
    tpu.wait_dma2 semaphore(%arg11 : memref<!tpu.dma_semaphore, #tpu.memory_space<semaphore_mem>>) src(%dma_wait3A_650 : memref<512x32xf32, #tpu.memory_space<vmem>>) dst(%dma_wait3A_646 : memref<512x32xf32, #tpu.memory_space<hbm>>)
    %dma_start3A_651 = arith.constant 1 : i32
    %dma_start3A_652 = arith.constant 0 : i32
    %dma_start3A_653 = arith.constant 0 : i32
    %dma_start3A_654 = tpu.memref_slice %arg9[%dma_start3A_651, %dma_start3A_652, %dma_start3A_653] : memref<4x512x32xf32, #tpu.memory_space<vmem>> -> memref<1x512x32xf32, #tpu.memory_space<vmem>>
    %dma_start3A_655 = tpu.memref_squeeze %dma_start3A_654 : memref<1x512x32xf32, #tpu.memory_space<vmem>> -> memref<512x32xf32, #tpu.memory_space<vmem>>
    %dma_start3A_656 = arith.constant 6656 : i32
    %dma_start3A_657 = tpu.memref_slice %arg8[%dma_start3A_656] : memref<8192xi32, #tpu.memory_space<vmem>> -> memref<512xi32, #tpu.memory_space<vmem>>
    %dma_start3A_658 = arith.constant 0 : i32
    %dma_start3A_659 = arith.constant 0 : i32
    %dma_start3A_660 = tpu.memref_slice %arg4[%dma_start3A_658, %dma_start3A_659] : memref<1600000x32xf32, #tpu.memory_space<hbm>> -> memref<1600000x32xf32, #tpu.memory_space<hbm>>
    tpu.enqueue_indirect_dma source(%dma_start3A_660 : memref<1600000x32xf32, #tpu.memory_space<hbm>>) target(%dma_start3A_655 : memref<512x32xf32, #tpu.memory_space<vmem>>) offsets(%dma_start3A_657 : memref<512xi32, #tpu.memory_space<vmem>>) semaphore(%arg10 : memref<!tpu.dma_semaphore, #tpu.memory_space<semaphore_mem>>)
    %dma_wait3A_661 = arith.constant 3 : i32
    %dma_wait3A_662 = arith.constant 0 : i32
    %dma_wait3A_663 = arith.constant 0 : i32
    %dma_wait3A_664 = tpu.memref_slice %arg9[%dma_wait3A_661, %dma_wait3A_662, %dma_wait3A_663] : memref<4x512x32xf32, #tpu.memory_space<vmem>> -> memref<1x512x32xf32, #tpu.memory_space<vmem>>
    %dma_wait3A_665 = tpu.memref_squeeze %dma_wait3A_664 : memref<1x512x32xf32, #tpu.memory_space<vmem>> -> memref<512x32xf32, #tpu.memory_space<vmem>>
    %dma_wait3A_666 = arith.constant 5632 : i32
    %dma_wait3A_667 = tpu.memref_slice %arg8[%dma_wait3A_666] : memref<8192xi32, #tpu.memory_space<vmem>> -> memref<512xi32, #tpu.memory_space<vmem>>
    %dma_wait3A_668 = arith.constant 0 : i32
    %dma_wait3A_669 = arith.constant 0 : i32
    %dma_wait3A_670 = tpu.memref_slice %arg4[%dma_wait3A_668, %dma_wait3A_669] : memref<1600000x32xf32, #tpu.memory_space<hbm>> -> memref<1600000x32xf32, #tpu.memory_space<hbm>>
    tpu.wait_indirect_dma semaphore(%arg10 : memref<!tpu.dma_semaphore, #tpu.memory_space<semaphore_mem>>) src(%dma_wait3A_670 : memref<1600000x32xf32, #tpu.memory_space<hbm>>) dst(%dma_wait3A_665 : memref<512x32xf32, #tpu.memory_space<vmem>>)
    %mul3A_671 = arith.constant 512 : i32
    %mul3A_672 = arith.muli %add3A, %mul3A_671 : i32
    %dma_start3A_673 = arith.constant 3 : i32
    %dma_start3A_674 = arith.constant 11 : i32
    %dma_start3A_675 = arith.constant 0 : i32
    %dma_start3A_676 = arith.constant 0 : i32
    %dma_start3A_677 = tpu.memref_slice %arg9[%dma_start3A_673, %dma_start3A_675, %dma_start3A_676] : memref<4x512x32xf32, #tpu.memory_space<vmem>> -> memref<1x512x32xf32, #tpu.memory_space<vmem>>
    %dma_start3A_678 = tpu.memref_squeeze %dma_start3A_677 : memref<1x512x32xf32, #tpu.memory_space<vmem>> -> memref<512x32xf32, #tpu.memory_space<vmem>>
    %dma_start3A_679 = arith.constant 0 : i32
    %dma_start3A_680 = tpu.memref_slice %arg5[%mul3A_672, %dma_start3A_674, %dma_start3A_679] : memref<16384x16x32xf32, #tpu.memory_space<hbm>> -> memref<512x1x32xf32, #tpu.memory_space<hbm>>
    %dma_start3A_681 = tpu.memref_squeeze %dma_start3A_680 : memref<512x1x32xf32, #tpu.memory_space<hbm>> -> memref<512x32xf32, #tpu.memory_space<hbm>>
    %dma_start3A_682 = arith.constant 0 : i32
    %dma_start3A_683 = tpu.memref_slice %arg5[%mul3A_672, %dma_start3A_674, %dma_start3A_682] : memref<16384x16x32xf32, #tpu.memory_space<hbm>> -> memref<512x1x32xf32, #tpu.memory_space<hbm>>
    %dma_start3A_684 = tpu.memref_squeeze %dma_start3A_683 : memref<512x1x32xf32, #tpu.memory_space<hbm>> -> memref<512x32xf32, #tpu.memory_space<hbm>>
    %dma_start3A_685 = arith.constant 0 : i32
    %dma_start3A_686 = arith.constant 0 : i32
    %dma_start3A_687 = tpu.memref_slice %arg9[%dma_start3A_673, %dma_start3A_685, %dma_start3A_686] : memref<4x512x32xf32, #tpu.memory_space<vmem>> -> memref<1x512x32xf32, #tpu.memory_space<vmem>>
    %dma_start3A_688 = tpu.memref_squeeze %dma_start3A_687 : memref<1x512x32xf32, #tpu.memory_space<vmem>> -> memref<512x32xf32, #tpu.memory_space<vmem>>
    tpu.enqueue_dma source(%dma_start3A_688 : memref<512x32xf32, #tpu.memory_space<vmem>>) target(%dma_start3A_684 : memref<512x32xf32, #tpu.memory_space<hbm>>) target_semaphore(%arg11 : memref<!tpu.dma_semaphore, #tpu.memory_space<semaphore_mem>>)
    %dma_wait3A_689 = arith.constant 2 : i32
    %dma_wait3A_690 = arith.constant 10 : i32
    %dma_wait3A_691 = arith.constant 0 : i32
    %dma_wait3A_692 = arith.constant 0 : i32
    %dma_wait3A_693 = tpu.memref_slice %arg9[%dma_wait3A_689, %dma_wait3A_691, %dma_wait3A_692] : memref<4x512x32xf32, #tpu.memory_space<vmem>> -> memref<1x512x32xf32, #tpu.memory_space<vmem>>
    %dma_wait3A_694 = tpu.memref_squeeze %dma_wait3A_693 : memref<1x512x32xf32, #tpu.memory_space<vmem>> -> memref<512x32xf32, #tpu.memory_space<vmem>>
    %dma_wait3A_695 = arith.constant 0 : i32
    %dma_wait3A_696 = tpu.memref_slice %arg5[%mul3A_618, %dma_wait3A_690, %dma_wait3A_695] : memref<16384x16x32xf32, #tpu.memory_space<hbm>> -> memref<512x1x32xf32, #tpu.memory_space<hbm>>
    %dma_wait3A_697 = tpu.memref_squeeze %dma_wait3A_696 : memref<512x1x32xf32, #tpu.memory_space<hbm>> -> memref<512x32xf32, #tpu.memory_space<hbm>>
    %dma_wait3A_698 = arith.constant 0 : i32
    %dma_wait3A_699 = tpu.memref_slice %arg5[%mul3A_618, %dma_wait3A_690, %dma_wait3A_698] : memref<16384x16x32xf32, #tpu.memory_space<hbm>> -> memref<512x1x32xf32, #tpu.memory_space<hbm>>
    %dma_wait3A_700 = tpu.memref_squeeze %dma_wait3A_699 : memref<512x1x32xf32, #tpu.memory_space<hbm>> -> memref<512x32xf32, #tpu.memory_space<hbm>>
    %dma_wait3A_701 = arith.constant 0 : i32
    %dma_wait3A_702 = arith.constant 0 : i32
    %dma_wait3A_703 = tpu.memref_slice %arg9[%dma_wait3A_689, %dma_wait3A_701, %dma_wait3A_702] : memref<4x512x32xf32, #tpu.memory_space<vmem>> -> memref<1x512x32xf32, #tpu.memory_space<vmem>>
    %dma_wait3A_704 = tpu.memref_squeeze %dma_wait3A_703 : memref<1x512x32xf32, #tpu.memory_space<vmem>> -> memref<512x32xf32, #tpu.memory_space<vmem>>
    tpu.wait_dma2 semaphore(%arg11 : memref<!tpu.dma_semaphore, #tpu.memory_space<semaphore_mem>>) src(%dma_wait3A_704 : memref<512x32xf32, #tpu.memory_space<vmem>>) dst(%dma_wait3A_700 : memref<512x32xf32, #tpu.memory_space<hbm>>)
    %dma_start3A_705 = arith.constant 2 : i32
    %dma_start3A_706 = arith.constant 0 : i32
    %dma_start3A_707 = arith.constant 0 : i32
    %dma_start3A_708 = tpu.memref_slice %arg9[%dma_start3A_705, %dma_start3A_706, %dma_start3A_707] : memref<4x512x32xf32, #tpu.memory_space<vmem>> -> memref<1x512x32xf32, #tpu.memory_space<vmem>>
    %dma_start3A_709 = tpu.memref_squeeze %dma_start3A_708 : memref<1x512x32xf32, #tpu.memory_space<vmem>> -> memref<512x32xf32, #tpu.memory_space<vmem>>
    %dma_start3A_710 = arith.constant 7168 : i32
    %dma_start3A_711 = tpu.memref_slice %arg8[%dma_start3A_710] : memref<8192xi32, #tpu.memory_space<vmem>> -> memref<512xi32, #tpu.memory_space<vmem>>
    %dma_start3A_712 = arith.constant 0 : i32
    %dma_start3A_713 = arith.constant 0 : i32
    %dma_start3A_714 = tpu.memref_slice %arg4[%dma_start3A_712, %dma_start3A_713] : memref<1600000x32xf32, #tpu.memory_space<hbm>> -> memref<1600000x32xf32, #tpu.memory_space<hbm>>
    tpu.enqueue_indirect_dma source(%dma_start3A_714 : memref<1600000x32xf32, #tpu.memory_space<hbm>>) target(%dma_start3A_709 : memref<512x32xf32, #tpu.memory_space<vmem>>) offsets(%dma_start3A_711 : memref<512xi32, #tpu.memory_space<vmem>>) semaphore(%arg10 : memref<!tpu.dma_semaphore, #tpu.memory_space<semaphore_mem>>)
    %dma_wait3A_715 = arith.constant 0 : i32
    %dma_wait3A_716 = arith.constant 0 : i32
    %dma_wait3A_717 = arith.constant 0 : i32
    %dma_wait3A_718 = tpu.memref_slice %arg9[%dma_wait3A_715, %dma_wait3A_716, %dma_wait3A_717] : memref<4x512x32xf32, #tpu.memory_space<vmem>> -> memref<1x512x32xf32, #tpu.memory_space<vmem>>
    %dma_wait3A_719 = tpu.memref_squeeze %dma_wait3A_718 : memref<1x512x32xf32, #tpu.memory_space<vmem>> -> memref<512x32xf32, #tpu.memory_space<vmem>>
    %dma_wait3A_720 = arith.constant 6144 : i32
    %dma_wait3A_721 = tpu.memref_slice %arg8[%dma_wait3A_720] : memref<8192xi32, #tpu.memory_space<vmem>> -> memref<512xi32, #tpu.memory_space<vmem>>
    %dma_wait3A_722 = arith.constant 0 : i32
    %dma_wait3A_723 = arith.constant 0 : i32
    %dma_wait3A_724 = tpu.memref_slice %arg4[%dma_wait3A_722, %dma_wait3A_723] : memref<1600000x32xf32, #tpu.memory_space<hbm>> -> memref<1600000x32xf32, #tpu.memory_space<hbm>>
    tpu.wait_indirect_dma semaphore(%arg10 : memref<!tpu.dma_semaphore, #tpu.memory_space<semaphore_mem>>) src(%dma_wait3A_724 : memref<1600000x32xf32, #tpu.memory_space<hbm>>) dst(%dma_wait3A_719 : memref<512x32xf32, #tpu.memory_space<vmem>>)
    %mul3A_725 = arith.constant 512 : i32
    %mul3A_726 = arith.muli %add3A, %mul3A_725 : i32
    %dma_start3A_727 = arith.constant 0 : i32
    %dma_start3A_728 = arith.constant 12 : i32
    %dma_start3A_729 = arith.constant 0 : i32
    %dma_start3A_730 = arith.constant 0 : i32
    %dma_start3A_731 = tpu.memref_slice %arg9[%dma_start3A_727, %dma_start3A_729, %dma_start3A_730] : memref<4x512x32xf32, #tpu.memory_space<vmem>> -> memref<1x512x32xf32, #tpu.memory_space<vmem>>
    %dma_start3A_732 = tpu.memref_squeeze %dma_start3A_731 : memref<1x512x32xf32, #tpu.memory_space<vmem>> -> memref<512x32xf32, #tpu.memory_space<vmem>>
    %dma_start3A_733 = arith.constant 0 : i32
    %dma_start3A_734 = tpu.memref_slice %arg5[%mul3A_726, %dma_start3A_728, %dma_start3A_733] : memref<16384x16x32xf32, #tpu.memory_space<hbm>> -> memref<512x1x32xf32, #tpu.memory_space<hbm>>
    %dma_start3A_735 = tpu.memref_squeeze %dma_start3A_734 : memref<512x1x32xf32, #tpu.memory_space<hbm>> -> memref<512x32xf32, #tpu.memory_space<hbm>>
    %dma_start3A_736 = arith.constant 0 : i32
    %dma_start3A_737 = tpu.memref_slice %arg5[%mul3A_726, %dma_start3A_728, %dma_start3A_736] : memref<16384x16x32xf32, #tpu.memory_space<hbm>> -> memref<512x1x32xf32, #tpu.memory_space<hbm>>
    %dma_start3A_738 = tpu.memref_squeeze %dma_start3A_737 : memref<512x1x32xf32, #tpu.memory_space<hbm>> -> memref<512x32xf32, #tpu.memory_space<hbm>>
    %dma_start3A_739 = arith.constant 0 : i32
    %dma_start3A_740 = arith.constant 0 : i32
    %dma_start3A_741 = tpu.memref_slice %arg9[%dma_start3A_727, %dma_start3A_739, %dma_start3A_740] : memref<4x512x32xf32, #tpu.memory_space<vmem>> -> memref<1x512x32xf32, #tpu.memory_space<vmem>>
    %dma_start3A_742 = tpu.memref_squeeze %dma_start3A_741 : memref<1x512x32xf32, #tpu.memory_space<vmem>> -> memref<512x32xf32, #tpu.memory_space<vmem>>
    tpu.enqueue_dma source(%dma_start3A_742 : memref<512x32xf32, #tpu.memory_space<vmem>>) target(%dma_start3A_738 : memref<512x32xf32, #tpu.memory_space<hbm>>) target_semaphore(%arg11 : memref<!tpu.dma_semaphore, #tpu.memory_space<semaphore_mem>>)
    %dma_wait3A_743 = arith.constant 3 : i32
    %dma_wait3A_744 = arith.constant 11 : i32
    %dma_wait3A_745 = arith.constant 0 : i32
    %dma_wait3A_746 = arith.constant 0 : i32
    %dma_wait3A_747 = tpu.memref_slice %arg9[%dma_wait3A_743, %dma_wait3A_745, %dma_wait3A_746] : memref<4x512x32xf32, #tpu.memory_space<vmem>> -> memref<1x512x32xf32, #tpu.memory_space<vmem>>
    %dma_wait3A_748 = tpu.memref_squeeze %dma_wait3A_747 : memref<1x512x32xf32, #tpu.memory_space<vmem>> -> memref<512x32xf32, #tpu.memory_space<vmem>>
    %dma_wait3A_749 = arith.constant 0 : i32
    %dma_wait3A_750 = tpu.memref_slice %arg5[%mul3A_672, %dma_wait3A_744, %dma_wait3A_749] : memref<16384x16x32xf32, #tpu.memory_space<hbm>> -> memref<512x1x32xf32, #tpu.memory_space<hbm>>
    %dma_wait3A_751 = tpu.memref_squeeze %dma_wait3A_750 : memref<512x1x32xf32, #tpu.memory_space<hbm>> -> memref<512x32xf32, #tpu.memory_space<hbm>>
    %dma_wait3A_752 = arith.constant 0 : i32
    %dma_wait3A_753 = tpu.memref_slice %arg5[%mul3A_672, %dma_wait3A_744, %dma_wait3A_752] : memref<16384x16x32xf32, #tpu.memory_space<hbm>> -> memref<512x1x32xf32, #tpu.memory_space<hbm>>
    %dma_wait3A_754 = tpu.memref_squeeze %dma_wait3A_753 : memref<512x1x32xf32, #tpu.memory_space<hbm>> -> memref<512x32xf32, #tpu.memory_space<hbm>>
    %dma_wait3A_755 = arith.constant 0 : i32
    %dma_wait3A_756 = arith.constant 0 : i32
    %dma_wait3A_757 = tpu.memref_slice %arg9[%dma_wait3A_743, %dma_wait3A_755, %dma_wait3A_756] : memref<4x512x32xf32, #tpu.memory_space<vmem>> -> memref<1x512x32xf32, #tpu.memory_space<vmem>>
    %dma_wait3A_758 = tpu.memref_squeeze %dma_wait3A_757 : memref<1x512x32xf32, #tpu.memory_space<vmem>> -> memref<512x32xf32, #tpu.memory_space<vmem>>
    tpu.wait_dma2 semaphore(%arg11 : memref<!tpu.dma_semaphore, #tpu.memory_space<semaphore_mem>>) src(%dma_wait3A_758 : memref<512x32xf32, #tpu.memory_space<vmem>>) dst(%dma_wait3A_754 : memref<512x32xf32, #tpu.memory_space<hbm>>)
    %dma_start3A_759 = arith.constant 3 : i32
    %dma_start3A_760 = arith.constant 0 : i32
    %dma_start3A_761 = arith.constant 0 : i32
    %dma_start3A_762 = tpu.memref_slice %arg9[%dma_start3A_759, %dma_start3A_760, %dma_start3A_761] : memref<4x512x32xf32, #tpu.memory_space<vmem>> -> memref<1x512x32xf32, #tpu.memory_space<vmem>>
    %dma_start3A_763 = tpu.memref_squeeze %dma_start3A_762 : memref<1x512x32xf32, #tpu.memory_space<vmem>> -> memref<512x32xf32, #tpu.memory_space<vmem>>
    %dma_start3A_764 = arith.constant 7680 : i32
    %dma_start3A_765 = tpu.memref_slice %arg8[%dma_start3A_764] : memref<8192xi32, #tpu.memory_space<vmem>> -> memref<512xi32, #tpu.memory_space<vmem>>
    %dma_start3A_766 = arith.constant 0 : i32
    %dma_start3A_767 = arith.constant 0 : i32
    %dma_start3A_768 = tpu.memref_slice %arg4[%dma_start3A_766, %dma_start3A_767] : memref<1600000x32xf32, #tpu.memory_space<hbm>> -> memref<1600000x32xf32, #tpu.memory_space<hbm>>
    tpu.enqueue_indirect_dma source(%dma_start3A_768 : memref<1600000x32xf32, #tpu.memory_space<hbm>>) target(%dma_start3A_763 : memref<512x32xf32, #tpu.memory_space<vmem>>) offsets(%dma_start3A_765 : memref<512xi32, #tpu.memory_space<vmem>>) semaphore(%arg10 : memref<!tpu.dma_semaphore, #tpu.memory_space<semaphore_mem>>)
    %dma_wait3A_769 = arith.constant 1 : i32
    %dma_wait3A_770 = arith.constant 0 : i32
    %dma_wait3A_771 = arith.constant 0 : i32
    %dma_wait3A_772 = tpu.memref_slice %arg9[%dma_wait3A_769, %dma_wait3A_770, %dma_wait3A_771] : memref<4x512x32xf32, #tpu.memory_space<vmem>> -> memref<1x512x32xf32, #tpu.memory_space<vmem>>
    %dma_wait3A_773 = tpu.memref_squeeze %dma_wait3A_772 : memref<1x512x32xf32, #tpu.memory_space<vmem>> -> memref<512x32xf32, #tpu.memory_space<vmem>>
    %dma_wait3A_774 = arith.constant 6656 : i32
    %dma_wait3A_775 = tpu.memref_slice %arg8[%dma_wait3A_774] : memref<8192xi32, #tpu.memory_space<vmem>> -> memref<512xi32, #tpu.memory_space<vmem>>
    %dma_wait3A_776 = arith.constant 0 : i32
    %dma_wait3A_777 = arith.constant 0 : i32
    %dma_wait3A_778 = tpu.memref_slice %arg4[%dma_wait3A_776, %dma_wait3A_777] : memref<1600000x32xf32, #tpu.memory_space<hbm>> -> memref<1600000x32xf32, #tpu.memory_space<hbm>>
    tpu.wait_indirect_dma semaphore(%arg10 : memref<!tpu.dma_semaphore, #tpu.memory_space<semaphore_mem>>) src(%dma_wait3A_778 : memref<1600000x32xf32, #tpu.memory_space<hbm>>) dst(%dma_wait3A_773 : memref<512x32xf32, #tpu.memory_space<vmem>>)
    %mul3A_779 = arith.constant 512 : i32
    %mul3A_780 = arith.muli %add3A, %mul3A_779 : i32
    %dma_start3A_781 = arith.constant 1 : i32
    %dma_start3A_782 = arith.constant 13 : i32
    %dma_start3A_783 = arith.constant 0 : i32
    %dma_start3A_784 = arith.constant 0 : i32
    %dma_start3A_785 = tpu.memref_slice %arg9[%dma_start3A_781, %dma_start3A_783, %dma_start3A_784] : memref<4x512x32xf32, #tpu.memory_space<vmem>> -> memref<1x512x32xf32, #tpu.memory_space<vmem>>
    %dma_start3A_786 = tpu.memref_squeeze %dma_start3A_785 : memref<1x512x32xf32, #tpu.memory_space<vmem>> -> memref<512x32xf32, #tpu.memory_space<vmem>>
    %dma_start3A_787 = arith.constant 0 : i32
    %dma_start3A_788 = tpu.memref_slice %arg5[%mul3A_780, %dma_start3A_782, %dma_start3A_787] : memref<16384x16x32xf32, #tpu.memory_space<hbm>> -> memref<512x1x32xf32, #tpu.memory_space<hbm>>
    %dma_start3A_789 = tpu.memref_squeeze %dma_start3A_788 : memref<512x1x32xf32, #tpu.memory_space<hbm>> -> memref<512x32xf32, #tpu.memory_space<hbm>>
    %dma_start3A_790 = arith.constant 0 : i32
    %dma_start3A_791 = tpu.memref_slice %arg5[%mul3A_780, %dma_start3A_782, %dma_start3A_790] : memref<16384x16x32xf32, #tpu.memory_space<hbm>> -> memref<512x1x32xf32, #tpu.memory_space<hbm>>
    %dma_start3A_792 = tpu.memref_squeeze %dma_start3A_791 : memref<512x1x32xf32, #tpu.memory_space<hbm>> -> memref<512x32xf32, #tpu.memory_space<hbm>>
    %dma_start3A_793 = arith.constant 0 : i32
    %dma_start3A_794 = arith.constant 0 : i32
    %dma_start3A_795 = tpu.memref_slice %arg9[%dma_start3A_781, %dma_start3A_793, %dma_start3A_794] : memref<4x512x32xf32, #tpu.memory_space<vmem>> -> memref<1x512x32xf32, #tpu.memory_space<vmem>>
    %dma_start3A_796 = tpu.memref_squeeze %dma_start3A_795 : memref<1x512x32xf32, #tpu.memory_space<vmem>> -> memref<512x32xf32, #tpu.memory_space<vmem>>
    tpu.enqueue_dma source(%dma_start3A_796 : memref<512x32xf32, #tpu.memory_space<vmem>>) target(%dma_start3A_792 : memref<512x32xf32, #tpu.memory_space<hbm>>) target_semaphore(%arg11 : memref<!tpu.dma_semaphore, #tpu.memory_space<semaphore_mem>>)
    %dma_wait3A_797 = arith.constant 2 : i32
    %dma_wait3A_798 = arith.constant 0 : i32
    %dma_wait3A_799 = arith.constant 0 : i32
    %dma_wait3A_800 = tpu.memref_slice %arg9[%dma_wait3A_797, %dma_wait3A_798, %dma_wait3A_799] : memref<4x512x32xf32, #tpu.memory_space<vmem>> -> memref<1x512x32xf32, #tpu.memory_space<vmem>>
    %dma_wait3A_801 = tpu.memref_squeeze %dma_wait3A_800 : memref<1x512x32xf32, #tpu.memory_space<vmem>> -> memref<512x32xf32, #tpu.memory_space<vmem>>
    %dma_wait3A_802 = arith.constant 7168 : i32
    %dma_wait3A_803 = tpu.memref_slice %arg8[%dma_wait3A_802] : memref<8192xi32, #tpu.memory_space<vmem>> -> memref<512xi32, #tpu.memory_space<vmem>>
    %dma_wait3A_804 = arith.constant 0 : i32
    %dma_wait3A_805 = arith.constant 0 : i32
    %dma_wait3A_806 = tpu.memref_slice %arg4[%dma_wait3A_804, %dma_wait3A_805] : memref<1600000x32xf32, #tpu.memory_space<hbm>> -> memref<1600000x32xf32, #tpu.memory_space<hbm>>
    tpu.wait_indirect_dma semaphore(%arg10 : memref<!tpu.dma_semaphore, #tpu.memory_space<semaphore_mem>>) src(%dma_wait3A_806 : memref<1600000x32xf32, #tpu.memory_space<hbm>>) dst(%dma_wait3A_801 : memref<512x32xf32, #tpu.memory_space<vmem>>)
    %mul3A_807 = arith.constant 512 : i32
    %mul3A_808 = arith.muli %add3A, %mul3A_807 : i32
    %dma_start3A_809 = arith.constant 2 : i32
    %dma_start3A_810 = arith.constant 14 : i32
    %dma_start3A_811 = arith.constant 0 : i32
    %dma_start3A_812 = arith.constant 0 : i32
    %dma_start3A_813 = tpu.memref_slice %arg9[%dma_start3A_809, %dma_start3A_811, %dma_start3A_812] : memref<4x512x32xf32, #tpu.memory_space<vmem>> -> memref<1x512x32xf32, #tpu.memory_space<vmem>>
    %dma_start3A_814 = tpu.memref_squeeze %dma_start3A_813 : memref<1x512x32xf32, #tpu.memory_space<vmem>> -> memref<512x32xf32, #tpu.memory_space<vmem>>
    %dma_start3A_815 = arith.constant 0 : i32
    %dma_start3A_816 = tpu.memref_slice %arg5[%mul3A_808, %dma_start3A_810, %dma_start3A_815] : memref<16384x16x32xf32, #tpu.memory_space<hbm>> -> memref<512x1x32xf32, #tpu.memory_space<hbm>>
    %dma_start3A_817 = tpu.memref_squeeze %dma_start3A_816 : memref<512x1x32xf32, #tpu.memory_space<hbm>> -> memref<512x32xf32, #tpu.memory_space<hbm>>
    %dma_start3A_818 = arith.constant 0 : i32
    %dma_start3A_819 = tpu.memref_slice %arg5[%mul3A_808, %dma_start3A_810, %dma_start3A_818] : memref<16384x16x32xf32, #tpu.memory_space<hbm>> -> memref<512x1x32xf32, #tpu.memory_space<hbm>>
    %dma_start3A_820 = tpu.memref_squeeze %dma_start3A_819 : memref<512x1x32xf32, #tpu.memory_space<hbm>> -> memref<512x32xf32, #tpu.memory_space<hbm>>
    %dma_start3A_821 = arith.constant 0 : i32
    %dma_start3A_822 = arith.constant 0 : i32
    %dma_start3A_823 = tpu.memref_slice %arg9[%dma_start3A_809, %dma_start3A_821, %dma_start3A_822] : memref<4x512x32xf32, #tpu.memory_space<vmem>> -> memref<1x512x32xf32, #tpu.memory_space<vmem>>
    %dma_start3A_824 = tpu.memref_squeeze %dma_start3A_823 : memref<1x512x32xf32, #tpu.memory_space<vmem>> -> memref<512x32xf32, #tpu.memory_space<vmem>>
    tpu.enqueue_dma source(%dma_start3A_824 : memref<512x32xf32, #tpu.memory_space<vmem>>) target(%dma_start3A_820 : memref<512x32xf32, #tpu.memory_space<hbm>>) target_semaphore(%arg11 : memref<!tpu.dma_semaphore, #tpu.memory_space<semaphore_mem>>)
    %dma_wait3A_825 = arith.constant 3 : i32
    %dma_wait3A_826 = arith.constant 0 : i32
    %dma_wait3A_827 = arith.constant 0 : i32
    %dma_wait3A_828 = tpu.memref_slice %arg9[%dma_wait3A_825, %dma_wait3A_826, %dma_wait3A_827] : memref<4x512x32xf32, #tpu.memory_space<vmem>> -> memref<1x512x32xf32, #tpu.memory_space<vmem>>
    %dma_wait3A_829 = tpu.memref_squeeze %dma_wait3A_828 : memref<1x512x32xf32, #tpu.memory_space<vmem>> -> memref<512x32xf32, #tpu.memory_space<vmem>>
    %dma_wait3A_830 = arith.constant 7680 : i32
    %dma_wait3A_831 = tpu.memref_slice %arg8[%dma_wait3A_830] : memref<8192xi32, #tpu.memory_space<vmem>> -> memref<512xi32, #tpu.memory_space<vmem>>
    %dma_wait3A_832 = arith.constant 0 : i32
    %dma_wait3A_833 = arith.constant 0 : i32
    %dma_wait3A_834 = tpu.memref_slice %arg4[%dma_wait3A_832, %dma_wait3A_833] : memref<1600000x32xf32, #tpu.memory_space<hbm>> -> memref<1600000x32xf32, #tpu.memory_space<hbm>>
    tpu.wait_indirect_dma semaphore(%arg10 : memref<!tpu.dma_semaphore, #tpu.memory_space<semaphore_mem>>) src(%dma_wait3A_834 : memref<1600000x32xf32, #tpu.memory_space<hbm>>) dst(%dma_wait3A_829 : memref<512x32xf32, #tpu.memory_space<vmem>>)
    %mul3A_835 = arith.constant 512 : i32
    %mul3A_836 = arith.muli %add3A, %mul3A_835 : i32
    %dma_start3A_837 = arith.constant 3 : i32
    %dma_start3A_838 = arith.constant 15 : i32
    %dma_start3A_839 = arith.constant 0 : i32
    %dma_start3A_840 = arith.constant 0 : i32
    %dma_start3A_841 = tpu.memref_slice %arg9[%dma_start3A_837, %dma_start3A_839, %dma_start3A_840] : memref<4x512x32xf32, #tpu.memory_space<vmem>> -> memref<1x512x32xf32, #tpu.memory_space<vmem>>
    %dma_start3A_842 = tpu.memref_squeeze %dma_start3A_841 : memref<1x512x32xf32, #tpu.memory_space<vmem>> -> memref<512x32xf32, #tpu.memory_space<vmem>>
    %dma_start3A_843 = arith.constant 0 : i32
    %dma_start3A_844 = tpu.memref_slice %arg5[%mul3A_836, %dma_start3A_838, %dma_start3A_843] : memref<16384x16x32xf32, #tpu.memory_space<hbm>> -> memref<512x1x32xf32, #tpu.memory_space<hbm>>
    %dma_start3A_845 = tpu.memref_squeeze %dma_start3A_844 : memref<512x1x32xf32, #tpu.memory_space<hbm>> -> memref<512x32xf32, #tpu.memory_space<hbm>>
    %dma_start3A_846 = arith.constant 0 : i32
    %dma_start3A_847 = tpu.memref_slice %arg5[%mul3A_836, %dma_start3A_838, %dma_start3A_846] : memref<16384x16x32xf32, #tpu.memory_space<hbm>> -> memref<512x1x32xf32, #tpu.memory_space<hbm>>
    %dma_start3A_848 = tpu.memref_squeeze %dma_start3A_847 : memref<512x1x32xf32, #tpu.memory_space<hbm>> -> memref<512x32xf32, #tpu.memory_space<hbm>>
    %dma_start3A_849 = arith.constant 0 : i32
    %dma_start3A_850 = arith.constant 0 : i32
    %dma_start3A_851 = tpu.memref_slice %arg9[%dma_start3A_837, %dma_start3A_849, %dma_start3A_850] : memref<4x512x32xf32, #tpu.memory_space<vmem>> -> memref<1x512x32xf32, #tpu.memory_space<vmem>>
    %dma_start3A_852 = tpu.memref_squeeze %dma_start3A_851 : memref<1x512x32xf32, #tpu.memory_space<vmem>> -> memref<512x32xf32, #tpu.memory_space<vmem>>
    tpu.enqueue_dma source(%dma_start3A_852 : memref<512x32xf32, #tpu.memory_space<vmem>>) target(%dma_start3A_848 : memref<512x32xf32, #tpu.memory_space<hbm>>) target_semaphore(%arg11 : memref<!tpu.dma_semaphore, #tpu.memory_space<semaphore_mem>>)
    %dma_wait3A_853 = arith.constant 0 : i32
    %dma_wait3A_854 = arith.constant 12 : i32
    %dma_wait3A_855 = arith.constant 0 : i32
    %dma_wait3A_856 = arith.constant 0 : i32
    %dma_wait3A_857 = tpu.memref_slice %arg9[%dma_wait3A_853, %dma_wait3A_855, %dma_wait3A_856] : memref<4x512x32xf32, #tpu.memory_space<vmem>> -> memref<1x512x32xf32, #tpu.memory_space<vmem>>
    %dma_wait3A_858 = tpu.memref_squeeze %dma_wait3A_857 : memref<1x512x32xf32, #tpu.memory_space<vmem>> -> memref<512x32xf32, #tpu.memory_space<vmem>>
    %dma_wait3A_859 = arith.constant 0 : i32
    %dma_wait3A_860 = tpu.memref_slice %arg5[%mul3A_726, %dma_wait3A_854, %dma_wait3A_859] : memref<16384x16x32xf32, #tpu.memory_space<hbm>> -> memref<512x1x32xf32, #tpu.memory_space<hbm>>
    %dma_wait3A_861 = tpu.memref_squeeze %dma_wait3A_860 : memref<512x1x32xf32, #tpu.memory_space<hbm>> -> memref<512x32xf32, #tpu.memory_space<hbm>>
    %dma_wait3A_862 = arith.constant 0 : i32
    %dma_wait3A_863 = tpu.memref_slice %arg5[%mul3A_726, %dma_wait3A_854, %dma_wait3A_862] : memref<16384x16x32xf32, #tpu.memory_space<hbm>> -> memref<512x1x32xf32, #tpu.memory_space<hbm>>
    %dma_wait3A_864 = tpu.memref_squeeze %dma_wait3A_863 : memref<512x1x32xf32, #tpu.memory_space<hbm>> -> memref<512x32xf32, #tpu.memory_space<hbm>>
    %dma_wait3A_865 = arith.constant 0 : i32
    %dma_wait3A_866 = arith.constant 0 : i32
    %dma_wait3A_867 = tpu.memref_slice %arg9[%dma_wait3A_853, %dma_wait3A_865, %dma_wait3A_866] : memref<4x512x32xf32, #tpu.memory_space<vmem>> -> memref<1x512x32xf32, #tpu.memory_space<vmem>>
    %dma_wait3A_868 = tpu.memref_squeeze %dma_wait3A_867 : memref<1x512x32xf32, #tpu.memory_space<vmem>> -> memref<512x32xf32, #tpu.memory_space<vmem>>
    tpu.wait_dma2 semaphore(%arg11 : memref<!tpu.dma_semaphore, #tpu.memory_space<semaphore_mem>>) src(%dma_wait3A_868 : memref<512x32xf32, #tpu.memory_space<vmem>>) dst(%dma_wait3A_864 : memref<512x32xf32, #tpu.memory_space<hbm>>)
    %dma_wait3A_869 = arith.constant 1 : i32
    %dma_wait3A_870 = arith.constant 13 : i32
    %dma_wait3A_871 = arith.constant 0 : i32
    %dma_wait3A_872 = arith.constant 0 : i32
    %dma_wait3A_873 = tpu.memref_slice %arg9[%dma_wait3A_869, %dma_wait3A_871, %dma_wait3A_872] : memref<4x512x32xf32, #tpu.memory_space<vmem>> -> memref<1x512x32xf32, #tpu.memory_space<vmem>>
    %dma_wait3A_874 = tpu.memref_squeeze %dma_wait3A_873 : memref<1x512x32xf32, #tpu.memory_space<vmem>> -> memref<512x32xf32, #tpu.memory_space<vmem>>
    %dma_wait3A_875 = arith.constant 0 : i32
    %dma_wait3A_876 = tpu.memref_slice %arg5[%mul3A_780, %dma_wait3A_870, %dma_wait3A_875] : memref<16384x16x32xf32, #tpu.memory_space<hbm>> -> memref<512x1x32xf32, #tpu.memory_space<hbm>>
    %dma_wait3A_877 = tpu.memref_squeeze %dma_wait3A_876 : memref<512x1x32xf32, #tpu.memory_space<hbm>> -> memref<512x32xf32, #tpu.memory_space<hbm>>
    %dma_wait3A_878 = arith.constant 0 : i32
    %dma_wait3A_879 = tpu.memref_slice %arg5[%mul3A_780, %dma_wait3A_870, %dma_wait3A_878] : memref<16384x16x32xf32, #tpu.memory_space<hbm>> -> memref<512x1x32xf32, #tpu.memory_space<hbm>>
    %dma_wait3A_880 = tpu.memref_squeeze %dma_wait3A_879 : memref<512x1x32xf32, #tpu.memory_space<hbm>> -> memref<512x32xf32, #tpu.memory_space<hbm>>
    %dma_wait3A_881 = arith.constant 0 : i32
    %dma_wait3A_882 = arith.constant 0 : i32
    %dma_wait3A_883 = tpu.memref_slice %arg9[%dma_wait3A_869, %dma_wait3A_881, %dma_wait3A_882] : memref<4x512x32xf32, #tpu.memory_space<vmem>> -> memref<1x512x32xf32, #tpu.memory_space<vmem>>
    %dma_wait3A_884 = tpu.memref_squeeze %dma_wait3A_883 : memref<1x512x32xf32, #tpu.memory_space<vmem>> -> memref<512x32xf32, #tpu.memory_space<vmem>>
    tpu.wait_dma2 semaphore(%arg11 : memref<!tpu.dma_semaphore, #tpu.memory_space<semaphore_mem>>) src(%dma_wait3A_884 : memref<512x32xf32, #tpu.memory_space<vmem>>) dst(%dma_wait3A_880 : memref<512x32xf32, #tpu.memory_space<hbm>>)
    %dma_wait3A_885 = arith.constant 2 : i32
    %dma_wait3A_886 = arith.constant 14 : i32
    %dma_wait3A_887 = arith.constant 0 : i32
    %dma_wait3A_888 = arith.constant 0 : i32
    %dma_wait3A_889 = tpu.memref_slice %arg9[%dma_wait3A_885, %dma_wait3A_887, %dma_wait3A_888] : memref<4x512x32xf32, #tpu.memory_space<vmem>> -> memref<1x512x32xf32, #tpu.memory_space<vmem>>
    %dma_wait3A_890 = tpu.memref_squeeze %dma_wait3A_889 : memref<1x512x32xf32, #tpu.memory_space<vmem>> -> memref<512x32xf32, #tpu.memory_space<vmem>>
    %dma_wait3A_891 = arith.constant 0 : i32
    %dma_wait3A_892 = tpu.memref_slice %arg5[%mul3A_808, %dma_wait3A_886, %dma_wait3A_891] : memref<16384x16x32xf32, #tpu.memory_space<hbm>> -> memref<512x1x32xf32, #tpu.memory_space<hbm>>
    %dma_wait3A_893 = tpu.memref_squeeze %dma_wait3A_892 : memref<512x1x32xf32, #tpu.memory_space<hbm>> -> memref<512x32xf32, #tpu.memory_space<hbm>>
    %dma_wait3A_894 = arith.constant 0 : i32
    %dma_wait3A_895 = tpu.memref_slice %arg5[%mul3A_808, %dma_wait3A_886, %dma_wait3A_894] : memref<16384x16x32xf32, #tpu.memory_space<hbm>> -> memref<512x1x32xf32, #tpu.memory_space<hbm>>
    %dma_wait3A_896 = tpu.memref_squeeze %dma_wait3A_895 : memref<512x1x32xf32, #tpu.memory_space<hbm>> -> memref<512x32xf32, #tpu.memory_space<hbm>>
    %dma_wait3A_897 = arith.constant 0 : i32
    %dma_wait3A_898 = arith.constant 0 : i32
    %dma_wait3A_899 = tpu.memref_slice %arg9[%dma_wait3A_885, %dma_wait3A_897, %dma_wait3A_898] : memref<4x512x32xf32, #tpu.memory_space<vmem>> -> memref<1x512x32xf32, #tpu.memory_space<vmem>>
    %dma_wait3A_900 = tpu.memref_squeeze %dma_wait3A_899 : memref<1x512x32xf32, #tpu.memory_space<vmem>> -> memref<512x32xf32, #tpu.memory_space<vmem>>
    tpu.wait_dma2 semaphore(%arg11 : memref<!tpu.dma_semaphore, #tpu.memory_space<semaphore_mem>>) src(%dma_wait3A_900 : memref<512x32xf32, #tpu.memory_space<vmem>>) dst(%dma_wait3A_896 : memref<512x32xf32, #tpu.memory_space<hbm>>)
    %dma_wait3A_901 = arith.constant 3 : i32
    %dma_wait3A_902 = arith.constant 15 : i32
    %dma_wait3A_903 = arith.constant 0 : i32
    %dma_wait3A_904 = arith.constant 0 : i32
    %dma_wait3A_905 = tpu.memref_slice %arg9[%dma_wait3A_901, %dma_wait3A_903, %dma_wait3A_904] : memref<4x512x32xf32, #tpu.memory_space<vmem>> -> memref<1x512x32xf32, #tpu.memory_space<vmem>>
    %dma_wait3A_906 = tpu.memref_squeeze %dma_wait3A_905 : memref<1x512x32xf32, #tpu.memory_space<vmem>> -> memref<512x32xf32, #tpu.memory_space<vmem>>
    %dma_wait3A_907 = arith.constant 0 : i32
    %dma_wait3A_908 = tpu.memref_slice %arg5[%mul3A_836, %dma_wait3A_902, %dma_wait3A_907] : memref<16384x16x32xf32, #tpu.memory_space<hbm>> -> memref<512x1x32xf32, #tpu.memory_space<hbm>>
    %dma_wait3A_909 = tpu.memref_squeeze %dma_wait3A_908 : memref<512x1x32xf32, #tpu.memory_space<hbm>> -> memref<512x32xf32, #tpu.memory_space<hbm>>
    %dma_wait3A_910 = arith.constant 0 : i32
    %dma_wait3A_911 = tpu.memref_slice %arg5[%mul3A_836, %dma_wait3A_902, %dma_wait3A_910] : memref<16384x16x32xf32, #tpu.memory_space<hbm>> -> memref<512x1x32xf32, #tpu.memory_space<hbm>>
    %dma_wait3A_912 = tpu.memref_squeeze %dma_wait3A_911 : memref<512x1x32xf32, #tpu.memory_space<hbm>> -> memref<512x32xf32, #tpu.memory_space<hbm>>
    %dma_wait3A_913 = arith.constant 0 : i32
    %dma_wait3A_914 = arith.constant 0 : i32
    %dma_wait3A_915 = tpu.memref_slice %arg9[%dma_wait3A_901, %dma_wait3A_913, %dma_wait3A_914] : memref<4x512x32xf32, #tpu.memory_space<vmem>> -> memref<1x512x32xf32, #tpu.memory_space<vmem>>
    %dma_wait3A_916 = tpu.memref_squeeze %dma_wait3A_915 : memref<1x512x32xf32, #tpu.memory_space<vmem>> -> memref<512x32xf32, #tpu.memory_space<vmem>>
    tpu.wait_dma2 semaphore(%arg11 : memref<!tpu.dma_semaphore, #tpu.memory_space<semaphore_mem>>) src(%dma_wait3A_916 : memref<512x32xf32, #tpu.memory_space<vmem>>) dst(%dma_wait3A_912 : memref<512x32xf32, #tpu.memory_space<hbm>>)
    return
  }
}

module attributes {stable_mosaic.version = 14 : i64} {
  func.func @_tc_body(%arg0: i32, %arg1: i32, %arg2: memref<1x512x512xf32, #tpu.memory_space<vmem>>, %arg3: memref<1x512x768xf32, #tpu.memory_space<vmem>>, %arg4: memref<512x768xbf16, #tpu.memory_space<vmem>>, %arg5: memref<512x768xbf16, #tpu.memory_space<vmem>>, %arg6: memref<1x768xf32, #tpu.memory_space<vmem>>, %arg7: memref<1x768xf32, #tpu.memory_space<vmem>>, %arg8: memref<4x768xf32, #tpu.memory_space<vmem>>, %arg9: memref<1x512x768xf32, #tpu.memory_space<vmem>>, %arg10: memref<8x768xf32, #tpu.memory_space<vmem>>) attributes {dimension_semantics = [#tpu.dimension_semantics<arbitrary>, #tpu.dimension_semantics<arbitrary>], iteration_bounds = array<i64: 4, 8>, scalar_prefetch = 0 : i64, scratch_operands = 1 : i64, tpu.core_type = #tpu.core_type<tc>, window_params = [{transform_indices = @transform_0, window_bounds = array<i64: 1, 512, 512>}, {transform_indices = @transform_1, window_bounds = array<i64: 1, 512, 768>}, {pipeline_mode = #tpu.pipeline_mode<synchronous>, transform_indices = @transform_2, window_bounds = array<i64: 512, 768>}, {pipeline_mode = #tpu.pipeline_mode<synchronous>, transform_indices = @transform_3, window_bounds = array<i64: 512, 768>}, {pipeline_mode = #tpu.pipeline_mode<synchronous>, transform_indices = @transform_4, window_bounds = array<i64: 1, 768>}, {pipeline_mode = #tpu.pipeline_mode<synchronous>, transform_indices = @transform_5, window_bounds = array<i64: 1, 768>}, {pipeline_mode = #tpu.pipeline_mode<synchronous>, transform_indices = @transform_6, window_bounds = array<i64: 4, 768>}, {transform_indices = @transform_7, window_bounds = array<i64: 1, 512, 768>}]} {
    %eq3A = arith.constant 0 : i32
    %eq3A_0 = arith.cmpi eq, %arg1, %eq3A : i32
    %convert_element_type3A = arith.extui %eq3A_0 : i1 to i32
    %cond3A = arith.constant 0 : i32
    %cond3A_1 = arith.cmpi ne, %convert_element_type3A, %cond3A : i32
    scf.if %cond3A_1 {
      %broadcast_in_dim3A_139 = arith.constant 0.000000e+00 : f32
      %broadcast_in_dim3A_140 = vector.broadcast %broadcast_in_dim3A_139 : f32 to vector<8x768xf32>
      %swap3A_141 = arith.constant 0 : index
      %swap3A_142 = arith.constant 0 : index
      %swap3A_143 = vector.load %arg10[%swap3A_141, %swap3A_142] : memref<8x768xf32, #tpu.memory_space<vmem>>, vector<8x768xf32>
      tpu.vector_store %arg10[%swap3A_141, %swap3A_142], %broadcast_in_dim3A_140 {strides = array<i32>} : memref<8x768xf32, #tpu.memory_space<vmem>>, vector<8x768xf32>,
    } else {
    }
    %get3A = arith.constant 0 : index
    %get3A_2 = arith.constant 0 : index
    %get3A_3 = arith.constant 0 : index
    %get3A_4 = vector.load %arg2[%get3A, %get3A_2, %get3A_3] : memref<1x512x512xf32, #tpu.memory_space<vmem>>, vector<1x512x512xf32>
    %get3A_5 = vector.shape_cast %get3A_4 : vector<1x512x512xf32> to vector<512x512xf32>
    %convert_element_type3A_6 = arith.truncf %get3A_5 : vector<512x512xf32> to vector<512x512xbf16>
    %get3A_7 = arith.constant 0 : index
    %get3A_8 = arith.constant 0 : index
    %get3A_9 = arith.constant 0 : index
    %get3A_10 = vector.load %arg3[%get3A_7, %get3A_8, %get3A_9] : memref<1x512x768xf32, #tpu.memory_space<vmem>>, vector<1x512x768xf32>
    %get3A_11 = vector.shape_cast %get3A_10 : vector<1x512x768xf32> to vector<512x768xf32>
    %get3A_12 = arith.constant 0 : index
    %get3A_13 = arith.constant 0 : index
    %get3A_14 = vector.load %arg4[%get3A_12, %get3A_13] : memref<512x768xbf16, #tpu.memory_space<vmem>>, vector<512x768xbf16>
    %dot_general3A = arith.constant dense<0.000000e+00> : vector<512x768xf32>
    %dot_general3A_15 = tpu.matmul %convert_element_type3A_6, %get3A_14, %dot_general3A {dimension_numbers = #tpu.dot_dimension_numbers<[1], [0], [0], [1], [0, 0, 1, 1], [], []>, transpose_lhs_hint = false} : vector<512x512xbf16>, vector<512x768xbf16>, vector<512x768xf32> -> vector<512x768xf32>
    %mul3A = arith.mulf %dot_general3A_15, %dot_general3A_15 : vector<512x768xf32>
    %reduce_sum3A = arith.constant dense<0.000000e+00> : vector<512xf32>
    %reduce_sum3A_16 = vector.multi_reduction <add>, %mul3A, %reduce_sum3A [1] : vector<512x768xf32> to vector<512xf32>
    %broadcast_in_dim3A = vector.shape_cast %reduce_sum3A_16 : vector<512xf32> to vector<512x1xf32>
    %div3A = arith.constant 7.680000e+02 : f32
    %div3A_17 = vector.broadcast %div3A : f32 to vector<512x1xf32>
    %div3A_18 = arith.divf %broadcast_in_dim3A, %div3A_17 : vector<512x1xf32>
    %add3A = arith.constant 9.99999974E-6 : f32
    %add3A_19 = vector.broadcast %add3A : f32 to vector<512x1xf32>
    %add3A_20 = arith.addf %div3A_18, %add3A_19 : vector<512x1xf32>
    %rsqrt3A = math.rsqrt %add3A_20 : vector<512x1xf32>
    %mul3A_21 = vector.broadcast %rsqrt3A : vector<512x1xf32> to vector<512x768xf32>
    %mul3A_22 = arith.mulf %dot_general3A_15, %mul3A_21 : vector<512x768xf32>
    %get3A_23 = arith.constant 0 : index
    %get3A_24 = arith.constant 0 : index
    %get3A_25 = vector.load %arg6[%get3A_23, %get3A_24] : memref<1x768xf32, #tpu.memory_space<vmem>>, vector<1x768xf32>
    %mul3A_26 = vector.broadcast %get3A_25 : vector<1x768xf32> to vector<512x768xf32>
    %mul3A_27 = arith.mulf %mul3A_22, %mul3A_26 : vector<512x768xf32>
    %mul3A_28 = arith.mulf %get3A_11, %get3A_11 : vector<512x768xf32>
    %reduce_sum3A_29 = arith.constant dense<0.000000e+00> : vector<512xf32>
    %reduce_sum3A_30 = vector.multi_reduction <add>, %mul3A_28, %reduce_sum3A_29 [1] : vector<512x768xf32> to vector<512xf32>
    %broadcast_in_dim3A_31 = vector.shape_cast %reduce_sum3A_30 : vector<512xf32> to vector<512x1xf32>
    %div3A_32 = arith.constant 7.680000e+02 : f32
    %div3A_33 = vector.broadcast %div3A_32 : f32 to vector<512x1xf32>
    %div3A_34 = arith.divf %broadcast_in_dim3A_31, %div3A_33 : vector<512x1xf32>
    %add3A_35 = arith.constant 9.99999974E-6 : f32
    %add3A_36 = vector.broadcast %add3A_35 : f32 to vector<512x1xf32>
    %add3A_37 = arith.addf %div3A_34, %add3A_36 : vector<512x1xf32>
    %rsqrt3A_38 = math.rsqrt %add3A_37 : vector<512x1xf32>
    %mul3A_39 = vector.broadcast %rsqrt3A_38 : vector<512x1xf32> to vector<512x768xf32>
    %mul3A_40 = arith.mulf %get3A_11, %mul3A_39 : vector<512x768xf32>
    %get3A_41 = arith.constant 0 : index
    %get3A_42 = arith.constant 0 : index
    %get3A_43 = vector.load %arg7[%get3A_41, %get3A_42] : memref<1x768xf32, #tpu.memory_space<vmem>>, vector<1x768xf32>
    %mul3A_44 = vector.broadcast %get3A_43 : vector<1x768xf32> to vector<512x768xf32>
    %mul3A_45 = arith.mulf %mul3A_40, %mul3A_44 : vector<512x768xf32>
    %mul3A_46 = arith.mulf %mul3A_27, %mul3A_45 : vector<512x768xf32>
    %reduce_sum3A_47 = arith.constant dense<0.000000e+00> : vector<512xf32>
    %reduce_sum3A_48 = vector.multi_reduction <add>, %mul3A_46, %reduce_sum3A_47 [1] : vector<512x768xf32> to vector<512xf32>
    %broadcast_in_dim3A_49 = vector.shape_cast %reduce_sum3A_48 : vector<512xf32> to vector<512x1xf32>
    %mul3A_50 = arith.constant 0.0360843912 : f32
    %mul3A_51 = vector.broadcast %mul3A_50 : f32 to vector<512x1xf32>
    %mul3A_52 = arith.mulf %broadcast_in_dim3A_49, %mul3A_51 : vector<512x1xf32>
    %abs3A = math.absf %mul3A_52 : vector<512x1xf32>
    %jit3A = arith.constant 9.99999993E-9 : f32
    %jit3A_53 = arith.constant 1.000000e+02 : f32
    %max3A = vector.broadcast %jit3A : f32 to vector<512x1xf32>
    %max3A_54 = arith.maximumf %max3A, %abs3A : vector<512x1xf32>
    %min3A = vector.broadcast %jit3A_53 : f32 to vector<512x1xf32>
    %min3A_55 = arith.minimumf %min3A, %max3A_54 : vector<512x1xf32>
    %sqrt3A = math.sqrt %min3A_55 : vector<512x1xf32>
    %sign3A = tpu.bitcast %mul3A_52 : vector<512x1xf32> -> vector<512x1xi32>
    %sign3A_56 = arith.constant -2147483648 : i32
    %sign3A_57 = vector.broadcast %sign3A_56 : i32 to vector<512x1xi32>
    %sign3A_58 = arith.andi %sign3A, %sign3A_57 : vector<512x1xi32>
    %sign3A_59 = arith.constant 1065353216 : i32
    %sign3A_60 = vector.broadcast %sign3A_59 : i32 to vector<512x1xi32>
    %sign3A_61 = arith.ori %sign3A_60, %sign3A_58 : vector<512x1xi32>
    %sign3A_62 = tpu.bitcast %sign3A_61 : vector<512x1xi32> -> vector<512x1xf32>
    %sign3A_63 = math.absf %mul3A_52 : vector<512x1xf32>
    %sign3A_64 = arith.constant 0.000000e+00 : f32
    %sign3A_65 = vector.broadcast %sign3A_64 : f32 to vector<512x1xf32>
    %sign3A_66 = arith.cmpf ogt, %sign3A_63, %sign3A_65 : vector<512x1xf32>
    %sign3A_67 = arith.select %sign3A_66, %sign3A_62, %mul3A_52 : vector<512x1xi1>, vector<512x1xf32>
    %mul3A_68 = arith.mulf %sqrt3A, %sign3A_67 : vector<512x1xf32>
    %jit3A_69 = arith.constant -1.000000e+01 : f32
    %jit3A_70 = arith.constant 1.000000e+01 : f32
    %max3A_71 = vector.broadcast %jit3A_69 : f32 to vector<512x1xf32>
    %max3A_72 = arith.maximumf %max3A_71, %mul3A_68 : vector<512x1xf32>
    %min3A_73 = vector.broadcast %jit3A_70 : f32 to vector<512x1xf32>
    %min3A_74 = arith.minimumf %min3A_73, %max3A_72 : vector<512x1xf32>
    %logistic3A = arith.negf %min3A_74 : vector<512x1xf32>
    %logistic3A_75 = math.exp %logistic3A : vector<512x1xf32>
    %logistic3A_76 = arith.constant 1.000000e+00 : f32
    %logistic3A_77 = vector.broadcast %logistic3A_76 : f32 to vector<512x1xf32>
    %logistic3A_78 = arith.addf %logistic3A_77, %logistic3A_75 : vector<512x1xf32>
    %logistic3A_79 = arith.divf %logistic3A_77, %logistic3A_78 : vector<512x1xf32>
    %get3A_80 = arith.constant 0 : index
    %get3A_81 = arith.constant 0 : index
    %get3A_82 = vector.load %arg5[%get3A_80, %get3A_81] : memref<512x768xbf16, #tpu.memory_space<vmem>>, vector<512x768xbf16>
    %dot_general3A_83 = arith.constant dense<0.000000e+00> : vector<512x768xf32>
    %dot_general3A_84 = tpu.matmul %convert_element_type3A_6, %get3A_82, %dot_general3A_83 {dimension_numbers = #tpu.dot_dimension_numbers<[1], [0], [0], [1], [0, 0, 1, 1], [], []>, transpose_lhs_hint = false} : vector<512x512xbf16>, vector<512x768xbf16>, vector<512x768xf32> -> vector<512x768xf32>
    %mul3A_85 = vector.broadcast %logistic3A_79 : vector<512x1xf32> to vector<512x768xf32>
    %mul3A_86 = arith.mulf %mul3A_85, %dot_general3A_84 : vector<512x768xf32>
    %get3A_87 = arith.constant 0 : index
    %get3A_88 = arith.constant 0 : index
    %get3A_89 = vector.load %arg10[%get3A_87, %get3A_88] : memref<8x768xf32, #tpu.memory_space<vmem>>, vector<8x768xf32>
    %get3A_90 = arith.constant 0 : index
    %get3A_91 = arith.constant 0 : index
    %get3A_92 = vector.load %arg8[%get3A_90, %get3A_91] : memref<4x768xf32, #tpu.memory_space<vmem>>, vector<4x768xf32>
    %slice3A = vector.extract_strided_slice %get3A_92 {offsets = [3, 0], sizes = [1, 768], strides = [1, 1]} : vector<4x768xf32> to vector<1x768xf32>
    %squeeze3A = vector.shape_cast %slice3A : vector<1x768xf32> to vector<768xf32>
    %broadcast_in_dim3A_93 = vector.shape_cast %squeeze3A : vector<768xf32> to vector<1x768xf32>
    %mul3A_94 = vector.broadcast %broadcast_in_dim3A_93 : vector<1x768xf32> to vector<512x768xf32>
    %mul3A_95 = arith.mulf %mul3A_86, %mul3A_94 : vector<512x768xf32>
    %slice3A_96 = vector.extract_strided_slice %get3A_89 {offsets = [7, 0], sizes = [1, 768], strides = [1, 1]} : vector<8x768xf32> to vector<1x768xf32>
    %slice3A_97 = vector.extract_strided_slice %mul3A_86 {offsets = [0, 0], sizes = [511, 768], strides = [1, 1]} : vector<512x768xf32> to vector<511x768xf32>
    %concatenate3A = tpu.concatenate %slice3A_96, %slice3A_97 in 0 : vector<1x768xf32>, vector<511x768xf32> -> vector<512x768xf32>
    %slice3A_98 = vector.extract_strided_slice %get3A_92 {offsets = [2, 0], sizes = [1, 768], strides = [1, 1]} : vector<4x768xf32> to vector<1x768xf32>
    %squeeze3A_99 = vector.shape_cast %slice3A_98 : vector<1x768xf32> to vector<768xf32>
    %broadcast_in_dim3A_100 = vector.shape_cast %squeeze3A_99 : vector<768xf32> to vector<1x768xf32>
    %mul3A_101 = vector.broadcast %broadcast_in_dim3A_100 : vector<1x768xf32> to vector<512x768xf32>
    %mul3A_102 = arith.mulf %concatenate3A, %mul3A_101 : vector<512x768xf32>
    %add3A_103 = arith.addf %mul3A_95, %mul3A_102 : vector<512x768xf32>
    %slice3A_104 = vector.extract_strided_slice %get3A_89 {offsets = [6, 0], sizes = [2, 768], strides = [1, 1]} : vector<8x768xf32> to vector<2x768xf32>
    %slice3A_105 = vector.extract_strided_slice %mul3A_86 {offsets = [0, 0], sizes = [510, 768], strides = [1, 1]} : vector<512x768xf32> to vector<510x768xf32>
    %concatenate3A_106 = tpu.concatenate %slice3A_104, %slice3A_105 in 0 : vector<2x768xf32>, vector<510x768xf32> -> vector<512x768xf32>
    %slice3A_107 = vector.extract_strided_slice %get3A_92 {offsets = [1, 0], sizes = [1, 768], strides = [1, 1]} : vector<4x768xf32> to vector<1x768xf32>
    %squeeze3A_108 = vector.shape_cast %slice3A_107 : vector<1x768xf32> to vector<768xf32>
    %broadcast_in_dim3A_109 = vector.shape_cast %squeeze3A_108 : vector<768xf32> to vector<1x768xf32>
    %mul3A_110 = vector.broadcast %broadcast_in_dim3A_109 : vector<1x768xf32> to vector<512x768xf32>
    %mul3A_111 = arith.mulf %concatenate3A_106, %mul3A_110 : vector<512x768xf32>
    %add3A_112 = arith.addf %add3A_103, %mul3A_111 : vector<512x768xf32>
    %slice3A_113 = vector.extract_strided_slice %get3A_89 {offsets = [5, 0], sizes = [3, 768], strides = [1, 1]} : vector<8x768xf32> to vector<3x768xf32>
    %slice3A_114 = vector.extract_strided_slice %mul3A_86 {offsets = [0, 0], sizes = [509, 768], strides = [1, 1]} : vector<512x768xf32> to vector<509x768xf32>
    %concatenate3A_115 = tpu.concatenate %slice3A_113, %slice3A_114 in 0 : vector<3x768xf32>, vector<509x768xf32> -> vector<512x768xf32>
    %slice3A_116 = vector.extract_strided_slice %get3A_92 {offsets = [0, 0], sizes = [1, 768], strides = [1, 1]} : vector<4x768xf32> to vector<1x768xf32>
    %squeeze3A_117 = vector.shape_cast %slice3A_116 : vector<1x768xf32> to vector<768xf32>
    %broadcast_in_dim3A_118 = vector.shape_cast %squeeze3A_117 : vector<768xf32> to vector<1x768xf32>
    %mul3A_119 = vector.broadcast %broadcast_in_dim3A_118 : vector<1x768xf32> to vector<512x768xf32>
    %mul3A_120 = arith.mulf %concatenate3A_115, %mul3A_119 : vector<512x768xf32>
    %add3A_121 = arith.addf %add3A_112, %mul3A_120 : vector<512x768xf32>
    %logistic3A_122 = arith.negf %add3A_121 : vector<512x768xf32>
    %logistic3A_123 = math.exp %logistic3A_122 : vector<512x768xf32>
    %logistic3A_124 = arith.constant 1.000000e+00 : f32
    %logistic3A_125 = vector.broadcast %logistic3A_124 : f32 to vector<512x768xf32>
    %logistic3A_126 = arith.addf %logistic3A_125, %logistic3A_123 : vector<512x768xf32>
    %logistic3A_127 = arith.divf %logistic3A_125, %logistic3A_126 : vector<512x768xf32>
    %mul3A_128 = arith.mulf %add3A_121, %logistic3A_127 : vector<512x768xf32>
    %add3A_129 = arith.addf %mul3A_86, %mul3A_128 : vector<512x768xf32>
    %swap3A = arith.constant 0 : index
    %swap3A_130 = arith.constant 0 : index
    %swap3A_131 = arith.constant 0 : index
    %swap3A_132 = vector.load %arg9[%swap3A, %swap3A_130, %swap3A_131] : memref<1x512x768xf32, #tpu.memory_space<vmem>>, vector<1x512x768xf32>
    %swap3A_133 = vector.shape_cast %swap3A_132 : vector<1x512x768xf32> to vector<512x768xf32>
    %swap3A_134 = vector.shape_cast %add3A_129 : vector<512x768xf32> to vector<1x512x768xf32>
    tpu.vector_store %arg9[%swap3A, %swap3A_130, %swap3A_131], %swap3A_134 {strides = array<i32>} : memref<1x512x768xf32, #tpu.memory_space<vmem>>, vector<1x512x768xf32>,
    %slice3A_135 = vector.extract_strided_slice %mul3A_86 {offsets = [504, 0], sizes = [8, 768], strides = [1, 1]} : vector<512x768xf32> to vector<8x768xf32>
    %swap3A_136 = arith.constant 0 : index
    %swap3A_137 = arith.constant 0 : index
    %swap3A_138 = vector.load %arg10[%swap3A_136, %swap3A_137] : memref<8x768xf32, #tpu.memory_space<vmem>>, vector<8x768xf32>
    tpu.vector_store %arg10[%swap3A_136, %swap3A_137], %slice3A_135 {strides = array<i32>} : memref<8x768xf32, #tpu.memory_space<vmem>>, vector<8x768xf32>,
    return
  }
  func.func @transform_0(%arg0: i32, %arg1: i32) -> (i32, i32, i32) {
    %c0_i32 = arith.constant 0 : i32
    %c0_i32_0 = arith.constant 0 : i32
    return %arg0, %arg1, %c0_i32 : i32, i32, i32
  }
  func.func @transform_1(%arg0: i32, %arg1: i32) -> (i32, i32, i32) {
    %c0_i32 = arith.constant 0 : i32
    %c0_i32_0 = arith.constant 0 : i32
    return %arg0, %arg1, %c0_i32 : i32, i32, i32
  }
  func.func @transform_2(%arg0: i32, %arg1: i32) -> (i32, i32) {
    %c0_i32 = arith.constant 0 : i32
    %c0_i32_0 = arith.constant 0 : i32
    %c0_i32_1 = arith.constant 0 : i32
    return %c0_i32, %c0_i32_0 : i32, i32
  }
  func.func @transform_3(%arg0: i32, %arg1: i32) -> (i32, i32) {
    %c0_i32 = arith.constant 0 : i32
    %c0_i32_0 = arith.constant 0 : i32
    %c0_i32_1 = arith.constant 0 : i32
    return %c0_i32, %c0_i32_0 : i32, i32
  }
  func.func @transform_4(%arg0: i32, %arg1: i32) -> (i32, i32) {
    %c0_i32 = arith.constant 0 : i32
    %c0_i32_0 = arith.constant 0 : i32
    %c0_i32_1 = arith.constant 0 : i32
    return %c0_i32, %c0_i32_0 : i32, i32
  }
  func.func @transform_5(%arg0: i32, %arg1: i32) -> (i32, i32) {
    %c0_i32 = arith.constant 0 : i32
    %c0_i32_0 = arith.constant 0 : i32
    %c0_i32_1 = arith.constant 0 : i32
    return %c0_i32, %c0_i32_0 : i32, i32
  }
  func.func @transform_6(%arg0: i32, %arg1: i32) -> (i32, i32) {
    %c0_i32 = arith.constant 0 : i32
    %c0_i32_0 = arith.constant 0 : i32
    %c0_i32_1 = arith.constant 0 : i32
    return %c0_i32, %c0_i32_0 : i32, i32
  }
  func.func @transform_7(%arg0: i32, %arg1: i32) -> (i32, i32, i32) {
    %c0_i32 = arith.constant 0 : i32
    %c0_i32_0 = arith.constant 0 : i32
    return %arg0, %arg1, %c0_i32 : i32, i32, i32
  }
}

</mosaic_0001>

<sc_bundles>
// kernel: kernel.4.cloned.1.call-start
scs
__scs_entry_jumppad:
0x0: {  	(pc) =	sbr.rel $0x88, $3  }
0x1: {  	(tag) =	ssettag $0x0;
	lr =	simm.s32 $0x1  }
0x2: {  	[smem:$0x3F98] =	sst lr;
	_ =	strace $0xD0000000  }
0x3: {  	_ = 	snop  }
0x4: {  	_ = 	snop  }
0x5: {  	_ = 	snop  }
0x6: {  	_ = 	snop  }
0x7: {  	_ = 	snop  }
__scs_overlays_trampoline_lowered:
0x8: {  	[smem:$0x3FA7] =	sst s0  }
0x9: {  	[smem:$0x3FA8] =	sst s1  }
0xa: {  	[smem:$0x3FA9] =	sst s2  }
0xb: {  	[smem:$0x3FAA] =	sst s3  }
0xc: {  	[smem:$0x3FAB] =	sst s4  }
0xd: {  	[smem:$0x3FAC] =	sst s5  }
0xe: {  	[smem:$0x3FAD] =	sst s6  }
0xf: {  	[smem:$0x3FAE] =	sst s7  }
0x10: {  	[smem:$0x3FAF] =	sst s8  }
0x11: {  	[smem:$0x3FB0] =	sst s9;
	s0 =	simm.s32 @!p0 $0x0  }
0x12: {  	s1 =	sld [smem:$0x3F96];
	s0 =	simm.s32 @p0 $0x1  }
0x13: {  	[smem:$0x3FB1] =	sst s0;
	s0 =	simm.s32 @!p1 $0x0  }
0x14: {  	s2 =	sld [smem:$0x3F95];
	s0 =	simm.s32 @p1 $0x1  }
0x15: {  	[smem:$0x3FB2] =	sst s0;
	s0 =	simm.s32 @!p2 $0x0  }
0x16: {  	s3 =	sld [smem:$0x3FDB];
	s0 =	simm.s32 @p2 $0x1  }
0x17: {  	s4 =	simm.s32 $0x1BF5;
	[smem:$0x3FB4] =	sst s0  }
0x18: {  	s0 =	sld [smem:$0x3F97];
	_ =	swait.ge [sflag:s4], $0x0  }
0x19: {  	s7 =	sld [smem:$0x3F98]  }
0x1a: {  	s8 =	sadd.s32 $0xFFFFE003, lr  }
0x1b: {  	s9 =	sadd.s32 $0xFFFFFEF7, lr;
	s5 =	simm.s32 $0xFFFFFFFF;
	p2 =	slt.u32 s8, $0xFFFFF086  }
0x1c: {  	p1 =	slt.u32 s9, $0xF7A;
	s5 =	simm.s32 @!p2 $0x0  }
0x1d: {  	s5 =	simm.s32 @p1 $0x1;
	p0 =	seq.s32 s7, s2  }
0x1e: {  	s7 =	smul.u32 @!p0 $0xF7A, s2;
	p2 =	seq.s32 @!p0 s5, $0x0  }
0x1f: {  	s9 =	smul.u32 $0xF7A, s1;
	s8 =	simm.s32 @!p0 $0x1BF5;
	p2 =	por !p2, p0  }
0x20: {  	[sflag:s8] =	ssyncset.s32 @!p0 $0xFFFFF086;
	s6 =	sadd.s32 @!p0 s3, s7;
	s7 =	simm.s32 @!p0 $0x108  }
0x21: {  	s3 =	sadd.s32 s3, s9;
	s6 =	sadd.s32 @!p0 $0x88, s6;
	s7 =	simm.s32 @p2 $0x1082  }
0x22: {  	[simem:s7], [sflag:s8] =	dma.local @!p0 [hbm:s6], $0xF7A  }
0x23: {  	s9 =	sor.u32 $0xD0000000, s2;
	s6 =	simm.s32 $0x108;
	_ =	swait.ge @!p0 [sflag:s8], $0x0  }
0x24: {  	s3 =	sadd.s32 $0x88, s3;
	s6 =	simm.s32 @!p1 $0x1082;
	[sflag:s4] =	ssyncset.s32 $0xFFFFF086  }
0x25: {  	[simem:s6], [sflag:s4] =	dma.local [hbm:s3], $0xF7A  }
0x26: {  	[smem:$0x3F98] =	sst s1;
	(tag) =	ssettag s2;
	_ =	strace s9  }
0x27: {  	s1 =	sld [smem:$0x3FA8]  }
0x28: {  	s2 =	sld [smem:$0x3FA9]  }
0x29: {  	s4 =	sld [smem:$0x3FAB]  }
0x2a: {  	p0 =	seq.s32 s5, $0x0;
	s5 =	sld [smem:$0x3FAC]  }
0x2b: {  	s6 =	sld [smem:$0x3FAD]  }
0x2c: {  	s7 =	sld [smem:$0x3FAE]  }
0x2d: {  	s3 =	simm.s32 $0x108;
	s8 =	sld [smem:$0x3FAF]  }
0x2e: {  	s3 =	simm.s32 @!p0 $0x1082;
	s9 =	sld [smem:$0x3FB0]  }
0x2f: {  	lr =	sadd.s32 s0, s3;
	s0 =	sld [smem:$0x3FA7]  }
0x30: {  	s3 =	sld [smem:$0x3FAA]  }
0x31: {  	[smem:$0x3FB3] =	sst s10  }
0x32: {  	s10 =	sld [smem:$0x3FB1];
	_ =	sdelay $0x3  }
0x33: {  	p0 =	seq.s32 s10, $0x1;
	s10 =	sld [smem:$0x3FB3];
	_ =	sdelay $0x3  }
0x34: {  	[smem:$0x3FB3] =	sst s10  }
0x35: {  	s10 =	sld [smem:$0x3FB2];
	_ =	sdelay $0x3  }
0x36: {  	p1 =	seq.s32 s10, $0x1;
	s10 =	sld [smem:$0x3FB3];
	_ =	sdelay $0x3  }
0x37: {  	[smem:$0x3FB3] =	sst s10  }
0x38: {  	s10 =	sld [smem:$0x3FB4]  }
0x39: {  	_ = 	snop;
	(pc) =	sbr.ind lr, $3  }
0x3a: {  	_ = 	snop  }
0x3b: {  	_ = 	snop  }
0x3c: {  	p2 =	seq.s32 s10, $0x1;
	s10 =	sld [smem:$0x3FB3]  }
0x3d: {  	_ =	shalt  }
0x3e: {  	_ =	shalt  }
0x3f: {  	_ =	shalt  }
0x40: {  	_ =	shalt  }
0x41: {  	_ =	shalt  }
0x42: {  	_ =	shalt  }
0x43: {  	_ =	shalt  }
0x44: {  	_ =	shalt  }
0x45: {  	_ =	shalt  }
0x46: {  	_ =	shalt  }
0x47: {  	_ =	shalt  }
0x48: {  	_ =	shalt  }
0x49: {  	_ =	shalt  }
0x4a: {  	_ =	shalt  }
0x4b: {  	_ =	shalt  }
0x4c: {  	_ =	shalt  }
0x4d: {  	_ =	shalt  }
0x4e: {  	_ =	shalt  }
0x4f: {  	_ =	shalt  }
0x50: {  	_ =	shalt  }
0x51: {  	_ =	shalt  }
0x52: {  	_ =	shalt  }
0x53: {  	_ =	shalt  }
0x54: {  	_ =	shalt  }
0x55: {  	_ =	shalt  }
0x56: {  	_ =	shalt  }
0x57: {  	_ =	shalt  }
0x58: {  	_ =	shalt  }
0x59: {  	_ =	shalt  }
0x5a: {  	_ =	shalt  }
0x5b: {  	_ =	shalt  }
0x5c: {  	_ =	shalt  }
0x5d: {  	_ =	shalt  }
0x5e: {  	_ =	shalt  }
0x5f: {  	_ =	shalt  }
0x60: {  	_ =	shalt  }
0x61: {  	_ =	shalt  }
0x62: {  	_ =	shalt  }
0x63: {  	_ =	shalt  }
0x64: {  	_ =	shalt  }
0x65: {  	_ =	shalt  }
0x66: {  	_ =	shalt  }
0x67: {  	_ =	shalt  }
0x68: {  	_ =	shalt  }
0x69: {  	_ =	shalt  }
0x6a: {  	_ =	shalt  }
0x6b: {  	_ =	shalt  }
0x6c: {  	_ =	shalt  }
0x6d: {  	_ =	shalt  }
0x6e: {  	_ =	shalt  }
0x6f: {  	_ =	shalt  }
0x70: {  	_ =	shalt  }
0x71: {  	_ =	shalt  }
0x72: {  	_ =	shalt  }
0x73: {  	_ =	shalt  }
0x74: {  	_ =	shalt  }
0x75: {  	_ =	shalt  }
0x76: {  	_ =	shalt  }
0x77: {  	_ =	shalt  }
0x78: {  	_ =	shalt  }
0x79: {  	_ =	shalt  }
0x7a: {  	_ =	shalt  }
0x7b: {  	_ =	shalt  }
0x7c: {  	_ =	shalt  }
0x7d: {  	_ =	shalt  }
0x7e: {  	_ =	shalt  }
0x7f: {  	_ =	shalt  }
0x80: {  	_ =	shalt  }
0x81: {  	_ =	shalt  }
0x82: {  	_ =	shalt  }
0x83: {  	_ =	shalt  }
0x84: {  	_ =	shalt  }
0x85: {  	_ =	shalt  }
0x86: {  	_ =	shalt  }
0x87: {  	_ =	shalt  }
.Lfunc_end0:
.L_simem_size_0:
called_computation_lowered:
.L_overlay_start_0:
0x88: {  	s2 =	sld [smem:$0x3FD9]  }
0x89: {  	s3 =	sld [smem:$0x3FFE];
	_ =	sdelay $0x1  }
0x8a: {  	s1 =	srdreg.scid  }
0x8b: {  	s0 =	sand.u32 $0x1, s1  }
0x8c: {  	s17 =	sshll.u32 s0, $0xA;
	s2 =	sadd.s32 s3, s2  }
0x8d: {  	s2 =	sadd.s32 s2, s17  }
0x8e: {  	[smem:$0x3FBF] =	sst s2  }
0x8f: {  	_ = 	snop  }
0x90: {  	s2 =	sld [smem:$0x3FD0];
	(tm) =	ssettm $0x1  }
0x91: {  	s18 =	sld [smem:$0x3FFB];
	_ =	sdelay $0x3  }
0x92: {  	_ =	strace s18  }
0x93: {  	s3 =	sld [smem:$0x3FFC];
	_ =	sdelay $0x3  }
0x94: {  	_ =	strace s3  }
0x95: {  	s3 =	sld [smem:$0x3FFD];
	_ =	sdelay $0x3  }
0x96: {  	_ =	strace s3  }
0x97: {  	_ =	strace $0x8FFFFFFF  }
0x98: {  	s19 =	sld [smem:$0x3FDB];
	_ =	sdelay $0x1  }
0x99: {  	s4 =	simm.s32 $_scs_section_size  }
0x9a: {  	s5 =	simm.s32 $_size__tile_overlayer_lowered;
	s6 =	simm.s32 $_tile_overlayer_lowered  }
0x9b: {  	s22 =	simm.s32 $0x1BFF;
	s21 =	sshll.u32 s6, $0x1;
	s3 =	sadd.s32 s4, s19  }
0x9c: {  	s7 =	simm.s32 $0x0;
	s20 =	sshll.u32 s5, $0x1;
	s5 =	sadd.s32 s21, s3  }
0x9d: {  	[timem:s7], [sflag:s22] =	dma.local [hbm:s5], s20  }
0x9e: {  	_ =	swait.ge [sflag:s22], s20  }
0x9f: {  	s4 =	ssub.s32 $0x0, s20;
	[sflag:s22] =	ssyncset.done $0x0  }
0xa0: {  	[sflag:s22] =	ssyncadd.s32 s4;
	_ =	sdelay $0x1  }
0xa1: {  	s23 =	simm.s32 $0x1B8B  }
0xa2: {  	_ =	swait.ge [sflag:s23], $0x1  }
0xa3: {  	[sflag:s23] =	ssyncset.done $0x0  }
0xa4: {  	s25 =	simm.s32 $0x1B8E;
	s24 =	sld [smem:$0x3FFE];
	[sflag:s23] =	ssyncadd.s32 $0xFFFFFFFF  }
0xa5: {  	s26 =	simm.s32 $execute0_lowered;
	[smem:$0x3FD2] =	sst s25  }
0xa6: {  	s5 =	sshll.u32 s26, $0x1;
	_ =	strace $0x80000046;
	[dreg:$0x1] =	wrdreg $0xFFFFFFFF  }
0xa7: {  	s28 =	simm.s32 $_size_execute0_lowered;
	s3 =	sadd.s32 s3, s5;
	[dreg:$0x0] =	wrdreg $0x0  }
0xa8: {  	s5 =	sshll.u32 s28, $0x1;
	[dreg:$0x2] =	wrdreg s3  }
0xa9: {  	[dreg:$0x3] =	wrdreg s5  }
0xaa: {  	[dreg:$0x4] =	wrdreg $0xC0  }
0xab: {  	_ =	task [dreg:s7], $0x5FFFF  }
0xac: {  	[dreg:$0x1] =	wrdreg $0xFFFFFFFF  }
0xad: {  	[dreg:$0x0] =	wrdreg $0x60  }
0xae: {  	[dreg:$0x2] =	wrdreg s24  }
0xaf: {  	[dreg:$0x3] =	wrdreg s2  }
0xb0: {  	[dreg:$0x4] =	wrdreg $0x9  }
0xb1: {  	_ =	task.clear_ibuf [dreg:s7], $0x5FFFF;
	_ =	strace $0x90000046  }
0xb2: {  	s29 =	simm.s32 $0x9;
	_ =	strace $0x80000048  }
0xb3: {  	_ =	swait.ge [sflag:s29], $0x1  }
0xb4: {  	[sflag:s29] =	ssyncadd.s32 $0xFFFFFFFF  }
0xb5: {  	_ =	strace $0x90000048  }
0xb6: {  	_ =	sfence  }
0xb7: {  	s30 =	sld [smem:$0x0];
	_ =	sdelay $0x2  }
0xb8: {  	s31 =	sshll.u32 s1, $0xD;
	s1 =	sshrl.u32 s1, $0x2  }
0xb9: {  	s3 =	sand.u32 $0x4000, s31;
	s1 =	sadd.s32 s1, s30  }
0xba: {  	s0 =	sor.u32 s3, s0;
	s1 =	sshll.u32 s1, $0x11  }
0xbb: {  	s0 =	sor.u32 s1, s0  }
0xbc: {  	s0 =	sadd.s32 $0x8F2B, s0  }
0xbd: {  	[sflag:s0] =	ssyncadd.remote.s32 $0x1  }
0xbe: {  	_ =	sfence.sel $0xFFFF  }
0xbf: {  	[dreg:$0x0] =	wrdreg $0xFFFFFFFF;
	(pc) =	sbr.abs _section_cstart, $3  }
0xc0: {  	[dreg:$0x1] =	wrdreg $0xFFFFFFFF  }
0xc1: {  	_ =	task.clear_ibuf [dreg:s7], $0x2FFFF;
	_ =	strace $0x9FFFFFFF  }
0xc2: {  	(tm) =	ssettm $0x7FFFFFFF  }
0xc3: {  	_ =	shalt  }
tec
execute0_lowered:
.L_overlay_start_1:
0x0: {  	(tag) =	ssettag $0x1  }
0x1: {  	s0 =	srdreg.scid;
	s3 =	rddreg [dreg:$0x0]  }
0x2: {  	s2 =	stileid.u32;
	s5 =	rddreg [dreg:$0x1]  }
0x3: {  	s6 =	simm.s32 $0x0;
	s0 =	sand.u32 $0x1, s0;
	s1 =	sshll.u32 s2, $0x1  }
0x4: {  	[smem:$0x7FF] =	sst s6;
	s1 =	sor.u32 s0, s1  }
0x5: {  	s15 =	sadd.s32 $0x1C00, s3;
	s4 =	sshll.u32 s1, $0x9;
	s1 =	sshll.u32 s1, $0xF  }
0x6: {  	_ =	strace $0x80000047;
	[dreg:$0x3] =	wrdreg s15;
	s1 =	sadd.s32 s5, s1  }
0x7: {  	s17 =	sadd.s32 $0x4, s1;
	[dreg:$0x5] =	wrdreg s1  }
0x8: {  	s18 =	sadd.s32 $0x8, s1;
	[dreg:$0x7] =	wrdreg s17  }
0x9: {  	s19 =	sadd.s32 $0xC, s1;
	[dreg:$0x8] =	wrdreg s18  }
0xa: {  	s20 =	sadd.s32 $0x10, s1;
	[dreg:$0x9] =	wrdreg s19  }
0xb: {  	s21 =	sadd.s32 $0x14, s1;
	[dreg:$0xa] =	wrdreg s20  }
0xc: {  	s22 =	sadd.s32 $0x18, s1;
	[dreg:$0xb] =	wrdreg s21  }
0xd: {  	s23 =	sadd.s32 $0x1C, s1;
	[dreg:$0xc] =	wrdreg s22  }
0xe: {  	s24 =	sadd.s32 $0x20, s1;
	[dreg:$0xd] =	wrdreg s23  }
0xf: {  	s2 =	sshrl.u32 s2, $0x2;
	s25 =	sadd.s32 $0x24, s1;
	[dreg:$0xe] =	wrdreg s24  }
0x10: {  	s2 =	smul.u32 $0x1008, s2;
	s26 =	sadd.s32 $0x28, s1;
	[dreg:$0xf] =	wrdreg s25  }
0x11: {  	s0 =	ssub.s32 $0x2, s0;
	s28 =	sadd.s32 $0x2C, s1;
	[dreg:$0x10] =	wrdreg s26  }
0x12: {  	s16 =	sshrl.u32 s0, $0x1;
	s29 =	sadd.s32 $0x30, s1;
	[dreg:$0x11] =	wrdreg s28  }
0x13: {  	v0 =	vimm.s32 $0xECA86420;
	vm0 =	vcmask $0xB08;
	vm1 =	vcmask $0x1310;
	s4 =	sand.u32 $0xE00, s4;
	s30 =	sadd.s32 $0x34, s1;
	[dreg:$0x12] =	wrdreg s29  }
0x14: {  	vm2 =	vcmask $0x1B18;
	vm3 =	vcmask $0x300;
	vm4 =	vcmask $0x2320;
	s0 =	ssub.s32 s0, s16;
	s31 =	sadd.s32 $0x38, s1;
	[dreg:$0x13] =	wrdreg s30  }
0x15: {  	vm5 =	vcmask $0x2B28;
	vm6 =	vcmask $0x3330;
	vm7 =	vcmask $0x3B38;
	s2 =	sadd.s32 s2, s4;
	s1 =	sadd.s32 $0x3C, s1;
	[dreg:$0x14] =	wrdreg s31  }
0x16: {  	vm8 =	vmmov $0xff;
	vm9 =	vcmask $0x704;
	v0 =	vunpack.c.l.s4.s8 v0;
	s0 =	smax.u32 s0, $0x1;
	s2 =	sshrl.u32 s2, $0x3;
	[dreg:$0x15] =	wrdreg s1  }
0x17: {  	vm10 =	vcmask $0xF0C;
	vm11 =	vcmask $0x1714;
	vm12 =	vcmask $0x1F1C;
	[dreg:$0x16] =	wrdreg s0;
	s2 =	sadd.s32 s2, s3;
	s3 =	sadd.s32 $0x186B200, s3  }
0x18: {  	vm13 =	vcmask $0x2724;
	v58 =	vunpack.c.0.s8.s32 v0;
	v0 =	vlaneseq.u32;
	[dreg:$0x4] =	wrdreg s3;
	s2 =	sadd.s32 $0x1200, s2  }
0x19: {  	vm14 =	vcmask $0x2F2C;
	vm15 =	vcmask $0x3734;
	v1 =	vmul.u32 $0x2, v0;
	s1 =	simm.s32 $0x0;
	[dreg:$0x6] =	wrdreg s2  }
.LBB2_1:
0x1a: {  	[dreg:$0x17] =	wrdreg s1  }
0x1b: {  	s0 =	simm.s32 $0x0;
	s30 =	rddreg [dreg:$0x6];
	s2 =	simm.s32 $0x3  }
0x1c: {  	[tilespmem:s0], [sflag:$0x3] =	stream.linear.gather [hbm4b:s30+s0], $0x208, $0x38;
	[tilespmem:$0x12288] =	vst v63  }
0x1d: {  	_ =	swait.ge [sflag:s2], $0x208  }
0x1e: {  	[sflag:s2] =	ssyncset.done $0x0  }
0x1f: {  	s3 =	simm.s32 $0x208;
	s31 =	rddreg [dreg:$0x3];
	[sflag:s2] =	ssyncadd.s32 $0xFFFFFDF8  }
0x20: {  	[tilespmem:s3], [sflag:$0x3] =	stream.linear.gather [hbm4b:s31+s0], $0x80, $0x38;
	[tilespmem:$0x12288] =	vst v63  }
0x21: {  	_ =	swait.ge [sflag:s2], $0x80  }
0x22: {  	[sflag:s2] =	ssyncset.done $0x0  }
0x23: {  	[sflag:s2] =	ssyncadd.s32 $0xFFFFFF80  }
0x24: {  	v0 =	vld [tilespmem:$0x208];
	_ =	sdelay $0x4  }
0x25: {  	[tilespmem:$0x1FFD0] =	vst v0;
	v0 =	vld [tilespmem:$0x218];
	_ =	sdelay $0x4  }
0x26: {  	[tilespmem:$0x1FFE0] =	vst v0;
	v0 =	vld [tilespmem:$0x228];
	_ =	sdelay $0x4  }
0x27: {  	s0 =	simm.s32 $0x0;
	[tilespmem:$0x1FFF0] =	vst v0  }
.LBB2_2:
0x28: {  	s8 =	sshra.s32 s0, $0x2;
	v3 =	vld [tilespmem:$0x1FFD0]  }
0x29: {  	v0 =	vld [tilespmem:s8+$0x8];
	_ =	sdelay $0x3  }
0x2a: {  	v2 =	vld [tilespmem:s8+$0x7]  }
0x2b: {  	v0 =	vmul.u32 v3, v0;
	v3 =	vld [tilespmem:$0x1FFE0];
	_ =	sdelay $0x4  }
0x2c: {  	v2 =	vmul.u32 v3, v2;
	_ =	sdelay $0x1  }
0x2d: {  	v7 =	vxor.u32 v0, v2  }
0x2e: {  	(v2sf) =	vpush v7, $0xD;
	_ =	sdelay $0x1  }
0x2f: {  	(v2sf) =	vpush v7, $0xC;
	_ =	sdelay $0x1  }
0x30: {  	(v2sf) =	vpush v7, $0xE;
	_ =	sdelay $0x1  }
0x31: {  	(v2sf) =	vpush v7, $0xF;
	_ =	sdelay $0x1  }
0x32: {  	(v2sf) =	vpush v7, $0x9;
	_ =	sdelay $0x1  }
0x33: {  	(v2sf) =	vpush v7, $0x8;
	_ =	sdelay $0x1  }
0x34: {  	(v2sf) =	vpush v7, $0xA;
	_ =	sdelay $0x1  }
0x35: {  	(v2sf) =	vpush v7, $0xB  }
0x36: {  	s4 =	spop (v2sf)  }
0x37: {  	[dreg:$0x18] =	wrdreg s0;
	(v2sf) =	vpush v7, $0x0;
	s3 =	smulhi.u32 $0x14F8B589, s4;
	s0 =	sshra.s32 s4, $0x1F  }
0x38: {  	(v2sf) =	vpush v7, $0x1;
	s1 =	spop (v2sf);
	s15 =	smul.u32 $0x14F8B589, s0  }
0x39: {  	(v2sf) =	vpush v7, $0x2;
	s13 =	smulhi.u32 $0x14F8B589, s1;
	s6 =	sshra.s32 s1, $0x1F  }
0x3a: {  	(v2sf) =	vpush v7, $0x3;
	s2 =	spop (v2sf);
	s16 =	smul.u32 $0x14F8B589, s6  }
0x3b: {  	(v2sf) =	vpush v7, $0x4;
	s14 =	smulhi.u32 $0x14F8B589, s2;
	s2 =	sshra.s32 s2, $0x1F  }
0x3c: {  	(v2sf) =	vpush v7, $0x5;
	s5 =	spop (v2sf);
	s18 =	smul.u32 $0x14F8B589, s2  }
0x3d: {  	[smem:$0x628] =	sst s3;
	s17 =	smulhi.u32 $0x14F8B589, s5;
	s3 =	sshra.s32 s5, $0x1F  }
0x3e: {  	s7 =	spop (v2sf);
	s20 =	smul.u32 $0x14F8B589, s3  }
0x3f: {  	s19 =	smulhi.u32 $0x14F8B589, s7;
	s1 =	sshra.s32 s7, $0x1F  }
0x40: {  	s9 =	spop (v2sf);
	s22 =	smul.u32 $0x14F8B589, s1  }
0x41: {  	s21 =	smulhi.u32 $0x14F8B589, s9;
	s0 =	sshra.s32 s9, $0x1F  }
0x42: {  	s4 =	spop (v2sf);
	s25 =	smul.u32 $0x14F8B589, s0  }
0x43: {  	s23 =	smulhi.u32 $0x14F8B589, s4;
	s31 =	sshra.s32 s4, $0x1F  }
0x44: {  	(v2sf) =	vpush v7, $0x6;
	s10 =	spop (v2sf);
	s28 =	smul.u32 $0x14F8B589, s31  }
0x45: {  	[dreg:$0x19] =	wrdreg s8;
	v5 =	vadd.s32 $0x19919, v7;
	(v2sf) =	vpush v7, $0x7;
	s24 =	smulhi.u32 $0x14F8B589, s10;
	s2 =	sshra.s32 s10, $0x1F  }
0x46: {  	(v2sf) =	vpush v5, $0xD;
	s5 =	spop (v2sf);
	s31 =	smul.u32 $0x14F8B589, s2  }
0x47: {  	s11 =	spop (v2sf);
	s26 =	smulhi.u32 $0x14F8B589, s5;
	s4 =	sshra.s32 s5, $0x1F  }
0x48: {  	s6 =	spop (v2sf);
	s0 =	smul.u32 $0x14F8B589, s4  }
0x49: {  	(v2sf) =	vpush v5, $0xC;
	s29 =	smulhi.u32 $0x14F8B589, s11;
	s5 =	sshra.s32 s11, $0x1F;
	s12 =	spop (v2sf)  }
0x4a: {  	s2 =	smul.u32 $0x14F8B589, s5;
	s7 =	spop (v2sf)  }
0x4b: {  	v0 =	vld [tilespmem:s8+$0x6];
	s30 =	smulhi.u32 $0x14F8B589, s6;
	s9 =	sshra.s32 s6, $0x1F;
	s8 =	spop (v2sf)  }
0x4c: {  	s4 =	smul.u32 $0x14F8B589, s9;
	(v2sf) =	vpush v5, $0xE  }
0x4d: {  	s10 =	smulhi.u32 $0x14F8B589, s12;
	s1 =	sshra.s32 s12, $0x1F  }
0x4e: {  	s5 =	smul.u32 $0x14F8B589, s1  }
0x4f: {  	s11 =	smulhi.u32 $0x14F8B589, s7;
	s12 =	sshra.s32 s7, $0x1F;
	(v2sf) =	vpush v5, $0xF  }
0x50: {  	s7 =	smul.u32 $0x14F8B589, s12  }
0x51: {  	[smem:$0x629] =	sst s10;
	s3 =	smulhi.u32 $0x14F8B589, s8;
	s6 =	sshra.s32 s8, $0x1F  }
0x52: {  	[smem:$0x62A] =	sst s11;
	s1 =	smul.u32 $0x14F8B589, s6;
	(v2sf) =	vpush v5, $0x9  }
0x53: {  	[smem:$0x62B] =	sst s3;
	s8 =	spop (v2sf)  }
0x54: {  	(v2sf) =	vpush v5, $0x8;
	s9 =	smulhi.u32 $0x14F8B589, s8;
	s10 =	spop (v2sf)  }
0x55: {  	s11 =	smulhi.u32 $0x14F8B589, s10;
	s6 =	sshra.s32 s10, $0x1F;
	s12 =	spop (v2sf)  }
0x56: {  	s3 =	sshra.s32 s8, $0x1F;
	(v2sf) =	vpush v5, $0xA;
	s8 =	smul.u32 $0x14F8B589, s6;
	s6 =	sshra.s32 s12, $0x1F  }
0x57: {  	s6 =	smul.u32 $0x14F8B589, s6  }
0x58: {  	[smem:$0x62C] =	sst s9;
	(v2sf) =	vpush v5, $0xB;
	s10 =	spop (v2sf)  }
0x59: {  	s9 =	smulhi.u32 $0x14F8B589, s12;
	[smem:$0x62F] =	sst s6;
	s6 =	sshra.s32 s10, $0x1F  }
0x5a: {  	[smem:$0x62D] =	sst s11;
	s6 =	smul.u32 $0x14F8B589, s6  }
0x5b: {  	(v2sf) =	vpush v5, $0x0;
	s11 =	smulhi.u32 $0x14F8B589, s10;
	s12 =	spop (v2sf)  }
0x5c: {  	[smem:$0x631] =	sst s6;
	s6 =	sshra.s32 s12, $0x1F  }
0x5d: {  	(v2sf) =	vpush v5, $0x1;
	[smem:$0x630] =	sst s11;
	s6 =	smul.u32 $0x14F8B589, s6  }
0x5e: {  	s10 =	smulhi.u32 $0x14F8B589, s12;
	s11 =	spop (v2sf)  }
0x5f: {  	(v2sf) =	vpush v5, $0x2;
	s12 =	smulhi.u32 $0x14F8B589, s11;
	[smem:$0x633] =	sst s6;
	s6 =	sshra.s32 s11, $0x1F  }
0x60: {  	[smem:$0x632] =	sst s10;
	s6 =	smul.u32 $0x14F8B589, s6  }
0x61: {  	s10 =	spop (v2sf);
	[smem:$0x634] =	sst s12  }
0x62: {  	(v2sf) =	vpush v5, $0x3;
	s11 =	smulhi.u32 $0x14F8B589, s10;
	[smem:$0x635] =	sst s6;
	s6 =	sshra.s32 s10, $0x1F  }
0x63: {  	s12 =	spop (v2sf);
	s6 =	smul.u32 $0x14F8B589, s6  }
0x64: {  	[smem:$0x636] =	sst s11;
	s10 =	smulhi.u32 $0x14F8B589, s12  }
0x65: {  	s11 =	spop (v2sf);
	[smem:$0x637] =	sst s6;
	s6 =	sshra.s32 s12, $0x1F  }
0x66: {  	(v2sf) =	vpush v5, $0x4;
	[smem:$0x638] =	sst s10;
	s6 =	smul.u32 $0x14F8B589, s6  }
0x67: {  	s10 =	spop (v2sf);
	s12 =	smulhi.u32 $0x14F8B589, s11  }
0x68: {  	[smem:$0x639] =	sst s6;
	s6 =	sshra.s32 s11, $0x1F;
	s11 =	smulhi.u32 $0x14F8B589, s10  }
0x69: {  	[smem:$0x63A] =	sst s12;
	s6 =	smul.u32 $0x14F8B589, s6  }
0x6a: {  	(v2sf) =	vpush v5, $0x5;
	s12 =	spop (v2sf);
	[smem:$0x63C] =	sst s11  }
0x6b: {  	[smem:$0x63B] =	sst s6;
	s6 =	sshra.s32 s10, $0x1F;
	s10 =	smulhi.u32 $0x14F8B589, s12  }
0x6c: {  	s11 =	spop (v2sf);
	s6 =	smul.u32 $0x14F8B589, s6  }
0x6d: {  	[smem:$0x63E] =	sst s10;
	s10 =	smulhi.u32 $0x14F8B589, s11  }
0x6e: {  	(v2sf) =	vpush v5, $0x6;
	[smem:$0x63D] =	sst s6;
	s6 =	sshra.s32 s12, $0x1F;
	s12 =	spop (v2sf)  }
0x6f: {  	[smem:$0x62E] =	sst s9;
	s9 =	sshra.s32 s11, $0x1F;
	s11 =	smulhi.u32 $0x14F8B589, s12  }
0x70: {  	[smem:$0x63F] =	sst s10  }
0x71: {  	[smem:$0x640] =	sst s11;
	s11 =	spop (v2sf)  }
0x72: {  	(v2sf) =	vpush v5, $0x7;
	s10 =	sshra.s32 s12, $0x1F;
	s12 =	smulhi.u32 $0x14F8B589, s11;
	s11 =	sshra.s32 s11, $0x1F  }
0x73: {  	s11 =	smul.u32 $0x14F8B589, s11;
	_ =	sdelay $0x1  }
0x74: {  	v6 =	vadd.s32 $0x33232, v7;
	[smem:$0x642] =	sst s11;
	s11 =	spop (v2sf)  }
0x75: {  	(v2sf) =	vpush v6, $0xD;
	[smem:$0x641] =	sst s12;
	s12 =	smulhi.u32 $0x14F8B589, s11;
	s11 =	sshra.s32 s11, $0x1F  }
0x76: {  	s11 =	smul.u32 $0x14F8B589, s11;
	_ =	sdelay $0x1  }
0x77: {  	[smem:$0x644] =	sst s11;
	s11 =	spop (v2sf)  }
0x78: {  	(v2sf) =	vpush v6, $0xC;
	[smem:$0x643] =	sst s12;
	s12 =	smulhi.u32 $0x14F8B589, s11;
	s11 =	sshra.s32 s11, $0x1F  }
0x79: {  	s11 =	smul.u32 $0x14F8B589, s11;
	_ =	sdelay $0x1  }
0x7a: {  	[smem:$0x646] =	sst s11;
	s11 =	spop (v2sf)  }
0x7b: {  	(v2sf) =	vpush v6, $0xE;
	[smem:$0x645] =	sst s12;
	s12 =	smulhi.u32 $0x14F8B589, s11;
	s11 =	sshra.s32 s11, $0x1F  }
0x7c: {  	s11 =	smul.u32 $0x14F8B589, s11;
	_ =	sdelay $0x1  }
0x7d: {  	[smem:$0x648] =	sst s11;
	s11 =	spop (v2sf)  }
0x7e: {  	(v2sf) =	vpush v6, $0xF;
	[smem:$0x647] =	sst s12;
	s12 =	smulhi.u32 $0x14F8B589, s11;
	s11 =	sshra.s32 s11, $0x1F  }
0x7f: {  	s11 =	smul.u32 $0x14F8B589, s11;
	_ =	sdelay $0x1  }
0x80: {  	[smem:$0x64A] =	sst s11;
	s11 =	spop (v2sf)  }
0x81: {  	(v2sf) =	vpush v6, $0x9;
	[smem:$0x649] =	sst s12;
	s12 =	smulhi.u32 $0x14F8B589, s11;
	s11 =	sshra.s32 s11, $0x1F  }
0x82: {  	s11 =	smul.u32 $0x14F8B589, s11;
	_ =	sdelay $0x1  }
0x83: {  	[smem:$0x64C] =	sst s11;
	s11 =	spop (v2sf)  }
0x84: {  	(v2sf) =	vpush v6, $0x8;
	[smem:$0x64B] =	sst s12;
	s12 =	smulhi.u32 $0x14F8B589, s11;
	s11 =	sshra.s32 s11, $0x1F  }
0x85: {  	s11 =	smul.u32 $0x14F8B589, s11;
	_ =	sdelay $0x1  }
0x86: {  	[smem:$0x64E] =	sst s11;
	s11 =	spop (v2sf)  }
0x87: {  	(v2sf) =	vpush v6, $0xA;
	[smem:$0x64D] =	sst s12;
	s12 =	smulhi.u32 $0x14F8B589, s11;
	s11 =	sshra.s32 s11, $0x1F  }
0x88: {  	s11 =	smul.u32 $0x14F8B589, s11;
	_ =	sdelay $0x1  }
0x89: {  	[smem:$0x650] =	sst s11;
	s11 =	spop (v2sf)  }
0x8a: {  	(v2sf) =	vpush v6, $0xB;
	[smem:$0x64F] =	sst s12;
	s12 =	smulhi.u32 $0x14F8B589, s11;
	s11 =	sshra.s32 s11, $0x1F  }
0x8b: {  	s11 =	smul.u32 $0x14F8B589, s11;
	_ =	sdelay $0x1  }
0x8c: {  	[smem:$0x652] =	sst s11;
	s11 =	spop (v2sf)  }
0x8d: {  	(v2sf) =	vpush v6, $0x0;
	[smem:$0x651] =	sst s12;
	s12 =	smulhi.u32 $0x14F8B589, s11;
	s11 =	sshra.s32 s11, $0x1F  }
0x8e: {  	s11 =	smul.u32 $0x14F8B589, s11;
	_ =	sdelay $0x1  }
0x8f: {  	[smem:$0x654] =	sst s11;
	s11 =	spop (v2sf)  }
0x90: {  	(v2sf) =	vpush v6, $0x1;
	[smem:$0x653] =	sst s12;
	s12 =	smulhi.u32 $0x14F8B589, s11;
	s11 =	sshra.s32 s11, $0x1F  }
0x91: {  	s11 =	smul.u32 $0x14F8B589, s11;
	_ =	sdelay $0x1  }
0x92: {  	[smem:$0x656] =	sst s11;
	s11 =	spop (v2sf)  }
0x93: {  	(v2sf) =	vpush v6, $0x2;
	[smem:$0x655] =	sst s12;
	s12 =	smulhi.u32 $0x14F8B589, s11;
	s11 =	sshra.s32 s11, $0x1F  }
0x94: {  	s11 =	smul.u32 $0x14F8B589, s11;
	_ =	sdelay $0x1  }
0x95: {  	[smem:$0x658] =	sst s11;
	s11 =	spop (v2sf)  }
0x96: {  	(v2sf) =	vpush v6, $0x3;
	[smem:$0x657] =	sst s12;
	s12 =	smulhi.u32 $0x14F8B589, s11;
	s11 =	sshra.s32 s11, $0x1F  }
0x97: {  	s11 =	smul.u32 $0x14F8B589, s11;
	_ =	sdelay $0x1  }
0x98: {  	[smem:$0x65A] =	sst s11;
	s11 =	spop (v2sf)  }
0x99: {  	(v2sf) =	vpush v6, $0x4;
	[smem:$0x659] =	sst s12;
	s12 =	smulhi.u32 $0x14F8B589, s11;
	s11 =	sshra.s32 s11, $0x1F  }
0x9a: {  	s11 =	smul.u32 $0x14F8B589, s11;
	_ =	sdelay $0x1  }
0x9b: {  	[smem:$0x65C] =	sst s11;
	s11 =	spop (v2sf)  }
0x9c: {  	(v2sf) =	vpush v6, $0x5;
	[smem:$0x65B] =	sst s12;
	s12 =	smulhi.u32 $0x14F8B589, s11;
	s11 =	sshra.s32 s11, $0x1F  }
0x9d: {  	s11 =	smul.u32 $0x14F8B589, s11;
	_ =	sdelay $0x1  }
0x9e: {  	[smem:$0x65E] =	sst s11;
	s11 =	spop (v2sf)  }
0x9f: {  	(v2sf) =	vpush v6, $0x6;
	[smem:$0x65D] =	sst s12;
	s12 =	smulhi.u32 $0x14F8B589, s11;
	s11 =	sshra.s32 s11, $0x1F  }
0xa0: {  	s11 =	smul.u32 $0x14F8B589, s11;
	_ =	sdelay $0x1  }
0xa1: {  	[smem:$0x660] =	sst s11;
	s11 =	spop (v2sf)  }
0xa2: {  	(v2sf) =	vpush v6, $0x7;
	[smem:$0x65F] =	sst s12;
	s12 =	smulhi.u32 $0x14F8B589, s11;
	s11 =	sshra.s32 s11, $0x1F  }
0xa3: {  	s11 =	smul.u32 $0x14F8B589, s11;
	_ =	sdelay $0x1  }
0xa4: {  	v8 =	vadd.s32 $0x4CB4B, v7;
	[smem:$0x662] =	sst s11;
	s11 =	spop (v2sf)  }
0xa5: {  	(v2sf) =	vpush v8, $0xD;
	[smem:$0x661] =	sst s12;
	s12 =	smulhi.u32 $0x14F8B589, s11;
	s11 =	sshra.s32 s11, $0x1F  }
0xa6: {  	s11 =	smul.u32 $0x14F8B589, s11;
	_ =	sdelay $0x1  }
0xa7: {  	[smem:$0x664] =	sst s11;
	s11 =	spop (v2sf)  }
0xa8: {  	(v2sf) =	vpush v8, $0xC;
	[smem:$0x663] =	sst s12;
	s12 =	smulhi.u32 $0x14F8B589, s11;
	s11 =	sshra.s32 s11, $0x1F  }
0xa9: {  	s11 =	smul.u32 $0x14F8B589, s11;
	_ =	sdelay $0x1  }
0xaa: {  	[smem:$0x666] =	sst s11;
	s11 =	spop (v2sf)  }
0xab: {  	(v2sf) =	vpush v8, $0xE;
	[smem:$0x665] =	sst s12;
	s12 =	smulhi.u32 $0x14F8B589, s11;
	s11 =	sshra.s32 s11, $0x1F  }
0xac: {  	s11 =	smul.u32 $0x14F8B589, s11;
	_ =	sdelay $0x1  }
0xad: {  	[smem:$0x668] =	sst s11;
	s11 =	spop (v2sf)  }
0xae: {  	(v2sf) =	vpush v8, $0xF;
	[smem:$0x667] =	sst s12;
	s12 =	smulhi.u32 $0x14F8B589, s11;
	s11 =	sshra.s32 s11, $0x1F  }
0xaf: {  	s11 =	smul.u32 $0x14F8B589, s11;
	_ =	sdelay $0x1  }
0xb0: {  	[smem:$0x66A] =	sst s11;
	s11 =	spop (v2sf)  }
0xb1: {  	(v2sf) =	vpush v8, $0x9;
	[smem:$0x669] =	sst s12;
	s12 =	smulhi.u32 $0x14F8B589, s11;
	s11 =	sshra.s32 s11, $0x1F  }
0xb2: {  	s11 =	smul.u32 $0x14F8B589, s11;
	_ =	sdelay $0x1  }
0xb3: {  	[smem:$0x66C] =	sst s11;
	s11 =	spop (v2sf)  }
0xb4: {  	(v2sf) =	vpush v8, $0x8;
	[smem:$0x66B] =	sst s12;
	s12 =	smulhi.u32 $0x14F8B589, s11;
	s11 =	sshra.s32 s11, $0x1F  }
0xb5: {  	s11 =	smul.u32 $0x14F8B589, s11;
	_ =	sdelay $0x1  }
0xb6: {  	[smem:$0x66E] =	sst s11;
	s11 =	spop (v2sf)  }
0xb7: {  	(v2sf) =	vpush v8, $0xA;
	[smem:$0x66D] =	sst s12;
	s12 =	smulhi.u32 $0x14F8B589, s11;
	s11 =	sshra.s32 s11, $0x1F  }
0xb8: {  	s11 =	smul.u32 $0x14F8B589, s11;
	_ =	sdelay $0x1  }
0xb9: {  	[smem:$0x670] =	sst s11;
	s11 =	spop (v2sf)  }
0xba: {  	(v2sf) =	vpush v8, $0xB;
	[smem:$0x66F] =	sst s12;
	s12 =	smulhi.u32 $0x14F8B589, s11;
	s11 =	sshra.s32 s11, $0x1F  }
0xbb: {  	s11 =	smul.u32 $0x14F8B589, s11;
	_ =	sdelay $0x1  }
0xbc: {  	[smem:$0x672] =	sst s11;
	s11 =	spop (v2sf)  }
0xbd: {  	(v2sf) =	vpush v8, $0x0;
	[smem:$0x671] =	sst s12;
	s12 =	smulhi.u32 $0x14F8B589, s11;
	s11 =	sshra.s32 s11, $0x1F  }
0xbe: {  	s11 =	smul.u32 $0x14F8B589, s11;
	_ =	sdelay $0x1  }
0xbf: {  	[smem:$0x674] =	sst s11;
	s11 =	spop (v2sf)  }
0xc0: {  	(v2sf) =	vpush v8, $0x1;
	[smem:$0x673] =	sst s12;
	s12 =	smulhi.u32 $0x14F8B589, s11;
	s11 =	sshra.s32 s11, $0x1F  }
0xc1: {  	s11 =	smul.u32 $0x14F8B589, s11;
	_ =	sdelay $0x1  }
0xc2: {  	[smem:$0x676] =	sst s11;
	s11 =	spop (v2sf)  }
0xc3: {  	(v2sf) =	vpush v8, $0x2;
	[smem:$0x675] =	sst s12;
	s12 =	smulhi.u32 $0x14F8B589, s11;
	s11 =	sshra.s32 s11, $0x1F  }
0xc4: {  	s11 =	smul.u32 $0x14F8B589, s11;
	_ =	sdelay $0x1  }
0xc5: {  	[smem:$0x678] =	sst s11;
	s11 =	spop (v2sf)  }
0xc6: {  	(v2sf) =	vpush v8, $0x3;
	[smem:$0x677] =	sst s12;
	s12 =	smulhi.u32 $0x14F8B589, s11;
	s11 =	sshra.s32 s11, $0x1F  }
0xc7: {  	s11 =	smul.u32 $0x14F8B589, s11;
	_ =	sdelay $0x1  }
0xc8: {  	[smem:$0x67A] =	sst s11;
	s11 =	spop (v2sf)  }
0xc9: {  	(v2sf) =	vpush v8, $0x4;
	[smem:$0x679] =	sst s12;
	s12 =	smulhi.u32 $0x14F8B589, s11;
	s11 =	sshra.s32 s11, $0x1F  }
0xca: {  	s11 =	smul.u32 $0x14F8B589, s11;
	_ =	sdelay $0x1  }
0xcb: {  	[smem:$0x67C] =	sst s11;
	s11 =	spop (v2sf)  }
0xcc: {  	(v2sf) =	vpush v8, $0x5;
	[smem:$0x67B] =	sst s12;
	s12 =	smulhi.u32 $0x14F8B589, s11;
	s11 =	sshra.s32 s11, $0x1F  }
0xcd: {  	s11 =	smul.u32 $0x14F8B589, s11;
	_ =	sdelay $0x1  }
0xce: {  	[smem:$0x67E] =	sst s11;
	s11 =	spop (v2sf)  }
0xcf: {  	(v2sf) =	vpush v8, $0x6;
	[smem:$0x67D] =	sst s12;
	s12 =	smulhi.u32 $0x14F8B589, s11;
	s11 =	sshra.s32 s11, $0x1F  }
0xd0: {  	s11 =	smul.u32 $0x14F8B589, s11;
	_ =	sdelay $0x1  }
0xd1: {  	[smem:$0x680] =	sst s11;
	s11 =	spop (v2sf)  }
0xd2: {  	(v2sf) =	vpush v8, $0x7;
	[smem:$0x67F] =	sst s12;
	s12 =	smulhi.u32 $0x14F8B589, s11;
	s11 =	sshra.s32 s11, $0x1F  }
0xd3: {  	s11 =	smul.u32 $0x14F8B589, s11;
	_ =	sdelay $0x1  }
0xd4: {  	v10 =	vadd.s32 $0x66464, v7;
	[smem:$0x682] =	sst s11;
	s11 =	spop (v2sf)  }
0xd5: {  	(v2sf) =	vpush v10, $0xD;
	[smem:$0x681] =	sst s12;
	s12 =	smulhi.u32 $0x14F8B589, s11;
	s11 =	sshra.s32 s11, $0x1F  }
0xd6: {  	s11 =	smul.u32 $0x14F8B589, s11;
	_ =	sdelay $0x1  }
0xd7: {  	[smem:$0x684] =	sst s11;
	s11 =	spop (v2sf)  }
0xd8: {  	(v2sf) =	vpush v10, $0xC;
	[smem:$0x683] =	sst s12;
	s12 =	smulhi.u32 $0x14F8B589, s11;
	s11 =	sshra.s32 s11, $0x1F  }
0xd9: {  	s11 =	smul.u32 $0x14F8B589, s11;
	_ =	sdelay $0x1  }
0xda: {  	[smem:$0x686] =	sst s11;
	s11 =	spop (v2sf)  }
0xdb: {  	(v2sf) =	vpush v10, $0xE;
	[smem:$0x685] =	sst s12;
	s12 =	smulhi.u32 $0x14F8B589, s11;
	s11 =	sshra.s32 s11, $0x1F  }
0xdc: {  	s11 =	smul.u32 $0x14F8B589, s11;
	_ =	sdelay $0x1  }
0xdd: {  	[smem:$0x688] =	sst s11;
	s11 =	spop (v2sf)  }
0xde: {  	(v2sf) =	vpush v10, $0xF;
	[smem:$0x687] =	sst s12;
	s12 =	smulhi.u32 $0x14F8B589, s11;
	s11 =	sshra.s32 s11, $0x1F  }
0xdf: {  	s11 =	smul.u32 $0x14F8B589, s11;
	_ =	sdelay $0x1  }
0xe0: {  	[smem:$0x68A] =	sst s11;
	s11 =	spop (v2sf)  }
0xe1: {  	(v2sf) =	vpush v10, $0x9;
	[smem:$0x689] =	sst s12;
	s12 =	smulhi.u32 $0x14F8B589, s11;
	s11 =	sshra.s32 s11, $0x1F  }
0xe2: {  	s11 =	smul.u32 $0x14F8B589, s11;
	_ =	sdelay $0x1  }
0xe3: {  	[smem:$0x68C] =	sst s11;
	s11 =	spop (v2sf)  }
0xe4: {  	(v2sf) =	vpush v10, $0x8;
	[smem:$0x68B] =	sst s12;
	s12 =	smulhi.u32 $0x14F8B589, s11;
	s11 =	sshra.s32 s11, $0x1F  }
0xe5: {  	s11 =	smul.u32 $0x14F8B589, s11;
	_ =	sdelay $0x1  }
0xe6: {  	[smem:$0x68E] =	sst s11;
	s11 =	spop (v2sf)  }
0xe7: {  	(v2sf) =	vpush v10, $0xA;
	[smem:$0x68D] =	sst s12;
	s12 =	smulhi.u32 $0x14F8B589, s11;
	s11 =	sshra.s32 s11, $0x1F  }
0xe8: {  	s11 =	smul.u32 $0x14F8B589, s11;
	_ =	sdelay $0x1  }
0xe9: {  	[smem:$0x690] =	sst s11;
	s11 =	spop (v2sf)  }
0xea: {  	(v2sf) =	vpush v10, $0xB;
	[smem:$0x68F] =	sst s12;
	s12 =	smulhi.u32 $0x14F8B589, s11;
	s11 =	sshra.s32 s11, $0x1F  }
0xeb: {  	s11 =	smul.u32 $0x14F8B589, s11;
	_ =	sdelay $0x1  }
0xec: {  	[smem:$0x692] =	sst s11;
	s11 =	spop (v2sf)  }
0xed: {  	(v2sf) =	vpush v10, $0x0;
	[smem:$0x691] =	sst s12;
	s12 =	smulhi.u32 $0x14F8B589, s11;
	s11 =	sshra.s32 s11, $0x1F  }
0xee: {  	s11 =	smul.u32 $0x14F8B589, s11;
	_ =	sdelay $0x1  }
0xef: {  	[smem:$0x694] =	sst s11;
	s11 =	spop (v2sf)  }
0xf0: {  	(v2sf) =	vpush v10, $0x1;
	[smem:$0x693] =	sst s12;
	s12 =	smulhi.u32 $0x14F8B589, s11;
	s11 =	sshra.s32 s11, $0x1F  }
0xf1: {  	s11 =	smul.u32 $0x14F8B589, s11;
	_ =	sdelay $0x1  }
0xf2: {  	[smem:$0x696] =	sst s11;
	s11 =	spop (v2sf)  }
0xf3: {  	(v2sf) =	vpush v10, $0x2;
	[smem:$0x695] =	sst s12;
	s12 =	smulhi.u32 $0x14F8B589, s11;
	s11 =	sshra.s32 s11, $0x1F  }
0xf4: {  	s11 =	smul.u32 $0x14F8B589, s11;
	_ =	sdelay $0x1  }
0xf5: {  	[smem:$0x698] =	sst s11;
	s11 =	spop (v2sf)  }
0xf6: {  	(v2sf) =	vpush v10, $0x3;
	[smem:$0x697] =	sst s12;
	s12 =	smulhi.u32 $0x14F8B589, s11;
	s11 =	sshra.s32 s11, $0x1F  }
0xf7: {  	s11 =	smul.u32 $0x14F8B589, s11;
	_ =	sdelay $0x1  }
0xf8: {  	[smem:$0x69A] =	sst s11;
	s11 =	spop (v2sf)  }
0xf9: {  	(v2sf) =	vpush v10, $0x4;
	[smem:$0x699] =	sst s12;
	s12 =	smulhi.u32 $0x14F8B589, s11;
	s11 =	sshra.s32 s11, $0x1F  }
0xfa: {  	s11 =	smul.u32 $0x14F8B589, s11;
	_ =	sdelay $0x1  }
0xfb: {  	[smem:$0x69C] =	sst s11;
	s11 =	spop (v2sf)  }
0xfc: {  	(v2sf) =	vpush v10, $0x5;
	[smem:$0x69B] =	sst s12;
	s12 =	smulhi.u32 $0x14F8B589, s11;
	s11 =	sshra.s32 s11, $0x1F  }
0xfd: {  	s11 =	smul.u32 $0x14F8B589, s11;
	_ =	sdelay $0x1  }
0xfe: {  	[smem:$0x69E] =	sst s11;
	s11 =	spop (v2sf)  }
0xff: {  	(v2sf) =	vpush v10, $0x6;
	[smem:$0x69D] =	sst s12;
	s12 =	smulhi.u32 $0x14F8B589, s11;
	s11 =	sshra.s32 s11, $0x1F  }
0x100: {  	s11 =	smul.u32 $0x14F8B589, s11;
	_ =	sdelay $0x1  }
0x101: {  	[smem:$0x6A0] =	sst s11;
	s11 =	spop (v2sf)  }
0x102: {  	(v2sf) =	vpush v10, $0x7;
	[smem:$0x69F] =	sst s12;
	s12 =	smulhi.u32 $0x14F8B589, s11;
	s11 =	sshra.s32 s11, $0x1F  }
0x103: {  	s11 =	smul.u32 $0x14F8B589, s11;
	_ =	sdelay $0x1  }
0x104: {  	v9 =	vadd.s32 $0x7FD7D, v7;
	[smem:$0x6A2] =	sst s11;
	s11 =	spop (v2sf)  }
0x105: {  	(v2sf) =	vpush v9, $0xD;
	[smem:$0x6A1] =	sst s12;
	s12 =	smulhi.u32 $0x14F8B589, s11;
	s11 =	sshra.s32 s11, $0x1F  }
0x106: {  	s11 =	smul.u32 $0x14F8B589, s11;
	_ =	sdelay $0x1  }
0x107: {  	[smem:$0x6A4] =	sst s11;
	s11 =	spop (v2sf)  }
0x108: {  	(v2sf) =	vpush v9, $0xC;
	[smem:$0x6A3] =	sst s12;
	s12 =	smulhi.u32 $0x14F8B589, s11;
	s11 =	sshra.s32 s11, $0x1F  }
0x109: {  	s11 =	smul.u32 $0x14F8B589, s11;
	_ =	sdelay $0x1  }
0x10a: {  	[smem:$0x6A6] =	sst s11;
	s11 =	spop (v2sf)  }
0x10b: {  	(v2sf) =	vpush v9, $0xE;
	[smem:$0x6A5] =	sst s12;
	s12 =	smulhi.u32 $0x14F8B589, s11;
	s11 =	sshra.s32 s11, $0x1F  }
0x10c: {  	s11 =	smul.u32 $0x14F8B589, s11;
	_ =	sdelay $0x1  }
0x10d: {  	[smem:$0x6A8] =	sst s11;
	s11 =	spop (v2sf)  }
0x10e: {  	(v2sf) =	vpush v9, $0xF;
	[smem:$0x6A7] =	sst s12;
	s12 =	smulhi.u32 $0x14F8B589, s11;
	s11 =	sshra.s32 s11, $0x1F  }
0x10f: {  	s11 =	smul.u32 $0x14F8B589, s11;
	_ =	sdelay $0x1  }
0x110: {  	[smem:$0x6AA] =	sst s11;
	s11 =	spop (v2sf)  }
0x111: {  	(v2sf) =	vpush v9, $0x9;
	[smem:$0x6A9] =	sst s12;
	s12 =	smulhi.u32 $0x14F8B589, s11;
	s11 =	sshra.s32 s11, $0x1F  }
0x112: {  	s11 =	smul.u32 $0x14F8B589, s11;
	_ =	sdelay $0x1  }
0x113: {  	[smem:$0x6AC] =	sst s11;
	s11 =	spop (v2sf)  }
0x114: {  	(v2sf) =	vpush v9, $0x8;
	[smem:$0x6AB] =	sst s12;
	s12 =	smulhi.u32 $0x14F8B589, s11;
	s11 =	sshra.s32 s11, $0x1F  }
0x115: {  	s11 =	smul.u32 $0x14F8B589, s11;
	_ =	sdelay $0x1  }
0x116: {  	[smem:$0x6AE] =	sst s11;
	s11 =	spop (v2sf)  }
0x117: {  	(v2sf) =	vpush v9, $0xA;
	[smem:$0x6AD] =	sst s12;
	s12 =	smulhi.u32 $0x14F8B589, s11;
	s11 =	sshra.s32 s11, $0x1F  }
0x118: {  	s11 =	smul.u32 $0x14F8B589, s11;
	_ =	sdelay $0x1  }
0x119: {  	[smem:$0x6B0] =	sst s11;
	s11 =	spop (v2sf)  }
0x11a: {  	(v2sf) =	vpush v9, $0xB;
	[smem:$0x6AF] =	sst s12;
	s12 =	smulhi.u32 $0x14F8B589, s11;
	s11 =	sshra.s32 s11, $0x1F  }
0x11b: {  	s11 =	smul.u32 $0x14F8B589, s11;
	_ =	sdelay $0x1  }
0x11c: {  	[smem:$0x6B2] =	sst s11;
	s11 =	spop (v2sf)  }
0x11d: {  	(v2sf) =	vpush v9, $0x0;
	[smem:$0x6B1] =	sst s12;
	s12 =	smulhi.u32 $0x14F8B589, s11;
	s11 =	sshra.s32 s11, $0x1F  }
0x11e: {  	s11 =	smul.u32 $0x14F8B589, s11;
	_ =	sdelay $0x1  }
0x11f: {  	[smem:$0x6B4] =	sst s11;
	s11 =	spop (v2sf)  }
0x120: {  	(v2sf) =	vpush v9, $0x1;
	[smem:$0x6B3] =	sst s12;
	s12 =	smulhi.u32 $0x14F8B589, s11;
	s11 =	sshra.s32 s11, $0x1F  }
0x121: {  	s11 =	smul.u32 $0x14F8B589, s11;
	_ =	sdelay $0x1  }
0x122: {  	[smem:$0x6B6] =	sst s11;
	s11 =	spop (v2sf)  }
0x123: {  	(v2sf) =	vpush v9, $0x2;
	[smem:$0x6B5] =	sst s12;
	s12 =	smulhi.u32 $0x14F8B589, s11;
	s11 =	sshra.s32 s11, $0x1F  }
0x124: {  	s11 =	smul.u32 $0x14F8B589, s11;
	_ =	sdelay $0x1  }
0x125: {  	[smem:$0x6B8] =	sst s11;
	s11 =	spop (v2sf)  }
0x126: {  	(v2sf) =	vpush v9, $0x3;
	[smem:$0x6B7] =	sst s12;
	s12 =	smulhi.u32 $0x14F8B589, s11;
	s11 =	sshra.s32 s11, $0x1F  }
0x127: {  	s11 =	smul.u32 $0x14F8B589, s11;
	_ =	sdelay $0x1  }
0x128: {  	[smem:$0x6BA] =	sst s11;
	s11 =	spop (v2sf)  }
0x129: {  	(v2sf) =	vpush v9, $0x4;
	[smem:$0x6B9] =	sst s12;
	s12 =	smulhi.u32 $0x14F8B589, s11;
	s11 =	sshra.s32 s11, $0x1F  }
0x12a: {  	s11 =	smul.u32 $0x14F8B589, s11;
	_ =	sdelay $0x1  }
0x12b: {  	[smem:$0x6BC] =	sst s11;
	s11 =	spop (v2sf)  }
0x12c: {  	(v2sf) =	vpush v9, $0x5;
	[smem:$0x6BB] =	sst s12;
	s12 =	smulhi.u32 $0x14F8B589, s11;
	s11 =	sshra.s32 s11, $0x1F  }
0x12d: {  	s11 =	smul.u32 $0x14F8B589, s11;
	_ =	sdelay $0x1  }
0x12e: {  	[smem:$0x6BE] =	sst s11;
	s11 =	spop (v2sf)  }
0x12f: {  	(v2sf) =	vpush v9, $0x6;
	[smem:$0x6BD] =	sst s12;
	s12 =	smulhi.u32 $0x14F8B589, s11;
	s11 =	sshra.s32 s11, $0x1F  }
0x130: {  	s11 =	smul.u32 $0x14F8B589, s11;
	_ =	sdelay $0x1  }
0x131: {  	[smem:$0x6C0] =	sst s11;
	s11 =	spop (v2sf)  }
0x132: {  	(v2sf) =	vpush v9, $0x7;
	[smem:$0x6BF] =	sst s12;
	s12 =	smulhi.u32 $0x14F8B589, s11;
	s11 =	sshra.s32 s11, $0x1F  }
0x133: {  	s11 =	smul.u32 $0x14F8B589, s11;
	_ =	sdelay $0x1  }
0x134: {  	v12 =	vadd.s32 $0x99696, v7;
	[smem:$0x6C2] =	sst s11;
	s11 =	spop (v2sf)  }
0x135: {  	(v2sf) =	vpush v12, $0xD;
	[smem:$0x6C1] =	sst s12;
	s12 =	smulhi.u32 $0x14F8B589, s11;
	s11 =	sshra.s32 s11, $0x1F  }
0x136: {  	s11 =	smul.u32 $0x14F8B589, s11;
	_ =	sdelay $0x1  }
0x137: {  	[smem:$0x6C4] =	sst s11;
	s11 =	spop (v2sf)  }
0x138: {  	(v2sf) =	vpush v12, $0xC;
	[smem:$0x6C3] =	sst s12;
	s12 =	smulhi.u32 $0x14F8B589, s11;
	s11 =	sshra.s32 s11, $0x1F  }
0x139: {  	s11 =	smul.u32 $0x14F8B589, s11;
	_ =	sdelay $0x1  }
0x13a: {  	[smem:$0x6C6] =	sst s11;
	s11 =	spop (v2sf)  }
0x13b: {  	(v2sf) =	vpush v12, $0xE;
	[smem:$0x6C5] =	sst s12;
	s12 =	smulhi.u32 $0x14F8B589, s11;
	s11 =	sshra.s32 s11, $0x1F  }
0x13c: {  	s11 =	smul.u32 $0x14F8B589, s11;
	_ =	sdelay $0x1  }
0x13d: {  	[smem:$0x6C8] =	sst s11;
	s11 =	spop (v2sf)  }
0x13e: {  	(v2sf) =	vpush v12, $0xF;
	[smem:$0x6C7] =	sst s12;
	s12 =	smulhi.u32 $0x14F8B589, s11;
	s11 =	sshra.s32 s11, $0x1F  }
0x13f: {  	s11 =	smul.u32 $0x14F8B589, s11;
	_ =	sdelay $0x1  }
0x140: {  	[smem:$0x6CA] =	sst s11;
	s11 =	spop (v2sf)  }
0x141: {  	(v2sf) =	vpush v12, $0x9;
	[smem:$0x6C9] =	sst s12;
	s12 =	smulhi.u32 $0x14F8B589, s11;
	s11 =	sshra.s32 s11, $0x1F  }
0x142: {  	s11 =	smul.u32 $0x14F8B589, s11;
	_ =	sdelay $0x1  }
0x143: {  	[smem:$0x6CC] =	sst s11;
	s11 =	spop (v2sf)  }
0x144: {  	(v2sf) =	vpush v12, $0x8;
	[smem:$0x6CB] =	sst s12;
	s12 =	smulhi.u32 $0x14F8B589, s11;
	s11 =	sshra.s32 s11, $0x1F  }
0x145: {  	s11 =	smul.u32 $0x14F8B589, s11;
	_ =	sdelay $0x1  }
0x146: {  	s13 =	sadd.s32 s16, s13;
	[smem:$0x6CE] =	sst s11;
	s11 =	spop (v2sf)  }
0x147: {  	(v2sf) =	vpush v12, $0xA;
	[smem:$0x6CD] =	sst s12;
	s12 =	smulhi.u32 $0x14F8B589, s11;
	s11 =	sshra.s32 s11, $0x1F  }
0x148: {  	s16 =	sadd.s32 s18, s14;
	[smem:$0x745] =	sst s13;
	s11 =	smul.u32 $0x14F8B589, s11  }
0x149: {  	[smem:$0x747] =	sst s16  }
0x14a: {  	s18 =	sadd.s32 s20, s17;
	[smem:$0x6D0] =	sst s11;
	s11 =	spop (v2sf)  }
0x14b: {  	(v2sf) =	vpush v12, $0xB;
	[smem:$0x6CF] =	sst s12;
	s12 =	smulhi.u32 $0x14F8B589, s11;
	s11 =	sshra.s32 s11, $0x1F  }
0x14c: {  	s20 =	sadd.s32 s22, s19;
	[smem:$0x749] =	sst s18;
	s11 =	smul.u32 $0x14F8B589, s11  }
0x14d: {  	[smem:$0x74C] =	sst s20  }
0x14e: {  	s19 =	sadd.s32 s25, s21;
	[smem:$0x6D2] =	sst s11;
	s11 =	spop (v2sf)  }
0x14f: {  	[smem:$0x6D1] =	sst s12;
	s12 =	smulhi.u32 $0x14F8B589, s11;
	s11 =	sshra.s32 s11, $0x1F  }
0x150: {  	s0 =	sadd.s32 s0, s26;
	[smem:$0x74A] =	sst s19;
	s11 =	smul.u32 $0x14F8B589, s11  }
0x151: {  	[smem:$0x746] =	sst s0  }
0x152: {  	s2 =	sadd.s32 s2, s29;
	(v2sf) =	vpush v12, $0x0;
	[smem:$0x6D4] =	sst s11;
	s11 =	spop (v2sf)  }
0x153: {  	[smem:$0x6D3] =	sst s12;
	s12 =	smulhi.u32 $0x14F8B589, s11;
	s11 =	sshra.s32 s11, $0x1F  }
0x154: {  	s20 =	sadd.s32 s28, s23;
	[smem:$0x748] =	sst s2;
	(v2sf) =	vpush v12, $0x1;
	s11 =	smul.u32 $0x14F8B589, s11  }
0x155: {  	[smem:$0x74D] =	sst s20  }
0x156: {  	(v2sf) =	vpush v12, $0x2;
	[smem:$0x6D6] =	sst s11;
	s11 =	spop (v2sf)  }
0x157: {  	(v2sf) =	vpush v12, $0x3;
	[smem:$0x6D5] =	sst s12;
	s12 =	smulhi.u32 $0x14F8B589, s11;
	s11 =	sshra.s32 s11, $0x1F  }
0x158: {  	s26 =	sld [smem:$0x629];
	s11 =	smul.u32 $0x14F8B589, s11  }
0x159: {  	s28 =	sld [smem:$0x62A]  }
0x15a: {  	[smem:$0x6D8] =	sst s11;
	s11 =	spop (v2sf)  }
0x15b: {  	s2 =	sadd.s32 s5, s26;
	(v2sf) =	vpush v12, $0x4;
	[smem:$0x6D7] =	sst s12;
	s12 =	smulhi.u32 $0x14F8B589, s11  }
0x15c: {  	[smem:$0x74E] =	sst s2  }
0x15d: {  	[smem:$0x6D9] =	sst s12  }
0x15e: {  	s2 =	sadd.s32 s7, s28;
	(v2sf) =	vpush v12, $0x5;
	s12 =	sld [smem:$0x628]  }
0x15f: {  	[smem:$0x750] =	sst s2;
	(v2sf) =	vpush v12, $0x6  }
0x160: {  	s3 =	smul.u32 $0x14F8B589, s3;
	s26 =	sld [smem:$0x630];
	s11 =	sshra.s32 s11, $0x1F  }
0x161: {  	s12 =	sadd.s32 s15, s12;
	s15 =	smul.u32 $0x14F8B589, s11;
	s11 =	spop (v2sf)  }
0x162: {  	s28 =	sld [smem:$0x631];
	s13 =	smulhi.u32 $0x14F8B589, s11;
	s11 =	sshra.s32 s11, $0x1F  }
0x163: {  	s14 =	smul.u32 $0x14F8B589, s11;
	s11 =	spop (v2sf)  }
0x164: {  	(v2sf) =	vpush v12, $0x7;
	[smem:$0x744] =	sst s12;
	s16 =	smulhi.u32 $0x14F8B589, s11;
	s11 =	sshra.s32 s11, $0x1F  }
0x165: {  	s22 =	spop (v2sf);
	s18 =	smul.u32 $0x14F8B589, s11  }
0x166: {  	s17 =	smulhi.u32 $0x14F8B589, s22;
	s11 =	sshra.s32 s22, $0x1F;
	s21 =	spop (v2sf)  }
0x167: {  	s22 =	sadd.s32 s31, s24;
	s24 =	sadd.s32 s4, s30;
	s30 =	sld [smem:$0x62B]  }
0x168: {  	s31 =	sld [smem:$0x62C];
	s19 =	smul.u32 $0x14F8B589, s11  }
0x169: {  	[smem:$0x74F] =	sst s22;
	s12 =	smulhi.u32 $0x14F8B589, s21  }
0x16a: {  	s11 =	sshra.s32 s21, $0x1F;
	s23 =	spop (v2sf);
	[smem:$0x74B] =	sst s24  }
0x16b: {  	s22 =	sld [smem:$0x62D];
	s20 =	smul.u32 $0x14F8B589, s11  }
0x16c: {  	s24 =	sld [smem:$0x62F];
	s11 =	smulhi.u32 $0x14F8B589, s23  }
0x16d: {  	s0 =	sshra.s32 s23, $0x1F;
	s25 =	spop (v2sf);
	s23 =	sld [smem:$0x62E]  }
0x16e: {  	s4 =	smul.u32 $0x14F8B589, s0;
	s0 =	sshra.s32 s25, $0x1F;
	s29 =	spop (v2sf)  }
0x16f: {  	s1 =	sadd.s32 s1, s30;
	s30 =	sld [smem:$0x633];
	s21 =	smul.u32 $0x14F8B589, s0  }
0x170: {  	v11 =	vadd.s32 $0xB2FAF, v7;
	[smem:$0x751] =	sst s1;
	s7 =	smulhi.u32 $0x14F8B589, s29  }
0x171: {  	(v2sf) =	vpush v11, $0xD;
	s0 =	sshra.s32 s29, $0x1F;
	s1 =	sadd.s32 s3, s31;
	s29 =	sld [smem:$0x632]  }
0x172: {  	[smem:$0x752] =	sst s1  }
0x173: {  	(v2sf) =	vpush v11, $0xC;
	s3 =	smul.u32 $0x14F8B589, s0;
	s2 =	spop (v2sf);
	s1 =	sadd.s32 s8, s22  }
0x174: {  	[smem:$0x743] =	sst s1;
	s8 =	smulhi.u32 $0x14F8B589, s2  }
0x175: {  	(v2sf) =	vpush v11, $0xE;
	s0 =	sshra.s32 s2, $0x1F;
	s1 =	sadd.s32 s24, s23;
	s2 =	sld [smem:$0x638]  }
0x176: {  	[smem:$0x754] =	sst s1  }
0x177: {  	(v2sf) =	vpush v11, $0xF;
	s1 =	sadd.s32 s28, s26;
	s26 =	sld [smem:$0x634]  }
0x178: {  	s28 =	sld [smem:$0x635]  }
0x179: {  	[smem:$0x756] =	sst s1  }
0x17a: {  	s1 =	sadd.s32 s30, s29;
	s29 =	sld [smem:$0x636]  }
0x17b: {  	s30 =	sld [smem:$0x637]  }
0x17c: {  	[smem:$0x758] =	sst s1  }
0x17d: {  	s1 =	sadd.s32 s28, s26;
	s26 =	sld [smem:$0x639]  }
0x17e: {  	(v2sf) =	vpush v11, $0x9;
	s5 =	smulhi.u32 $0x14F8B589, s25;
	[smem:$0x759] =	sst s1  }
0x17f: {  	s23 =	smul.u32 $0x14F8B589, s0;
	s1 =	sadd.s32 s30, s29;
	s29 =	sld [smem:$0x63A]  }
0x180: {  	s25 =	spop (v2sf);
	s30 =	sld [smem:$0x63B]  }
0x181: {  	s22 =	smulhi.u32 $0x14F8B589, s25;
	s0 =	sshra.s32 s25, $0x1F;
	[smem:$0x75D] =	sst s1  }
0x182: {  	s24 =	smul.u32 $0x14F8B589, s0;
	s31 =	spop (v2sf)  }
0x183: {  	s1 =	sadd.s32 s26, s2;
	s2 =	sld [smem:$0x63C];
	s25 =	smulhi.u32 $0x14F8B589, s31  }
0x184: {  	s0 =	sshra.s32 s31, $0x1F;
	s31 =	spop (v2sf);
	[smem:$0x75B] =	sst s1  }
0x185: {  	s1 =	sadd.s32 s30, s29;
	s30 =	sld [smem:$0x63D];
	s28 =	smul.u32 $0x14F8B589, s0  }
0x186: {  	s26 =	smulhi.u32 $0x14F8B589, s31;
	s0 =	sshra.s32 s31, $0x1F;
	s31 =	spop (v2sf)  }
0x187: {  	[smem:$0x75F] =	sst s1;
	s29 =	smul.u32 $0x14F8B589, s0;
	s0 =	sshra.s32 s31, $0x1F  }
0x188: {  	s1 =	sadd.s32 s30, s2;
	s30 =	smulhi.u32 $0x14F8B589, s31;
	s31 =	sld [smem:$0x63E]  }
0x189: {  	s6 =	smul.u32 $0x14F8B589, s6  }
0x18a: {  	[smem:$0x761] =	sst s1  }
0x18b: {  	s9 =	smul.u32 $0x14F8B589, s9;
	(v2sf) =	vpush v11, $0x8;
	s1 =	sadd.s32 s6, s31;
	s6 =	sld [smem:$0x63F]  }
0x18c: {  	s10 =	smul.u32 $0x14F8B589, s10  }
0x18d: {  	s2 =	spop (v2sf);
	[smem:$0x755] =	sst s1  }
0x18e: {  	s31 =	smul.u32 $0x14F8B589, s0;
	s1 =	sadd.s32 s9, s6;
	s9 =	sld [smem:$0x640]  }
0x18f: {  	(v2sf) =	vpush v11, $0xA;
	s0 =	sshra.s32 s2, $0x1F;
	s6 =	smulhi.u32 $0x14F8B589, s2;
	s2 =	sld [smem:$0x641]  }
0x190: {  	[smem:$0x757] =	sst s1  }
0x191: {  	s1 =	sadd.s32 s10, s9;
	s10 =	sld [smem:$0x642];
	_ =	sdelay $0x1  }
0x192: {  	[smem:$0x75A] =	sst s1  }
0x193: {  	s1 =	sadd.s32 s10, s2;
	s2 =	sld [smem:$0x644]  }
0x194: {  	[smem:$0x75C] =	sst s1  }
0x195: {  	s1 =	sld [smem:$0x643];
	_ =	sdelay $0x2  }
0x196: {  	s9 =	smul.u32 $0x14F8B589, s0;
	s1 =	sadd.s32 s2, s1;
	s2 =	sld [smem:$0x646]  }
0x197: {  	s0 =	spop (v2sf);
	[smem:$0x75E] =	sst s1  }
0x198: {  	(v2sf) =	vpush v11, $0xB;
	s10 =	smulhi.u32 $0x14F8B589, s0;
	s0 =	sshra.s32 s0, $0x1F;
	s1 =	sld [smem:$0x645]  }
0x199: {  	s0 =	smul.u32 $0x14F8B589, s0;
	_ =	sdelay $0x1  }
0x19a: {  	[smem:$0x6DA] =	sst s0;
	s0 =	spop (v2sf);
	s1 =	sadd.s32 s2, s1  }
0x19b: {  	s2 =	smulhi.u32 $0x14F8B589, s0;
	[smem:$0x760] =	sst s1  }
0x19c: {  	s1 =	sld [smem:$0x647]  }
0x19d: {  	[smem:$0x6DB] =	sst s2  }
0x19e: {  	s2 =	sld [smem:$0x648];
	_ =	sdelay $0x2  }
0x19f: {  	s1 =	sadd.s32 s2, s1;
	s2 =	sld [smem:$0x64A]  }
0x1a0: {  	[smem:$0x762] =	sst s1  }
0x1a1: {  	(v2sf) =	vpush v11, $0x0;
	s0 =	sshra.s32 s0, $0x1F;
	s1 =	sld [smem:$0x649]  }
0x1a2: {  	s0 =	smul.u32 $0x14F8B589, s0;
	_ =	sdelay $0x1  }
0x1a3: {  	[smem:$0x6DC] =	sst s0;
	s0 =	spop (v2sf);
	s1 =	sadd.s32 s2, s1  }
0x1a4: {  	s2 =	smulhi.u32 $0x14F8B589, s0;
	[smem:$0x753] =	sst s1  }
0x1a5: {  	s1 =	sld [smem:$0x64B]  }
0x1a6: {  	[smem:$0x6DD] =	sst s2  }
0x1a7: {  	s2 =	sld [smem:$0x64C];
	_ =	sdelay $0x2  }
0x1a8: {  	s1 =	sadd.s32 s2, s1;
	s2 =	sld [smem:$0x64E]  }
0x1a9: {  	[smem:$0x763] =	sst s1  }
0x1aa: {  	(v2sf) =	vpush v11, $0x1;
	s0 =	sshra.s32 s0, $0x1F;
	s1 =	sld [smem:$0x64D]  }
0x1ab: {  	s0 =	smul.u32 $0x14F8B589, s0;
	_ =	sdelay $0x1  }
0x1ac: {  	[smem:$0x6DE] =	sst s0;
	s0 =	spop (v2sf);
	s1 =	sadd.s32 s2, s1  }
0x1ad: {  	s2 =	smulhi.u32 $0x14F8B589, s0;
	[smem:$0x764] =	sst s1  }
0x1ae: {  	s1 =	sld [smem:$0x64F]  }
0x1af: {  	[smem:$0x6DF] =	sst s2  }
0x1b0: {  	s2 =	sld [smem:$0x650];
	_ =	sdelay $0x2  }
0x1b1: {  	s1 =	sadd.s32 s2, s1;
	s2 =	sld [smem:$0x652]  }
0x1b2: {  	[smem:$0x766] =	sst s1  }
0x1b3: {  	(v2sf) =	vpush v11, $0x2;
	s0 =	sshra.s32 s0, $0x1F;
	s1 =	sld [smem:$0x651]  }
0x1b4: {  	s0 =	smul.u32 $0x14F8B589, s0;
	_ =	sdelay $0x1  }
0x1b5: {  	[smem:$0x6E0] =	sst s0;
	s0 =	spop (v2sf);
	s1 =	sadd.s32 s2, s1  }
0x1b6: {  	s2 =	smulhi.u32 $0x14F8B589, s0;
	[smem:$0x768] =	sst s1  }
0x1b7: {  	s1 =	sld [smem:$0x653]  }
0x1b8: {  	[smem:$0x6E1] =	sst s2  }
0x1b9: {  	s2 =	sld [smem:$0x654]  }
0x1ba: {  	(v2sf) =	vpush v11, $0x3;
	_ =	sdelay $0x1  }
0x1bb: {  	s1 =	sadd.s32 s2, s1;
	s2 =	sld [smem:$0x656]  }
0x1bc: {  	[smem:$0x76A] =	sst s1  }
0x1bd: {  	s0 =	sshra.s32 s0, $0x1F;
	s1 =	sld [smem:$0x655]  }
0x1be: {  	v2 =	vld [tilespmem:$0x1FFF0];
	s0 =	smul.u32 $0x14F8B589, s0;
	_ =	sdelay $0x1  }
0x1bf: {  	[smem:$0x6E2] =	sst s0;
	s0 =	spop (v2sf);
	s1 =	sadd.s32 s2, s1  }
0x1c0: {  	s2 =	smulhi.u32 $0x14F8B589, s0;
	[smem:$0x76C] =	sst s1  }
0x1c1: {  	(v2sf) =	vpush v11, $0x4;
	s1 =	sld [smem:$0x657]  }
0x1c2: {  	v0 =	vmul.u32 v2, v0;
	(v2sf) =	vpush v11, $0x5;
	[smem:$0x6E3] =	sst s2  }
0x1c3: {  	(v2sf) =	vpush v11, $0x6;
	s0 =	sshra.s32 s0, $0x1F;
	s2 =	sld [smem:$0x658]  }
0x1c4: {  	v13 =	vxor.u32 v0, v7;
	(v2sf) =	vpush v11, $0x7;
	s0 =	smul.u32 $0x14F8B589, s0  }
0x1c5: {  	(v2sf) =	vpush v13, $0xD  }
0x1c6: {  	(v2sf) =	vpush v13, $0xC;
	[smem:$0x6E4] =	sst s0;
	s1 =	sadd.s32 s2, s1  }
0x1c7: {  	(v2sf) =	vpush v13, $0xE;
	s0 =	spop (v2sf);
	[smem:$0x76F] =	sst s1  }
0x1c8: {  	s1 =	sld [smem:$0x659]  }
0x1c9: {  	s2 =	sld [smem:$0x65A];
	_ =	sdelay $0x2  }
0x1ca: {  	s1 =	sadd.s32 s2, s1  }
0x1cb: {  	s2 =	smulhi.u32 $0x14F8B589, s0;
	[smem:$0x771] =	sst s1  }
0x1cc: {  	s1 =	sld [smem:$0x65B]  }
0x1cd: {  	[smem:$0x6E5] =	sst s2  }
0x1ce: {  	s2 =	sld [smem:$0x65C];
	_ =	sdelay $0x2  }
0x1cf: {  	s1 =	sadd.s32 s2, s1;
	s2 =	sld [smem:$0x65E]  }
0x1d0: {  	[smem:$0x767] =	sst s1  }
0x1d1: {  	s0 =	sshra.s32 s0, $0x1F;
	s1 =	sld [smem:$0x65D]  }
0x1d2: {  	s0 =	smul.u32 $0x14F8B589, s0;
	_ =	sdelay $0x1  }
0x1d3: {  	[smem:$0x6E6] =	sst s0;
	s0 =	spop (v2sf);
	s1 =	sadd.s32 s2, s1  }
0x1d4: {  	s2 =	smulhi.u32 $0x14F8B589, s0;
	[smem:$0x769] =	sst s1  }
0x1d5: {  	s1 =	sld [smem:$0x65F]  }
0x1d6: {  	[smem:$0x6E7] =	sst s2  }
0x1d7: {  	s2 =	sld [smem:$0x660];
	_ =	sdelay $0x2  }
0x1d8: {  	s1 =	sadd.s32 s2, s1;
	s2 =	sld [smem:$0x662]  }
0x1d9: {  	[smem:$0x76B] =	sst s1  }
0x1da: {  	s0 =	sshra.s32 s0, $0x1F;
	s1 =	sld [smem:$0x661]  }
0x1db: {  	s0 =	smul.u32 $0x14F8B589, s0;
	_ =	sdelay $0x1  }
0x1dc: {  	[smem:$0x6E8] =	sst s0;
	s0 =	spop (v2sf);
	s1 =	sadd.s32 s2, s1  }
0x1dd: {  	s2 =	smulhi.u32 $0x14F8B589, s0;
	[smem:$0x76D] =	sst s1  }
0x1de: {  	s1 =	sld [smem:$0x663]  }
0x1df: {  	[smem:$0x6E9] =	sst s2  }
0x1e0: {  	s2 =	sld [smem:$0x664];
	_ =	sdelay $0x2  }
0x1e1: {  	s1 =	sadd.s32 s2, s1;
	s2 =	sld [smem:$0x666]  }
0x1e2: {  	[smem:$0x76E] =	sst s1  }
0x1e3: {  	s0 =	sshra.s32 s0, $0x1F;
	s1 =	sld [smem:$0x665]  }
0x1e4: {  	s0 =	smul.u32 $0x14F8B589, s0;
	_ =	sdelay $0x1  }
0x1e5: {  	[smem:$0x6EA] =	sst s0;
	s0 =	spop (v2sf);
	s1 =	sadd.s32 s2, s1  }
0x1e6: {  	s2 =	smulhi.u32 $0x14F8B589, s0;
	[smem:$0x770] =	sst s1  }
0x1e7: {  	s1 =	sld [smem:$0x667]  }
0x1e8: {  	[smem:$0x6EB] =	sst s2  }
0x1e9: {  	s2 =	sld [smem:$0x668];
	_ =	sdelay $0x2  }
0x1ea: {  	s1 =	sadd.s32 s2, s1;
	s2 =	sld [smem:$0x66A]  }
0x1eb: {  	[smem:$0x772] =	sst s1  }
0x1ec: {  	s0 =	sshra.s32 s0, $0x1F;
	s1 =	sld [smem:$0x669]  }
0x1ed: {  	s0 =	smul.u32 $0x14F8B589, s0;
	_ =	sdelay $0x1  }
0x1ee: {  	[smem:$0x6EC] =	sst s0;
	s0 =	spop (v2sf);
	s1 =	sadd.s32 s2, s1  }
0x1ef: {  	s2 =	smulhi.u32 $0x14F8B589, s0;
	[smem:$0x765] =	sst s1  }
0x1f0: {  	s1 =	sld [smem:$0x66B]  }
0x1f1: {  	[smem:$0x6ED] =	sst s2  }
0x1f2: {  	s2 =	sld [smem:$0x66C];
	_ =	sdelay $0x2  }
0x1f3: {  	s1 =	sadd.s32 s2, s1;
	s2 =	sld [smem:$0x66E]  }
0x1f4: {  	[smem:$0x773] =	sst s1  }
0x1f5: {  	s0 =	sshra.s32 s0, $0x1F;
	s1 =	sld [smem:$0x66D]  }
0x1f6: {  	s0 =	smul.u32 $0x14F8B589, s0;
	_ =	sdelay $0x1  }
0x1f7: {  	[smem:$0x6EE] =	sst s0;
	s0 =	spop (v2sf);
	s1 =	sadd.s32 s2, s1  }
0x1f8: {  	s2 =	smulhi.u32 $0x14F8B589, s0;
	[smem:$0x774] =	sst s1  }
0x1f9: {  	s1 =	sld [smem:$0x66F]  }
0x1fa: {  	[smem:$0x6EF] =	sst s2  }
0x1fb: {  	s2 =	sld [smem:$0x670];
	_ =	sdelay $0x2  }
0x1fc: {  	s1 =	sadd.s32 s2, s1;
	s2 =	sld [smem:$0x672]  }
0x1fd: {  	[smem:$0x776] =	sst s1  }
0x1fe: {  	s0 =	sshra.s32 s0, $0x1F;
	s1 =	sld [smem:$0x671]  }
0x1ff: {  	s0 =	smul.u32 $0x14F8B589, s0;
	_ =	sdelay $0x1  }
0x200: {  	[smem:$0x6F0] =	sst s0;
	s0 =	spop (v2sf);
	s1 =	sadd.s32 s2, s1  }
0x201: {  	s2 =	smulhi.u32 $0x14F8B589, s0;
	[smem:$0x778] =	sst s1  }
0x202: {  	s1 =	sld [smem:$0x673]  }
0x203: {  	[smem:$0x6F1] =	sst s2  }
0x204: {  	s2 =	sld [smem:$0x674];
	_ =	sdelay $0x2  }
0x205: {  	s1 =	sadd.s32 s2, s1;
	s2 =	sld [smem:$0x676]  }
0x206: {  	[smem:$0x77A] =	sst s1  }
0x207: {  	(v2sf) =	vpush v13, $0xF;
	s0 =	sshra.s32 s0, $0x1F;
	s1 =	sld [smem:$0x675]  }
0x208: {  	s0 =	smul.u32 $0x14F8B589, s0;
	_ =	sdelay $0x1  }
0x209: {  	[smem:$0x6F2] =	sst s0;
	s0 =	spop (v2sf);
	s1 =	sadd.s32 s2, s1  }
0x20a: {  	s2 =	smulhi.u32 $0x14F8B589, s0;
	[smem:$0x77B] =	sst s1  }
0x20b: {  	s1 =	sld [smem:$0x677]  }
0x20c: {  	[smem:$0x6F3] =	sst s2  }
0x20d: {  	s2 =	sld [smem:$0x678];
	_ =	sdelay $0x2  }
0x20e: {  	s1 =	sadd.s32 s2, s1;
	s2 =	sld [smem:$0x67A]  }
0x20f: {  	[smem:$0x77D] =	sst s1  }
0x210: {  	(v2sf) =	vpush v13, $0x9;
	s0 =	sshra.s32 s0, $0x1F;
	s1 =	sld [smem:$0x679]  }
0x211: {  	s0 =	smul.u32 $0x14F8B589, s0;
	_ =	sdelay $0x1  }
0x212: {  	[smem:$0x6F4] =	sst s0;
	s0 =	spop (v2sf);
	s1 =	sadd.s32 s2, s1  }
0x213: {  	s2 =	smulhi.u32 $0x14F8B589, s0;
	[smem:$0x77F] =	sst s1  }
0x214: {  	s1 =	sld [smem:$0x67B]  }
0x215: {  	[smem:$0x6F5] =	sst s2  }
0x216: {  	s2 =	sld [smem:$0x67C];
	_ =	sdelay $0x2  }
0x217: {  	s1 =	sadd.s32 s2, s1;
	s2 =	sld [smem:$0x67E]  }
0x218: {  	[smem:$0x777] =	sst s1  }
0x219: {  	(v2sf) =	vpush v13, $0x8;
	s0 =	sshra.s32 s0, $0x1F;
	s1 =	sld [smem:$0x67D]  }
0x21a: {  	s0 =	smul.u32 $0x14F8B589, s0;
	_ =	sdelay $0x1  }
0x21b: {  	[smem:$0x6F6] =	sst s0;
	s0 =	spop (v2sf);
	s1 =	sadd.s32 s2, s1  }
0x21c: {  	s2 =	smulhi.u32 $0x14F8B589, s0;
	[smem:$0x779] =	sst s1  }
0x21d: {  	s1 =	sld [smem:$0x67F]  }
0x21e: {  	[smem:$0x6F7] =	sst s2  }
0x21f: {  	s2 =	sld [smem:$0x680];
	_ =	sdelay $0x2  }
0x220: {  	s1 =	sadd.s32 s2, s1;
	s2 =	sld [smem:$0x682]  }
0x221: {  	[smem:$0x77C] =	sst s1  }
0x222: {  	(v2sf) =	vpush v13, $0xA;
	s0 =	sshra.s32 s0, $0x1F;
	s1 =	sld [smem:$0x681]  }
0x223: {  	s0 =	smul.u32 $0x14F8B589, s0;
	_ =	sdelay $0x1  }
0x224: {  	[smem:$0x6F8] =	sst s0;
	s0 =	spop (v2sf);
	s1 =	sadd.s32 s2, s1  }
0x225: {  	s2 =	smulhi.u32 $0x14F8B589, s0;
	[smem:$0x77E] =	sst s1  }
0x226: {  	s1 =	sld [smem:$0x683]  }
0x227: {  	[smem:$0x6F9] =	sst s2  }
0x228: {  	s2 =	sld [smem:$0x684];
	_ =	sdelay $0x2  }
0x229: {  	s1 =	sadd.s32 s2, s1;
	s2 =	sld [smem:$0x686]  }
0x22a: {  	[smem:$0x780] =	sst s1  }
0x22b: {  	(v2sf) =	vpush v13, $0xB;
	s0 =	sshra.s32 s0, $0x1F;
	s1 =	sld [smem:$0x685]  }
0x22c: {  	s0 =	smul.u32 $0x14F8B589, s0;
	_ =	sdelay $0x1  }
0x22d: {  	[smem:$0x6FA] =	sst s0;
	s0 =	spop (v2sf);
	s1 =	sadd.s32 s2, s1  }
0x22e: {  	s2 =	smulhi.u32 $0x14F8B589, s0;
	[smem:$0x781] =	sst s1  }
0x22f: {  	s1 =	sld [smem:$0x687]  }
0x230: {  	[smem:$0x6FB] =	sst s2  }
0x231: {  	s2 =	sld [smem:$0x688];
	_ =	sdelay $0x2  }
0x232: {  	s1 =	sadd.s32 s2, s1;
	s2 =	sld [smem:$0x68A]  }
0x233: {  	[smem:$0x782] =	sst s1  }
0x234: {  	(v2sf) =	vpush v13, $0x0;
	s0 =	sshra.s32 s0, $0x1F;
	s1 =	sld [smem:$0x689]  }
0x235: {  	s0 =	smul.u32 $0x14F8B589, s0;
	_ =	sdelay $0x1  }
0x236: {  	[smem:$0x6FC] =	sst s0;
	s0 =	spop (v2sf);
	s1 =	sadd.s32 s2, s1  }
0x237: {  	s2 =	smulhi.u32 $0x14F8B589, s0;
	[smem:$0x775] =	sst s1  }
0x238: {  	s1 =	sld [smem:$0x68B]  }
0x239: {  	[smem:$0x6FD] =	sst s2  }
0x23a: {  	s2 =	sld [smem:$0x68C];
	_ =	sdelay $0x2  }
0x23b: {  	s1 =	sadd.s32 s2, s1;
	s2 =	sld [smem:$0x68E]  }
0x23c: {  	[smem:$0x783] =	sst s1  }
0x23d: {  	(v2sf) =	vpush v13, $0x1;
	s0 =	sshra.s32 s0, $0x1F;
	s1 =	sld [smem:$0x68D]  }
0x23e: {  	s0 =	smul.u32 $0x14F8B589, s0;
	_ =	sdelay $0x1  }
0x23f: {  	[smem:$0x6FE] =	sst s0;
	s0 =	spop (v2sf);
	s1 =	sadd.s32 s2, s1  }
0x240: {  	s2 =	smulhi.u32 $0x14F8B589, s0;
	[smem:$0x785] =	sst s1  }
0x241: {  	s1 =	sld [smem:$0x68F]  }
0x242: {  	[smem:$0x6FF] =	sst s2  }
0x243: {  	s2 =	sld [smem:$0x690];
	_ =	sdelay $0x2  }
0x244: {  	s1 =	sadd.s32 s2, s1;
	s2 =	sld [smem:$0x692]  }
0x245: {  	[smem:$0x787] =	sst s1  }
0x246: {  	(v2sf) =	vpush v13, $0x2;
	s0 =	sshra.s32 s0, $0x1F;
	s1 =	sld [smem:$0x691]  }
0x247: {  	s0 =	smul.u32 $0x14F8B589, s0;
	_ =	sdelay $0x1  }
0x248: {  	[smem:$0x700] =	sst s0;
	s0 =	spop (v2sf);
	s1 =	sadd.s32 s2, s1  }
0x249: {  	s2 =	smulhi.u32 $0x14F8B589, s0;
	[smem:$0x788] =	sst s1  }
0x24a: {  	s1 =	sld [smem:$0x693]  }
0x24b: {  	[smem:$0x701] =	sst s2  }
0x24c: {  	s2 =	sld [smem:$0x694];
	_ =	sdelay $0x2  }
0x24d: {  	s1 =	sadd.s32 s2, s1;
	s2 =	sld [smem:$0x696]  }
0x24e: {  	[smem:$0x78A] =	sst s1  }
0x24f: {  	(v2sf) =	vpush v13, $0x3;
	s0 =	sshra.s32 s0, $0x1F;
	s1 =	sld [smem:$0x695]  }
0x250: {  	s0 =	smul.u32 $0x14F8B589, s0;
	_ =	sdelay $0x1  }
0x251: {  	[smem:$0x702] =	sst s0;
	s0 =	spop (v2sf);
	s1 =	sadd.s32 s2, s1  }
0x252: {  	s2 =	smulhi.u32 $0x14F8B589, s0;
	[smem:$0x78C] =	sst s1  }
0x253: {  	s1 =	sld [smem:$0x697]  }
0x254: {  	[smem:$0x703] =	sst s2  }
0x255: {  	s2 =	sld [smem:$0x698];
	_ =	sdelay $0x2  }
0x256: {  	s1 =	sadd.s32 s2, s1;
	s2 =	sld [smem:$0x69A]  }
0x257: {  	[smem:$0x78E] =	sst s1  }
0x258: {  	(v2sf) =	vpush v13, $0x4;
	s0 =	sshra.s32 s0, $0x1F;
	s1 =	sld [smem:$0x699]  }
0x259: {  	s0 =	smul.u32 $0x14F8B589, s0;
	_ =	sdelay $0x1  }
0x25a: {  	[smem:$0x704] =	sst s0;
	s0 =	spop (v2sf);
	s1 =	sadd.s32 s2, s1  }
0x25b: {  	s2 =	smulhi.u32 $0x14F8B589, s0;
	[smem:$0x791] =	sst s1  }
0x25c: {  	s1 =	sld [smem:$0x69B]  }
0x25d: {  	[smem:$0x705] =	sst s2  }
0x25e: {  	s2 =	sld [smem:$0x69C];
	_ =	sdelay $0x2  }
0x25f: {  	s1 =	sadd.s32 s2, s1;
	s2 =	sld [smem:$0x69E]  }
0x260: {  	[smem:$0x786] =	sst s1  }
0x261: {  	(v2sf) =	vpush v13, $0x5;
	s0 =	sshra.s32 s0, $0x1F;
	s1 =	sld [smem:$0x69D]  }
0x262: {  	s0 =	smul.u32 $0x14F8B589, s0;
	_ =	sdelay $0x1  }
0x263: {  	[smem:$0x706] =	sst s0;
	s0 =	spop (v2sf);
	s1 =	sadd.s32 s2, s1  }
0x264: {  	s2 =	smulhi.u32 $0x14F8B589, s0;
	[smem:$0x789] =	sst s1  }
0x265: {  	s1 =	sld [smem:$0x69F]  }
0x266: {  	[smem:$0x707] =	sst s2  }
0x267: {  	s2 =	sld [smem:$0x6A0];
	_ =	sdelay $0x2  }
0x268: {  	s1 =	sadd.s32 s2, s1;
	s2 =	sld [smem:$0x6A2]  }
0x269: {  	[smem:$0x78B] =	sst s1  }
0x26a: {  	(v2sf) =	vpush v13, $0x6;
	s0 =	sshra.s32 s0, $0x1F;
	s1 =	sld [smem:$0x6A1]  }
0x26b: {  	s0 =	smul.u32 $0x14F8B589, s0;
	_ =	sdelay $0x1  }
0x26c: {  	[smem:$0x708] =	sst s0;
	s0 =	spop (v2sf);
	s1 =	sadd.s32 s2, s1  }
0x26d: {  	s2 =	smulhi.u32 $0x14F8B589, s0;
	[smem:$0x78D] =	sst s1  }
0x26e: {  	s1 =	sld [smem:$0x6A3]  }
0x26f: {  	[smem:$0x709] =	sst s2  }
0x270: {  	s2 =	sld [smem:$0x6A4];
	_ =	sdelay $0x2  }
0x271: {  	s1 =	sadd.s32 s2, s1;
	s2 =	sld [smem:$0x6A6]  }
0x272: {  	[smem:$0x78F] =	sst s1  }
0x273: {  	(v2sf) =	vpush v13, $0x7;
	s0 =	sshra.s32 s0, $0x1F;
	s1 =	sld [smem:$0x6A5]  }
0x274: {  	s0 =	smul.u32 $0x14F8B589, s0;
	_ =	sdelay $0x1  }
0x275: {  	[smem:$0x70A] =	sst s0;
	s0 =	spop (v2sf);
	s1 =	sadd.s32 s2, s1  }
0x276: {  	s2 =	smulhi.u32 $0x14F8B589, s0;
	[smem:$0x790] =	sst s1  }
0x277: {  	s1 =	sld [smem:$0x6A7]  }
0x278: {  	[smem:$0x70B] =	sst s2  }
0x279: {  	s2 =	sld [smem:$0x6A8];
	_ =	sdelay $0x2  }
0x27a: {  	s1 =	sadd.s32 s2, s1;
	s2 =	sld [smem:$0x6AA]  }
0x27b: {  	v14 =	vadd.s32 $0x19919, v13;
	[smem:$0x792] =	sst s1  }
0x27c: {  	(v2sf) =	vpush v14, $0xD;
	s0 =	sshra.s32 s0, $0x1F;
	s1 =	sld [smem:$0x6A9]  }
0x27d: {  	s0 =	smul.u32 $0x14F8B589, s0;
	_ =	sdelay $0x1  }
0x27e: {  	[smem:$0x70C] =	sst s0;
	s0 =	spop (v2sf);
	s1 =	sadd.s32 s2, s1  }
0x27f: {  	s2 =	smulhi.u32 $0x14F8B589, s0;
	[smem:$0x784] =	sst s1  }
0x280: {  	s1 =	sld [smem:$0x6AB]  }
0x281: {  	[smem:$0x70D] =	sst s2  }
0x282: {  	s2 =	sld [smem:$0x6AC];
	_ =	sdelay $0x2  }
0x283: {  	s1 =	sadd.s32 s2, s1;
	s2 =	sld [smem:$0x6AE]  }
0x284: {  	[smem:$0x793] =	sst s1  }
0x285: {  	(v2sf) =	vpush v14, $0xC;
	s0 =	sshra.s32 s0, $0x1F;
	s1 =	sld [smem:$0x6AD]  }
0x286: {  	s0 =	smul.u32 $0x14F8B589, s0;
	_ =	sdelay $0x1  }
0x287: {  	[smem:$0x70E] =	sst s0;
	s0 =	spop (v2sf);
	s1 =	sadd.s32 s2, s1  }
0x288: {  	s2 =	smulhi.u32 $0x14F8B589, s0;
	[smem:$0x794] =	sst s1  }
0x289: {  	s1 =	sld [smem:$0x6AF]  }
0x28a: {  	[smem:$0x70F] =	sst s2  }
0x28b: {  	s2 =	sld [smem:$0x6B0];
	_ =	sdelay $0x2  }
0x28c: {  	s1 =	sadd.s32 s2, s1;
	s2 =	sld [smem:$0x6B2]  }
0x28d: {  	[smem:$0x795] =	sst s1  }
0x28e: {  	(v2sf) =	vpush v14, $0xE;
	s0 =	sshra.s32 s0, $0x1F;
	s1 =	sld [smem:$0x6B1]  }
0x28f: {  	s0 =	smul.u32 $0x14F8B589, s0;
	_ =	sdelay $0x1  }
0x290: {  	[smem:$0x710] =	sst s0;
	s0 =	spop (v2sf);
	s1 =	sadd.s32 s2, s1  }
0x291: {  	s2 =	smulhi.u32 $0x14F8B589, s0;
	[smem:$0x796] =	sst s1  }
0x292: {  	s1 =	sld [smem:$0x6B3]  }
0x293: {  	[smem:$0x711] =	sst s2  }
0x294: {  	s2 =	sld [smem:$0x6B4];
	_ =	sdelay $0x2  }
0x295: {  	s1 =	sadd.s32 s2, s1;
	s2 =	sld [smem:$0x6B6]  }
0x296: {  	[smem:$0x799] =	sst s1  }
0x297: {  	(v2sf) =	vpush v14, $0xF;
	s0 =	sshra.s32 s0, $0x1F;
	s1 =	sld [smem:$0x6B5]  }
0x298: {  	s0 =	smul.u32 $0x14F8B589, s0;
	_ =	sdelay $0x1  }
0x299: {  	[smem:$0x712] =	sst s0;
	s0 =	spop (v2sf);
	s1 =	sadd.s32 s2, s1  }
0x29a: {  	s2 =	smulhi.u32 $0x14F8B589, s0;
	[smem:$0x79A] =	sst s1  }
0x29b: {  	s1 =	sld [smem:$0x6B7]  }
0x29c: {  	[smem:$0x713] =	sst s2  }
0x29d: {  	s2 =	sld [smem:$0x6B8];
	_ =	sdelay $0x2  }
0x29e: {  	s1 =	sadd.s32 s2, s1;
	s2 =	sld [smem:$0x6BA]  }
0x29f: {  	[smem:$0x79D] =	sst s1  }
0x2a0: {  	(v2sf) =	vpush v14, $0x9;
	s0 =	sshra.s32 s0, $0x1F;
	s1 =	sld [smem:$0x6B9]  }
0x2a1: {  	s0 =	smul.u32 $0x14F8B589, s0;
	_ =	sdelay $0x1  }
0x2a2: {  	[smem:$0x714] =	sst s0;
	s0 =	spop (v2sf);
	s1 =	sadd.s32 s2, s1  }
0x2a3: {  	s2 =	smulhi.u32 $0x14F8B589, s0;
	[smem:$0x7A0] =	sst s1  }
0x2a4: {  	s1 =	sld [smem:$0x6BB]  }
0x2a5: {  	[smem:$0x715] =	sst s2  }
0x2a6: {  	s2 =	sld [smem:$0x6BC];
	_ =	sdelay $0x2  }
0x2a7: {  	s1 =	sadd.s32 s2, s1;
	s2 =	sld [smem:$0x6BE]  }
0x2a8: {  	[smem:$0x798] =	sst s1  }
0x2a9: {  	(v2sf) =	vpush v14, $0x8;
	s0 =	sshra.s32 s0, $0x1F;
	s1 =	sld [smem:$0x6BD]  }
0x2aa: {  	s0 =	smul.u32 $0x14F8B589, s0;
	_ =	sdelay $0x1  }
0x2ab: {  	[smem:$0x716] =	sst s0;
	s0 =	spop (v2sf);
	s1 =	sadd.s32 s2, s1  }
0x2ac: {  	s2 =	smulhi.u32 $0x14F8B589, s0;
	[smem:$0x79B] =	sst s1  }
0x2ad: {  	s1 =	sld [smem:$0x6BF]  }
0x2ae: {  	[smem:$0x717] =	sst s2  }
0x2af: {  	s2 =	sld [smem:$0x6C0];
	_ =	sdelay $0x2  }
0x2b0: {  	s1 =	sadd.s32 s2, s1;
	s2 =	sld [smem:$0x6C2]  }
0x2b1: {  	[smem:$0x79C] =	sst s1  }
0x2b2: {  	(v2sf) =	vpush v14, $0xA;
	s0 =	sshra.s32 s0, $0x1F;
	s1 =	sld [smem:$0x6C1]  }
0x2b3: {  	s0 =	smul.u32 $0x14F8B589, s0;
	_ =	sdelay $0x1  }
0x2b4: {  	[smem:$0x718] =	sst s0;
	s0 =	spop (v2sf);
	s1 =	sadd.s32 s2, s1  }
0x2b5: {  	s2 =	smulhi.u32 $0x14F8B589, s0;
	[smem:$0x79E] =	sst s1  }
0x2b6: {  	s1 =	sld [smem:$0x6C3]  }
0x2b7: {  	[smem:$0x719] =	sst s2  }
0x2b8: {  	s2 =	sld [smem:$0x6C4];
	_ =	sdelay $0x2  }
0x2b9: {  	s1 =	sadd.s32 s2, s1;
	s2 =	sld [smem:$0x6C6]  }
0x2ba: {  	[smem:$0x79F] =	sst s1  }
0x2bb: {  	(v2sf) =	vpush v14, $0xB;
	s0 =	sshra.s32 s0, $0x1F;
	s1 =	sld [smem:$0x6C5]  }
0x2bc: {  	s0 =	smul.u32 $0x14F8B589, s0;
	_ =	sdelay $0x1  }
0x2bd: {  	[smem:$0x71A] =	sst s0;
	s0 =	spop (v2sf);
	s1 =	sadd.s32 s2, s1  }
0x2be: {  	s2 =	smulhi.u32 $0x14F8B589, s0;
	[smem:$0x7A1] =	sst s1  }
0x2bf: {  	s1 =	sld [smem:$0x6C7]  }
0x2c0: {  	[smem:$0x71B] =	sst s2  }
0x2c1: {  	s2 =	sld [smem:$0x6C8]  }
0x2c2: {  	s14 =	sadd.s32 s14, s13  }
0x2c3: {  	[smem:$0x7A8] =	sst s14  }
0x2c4: {  	s1 =	sadd.s32 s2, s1;
	s2 =	sld [smem:$0x6CA]  }
0x2c5: {  	[smem:$0x7A2] =	sst s1  }
0x2c6: {  	s16 =	sadd.s32 s18, s16;
	(v2sf) =	vpush v14, $0x0;
	s0 =	sshra.s32 s0, $0x1F;
	s1 =	sld [smem:$0x6C9]  }
0x2c7: {  	s18 =	sadd.s32 s19, s17;
	[smem:$0x7AB] =	sst s16;
	s0 =	smul.u32 $0x14F8B589, s0  }
0x2c8: {  	[smem:$0x7AD] =	sst s18  }
0x2c9: {  	[smem:$0x71C] =	sst s0;
	s0 =	spop (v2sf);
	s1 =	sadd.s32 s2, s1  }
0x2ca: {  	s2 =	smulhi.u32 $0x14F8B589, s0;
	[smem:$0x797] =	sst s1  }
0x2cb: {  	s1 =	sld [smem:$0x6CB]  }
0x2cc: {  	[smem:$0x71D] =	sst s2  }
0x2cd: {  	s11 =	sadd.s32 s4, s11;
	s2 =	sld [smem:$0x6CC]  }
0x2ce: {  	s25 =	sadd.s32 s28, s25;
	[smem:$0x7B0] =	sst s11  }
0x2cf: {  	[smem:$0x7B4] =	sst s25  }
0x2d0: {  	s1 =	sadd.s32 s2, s1;
	s2 =	sld [smem:$0x6CE]  }
0x2d1: {  	[smem:$0x7A3] =	sst s1  }
0x2d2: {  	s28 =	sadd.s32 s29, s26;
	(v2sf) =	vpush v14, $0x1;
	s0 =	sshra.s32 s0, $0x1F;
	s1 =	sld [smem:$0x6CD]  }
0x2d3: {  	s31 =	sadd.s32 s31, s30;
	[smem:$0x7B5] =	sst s28;
	s0 =	smul.u32 $0x14F8B589, s0  }
0x2d4: {  	[smem:$0x7B7] =	sst s31  }
0x2d5: {  	[smem:$0x71E] =	sst s0;
	s0 =	spop (v2sf);
	s1 =	sadd.s32 s2, s1  }
0x2d6: {  	s2 =	smulhi.u32 $0x14F8B589, s0;
	[smem:$0x7A4] =	sst s1  }
0x2d7: {  	s1 =	sld [smem:$0x6CF]  }
0x2d8: {  	[smem:$0x71F] =	sst s2  }
0x2d9: {  	s9 =	sadd.s32 s9, s6;
	s2 =	sld [smem:$0x6D0]  }
0x2da: {  	s18 =	sadd.s32 s21, s5;
	[smem:$0x7B9] =	sst s9  }
0x2db: {  	[smem:$0x7B1] =	sst s18  }
0x2dc: {  	s1 =	sadd.s32 s2, s1;
	s2 =	sld [smem:$0x6D2]  }
0x2dd: {  	[smem:$0x7A5] =	sst s1  }
0x2de: {  	s21 =	sadd.s32 s23, s8;
	(v2sf) =	vpush v14, $0x2;
	s0 =	sshra.s32 s0, $0x1F;
	s1 =	sld [smem:$0x6D1]  }
0x2df: {  	s23 =	sadd.s32 s24, s22;
	[smem:$0x7A6] =	sst s21;
	s0 =	smul.u32 $0x14F8B589, s0  }
0x2e0: {  	[smem:$0x7B3] =	sst s23  }
0x2e1: {  	[smem:$0x720] =	sst s0;
	s0 =	spop (v2sf);
	s1 =	sadd.s32 s2, s1  }
0x2e2: {  	s2 =	smulhi.u32 $0x14F8B589, s0;
	[smem:$0x7A7] =	sst s1  }
0x2e3: {  	s1 =	sld [smem:$0x6D3]  }
0x2e4: {  	[smem:$0x721] =	sst s2  }
0x2e5: {  	s2 =	sld [smem:$0x6D4]  }
0x2e6: {  	s18 =	sld [smem:$0x6DA]  }
0x2e7: {  	s22 =	sld [smem:$0x6DD];
	(v2sf) =	vpush v14, $0x3  }
0x2e8: {  	s1 =	sadd.s32 s2, s1;
	s2 =	sld [smem:$0x6D6]  }
0x2e9: {  	(v2sf) =	vpush v14, $0x4;
	[smem:$0x7A9] =	sst s1  }
0x2ea: {  	s0 =	sshra.s32 s0, $0x1F;
	s1 =	sld [smem:$0x6D5]  }
0x2eb: {  	s23 =	sld [smem:$0x6DE];
	(v2sf) =	vpush v14, $0x5;
	s0 =	smul.u32 $0x14F8B589, s0  }
0x2ec: {  	s25 =	sld [smem:$0x6DF]  }
0x2ed: {  	(v2sf) =	vpush v14, $0x6;
	[smem:$0x722] =	sst s0;
	s0 =	spop (v2sf);
	s1 =	sadd.s32 s2, s1  }
0x2ee: {  	(v2sf) =	vpush v14, $0x7;
	s2 =	smulhi.u32 $0x14F8B589, s0;
	[smem:$0x7AA] =	sst s1  }
0x2ef: {  	s1 =	sld [smem:$0x6D7]  }
0x2f0: {  	v15 =	vadd.s32 $0x33232, v13;
	[smem:$0x723] =	sst s2  }
0x2f1: {  	(v2sf) =	vpush v15, $0xD;
	s2 =	sld [smem:$0x6D8]  }
0x2f2: {  	s26 =	sld [smem:$0x6E0];
	(v2sf) =	vpush v15, $0xC;
	s0 =	sshra.s32 s0, $0x1F  }
0x2f3: {  	s30 =	sld [smem:$0x6E2];
	s0 =	smul.u32 $0x14F8B589, s0  }
0x2f4: {  	s1 =	sadd.s32 s2, s1;
	s2 =	sld [smem:$0x6D9]  }
0x2f5: {  	[smem:$0x724] =	sst s0  }
0x2f6: {  	s0 =	spop (v2sf);
	[smem:$0x7AC] =	sst s1  }
0x2f7: {  	s1 =	sadd.s32 s15, s2;
	s15 =	smulhi.u32 $0x14F8B589, s0;
	s0 =	sshra.s32 s0, $0x1F  }
0x2f8: {  	s2 =	spop (v2sf);
	s14 =	smul.u32 $0x14F8B589, s0  }
0x2f9: {  	[smem:$0x7AE] =	sst s1;
	s13 =	smulhi.u32 $0x14F8B589, s2;
	s0 =	sshra.s32 s2, $0x1F  }
0x2fa: {  	s19 =	spop (v2sf);
	s2 =	sadd.s32 s20, s12;
	s16 =	smul.u32 $0x14F8B589, s0  }
0x2fb: {  	(v2sf) =	vpush v15, $0xE;
	[smem:$0x7AF] =	sst s2;
	s12 =	smulhi.u32 $0x14F8B589, s19;
	s0 =	sshra.s32 s19, $0x1F  }
0x2fc: {  	s17 =	spop (v2sf);
	s19 =	sadd.s32 s3, s7;
	s11 =	smul.u32 $0x14F8B589, s0  }
0x2fd: {  	s0 =	sshra.s32 s17, $0x1F;
	[smem:$0x7B2] =	sst s19;
	s20 =	spop (v2sf)  }
0x2fe: {  	s1 =	sadd.s32 s18, s10;
	s19 =	sld [smem:$0x6DB];
	s3 =	smul.u32 $0x14F8B589, s0  }
0x2ff: {  	s5 =	smulhi.u32 $0x14F8B589, s20;
	s0 =	sshra.s32 s20, $0x1F;
	s20 =	sld [smem:$0x6DC]  }
0x300: {  	[smem:$0x7BB] =	sst s1;
	s24 =	spop (v2sf)  }
0x301: {  	s8 =	smul.u32 $0x14F8B589, s0;
	s0 =	sshra.s32 s24, $0x1F;
	s29 =	spop (v2sf)  }
0x302: {  	s0 =	smul.u32 $0x14F8B589, s0;
	s1 =	sadd.s32 s20, s19;
	s19 =	sld [smem:$0x6E5]  }
0x303: {  	(v2sf) =	vpush v15, $0xF;
	s2 =	smulhi.u32 $0x14F8B589, s29;
	s20 =	sld [smem:$0x6E6]  }
0x304: {  	[smem:$0x725] =	sst s0  }
0x305: {  	[smem:$0x726] =	sst s2  }
0x306: {  	[smem:$0x7BC] =	sst s1  }
0x307: {  	s0 =	sshra.s32 s29, $0x1F;
	s29 =	sld [smem:$0x6E1]  }
0x308: {  	s2 =	sld [smem:$0x6E3]  }
0x309: {  	s4 =	smulhi.u32 $0x14F8B589, s17;
	s1 =	sadd.s32 s23, s22;
	s22 =	sld [smem:$0x6E7]  }
0x30a: {  	s17 =	spop (v2sf);
	s23 =	sld [smem:$0x6E8]  }
0x30b: {  	s6 =	smulhi.u32 $0x14F8B589, s17;
	[smem:$0x7BE] =	sst s1  }
0x30c: {  	s9 =	smul.u32 $0x14F8B589, s0;
	s0 =	sshra.s32 s17, $0x1F;
	s17 =	sld [smem:$0x6E4]  }
0x30d: {  	s1 =	sadd.s32 s26, s25;
	s25 =	sld [smem:$0x6E9]  }
0x30e: {  	s26 =	sld [smem:$0x6EA]  }
0x30f: {  	[smem:$0x7B8] =	sst s1  }
0x310: {  	s1 =	sadd.s32 s30, s29;
	s29 =	sld [smem:$0x6EB]  }
0x311: {  	s7 =	smulhi.u32 $0x14F8B589, s24;
	s30 =	sld [smem:$0x6EC]  }
0x312: {  	s21 =	spop (v2sf);
	[smem:$0x7BA] =	sst s1  }
0x313: {  	s24 =	smulhi.u32 $0x14F8B589, s21;
	s1 =	sadd.s32 s17, s2;
	s2 =	sld [smem:$0x6ED]  }
0x314: {  	(v2sf) =	vpush v15, $0x9;
	s17 =	sld [smem:$0x6EE]  }
0x315: {  	[smem:$0x727] =	sst s24  }
0x316: {  	s10 =	smul.u32 $0x14F8B589, s0;
	s0 =	sshra.s32 s21, $0x1F;
	[smem:$0x7BD] =	sst s1  }
0x317: {  	s0 =	smul.u32 $0x14F8B589, s0;
	s1 =	sadd.s32 s20, s19;
	s19 =	sld [smem:$0x6EF]  }
0x318: {  	(v2sf) =	vpush v15, $0x8;
	s20 =	sld [smem:$0x6F0]  }
0x319: {  	[smem:$0x728] =	sst s0  }
0x31a: {  	[smem:$0x7BF] =	sst s1  }
0x31b: {  	s1 =	sadd.s32 s23, s22;
	s22 =	sld [smem:$0x6F1]  }
0x31c: {  	s23 =	sld [smem:$0x6F2]  }
0x31d: {  	(v2sf) =	vpush v15, $0xA;
	[smem:$0x7C0] =	sst s1  }
0x31e: {  	s1 =	sadd.s32 s26, s25;
	s25 =	sld [smem:$0x6F3]  }
0x31f: {  	s26 =	sld [smem:$0x6F4]  }
0x320: {  	[smem:$0x7C1] =	sst s1  }
0x321: {  	(v2sf) =	vpush v15, $0xB;
	s1 =	sadd.s32 s30, s29;
	s29 =	sld [smem:$0x6F5]  }
0x322: {  	s30 =	sld [smem:$0x6F6]  }
0x323: {  	s28 =	spop (v2sf);
	[smem:$0x7C2] =	sst s1  }
0x324: {  	s31 =	smulhi.u32 $0x14F8B589, s28;
	s1 =	sadd.s32 s17, s2;
	s2 =	sld [smem:$0x6F7]  }
0x325: {  	s17 =	sld [smem:$0x6F8]  }
0x326: {  	[smem:$0x729] =	sst s31  }
0x327: {  	s0 =	sshra.s32 s28, $0x1F;
	s18 =	spop (v2sf);
	[smem:$0x7B6] =	sst s1  }
0x328: {  	s0 =	smul.u32 $0x14F8B589, s0;
	s1 =	sadd.s32 s20, s19;
	s19 =	sld [smem:$0x6F9]  }
0x329: {  	s21 =	smulhi.u32 $0x14F8B589, s18;
	s20 =	sld [smem:$0x6FA]  }
0x32a: {  	[smem:$0x72A] =	sst s0  }
0x32b: {  	[smem:$0x72B] =	sst s21  }
0x32c: {  	(v2sf) =	vpush v15, $0x0;
	s24 =	spop (v2sf);
	[smem:$0x7C3] =	sst s1  }
0x32d: {  	s28 =	smulhi.u32 $0x14F8B589, s24;
	s1 =	sadd.s32 s23, s22;
	s22 =	sld [smem:$0x6FB]  }
0x32e: {  	s23 =	sld [smem:$0x6FC]  }
0x32f: {  	[smem:$0x72D] =	sst s28  }
0x330: {  	s31 =	spop (v2sf);
	s0 =	sshra.s32 s18, $0x1F;
	[smem:$0x7C4] =	sst s1  }
0x331: {  	s18 =	smulhi.u32 $0x14F8B589, s31;
	s1 =	sadd.s32 s26, s25;
	s25 =	sld [smem:$0x6FD]  }
0x332: {  	s26 =	sld [smem:$0x6FE]  }
0x333: {  	[smem:$0x72F] =	sst s18  }
0x334: {  	[smem:$0x7C5] =	sst s1  }
0x335: {  	s0 =	smul.u32 $0x14F8B589, s0;
	s1 =	sadd.s32 s30, s29;
	s29 =	sld [smem:$0x6FF]  }
0x336: {  	s30 =	sld [smem:$0x700]  }
0x337: {  	(v2sf) =	vpush v15, $0x1;
	[smem:$0x72C] =	sst s0  }
0x338: {  	[smem:$0x7C6] =	sst s1  }
0x339: {  	s1 =	sadd.s32 s17, s2;
	s2 =	sld [smem:$0x701]  }
0x33a: {  	s17 =	sld [smem:$0x702]  }
0x33b: {  	s21 =	spop (v2sf);
	s0 =	sshra.s32 s24, $0x1F;
	[smem:$0x7C7] =	sst s1  }
0x33c: {  	s24 =	smulhi.u32 $0x14F8B589, s21;
	s1 =	sadd.s32 s20, s19;
	s19 =	sld [smem:$0x703]  }
0x33d: {  	s20 =	sld [smem:$0x704]  }
0x33e: {  	[smem:$0x731] =	sst s24  }
0x33f: {  	[smem:$0x7C9] =	sst s1  }
0x340: {  	s0 =	smul.u32 $0x14F8B589, s0;
	s1 =	sadd.s32 s23, s22;
	s22 =	sld [smem:$0x705]  }
0x341: {  	s23 =	sld [smem:$0x706]  }
0x342: {  	(v2sf) =	vpush v15, $0x2;
	[smem:$0x72E] =	sst s0  }
0x343: {  	[smem:$0x7CB] =	sst s1  }
0x344: {  	s1 =	sadd.s32 s26, s25;
	s25 =	sld [smem:$0x707]  }
0x345: {  	s26 =	sld [smem:$0x708]  }
0x346: {  	s28 =	spop (v2sf);
	s0 =	sshra.s32 s31, $0x1F;
	[smem:$0x7CD] =	sst s1  }
0x347: {  	s31 =	smulhi.u32 $0x14F8B589, s28;
	s1 =	sadd.s32 s30, s29;
	s29 =	sld [smem:$0x709]  }
0x348: {  	s30 =	sld [smem:$0x70A]  }
0x349: {  	[smem:$0x733] =	sst s31  }
0x34a: {  	(v2sf) =	vpush v15, $0x3;
	[smem:$0x7CA] =	sst s1  }
0x34b: {  	s0 =	smul.u32 $0x14F8B589, s0;
	s1 =	sadd.s32 s17, s2;
	s2 =	sld [smem:$0x70B]  }
0x34c: {  	s17 =	sld [smem:$0x70C]  }
0x34d: {  	[smem:$0x730] =	sst s0  }
0x34e: {  	[smem:$0x7CC] =	sst s1  }
0x34f: {  	s1 =	sadd.s32 s20, s19;
	s19 =	sld [smem:$0x70D]  }
0x350: {  	(v2sf) =	vpush v15, $0x4;
	s20 =	sld [smem:$0x70E]  }
0x351: {  	(v2sf) =	vpush v15, $0x5;
	s18 =	spop (v2sf);
	s0 =	sshra.s32 s21, $0x1F;
	[smem:$0x7CE] =	sst s1  }
0x352: {  	s21 =	smulhi.u32 $0x14F8B589, s18;
	s1 =	sadd.s32 s23, s22;
	s22 =	sld [smem:$0x70F]  }
0x353: {  	s23 =	sld [smem:$0x710]  }
0x354: {  	(v2sf) =	vpush v15, $0x6;
	[smem:$0x735] =	sst s21  }
0x355: {  	[smem:$0x7CF] =	sst s1  }
0x356: {  	s0 =	smul.u32 $0x14F8B589, s0;
	s1 =	sadd.s32 s26, s25;
	s25 =	sld [smem:$0x711]  }
0x357: {  	(v2sf) =	vpush v15, $0x7;
	s26 =	sld [smem:$0x712]  }
0x358: {  	[smem:$0x732] =	sst s0  }
0x359: {  	s24 =	spop (v2sf);
	s0 =	sshra.s32 s28, $0x1F;
	[smem:$0x7D0] =	sst s1  }
0x35a: {  	s28 =	smulhi.u32 $0x14F8B589, s24;
	s1 =	sadd.s32 s30, s29;
	s30 =	sld [smem:$0x713]  }
0x35b: {  	v16 =	vadd.s32 $0x4CB4B, v13;
	s0 =	smul.u32 $0x14F8B589, s0;
	[smem:$0x7D1] =	sst s1  }
0x35c: {  	(v2sf) =	vpush v16, $0xD;
	[smem:$0x737] =	sst s28  }
0x35d: {  	s1 =	sadd.s32 s17, s2;
	[smem:$0x734] =	sst s0;
	s0 =	sshra.s32 s18, $0x1F  }
0x35e: {  	[smem:$0x7D2] =	sst s1;
	s0 =	smul.u32 $0x14F8B589, s0  }
0x35f: {  	s31 =	spop (v2sf);
	s1 =	sadd.s32 s20, s19;
	s19 =	sld [smem:$0x716]  }
0x360: {  	(v2sf) =	vpush v16, $0xC;
	s21 =	spop (v2sf);
	[smem:$0x736] =	sst s0;
	s0 =	sshra.s32 s24, $0x1F  }
0x361: {  	[smem:$0x7C8] =	sst s1;
	s1 =	sadd.s32 s23, s22;
	s0 =	smul.u32 $0x14F8B589, s0  }
0x362: {  	s18 =	smulhi.u32 $0x14F8B589, s31;
	[smem:$0x7D3] =	sst s1  }
0x363: {  	s28 =	spop (v2sf);
	[smem:$0x738] =	sst s0;
	s0 =	sshra.s32 s31, $0x1F  }
0x364: {  	s1 =	sadd.s32 s26, s25;
	[smem:$0x739] =	sst s18;
	s0 =	smul.u32 $0x14F8B589, s0  }
0x365: {  	[smem:$0x7D4] =	sst s1;
	s31 =	smulhi.u32 $0x14F8B589, s28  }
0x366: {  	s18 =	spop (v2sf);
	[smem:$0x73A] =	sst s0;
	s0 =	sshra.s32 s21, $0x1F  }
0x367: {  	[smem:$0x73D] =	sst s31;
	s0 =	smul.u32 $0x14F8B589, s0  }
0x368: {  	s24 =	smulhi.u32 $0x14F8B589, s21;
	s31 =	sld [smem:$0x714]  }
0x369: {  	s21 =	smulhi.u32 $0x14F8B589, s18;
	[smem:$0x73C] =	sst s0;
	s0 =	sshra.s32 s28, $0x1F  }
0x36a: {  	[smem:$0x73B] =	sst s24;
	s0 =	smul.u32 $0x14F8B589, s0  }
0x36b: {  	s24 =	spop (v2sf);
	[smem:$0x73F] =	sst s21;
	s1 =	sadd.s32 s31, s30  }
0x36c: {  	(v2sf) =	vpush v16, $0xE;
	s28 =	smulhi.u32 $0x14F8B589, s24;
	[smem:$0x73E] =	sst s0;
	s0 =	sshra.s32 s18, $0x1F  }
0x36d: {  	(v2sf) =	vpush v16, $0xF;
	s18 =	sld [smem:$0x715];
	s29 =	smul.u32 $0x14F8B589, s0;
	s0 =	sshra.s32 s24, $0x1F  }
0x36e: {  	(v2sf) =	vpush v16, $0x9;
	[smem:$0x7D5] =	sst s1;
	s0 =	smul.u32 $0x14F8B589, s0  }
0x36f: {  	(v2sf) =	vpush v16, $0x8;
	s17 =	spop (v2sf);
	[smem:$0x740] =	sst s28  }
0x370: {  	(v2sf) =	vpush v16, $0xA;
	s20 =	smulhi.u32 $0x14F8B589, s17;
	s1 =	sadd.s32 s19, s18;
	[smem:$0x741] =	sst s0  }
0x371: {  	(v2sf) =	vpush v16, $0xB;
	[smem:$0x7D6] =	sst s1  }
0x372: {  	s15 =	sadd.s32 s14, s15;
	(v2sf) =	vpush v16, $0x0;
	[smem:$0x742] =	sst s20  }
0x373: {  	s16 =	sadd.s32 s16, s13;
	[smem:$0x7DF] =	sst s15  }
0x374: {  	[smem:$0x7E0] =	sst s16  }
0x375: {  	s1 =	sld [smem:$0x717]  }
0x376: {  	s21 =	sld [smem:$0x718]  }
0x377: {  	s23 =	sld [smem:$0x719]  }
0x378: {  	s24 =	sld [smem:$0x71A]  }
0x379: {  	s25 =	sld [smem:$0x71B]  }
0x37a: {  	s30 =	sld [smem:$0x71C]  }
0x37b: {  	s2 =	sld [smem:$0x71D]  }
0x37c: {  	s0 =	sshra.s32 s17, $0x1F;
	s17 =	sld [smem:$0x71E]  }
0x37d: {  	s26 =	smul.u32 $0x14F8B589, s0;
	s18 =	sld [smem:$0x71F]  }
0x37e: {  	s22 =	spop (v2sf);
	s19 =	sld [smem:$0x720]  }
0x37f: {  	s28 =	smulhi.u32 $0x14F8B589, s22;
	s1 =	sadd.s32 s21, s1;
	s21 =	sld [smem:$0x721]  }
0x380: {  	s0 =	sshra.s32 s22, $0x1F;
	s31 =	spop (v2sf);
	[smem:$0x7D7] =	sst s1  }
0x381: {  	s20 =	spop (v2sf);
	s1 =	sadd.s32 s24, s23;
	s23 =	sld [smem:$0x722]  }
0x382: {  	s24 =	smul.u32 $0x14F8B589, s0;
	s0 =	sshra.s32 s31, $0x1F;
	[smem:$0x7D9] =	sst s1  }
0x383: {  	s1 =	sadd.s32 s30, s25;
	s25 =	smulhi.u32 $0x14F8B589, s31;
	s30 =	sld [smem:$0x723]  }
0x384: {  	s22 =	smul.u32 $0x14F8B589, s0;
	s31 =	sld [smem:$0x724]  }
0x385: {  	s0 =	sshra.s32 s20, $0x1F;
	[smem:$0x7DB] =	sst s1;
	s1 =	sadd.s32 s17, s2  }
0x386: {  	s2 =	spop (v2sf);
	s24 =	sadd.s32 s24, s28;
	[smem:$0x7DD] =	sst s1  }
0x387: {  	s1 =	sadd.s32 s19, s18;
	s19 =	sadd.s32 s11, s12;
	s11 =	sld [smem:$0x729]  }
0x388: {  	[smem:$0x7DA] =	sst s1;
	s1 =	sadd.s32 s23, s21;
	s23 =	smulhi.u32 $0x14F8B589, s20  }
0x389: {  	[smem:$0x7F5] =	sst s24;
	s20 =	smul.u32 $0x14F8B589, s0  }
0x38a: {  	s22 =	sadd.s32 s22, s25;
	s21 =	smulhi.u32 $0x14F8B589, s2;
	[smem:$0x7E1] =	sst s19  }
0x38b: {  	s0 =	sshra.s32 s2, $0x1F;
	s2 =	sadd.s32 s8, s5;
	s5 =	sld [smem:$0x726]  }
0x38c: {  	[smem:$0x7F6] =	sst s22  }
0x38d: {  	[smem:$0x7DC] =	sst s1  }
0x38e: {  	(v2sf) =	vpush v16, $0x1;
	[smem:$0x7D8] =	sst s2  }
0x38f: {  	(v2sf) =	vpush v16, $0x2;
	s1 =	sadd.s32 s31, s30;
	s30 =	sadd.s32 s3, s4;
	s3 =	sld [smem:$0x725]  }
0x390: {  	s17 =	spop (v2sf);
	s2 =	sld [smem:$0x731]  }
0x391: {  	s18 =	smul.u32 $0x14F8B589, s0;
	[smem:$0x7DE] =	sst s1  }
0x392: {  	s0 =	sshra.s32 s17, $0x1F;
	s31 =	spop (v2sf);
	[smem:$0x7E2] =	sst s30  }
0x393: {  	s16 =	smul.u32 $0x14F8B589, s0;
	s0 =	sshra.s32 s31, $0x1F;
	s4 =	spop (v2sf)  }
0x394: {  	s30 =	sld [smem:$0x72A];
	s15 =	smul.u32 $0x14F8B589, s0  }
0x395: {  	s14 =	smulhi.u32 $0x14F8B589, s4;
	s0 =	sshra.s32 s4, $0x1F;
	s4 =	sld [smem:$0x72C]  }
0x396: {  	s1 =	sadd.s32 s3, s7;
	s7 =	sadd.s32 s10, s6;
	s10 =	sld [smem:$0x728]  }
0x397: {  	s3 =	sld [smem:$0x72B]  }
0x398: {  	(v2sf) =	vpush v16, $0x3;
	s6 =	sld [smem:$0x72E]  }
0x399: {  	[smem:$0x7E3] =	sst s1  }
0x39a: {  	s19 =	smulhi.u32 $0x14F8B589, s17;
	s1 =	sadd.s32 s9, s5;
	s9 =	sld [smem:$0x727]  }
0x39b: {  	(v2sf) =	vpush v16, $0x4;
	s17 =	smulhi.u32 $0x14F8B589, s31;
	[smem:$0x7E5] =	sst s7  }
0x39c: {  	s12 =	smul.u32 $0x14F8B589, s0;
	s5 =	sld [smem:$0x72D]  }
0x39d: {  	(v2sf) =	vpush v16, $0x5;
	[smem:$0x7E4] =	sst s1;
	s8 =	spop (v2sf);
	s1 =	sadd.s32 s10, s9  }
0x39e: {  	s0 =	sshra.s32 s8, $0x1F;
	s31 =	spop (v2sf);
	[smem:$0x7E6] =	sst s1  }
0x39f: {  	s1 =	sadd.s32 s30, s11;
	s10 =	smul.u32 $0x14F8B589, s0;
	s30 =	sld [smem:$0x72F]  }
0x3a0: {  	s11 =	smulhi.u32 $0x14F8B589, s31;
	s0 =	sshra.s32 s31, $0x1F;
	s31 =	sld [smem:$0x730]  }
0x3a1: {  	[smem:$0x7E7] =	sst s1  }
0x3a2: {  	s1 =	sadd.s32 s4, s3;
	s3 =	sld [smem:$0x732]  }
0x3a3: {  	[smem:$0x7E8] =	sst s1  }
0x3a4: {  	s1 =	sadd.s32 s6, s5;
	s5 =	sld [smem:$0x733]  }
0x3a5: {  	s6 =	sld [smem:$0x734]  }
0x3a6: {  	s13 =	smulhi.u32 $0x14F8B589, s8;
	[smem:$0x7E9] =	sst s1  }
0x3a7: {  	s7 =	spop (v2sf);
	s1 =	sadd.s32 s31, s30;
	s30 =	sld [smem:$0x735]  }
0x3a8: {  	s8 =	smul.u32 $0x14F8B589, s0;
	s31 =	sld [smem:$0x736]  }
0x3a9: {  	s9 =	smulhi.u32 $0x14F8B589, s7;
	s0 =	sshra.s32 s7, $0x1F;
	[smem:$0x7EA] =	sst s1  }
0x3aa: {  	s4 =	spop (v2sf);
	s1 =	sadd.s32 s3, s2;
	s2 =	sld [smem:$0x739]  }
0x3ab: {  	s7 =	smul.u32 $0x14F8B589, s0;
	[smem:$0x7EB] =	sst s1;
	s1 =	sadd.s32 s6, s5  }
0x3ac: {  	s0 =	sshra.s32 s4, $0x1F;
	s3 =	spop (v2sf);
	[smem:$0x7ED] =	sst s1  }
0x3ad: {  	s6 =	smulhi.u32 $0x14F8B589, s4;
	s1 =	sadd.s32 s31, s30;
	s30 =	sld [smem:$0x737]  }
0x3ae: {  	s5 =	smul.u32 $0x14F8B589, s0;
	s31 =	sld [smem:$0x738]  }
0x3af: {  	(v2sf) =	vpush v16, $0x6;
	s4 =	smulhi.u32 $0x14F8B589, s3;
	s0 =	sshra.s32 s3, $0x1F;
	s3 =	sld [smem:$0x73A]  }
0x3b0: {  	[smem:$0x7EE] =	sst s1  }
0x3b1: {  	s1 =	sadd.s32 s31, s30;
	s30 =	sld [smem:$0x73B]  }
0x3b2: {  	(v2sf) =	vpush v16, $0x7;
	s31 =	sld [smem:$0x73C]  }
0x3b3: {  	[smem:$0x7EF] =	sst s1;
	s1 =	sadd.s32 s3, s2  }
0x3b4: {  	v17 =	vadd.s32 $0x66464, v13;
	[smem:$0x7F0] =	sst s1  }
0x3b5: {  	(v2sf) =	vpush v17, $0xD;
	s1 =	sadd.s32 s31, s30;
	s30 =	sld [smem:$0x73E]  }
0x3b6: {  	[smem:$0x7F1] =	sst s1  }
0x3b7: {  	s20 =	sadd.s32 s20, s23;
	(v2sf) =	vpush v17, $0xC;
	s1 =	sld [smem:$0x73D]  }
0x3b8: {  	[smem:$0x7F7] =	sst s20;
	s18 =	sadd.s32 s18, s21  }
0x3b9: {  	[smem:$0x7F8] =	sst s18;
	(v2sf) =	vpush v17, $0xE  }
0x3ba: {  	s16 =	sadd.s32 s16, s19;
	s1 =	sadd.s32 s30, s1;
	s30 =	sld [smem:$0x73F]  }
0x3bb: {  	[smem:$0x7F9] =	sst s16;
	s15 =	sadd.s32 s15, s17;
	(v2sf) =	vpush v17, $0xF  }
0x3bc: {  	[smem:$0x7FA] =	sst s15  }
0x3bd: {  	(v2sf) =	vpush v17, $0x9;
	s3 =	smul.u32 $0x14F8B589, s0;
	s31 =	sadd.s32 s29, s30;
	s29 =	sld [smem:$0x740]  }
0x3be: {  	s12 =	sadd.s32 s12, s14;
	s0 =	spop (v2sf);
	s30 =	sld [smem:$0x741]  }
0x3bf: {  	[smem:$0x7FB] =	sst s12;
	(v2sf) =	vpush v17, $0x8;
	s2 =	smulhi.u32 $0x14F8B589, s0;
	s0 =	sshra.s32 s0, $0x1F  }
0x3c0: {  	s8 =	sadd.s32 s8, s11;
	[smem:$0x7F2] =	sst s1;
	s1 =	smul.u32 $0x14F8B589, s0  }
0x3c1: {  	(v2sf) =	vpush v17, $0xA;
	s0 =	spop (v2sf);
	s29 =	sadd.s32 s30, s29;
	s30 =	sld [smem:$0x742]  }
0x3c2: {  	[smem:$0x7EC] =	sst s31;
	s31 =	smulhi.u32 $0x14F8B589, s0;
	s0 =	sshra.s32 s0, $0x1F  }
0x3c3: {  	s21 =	sadd.s32 s10, s13;
	[smem:$0x7FC] =	sst s8;
	s0 =	smul.u32 $0x14F8B589, s0  }
0x3c4: {  	(v2sf) =	vpush v17, $0xB;
	[smem:$0x7F3] =	sst s29;
	s29 =	spop (v2sf);
	s26 =	sadd.s32 s26, s30  }
0x3c5: {  	[smem:$0x7F4] =	sst s26;
	s26 =	smulhi.u32 $0x14F8B589, s29;
	s29 =	sshra.s32 s29, $0x1F  }
0x3c6: {  	s7 =	sadd.s32 s7, s9;
	(v2sf) =	vpush v17, $0x0;
	s24 =	smul.u32 $0x14F8B589, s29;
	s29 =	spop (v2sf)  }
0x3c7: {  	[smem:$0x7FD] =	sst s7;
	s22 =	smulhi.u32 $0x14F8B589, s29;
	s30 =	sshra.s32 s29, $0x1F  }
0x3c8: {  	s5 =	sadd.s32 s5, s6;
	s25 =	spop (v2sf);
	s20 =	smul.u32 $0x14F8B589, s30  }
0x3c9: {  	s6 =	sld [smem:$0x74D];
	s18 =	smulhi.u32 $0x14F8B589, s25;
	s28 =	sshra.s32 s25, $0x1F  }
0x3ca: {  	s3 =	sadd.s32 s3, s4;
	s29 =	spop (v2sf);
	s16 =	smul.u32 $0x14F8B589, s28  }
0x3cb: {  	[dreg:$0x1d] =	wrdreg s3;
	s15 =	smulhi.u32 $0x14F8B589, s29;
	s30 =	sshra.s32 s29, $0x1F  }
0x3cc: {  	s1 =	sadd.s32 s1, s2;
	s19 =	spop (v2sf);
	s12 =	smul.u32 $0x14F8B589, s30  }
0x3cd: {  	[dreg:$0x1c] =	wrdreg s1;
	s10 =	smulhi.u32 $0x14F8B589, s19;
	s23 =	sshra.s32 s19, $0x1F  }
0x3ce: {  	s25 =	spop (v2sf);
	s30 =	sadd.s32 s24, s26;
	s8 =	smul.u32 $0x14F8B589, s23  }
0x3cf: {  	s9 =	sadd.s32 s20, s22;
	s24 =	sld [smem:$0x747];
	s7 =	smulhi.u32 $0x14F8B589, s25  }
0x3d0: {  	s28 =	sshra.s32 s25, $0x1F;
	s11 =	spop (v2sf);
	[dreg:$0x1a] =	wrdreg s30  }
0x3d1: {  	[dreg:$0x1b] =	wrdreg s9;
	s30 =	sadd.s32 s16, s18;
	s29 =	smul.u32 $0x14F8B589, s28  }
0x3d2: {  	s16 =	sld [smem:$0x745];
	s13 =	smulhi.u32 $0x14F8B589, s11;
	s14 =	sshra.s32 s11, $0x1F  }
0x3d3: {  	s19 =	spop (v2sf);
	s17 =	smul.u32 $0x14F8B589, s14  }
0x3d4: {  	s23 =	sadd.s32 s0, s31;
	s18 =	sld [smem:$0x746];
	s25 =	smulhi.u32 $0x14F8B589, s19  }
0x3d5: {  	s2 =	sshra.s32 s19, $0x1F;
	s14 =	sld [smem:$0x744];
	s31 =	spop (v2sf)  }
0x3d6: {  	s26 =	sadd.s32 s8, s10;
	s8 =	sld [smem:$0x748];
	s11 =	smulhi.u32 $0x14F8B589, s31  }
0x3d7: {  	s4 =	sshra.s32 s31, $0x1F;
	s31 =	sadd.s32 s12, s15;
	s12 =	sld [smem:$0x743]  }
0x3d8: {  	s28 =	sadd.s32 s29, s7;
	s29 =	sadd.s32 s17, s13;
	s17 =	sshrl.u32 s16, $0x1F  }
0x3d9: {  	s3 =	sshra.s32 s24, $0xD;
	s2 =	smul.u32 $0x14F8B589, s2;
	v2 =	vmov s17;
	s15 =	sshrl.u32 s14, $0x1F  }
0x3da: {  	s19 =	sshra.s32 s18, $0xD;
	s7 =	sshrl.u32 s24, $0x1F;
	v2 =	vsel vm0, s15, v2;
	s13 =	sshra.s32 s12, $0x1F  }
0x3db: {  	s20 =	sshrl.u32 s18, $0x1F;
	s22 =	sshra.s32 s18, $0x1F;
	v2 =	vsel vm1, s7, v2;
	s7 =	sld [smem:$0x74A];
	v0 =	vmov s13  }
0x3dc: {  	s0 =	sadd.s32 s2, s25;
	s4 =	smul.u32 $0x14F8B589, s4;
	s13 =	sld [smem:$0x749];
	v0 =	vsel vm3, s19, v0  }
0x3dd: {  	s9 =	sshra.s32 s8, $0xD;
	s10 =	sshrl.u32 s8, $0x1F;
	v0 =	vsel vm9, s22, v0;
	s22 =	sld [smem:$0x74B]  }
0x3de: {  	[dreg:$0x1e] =	wrdreg s0;
	s25 =	sadd.s32 s4, s11;
	s11 =	sshra.s32 s8, $0x1F;
	v0 =	vsel vm0, s9, v0  }
0x3df: {  	v3 =	vmov s20;
	s0 =	sshra.s32 s16, $0xD;
	s19 =	sshrl.u32 s13, $0x1F;
	v0 =	vsel vm10, s11, v0;
	s11 =	sld [smem:$0x74C]  }
0x3e0: {  	s16 =	sld [smem:$0x74E];
	s20 =	sshrl.u32 s7, $0x1F;
	v4 =	vsel vm2, s19, v2;
	v2 =	vnsel vm3, $0x0, v3;
	s24 =	sshra.s32 s22, $0xD  }
0x3e1: {  	v2 =	vsel vm0, s10, v2;
	s8 =	sshrl.u32 s22, $0x1F;
	s9 =	sshra.s32 s22, $0x1F;
	s22 =	sld [smem:$0x750]  }
0x3e2: {  	s1 =	sshra.s32 s14, $0xD;
	v3 =	vmov s20;
	v0 =	vsel vm1, s24, v0;
	v2 =	vsel vm1, s8, v2;
	s8 =	sld [smem:$0x74F];
	s14 =	sshrl.u32 s11, $0x1F  }
0x3e3: {  	s15 =	sshrl.u32 s6, $0x1F;
	s18 =	sshra.s32 s16, $0xD;
	v0 =	vsel vm11, s9, v0;
	v3 =	vsel vm0, s14, v3;
	s14 =	sld [smem:$0x751]  }
0x3e4: {  	s17 =	sshrl.u32 s16, $0x1F;
	s13 =	sshra.s32 s13, $0xD;
	v0 =	vsel vm2, s18, v0;
	s18 =	sld [smem:$0x752]  }
0x3e5: {  	s19 =	sshra.s32 s16, $0x1F;
	s10 =	sld [smem:$0x756];
	v2 =	vsel vm2, s17, v2;
	s24 =	sshrl.u32 s22, $0x1F  }
0x3e6: {  	s16 =	sshra.s32 s22, $0xD;
	v3 =	vsel vm1, s15, v3;
	s20 =	sshrl.u32 s8, $0x1F;
	v2 =	vsel vm4, s24, v2;
	v0 =	vsel vm12, s19, v0;
	s15 =	sshrl.u32 s14, $0x1F  }
0x3e7: {  	s17 =	sshra.s32 s22, $0x1F;
	s22 =	sshrl.u32 s12, $0x1F;
	v18 =	vsel vm2, s20, v3;
	v3 =	vmov s0;
	s19 =	sshrl.u32 s18, $0x1F;
	v2 =	vsel vm5, s15, v2  }
0x3e8: {  	s0 =	sshra.s32 s11, $0xD;
	s20 =	sshra.s32 s7, $0xD;
	v3 =	vsel vm0, s1, v3;
	v2 =	vsel vm6, s19, v2;
	s19 =	sld [smem:$0x754]  }
0x3e9: {  	s7 =	sshra.s32 s6, $0xD;
	s11 =	sshra.s32 s8, $0xD;
	v21 =	vsel vm7, s22, v2;
	v2 =	vsel vm1, s3, v3;
	s22 =	sld [smem:$0x755]  }
0x3ea: {  	v0 =	vsel vm4, s16, v0;
	s24 =	sshra.s32 s14, $0xD;
	s14 =	sshra.s32 s14, $0x1F;
	v19 =	vsel vm2, s13, v2;
	s13 =	sld [smem:$0x753]  }
0x3eb: {  	v0 =	vsel vm13, s17, v0;
	s16 =	sshra.s32 s18, $0x1F;
	s15 =	sshra.s32 s18, $0xD;
	s18 =	sshra.s32 s12, $0xD;
	v2 =	vmov s20  }
0x3ec: {  	v0 =	vsel vm5, s24, v0;
	s12 =	sld [smem:$0x757];
	v2 =	vsel vm0, s0, v2;
	s20 =	sshrl.u32 s19, $0x1F;
	s0 =	sshra.s32 s19, $0xD  }
0x3ed: {  	v0 =	vsel vm14, s14, v0;
	s19 =	sld [smem:$0x759];
	s24 =	sshra.s32 s22, $0xD;
	s17 =	sshra.s32 s13, $0x1F  }
0x3ee: {  	v0 =	vsel vm6, s15, v0;
	v2 =	vsel vm1, s7, v2;
	s8 =	sshrl.u32 s22, $0x1F;
	s9 =	sshra.s32 s22, $0x1F;
	s22 =	sld [smem:$0x75A];
	v3 =	vmov s17  }
0x3ef: {  	v0 =	vsel vm15, s16, v0;
	s14 =	sshra.s32 s12, $0xD;
	v20 =	vsel vm2, s11, v2;
	s11 =	sshrl.u32 s10, $0x1F;
	s17 =	sld [smem:$0x758];
	v3 =	vsel vm3, s24, v3  }
0x3f0: {  	s15 =	sshrl.u32 s12, $0x1F;
	s16 =	sshra.s32 s12, $0x1F;
	s12 =	sld [smem:$0x75C];
	v53 =	vsel vm7, s18, v0;
	v2 =	vmov s11;
	v0 =	vsel vm9, s9, v3  }
0x3f1: {  	s3 =	sshra.s32 s10, $0xD;
	s7 =	sld [smem:$0x75B];
	v2 =	vsel vm0, s20, v2;
	s20 =	sshrl.u32 s19, $0x1F;
	v0 =	vsel vm0, s14, v0  }
0x3f2: {  	s24 =	sshra.s32 s22, $0xD;
	s10 =	sshra.s32 s22, $0x1F;
	v3 =	vmov s8;
	s18 =	sshrl.u32 s17, $0x1F;
	v0 =	vsel vm10, s16, v0  }
0x3f3: {  	s9 =	sshrl.u32 s22, $0x1F;
	v3 =	vnsel vm3, $0x0, v3;
	s14 =	sshrl.u32 s12, $0x1F;
	v2 =	vsel vm1, s18, v2;
	s18 =	sld [smem:$0x75E];
	v0 =	vsel vm1, s24, v0  }
0x3f4: {  	v3 =	vsel vm0, s15, v3;
	s15 =	sshra.s32 s12, $0xD;
	s16 =	sshra.s32 s12, $0x1F;
	s12 =	sld [smem:$0x760];
	v0 =	vsel vm11, s10, v0  }
0x3f5: {  	v54 =	vsel vm2, s20, v2;
	v2 =	vsel vm1, s9, v3;
	s9 =	sld [smem:$0x75D];
	v0 =	vsel vm2, s15, v0  }
0x3f6: {  	s1 =	sshra.s32 s19, $0xD;
	s11 =	sshrl.u32 s7, $0x1F;
	v0 =	vsel vm12, s16, v0;
	s16 =	sld [smem:$0x762]  }
0x3f7: {  	s2 =	sshra.s32 s17, $0xD;
	v2 =	vsel vm2, s14, v2;
	s10 =	sld [smem:$0x75F];
	s19 =	sshrl.u32 s18, $0x1F  }
0x3f8: {  	v3 =	vmov s11;
	s14 =	sld [smem:$0x761];
	s22 =	sshrl.u32 s12, $0x1F;
	s17 =	sshrl.u32 s9, $0x1F;
	v2 =	vsel vm4, s19, v2  }
0x3f9: {  	[dreg:$0x1f] =	wrdreg s5;
	v3 =	vsel vm0, s17, v3;
	v2 =	vsel vm5, s22, v2;
	s17 =	sshrl.u32 s16, $0x1F  }
0x3fa: {  	s24 =	sshra.s32 s18, $0xD;
	s11 =	sshra.s32 s18, $0x1F;
	s19 =	sshrl.u32 s13, $0x1F;
	v2 =	vsel vm6, s17, v2  }
0x3fb: {  	s18 =	sshra.s32 s9, $0xD;
	s20 =	sshrl.u32 s10, $0x1F;
	v0 =	vsel vm4, s24, v0;
	s15 =	sshrl.u32 s14, $0x1F;
	v56 =	vsel vm7, s19, v2;
	v2 =	vmov s3  }
0x3fc: {  	s22 =	sshra.s32 s7, $0xD;
	s8 =	sshra.s32 s14, $0xD;
	s14 =	sld [smem:$0x765];
	v3 =	vsel vm1, s20, v3;
	v0 =	vsel vm13, s11, v0;
	v2 =	vsel vm0, s0, v2  }
0x3fd: {  	s24 =	sshra.s32 s10, $0xD;
	s20 =	sshra.s32 s12, $0xD;
	v57 =	vsel vm2, s15, v3;
	v3 =	vmov s22;
	s15 =	sld [smem:$0x764];
	v2 =	vsel vm1, s2, v2  }
0x3fe: {  	s7 =	sshra.s32 s12, $0x1F;
	s11 =	sshra.s32 s13, $0xD;
	s12 =	sld [smem:$0x763];
	v0 =	vsel vm5, s20, v0;
	v3 =	vsel vm0, s18, v3;
	v2 =	vsel vm2, s1, v2  }
0x3ff: {  	s9 =	sshra.s32 s16, $0xD;
	s10 =	sshra.s32 s16, $0x1F;
	v0 =	vsel vm14, s7, v0;
	s18 =	sld [smem:$0x766];
	[tilespmem:$0x1FE40] =	vst v2;
	v2 =	vsel vm1, s24, v3  }
0x400: {  	s20 =	sld [smem:$0x767];
	s17 =	sshra.s32 s14, $0x1F;
	v0 =	vsel vm6, s9, v0;
	s16 =	sshrl.u32 s15, $0x1F;
	v2 =	vsel vm2, s8, v2  }
0x401: {  	s13 =	sshrl.u32 s12, $0x1F;
	s0 =	sshra.s32 s12, $0xD;
	v0 =	vsel vm15, s10, v0;
	s10 =	sld [smem:$0x768];
	[tilespmem:$0x1FE50] =	vst v2;
	v2 =	vmov s16  }
0x402: {  	s5 =	sshra.s32 s15, $0xD;
	s12 =	sld [smem:$0x769];
	v0 =	vsel vm7, s11, v0;
	s19 =	sshrl.u32 s18, $0x1F;
	v2 =	vsel vm0, s13, v2  }
0x403: {  	s22 =	sshrl.u32 s20, $0x1F;
	[tilespmem:$0x1FE60] =	vst v0;
	v0 =	vmov s17;
	s24 =	sshra.s32 s20, $0xD;
	v2 =	vsel vm1, s19, v2;
	s19 =	sld [smem:$0x76B]  }
0x404: {  	s9 =	sshra.s32 s20, $0x1F;
	s1 =	sshra.s32 s18, $0xD;
	v3 =	vmov s22;
	v0 =	vsel vm3, s24, v0;
	s24 =	sld [smem:$0x76D]  }
0x405: {  	s17 =	sld [smem:$0x76A];
	s11 =	sshrl.u32 s10, $0x1F;
	v3 =	vnsel vm3, $0x0, v3;
	s13 =	sshrl.u32 s12, $0x1F  }
0x406: {  	s15 =	sshra.s32 s12, $0xD;
	v0 =	vsel vm9, s9, v0;
	s9 =	sld [smem:$0x76C];
	v3 =	vsel vm0, s13, v3;
	s20 =	sshrl.u32 s19, $0x1F  }
0x407: {  	s8 =	sld [smem:$0x76F];
	s16 =	sshra.s32 s12, $0x1F;
	s13 =	sshrl.u32 s24, $0x1F;
	v55 =	vsel vm2, s11, v2;
	v2 =	vsel vm1, s20, v3  }
0x408: {  	s18 =	sshrl.u32 s17, $0x1F;
	s2 =	sshra.s32 s17, $0xD;
	v0 =	vsel vm0, s15, v0;
	v2 =	vsel vm2, s13, v2;
	s13 =	sld [smem:$0x76E]  }
0x409: {  	s12 =	sld [smem:$0x770];
	v0 =	vsel vm10, s16, v0;
	s22 =	sshrl.u32 s9, $0x1F;
	s15 =	sshra.s32 s19, $0xD  }
0x40a: {  	s16 =	sshra.s32 s19, $0x1F;
	v0 =	vsel vm1, s15, v0;
	s20 =	sshra.s32 s24, $0xD;
	s15 =	sld [smem:$0x772]  }
0x40b: {  	v3 =	vmov s22;
	s22 =	sshra.s32 s24, $0x1F;
	s24 =	sld [smem:$0x771];
	v0 =	vsel vm11, s16, v0;
	s17 =	sshrl.u32 s13, $0x1F  }
0x40c: {  	s19 =	sshrl.u32 s12, $0x1F;
	v3 =	vsel vm0, s18, v3;
	s18 =	sshrl.u32 s8, $0x1F;
	v0 =	vsel vm2, s20, v0;
	v2 =	vsel vm4, s17, v2  }
0x40d: {  	v3 =	vsel vm1, s18, v3;
	s18 =	sshrl.u32 s14, $0x1F;
	s16 =	sshrl.u32 s15, $0x1F;
	v0 =	vsel vm12, s22, v0;
	v2 =	vsel vm5, s19, v2;
	s19 =	sshra.s32 s13, $0xD  }
0x40e: {  	s11 =	sshrl.u32 s24, $0x1F;
	s22 =	sshra.s32 s24, $0xD;
	s24 =	sshra.s32 s13, $0x1F;
	v2 =	vsel vm6, s16, v2;
	v0 =	vsel vm4, s19, v0  }
0x40f: {  	s7 =	sld [smem:$0x799];
	s20 =	sshra.s32 s8, $0xD;
	s8 =	sshra.s32 s12, $0xD;
	v2 =	vsel vm7, s18, v2;
	v0 =	vsel vm13, s24, v0  }
0x410: {  	s17 =	sshra.s32 s9, $0xD;
	s9 =	sshra.s32 s12, $0x1F;
	s16 =	sld [smem:$0x773];
	[tilespmem:$0x1FEA0] =	vst v2;
	v2 =	vmov s5;
	v0 =	vsel vm5, s8, v0  }
0x411: {  	s3 =	sshra.s32 s10, $0xD;
	s10 =	sshra.s32 s15, $0xD;
	v3 =	vsel vm2, s11, v3;
	s18 =	sld [smem:$0x774];
	v2 =	vsel vm0, s0, v2;
	v0 =	vsel vm14, s9, v0  }
0x412: {  	[tilespmem:$0x1FE70] =	vst v3;
	s12 =	sld [smem:$0x775];
	v3 =	vmov s17;
	s13 =	sshra.s32 s15, $0x1F;
	v2 =	vsel vm1, s1, v2;
	v0 =	vsel vm6, s10, v0  }
0x413: {  	s15 =	sshra.s32 s14, $0xD;
	v3 =	vsel vm0, s2, v3;
	s17 =	sshrl.u32 s16, $0x1F;
	s10 =	sld [smem:$0x777];
	v2 =	vsel vm2, s3, v2;
	v0 =	vsel vm15, s13, v0  }
0x414: {  	s0 =	sshra.s32 s16, $0xD;
	s19 =	sshrl.u32 s18, $0x1F;
	[tilespmem:$0x1FE80] =	vst v2;
	v2 =	vsel vm1, s20, v3;
	v0 =	vsel vm7, s15, v0;
	s15 =	sld [smem:$0x778]  }
0x415: {  	s4 =	sshra.s32 s18, $0xD;
	s20 =	sshra.s32 s12, $0x1F;
	v3 =	vmov s19;
	v2 =	vsel vm2, s22, v2;
	s22 =	sld [smem:$0x776];
	[tilespmem:$0x1FEB0] =	vst v0  }
0x416: {  	s11 =	sshra.s32 s10, $0xD;
	s13 =	sshrl.u32 s10, $0x1F;
	v0 =	vsel vm0, s17, v3;
	s17 =	sld [smem:$0x779];
	[tilespmem:$0x1FE90] =	vst v2;
	v2 =	vmov s20  }
0x417: {  	s14 =	sshra.s32 s10, $0x1F;
	v2 =	vsel vm3, s11, v2;
	s16 =	sshrl.u32 s15, $0x1F;
	s11 =	sld [smem:$0x77B]  }
0x418: {  	s24 =	sshrl.u32 s22, $0x1F;
	s1 =	sshra.s32 s22, $0xD;
	s22 =	sld [smem:$0x77A]  }
0x419: {  	s6 =	sshra.s32 s15, $0xD;
	v2 =	vsel vm9, s14, v2;
	s18 =	sshra.s32 s17, $0xD;
	s14 =	sld [smem:$0x77C];
	v0 =	vsel vm1, s24, v0  }
0x41a: {  	s19 =	sshrl.u32 s17, $0x1F;
	s20 =	sshra.s32 s17, $0x1F;
	v2 =	vsel vm0, s18, v2;
	s18 =	sld [smem:$0x77D];
	v0 =	vsel vm2, s16, v0  }
0x41b: {  	v3 =	vmov s13;
	s13 =	sshrl.u32 s11, $0x1F;
	s3 =	sshra.s32 s11, $0xD;
	[tilespmem:$0x1FEC0] =	vst v0;
	v0 =	vsel vm10, s20, v2;
	s20 =	sld [smem:$0x77E]  }
0x41c: {  	s24 =	sshrl.u32 s22, $0x1F;
	v2 =	vnsel vm3, $0x0, v3;
	s15 =	sshra.s32 s14, $0xD;
	v3 =	vmov s13;
	s13 =	sld [smem:$0x77F]  }
0x41d: {  	s2 =	sshra.s32 s22, $0xD;
	s17 =	sshra.s32 s14, $0x1F;
	v0 =	vsel vm1, s15, v0;
	s15 =	sld [smem:$0x780]  }
0x41e: {  	s16 =	sshrl.u32 s14, $0x1F;
	v2 =	vsel vm0, s19, v2;
	s19 =	sshrl.u32 s18, $0x1F;
	v0 =	vsel vm11, s17, v0;
	s17 =	sld [smem:$0x781]  }
0x41f: {  	v3 =	vsel vm0, s24, v3;
	s5 =	sshra.s32 s18, $0xD;
	v2 =	vsel vm1, s16, v2;
	s22 =	sshrl.u32 s20, $0x1F;
	s24 =	sshra.s32 s20, $0xD  }
0x420: {  	s11 =	sshra.s32 s20, $0x1F;
	v2 =	vsel vm2, s22, v2;
	v0 =	vsel vm2, s24, v0;
	s16 =	sshrl.u32 s15, $0x1F;
	s22 =	sld [smem:$0x782]  }
0x421: {  	v3 =	vsel vm1, s19, v3;
	s14 =	sshrl.u32 s13, $0x1F;
	s19 =	sshra.s32 s15, $0xD;
	v2 =	vsel vm4, s16, v2;
	v0 =	vsel vm12, s11, v0;
	s18 =	sshrl.u32 s17, $0x1F  }
0x422: {  	v3 =	vsel vm2, s14, v3;
	s20 =	sshra.s32 s15, $0x1F;
	s14 =	sshrl.u32 s12, $0x1F;
	v2 =	vsel vm5, s18, v2;
	v0 =	vsel vm4, s19, v0;
	s18 =	sld [smem:$0x783]  }
0x423: {  	s11 =	sshra.s32 s17, $0xD;
	s24 =	sshrl.u32 s22, $0x1F;
	v0 =	vsel vm13, s20, v0;
	s20 =	sld [smem:$0x785]  }
0x424: {  	[tilespmem:$0x1FED0] =	vst v3;
	v3 =	vmov s4;
	s4 =	sshra.s32 s13, $0xD;
	s13 =	sshra.s32 s17, $0x1F;
	v2 =	vsel vm6, s24, v2;
	v0 =	vsel vm5, s11, v0;
	s24 =	sld [smem:$0x786]  }
0x425: {  	v3 =	vsel vm0, s0, v3;
	s15 =	sshra.s32 s22, $0xD;
	v2 =	vsel vm7, s14, v2;
	v0 =	vsel vm14, s13, v0;
	s13 =	sld [smem:$0x784]  }
0x426: {  	s17 =	sshra.s32 s12, $0xD;
	s16 =	sshra.s32 s22, $0x1F;
	s14 =	sld [smem:$0x787];
	[tilespmem:$0x1FF00] =	vst v2;
	v2 =	vsel vm1, s1, v3;
	v0 =	vsel vm6, s15, v0  }
0x427: {  	s0 =	sshra.s32 s18, $0xD;
	s22 =	sshrl.u32 s20, $0x1F;
	v2 =	vsel vm2, s6, v2;
	v0 =	vsel vm15, s16, v0;
	s16 =	sld [smem:$0x788]  }
0x428: {  	s1 =	sshra.s32 s20, $0xD;
	s6 =	sshrl.u32 s18, $0x1F;
	[tilespmem:$0x1FEE0] =	vst v2;
	v2 =	vmov s3;
	v0 =	vsel vm7, s17, v0;
	s17 =	sld [smem:$0x789]  }
0x429: {  	s10 =	sshra.s32 s24, $0xD;
	s11 =	sshrl.u32 s24, $0x1F;
	s19 =	sshra.s32 s13, $0x1F;
	v2 =	vsel vm0, s2, v2  }
0x42a: {  	s12 =	sshra.s32 s24, $0x1F;
	s24 =	sld [smem:$0x78B];
	s15 =	sshrl.u32 s14, $0x1F;
	v3 =	vmov s19;
	v2 =	vsel vm1, s5, v2  }
0x42b: {  	[tilespmem:$0x1FF10] =	vst v0;
	s2 =	sshra.s32 s14, $0xD;
	v3 =	vsel vm3, s10, v3;
	s3 =	sshra.s32 s16, $0xD;
	v2 =	vsel vm2, s4, v2;
	s18 =	sshra.s32 s17, $0xD  }
0x42c: {  	v0 =	vsel vm9, s12, v3;
	s19 =	sshrl.u32 s17, $0x1F;
	s20 =	sshra.s32 s17, $0x1F;
	s17 =	sld [smem:$0x78D];
	[tilespmem:$0x1FEF0] =	vst v2;
	v2 =	vmov s22  }
0x42d: {  	s14 =	sshra.s32 s24, $0x1F;
	s4 =	sshrl.u32 s16, $0x1F;
	v3 =	vmov s11;
	v0 =	vsel vm0, s18, v0;
	s22 =	sld [smem:$0x78A];
	v2 =	vsel vm0, s6, v2  }
0x42e: {  	s11 =	sshra.s32 s24, $0xD;
	s12 =	sshrl.u32 s24, $0x1F;
	v3 =	vnsel vm3, $0x0, v3;
	v0 =	vsel vm10, s20, v0;
	v2 =	vsel vm1, s15, v2;
	s15 =	sld [smem:$0x78C]  }
0x42f: {  	v3 =	vsel vm0, s19, v3;
	v0 =	vsel vm1, s11, v0;
	s18 =	sshrl.u32 s17, $0x1F;
	s19 =	sshra.s32 s17, $0xD;
	s11 =	sld [smem:$0x78F]  }
0x430: {  	s6 =	sshrl.u32 s22, $0x1F;
	s8 =	sshra.s32 s22, $0xD;
	v0 =	vsel vm11, s14, v0;
	s22 =	sld [smem:$0x78E]  }
0x431: {  	s20 =	sshra.s32 s17, $0x1F;
	v2 =	vsel vm2, s4, v2;
	v0 =	vsel vm2, s19, v0;
	s19 =	sld [smem:$0x791];
	s16 =	sshrl.u32 s15, $0x1F  }
0x432: {  	[tilespmem:$0x1FF20] =	vst v2;
	v2 =	vsel vm1, s12, v3;
	s4 =	sshra.s32 s15, $0xD;
	s14 =	sshrl.u32 s11, $0x1F;
	s15 =	sld [smem:$0x790]  }
0x433: {  	v2 =	vsel vm2, s18, v2;
	s17 =	sshra.s32 s11, $0xD;
	s18 =	sshra.s32 s11, $0x1F;
	s11 =	sld [smem:$0x793]  }
0x434: {  	v0 =	vsel vm12, s20, v0;
	s24 =	sshrl.u32 s22, $0x1F;
	s5 =	sshra.s32 s22, $0xD;
	s22 =	sld [smem:$0x792]  }
0x435: {  	v3 =	vmov s16;
	v0 =	vsel vm4, s17, v0;
	s20 =	sshrl.u32 s19, $0x1F;
	s10 =	sshra.s32 s19, $0xD;
	s16 =	sshrl.u32 s15, $0x1F  }
0x436: {  	v2 =	vsel vm4, s14, v2;
	v0 =	vsel vm13, s18, v0;
	s18 =	sshra.s32 s15, $0xD;
	s19 =	sshra.s32 s15, $0x1F;
	s15 =	sld [smem:$0x797]  }
0x437: {  	v3 =	vsel vm0, s6, v3;
	v2 =	vsel vm5, s16, v2;
	s16 =	sld [smem:$0x795]  }
0x438: {  	s17 =	sshrl.u32 s13, $0x1F;
	v3 =	vsel vm1, s24, v3;
	s24 =	sshrl.u32 s22, $0x1F;
	v0 =	vsel vm5, s18, v0;
	s18 =	sld [smem:$0x796]  }
0x439: {  	v3 =	vsel vm2, s20, v3;
	s20 =	sshra.s32 s22, $0xD;
	v2 =	vsel vm6, s24, v2;
	v0 =	vsel vm14, s19, v0;
	s24 =	sshra.s32 s13, $0xD;
	s13 =	sld [smem:$0x794]  }
0x43a: {  	[tilespmem:$0x1FF30] =	vst v3;
	v2 =	vsel vm7, s17, v2;
	v0 =	vsel vm6, s20, v0;
	s20 =	sld [smem:$0x798]  }
0x43b: {  	s12 =	sshrl.u32 s11, $0x1F;
	s22 =	sshra.s32 s22, $0x1F;
	v3 =	vmov s4;
	s19 =	sshra.s32 s15, $0x1F;
	[tilespmem:$0x1FF40] =	vst v2;
	v2 =	vmov s1  }
0x43c: {  	v3 =	vsel vm0, s8, v3;
	s17 =	sshrl.u32 s16, $0x1F;
	v0 =	vsel vm15, s22, v0;
	v2 =	vsel vm0, s0, v2;
	s14 =	sshrl.u32 s13, $0x1F;
	s4 =	sshra.s32 s13, $0xD  }
0x43d: {  	v49 =	vsel vm7, s24, v0;
	v0 =	vmov s19;
	s13 =	sld [smem:$0x79B];
	v2 =	vsel vm1, s2, v2;
	s2 =	sshra.s32 s18, $0xD;
	s22 =	sshrl.u32 s20, $0x1F  }
0x43e: {  	s24 =	sshra.s32 s20, $0xD;
	v47 =	vsel vm2, s3, v2;
	v2 =	vsel vm1, s5, v3;
	s3 =	sshrl.u32 s18, $0x1F;
	v3 =	vmov s22;
	s18 =	sld [smem:$0x79C]  }
0x43f: {  	s1 =	sshra.s32 s16, $0xD;
	v0 =	vsel vm3, s24, v0;
	v45 =	vsel vm2, s10, v2;
	v2 =	vmov s14;
	s10 =	sshra.s32 s20, $0x1F;
	s20 =	sld [smem:$0x79D]  }
0x440: {  	v3 =	vnsel vm3, $0x0, v3;
	s14 =	sshrl.u32 s13, $0x1F;
	s16 =	sshra.s32 s13, $0xD;
	v2 =	vsel vm0, s12, v2;
	v0 =	vsel vm9, s10, v0;
	s12 =	sld [smem:$0x79A]  }
0x441: {  	s6 =	sshra.s32 s7, $0xD;
	v3 =	vsel vm0, s14, v3;
	s14 =	sld [smem:$0x79E];
	v2 =	vsel vm1, s17, v2;
	v0 =	vsel vm0, s16, v0;
	s17 =	sshra.s32 s13, $0x1F  }
0x442: {  	s5 =	sshrl.u32 s7, $0x1F;
	s24 =	sshra.s32 s18, $0xD;
	v0 =	vsel vm10, s17, v0;
	s17 =	sld [smem:$0x7A0]  }
0x443: {  	s7 =	sshrl.u32 s12, $0x1F;
	s8 =	sshra.s32 s12, $0xD;
	s12 =	sld [smem:$0x79F]  }
0x444: {  	s13 =	sshra.s32 s18, $0x1F;
	v0 =	vsel vm1, s24, v0;
	s24 =	sld [smem:$0x7A2]  }
0x445: {  	s19 =	sshrl.u32 s18, $0x1F;
	v2 =	vsel vm2, s3, v2;
	s3 =	sshrl.u32 s20, $0x1F;
	v0 =	vsel vm11, s13, v0;
	s13 =	sld [smem:$0x7A1]  }
0x446: {  	[tilespmem:$0x1FF50] =	vst v2;
	v2 =	vsel vm1, s19, v3;
	s22 =	sshrl.u32 s14, $0x1F;
	v3 =	vmov s7;
	s7 =	sshra.s32 s20, $0xD;
	s20 =	sshra.s32 s14, $0xD  }
0x447: {  	v2 =	vsel vm2, s22, v2;
	s22 =	sshra.s32 s14, $0x1F;
	v3 =	vsel vm0, s5, v3;
	s18 =	sshrl.u32 s17, $0x1F;
	s16 =	sshrl.u32 s12, $0x1F  }
0x448: {  	v0 =	vsel vm2, s20, v0;
	v3 =	vsel vm1, s3, v3;
	s3 =	sshra.s32 s17, $0xD;
	s14 =	sshrl.u32 s24, $0x1F;
	v2 =	vsel vm4, s16, v2;
	s19 =	sshrl.u32 s13, $0x1F  }
0x449: {  	v0 =	vsel vm12, s22, v0;
	s17 =	sshra.s32 s12, $0x1F;
	v3 =	vsel vm2, s18, v3;
	s16 =	sshra.s32 s12, $0xD;
	s18 =	sshrl.u32 s15, $0x1F;
	v2 =	vsel vm5, s19, v2  }
0x44a: {  	s20 =	sshra.s32 s13, $0x1F;
	v0 =	vsel vm4, s16, v0;
	s19 =	sshra.s32 s13, $0xD;
	s13 =	sld [smem:$0x7A4];
	v2 =	vsel vm6, s14, v2  }
0x44b: {  	s0 =	sshra.s32 s11, $0xD;
	s11 =	sld [smem:$0x7A3];
	[tilespmem:$0x1FF60] =	vst v3;
	v0 =	vsel vm13, s17, v0;
	v2 =	vsel vm7, s18, v2  }
0x44c: {  	s9 =	sshra.s32 s15, $0xD;
	s22 =	sshra.s32 s24, $0xD;
	s15 =	sld [smem:$0x7A5];
	v3 =	vmov s8;
	v0 =	vsel vm5, s19, v0;
	[tilespmem:$0x1FF80] =	vst v2;
	v2 =	vmov s4  }
0x44d: {  	v3 =	vsel vm0, s6, v3;
	s14 =	sshrl.u32 s13, $0x1F;
	s6 =	sshra.s32 s13, $0xD;
	v0 =	vsel vm14, s20, v0;
	s13 =	sld [smem:$0x7A6];
	v2 =	vsel vm0, s0, v2  }
0x44e: {  	s24 =	sshra.s32 s24, $0x1F;
	s18 =	sld [smem:$0x7A8];
	v0 =	vsel vm6, s22, v0;
	v2 =	vsel vm1, s1, v2  }
0x44f: {  	s12 =	sshrl.u32 s11, $0x1F;
	s17 =	sld [smem:$0x7A7];
	s5 =	sshrl.u32 s15, $0x1F;
	v0 =	vsel vm15, s24, v0;
	v2 =	vsel vm2, s2, v2  }
0x450: {  	s1 =	sshra.s32 s15, $0xD;
	s15 =	sld [smem:$0x7AB];
	s16 =	sshra.s32 s13, $0x1F;
	v51 =	vsel vm7, s9, v0;
	[tilespmem:$0x1FF70] =	vst v2;
	v2 =	vsel vm1, s7, v3;
	v3 =	vmov s14  }
0x451: {  	s0 =	sshra.s32 s11, $0xD;
	s19 =	sshra.s32 s18, $0xD;
	v50 =	vsel vm2, s3, v2;
	v2 =	vmov s16;
	v0 =	vsel vm0, s12, v3;
	s12 =	sld [smem:$0x7AA]  }
0x452: {  	s20 =	sshrl.u32 s18, $0x1F;
	s22 =	sshra.s32 s18, $0x1F;
	s24 =	sld [smem:$0x7A9];
	v2 =	vsel vm3, s19, v2  }
0x453: {  	s7 =	sshrl.u32 s17, $0x1F;
	s16 =	sshra.s32 s15, $0xD;
	v0 =	vsel vm1, s5, v0;
	s19 =	sld [smem:$0x7AC];
	v2 =	vsel vm9, s22, v2  }
0x454: {  	v3 =	vmov s20;
	s18 =	sshra.s32 s15, $0x1F;
	v0 =	vsel vm2, s7, v0;
	s22 =	sld [smem:$0x7AD];
	s14 =	sshrl.u32 s12, $0x1F;
	v2 =	vsel vm0, s16, v2  }
0x455: {  	s2 =	sshra.s32 s17, $0xD;
	s8 =	sshrl.u32 s24, $0x1F;
	[tilespmem:$0x1FF90] =	vst v0;
	v0 =	vsel vm10, s18, v2;
	v2 =	vnsel vm3, $0x0, v3;
	v3 =	vmov s14;
	s14 =	sld [smem:$0x7AE]  }
0x456: {  	s3 =	sshra.s32 s24, $0xD;
	s17 =	sshrl.u32 s15, $0x1F;
	s4 =	sshra.s32 s12, $0xD  }
0x457: {  	s16 =	sld [smem:$0x7AF];
	s20 =	sshrl.u32 s19, $0x1F;
	s10 =	sshra.s32 s19, $0xD;
	v3 =	vsel vm0, s8, v3  }
0x458: {  	s24 =	sshra.s32 s22, $0xD;
	v3 =	vsel vm1, s20, v3;
	s20 =	sld [smem:$0x7B0];
	s15 =	sshrl.u32 s14, $0x1F  }
0x459: {  	s11 =	sshrl.u32 s22, $0x1F;
	s12 =	sshra.s32 s22, $0x1F;
	v0 =	vsel vm1, s24, v0;
	v48 =	vsel vm2, s15, v3;
	s15 =	sld [smem:$0x7B1]  }
0x45a: {  	v2 =	vsel vm0, s17, v2;
	s17 =	sshrl.u32 s16, $0x1F;
	s18 =	sshra.s32 s16, $0xD;
	s19 =	sshra.s32 s16, $0x1F;
	v0 =	vsel vm11, s12, v0  }
0x45b: {  	s5 =	sshra.s32 s14, $0xD;
	v0 =	vsel vm2, s18, v0;
	s22 =	sshrl.u32 s20, $0x1F;
	s24 =	sshra.s32 s20, $0xD  }
0x45c: {  	v2 =	vsel vm1, s11, v2;
	v0 =	vsel vm12, s19, v0;
	s14 =	sshra.s32 s20, $0x1F;
	s19 =	sld [smem:$0x7B2];
	s16 =	sshrl.u32 s15, $0x1F  }
0x45d: {  	v2 =	vsel vm2, s17, v2;
	v0 =	vsel vm4, s24, v0;
	s17 =	sshra.s32 s15, $0xD;
	s18 =	sshra.s32 s15, $0x1F;
	s15 =	sld [smem:$0x7B3]  }
0x45e: {  	s8 =	sshra.s32 s13, $0xD;
	v2 =	vsel vm4, s22, v2;
	v0 =	vsel vm13, s14, v0;
	s14 =	sshrl.u32 s13, $0x1F;
	s13 =	sld [smem:$0x7B9]  }
0x45f: {  	v2 =	vsel vm5, s16, v2;
	s16 =	sld [smem:$0x7B4]  }
0x460: {  	s20 =	sshrl.u32 s19, $0x1F;
	v0 =	vsel vm5, s17, v0;
	s17 =	sld [smem:$0x7B5]  }
0x461: {  	s22 =	sshra.s32 s19, $0xD;
	s24 =	sshra.s32 s19, $0x1F;
	s19 =	sld [smem:$0x7B7]  }
0x462: {  	v3 =	vmov s6;
	v2 =	vsel vm6, s20, v2;
	s20 =	sld [smem:$0x7B8]  }
0x463: {  	v3 =	vsel vm0, s0, v3;
	v2 =	vsel vm7, s14, v2;
	s11 =	sshrl.u32 s15, $0x1F;
	s0 =	sshra.s32 s15, $0xD;
	s14 =	sld [smem:$0x7B6]  }
0x464: {  	v0 =	vsel vm14, s18, v0;
	s15 =	sld [smem:$0x7BA];
	[tilespmem:$0x1FFA0] =	vst v2;
	v2 =	vsel vm1, s1, v3;
	s12 =	sshrl.u32 s16, $0x1F;
	s1 =	sshra.s32 s16, $0xD  }
0x465: {  	v0 =	vsel vm6, s22, v0;
	s6 =	sshrl.u32 s19, $0x1F;
	v59 =	vsel vm2, s2, v2;
	v2 =	vmov s4;
	s4 =	sshrl.u32 s17, $0x1F;
	s2 =	sshra.s32 s17, $0xD  }
0x466: {  	v0 =	vsel vm15, s24, v0;
	s22 =	sshra.s32 s20, $0xD;
	s24 =	sshrl.u32 s20, $0x1F;
	s18 =	sshra.s32 s14, $0x1F  }
0x467: {  	v61 =	vsel vm7, s8, v0;
	s8 =	sshrl.u32 s13, $0x1F;
	v2 =	vsel vm0, s3, v2;
	s3 =	sshra.s32 s19, $0xD;
	s19 =	sld [smem:$0x7BB];
	v3 =	vmov s18  }
0x468: {  	s16 =	sshra.s32 s15, $0xD;
	v2 =	vsel vm1, s10, v2;
	s10 =	sshra.s32 s20, $0x1F;
	v3 =	vsel vm3, s22, v3;
	s22 =	sld [smem:$0x7BD]  }
0x469: {  	s17 =	sshrl.u32 s15, $0x1F;
	s18 =	sshra.s32 s15, $0x1F;
	s20 =	sld [smem:$0x7BC];
	v0 =	vsel vm9, s10, v3;
	v3 =	vmov s24  }
0x46a: {  	v43 =	vsel vm2, s5, v2;
	s5 =	sshra.s32 s13, $0xD;
	s10 =	sshrl.u32 s19, $0x1F;
	v0 =	vsel vm0, s16, v0;
	v3 =	vnsel vm3, $0x0, v3;
	s16 =	sld [smem:$0x7BE]  }
0x46b: {  	v2 =	vmov s12;
	s9 =	sshra.s32 s19, $0xD;
	s24 =	sshra.s32 s22, $0xD;
	v3 =	vsel vm0, s17, v3;
	s17 =	sld [smem:$0x7BF]  }
0x46c: {  	v2 =	vsel vm0, s11, v2;
	v0 =	vsel vm10, s18, v0;
	s13 =	sshrl.u32 s22, $0x1F;
	s15 =	sshra.s32 s22, $0x1F;
	s22 =	sld [smem:$0x7C0]  }
0x46d: {  	s11 =	sshrl.u32 s20, $0x1F;
	v2 =	vsel vm1, s4, v2;
	s7 =	sshra.s32 s20, $0xD;
	v0 =	vsel vm1, s24, v0;
	s4 =	sshrl.u32 s16, $0x1F  }
0x46e: {  	v2 =	vsel vm2, s6, v2;
	v0 =	vsel vm11, s15, v0;
	s6 =	sshra.s32 s16, $0xD;
	s18 =	sshrl.u32 s17, $0x1F;
	s19 =	sshra.s32 s17, $0xD  }
0x46f: {  	s20 =	sshra.s32 s17, $0x1F;
	s24 =	sshrl.u32 s22, $0x1F;
	s17 =	sld [smem:$0x7C1];
	v0 =	vsel vm2, s19, v0  }
0x470: {  	[tilespmem:$0x1FFB0] =	vst v2;
	v2 =	vsel vm1, s13, v3;
	s15 =	sshra.s32 s22, $0xD;
	s16 =	sshra.s32 s22, $0x1F;
	s22 =	sld [smem:$0x7C2];
	v0 =	vsel vm12, s20, v0  }
0x471: {  	s12 =	sld [smem:$0x7C7];
	v3 =	vmov s10;
	v2 =	vsel vm2, s18, v2;
	v0 =	vsel vm4, s15, v0  }
0x472: {  	s10 =	sld [smem:$0x7C6];
	v3 =	vsel vm0, s8, v3;
	v2 =	vsel vm4, s24, v2;
	s18 =	sshrl.u32 s17, $0x1F;
	s19 =	sshra.s32 s17, $0xD;
	v0 =	vsel vm13, s16, v0  }
0x473: {  	v3 =	vsel vm1, s11, v3;
	s24 =	sshrl.u32 s22, $0x1F;
	v2 =	vsel vm5, s18, v2;
	v0 =	vsel vm5, s19, v0;
	s19 =	sld [smem:$0x7C3]  }
0x474: {  	v44 =	vsel vm2, s4, v3;
	v3 =	vmov s9;
	s20 =	sshra.s32 s17, $0x1F;
	v2 =	vsel vm6, s24, v2;
	s24 =	sld [smem:$0x7C5]  }
0x475: {  	v3 =	vsel vm0, s5, v3;
	s5 =	sshrl.u32 s10, $0x1F;
	s17 =	sshrl.u32 s14, $0x1F;
	v0 =	vsel vm14, s20, v0;
	s20 =	sld [smem:$0x7C4]  }
0x476: {  	s15 =	sshra.s32 s22, $0xD;
	s16 =	sshra.s32 s22, $0x1F;
	v62 =	vsel vm7, s17, v2;
	v2 =	vmov s1;
	s17 =	sld [smem:$0x7CA]  }
0x477: {  	s18 =	sshra.s32 s14, $0xD;
	v2 =	vsel vm0, s0, v2;
	v0 =	vsel vm6, s15, v0;
	s0 =	sshra.s32 s10, $0xD;
	s15 =	sld [smem:$0x7C9]  }
0x478: {  	s13 =	sshrl.u32 s19, $0x1F;
	s1 =	sshra.s32 s19, $0xD;
	v0 =	vsel vm15, s16, v0;
	s16 =	sld [smem:$0x7C8]  }
0x479: {  	s11 =	sshrl.u32 s24, $0x1F;
	v2 =	vsel vm1, s2, v2;
	s2 =	sshra.s32 s24, $0xD;
	s24 =	sld [smem:$0x7CC]  }
0x47a: {  	s22 =	sshrl.u32 s20, $0x1F;
	s4 =	sshra.s32 s20, $0xD;
	v46 =	vsel vm2, s3, v2;
	v2 =	vsel vm1, s7, v3;
	s7 =	sshrl.u32 s12, $0x1F  }
0x47b: {  	v63 =	vsel vm7, s18, v0;
	s18 =	sshrl.u32 s17, $0x1F;
	s19 =	sshra.s32 s17, $0xD;
	s14 =	sshra.s32 s16, $0x1F  }
0x47c: {  	s20 =	sshra.s32 s17, $0x1F;
	v42 =	vsel vm2, s6, v2;
	s6 =	sshrl.u32 s15, $0x1F;
	v2 =	vmov s22;
	s22 =	sld [smem:$0x7CB];
	v0 =	vmov s14  }
0x47d: {  	s8 =	sshra.s32 s15, $0xD;
	s15 =	sshrl.u32 s24, $0x1F;
	v0 =	vsel vm3, s19, v0;
	s19 =	sld [smem:$0x7CD]  }
0x47e: {  	v3 =	vmov s18;
	v2 =	vsel vm0, s13, v2;
	s17 =	sshra.s32 s24, $0xD;
	s18 =	sshra.s32 s24, $0x1F;
	s24 =	sld [smem:$0x7CF]  }
0x47f: {  	s3 =	sshra.s32 s12, $0xD;
	v2 =	vsel vm1, s11, v2;
	s10 =	sshrl.u32 s22, $0x1F;
	v0 =	vsel vm9, s20, v0;
	s20 =	sld [smem:$0x7CE]  }
0x480: {  	v3 =	vnsel vm3, $0x0, v3;
	v60 =	vsel vm2, s5, v2;
	s12 =	sshrl.u32 s19, $0x1F;
	s5 =	sshra.s32 s19, $0xD;
	s19 =	sld [smem:$0x7D0]  }
0x481: {  	v3 =	vsel vm0, s15, v3;
	s9 =	sshra.s32 s22, $0xD;
	s13 =	sshrl.u32 s24, $0x1F;
	s15 =	sshra.s32 s24, $0x1F;
	v0 =	vsel vm0, s17, v0  }
0x482: {  	v0 =	vsel vm10, s18, v0;
	s22 =	sshrl.u32 s20, $0x1F;
	s14 =	sshra.s32 s20, $0xD;
	s18 =	sshra.s32 s20, $0x1F  }
0x483: {  	v2 =	vsel vm1, s22, v3;
	v0 =	vsel vm1, s14, v0;
	s22 =	sshra.s32 s24, $0xD;
	s24 =	sld [smem:$0x7D1];
	s20 =	sshrl.u32 s19, $0x1F  }
0x484: {  	v0 =	vsel vm11, s18, v0;
	s17 =	sshra.s32 s19, $0xD;
	s18 =	sshra.s32 s19, $0x1F;
	s19 =	sld [smem:$0x7D2]  }
0x485: {  	v0 =	vsel vm2, s22, v0  }
0x486: {  	v3 =	vmov s6;
	v2 =	vsel vm2, s13, v2;
	v0 =	vsel vm12, s15, v0  }
0x487: {  	v3 =	vsel vm0, s7, v3;
	v2 =	vsel vm4, s20, v2;
	s11 =	sshrl.u32 s24, $0x1F;
	s20 =	sshrl.u32 s19, $0x1F;
	v0 =	vsel vm4, s17, v0;
	s17 =	sld [smem:$0x7D3]  }
0x488: {  	v3 =	vsel vm1, s10, v3;
	s15 =	sshra.s32 s19, $0xD;
	s10 =	sshra.s32 s19, $0x1F;
	s19 =	sld [smem:$0x7D5]  }
0x489: {  	v40 =	vsel vm2, s12, v3;
	s12 =	sshrl.u32 s16, $0x1F;
	v2 =	vsel vm5, s11, v2;
	s11 =	sshra.s32 s16, $0xD;
	s16 =	sld [smem:$0x7D8]  }
0x48a: {  	v2 =	vsel vm6, s20, v2;
	v0 =	vsel vm13, s18, v0;
	s18 =	sld [smem:$0x7D4]  }
0x48b: {  	s22 =	sshra.s32 s24, $0xD;
	s20 =	sld [smem:$0x7D6];
	v2 =	vsel vm7, s12, v2  }
0x48c: {  	s24 =	sshra.s32 s24, $0x1F;
	v0 =	vsel vm5, s22, v0;
	s22 =	sld [smem:$0x7D7];
	[tilespmem:$0x1FFC0] =	vst v2;
	v2 =	vmov s4  }
0x48d: {  	v3 =	vmov s8;
	s14 =	sshrl.u32 s17, $0x1F;
	s8 =	sshrl.u32 s19, $0x1F;
	v0 =	vsel vm14, s24, v0;
	s24 =	sshra.s32 s16, $0x1F;
	v2 =	vsel vm0, s1, v2  }
0x48e: {  	v3 =	vsel vm0, s3, v3;
	s1 =	sshra.s32 s17, $0xD;
	s7 =	sshrl.u32 s18, $0x1F;
	s17 =	sld [smem:$0x7DA];
	v2 =	vsel vm1, s2, v2  }
0x48f: {  	s4 =	sshra.s32 s18, $0xD;
	s13 =	sshrl.u32 s20, $0x1F;
	v0 =	vsel vm6, s15, v0;
	s15 =	sld [smem:$0x7D9];
	v36 =	vsel vm2, s0, v2;
	v2 =	vsel vm1, s9, v3  }
0x490: {  	s3 =	sshra.s32 s20, $0xD;
	s2 =	sshra.s32 s19, $0xD;
	v33 =	vsel vm2, s5, v2;
	v2 =	vmov s24;
	s24 =	sld [smem:$0x7DC]  }
0x491: {  	s0 =	sshrl.u32 s22, $0x1F;
	s5 =	sshra.s32 s22, $0xD;
	s18 =	sshra.s32 s17, $0xD  }
0x492: {  	v0 =	vsel vm15, s10, v0;
	v3 =	vmov s7;
	s9 =	sshrl.u32 s15, $0x1F;
	s6 =	sshra.s32 s15, $0xD;
	s20 =	sshra.s32 s17, $0x1F;
	v2 =	vsel vm3, s18, v2  }
0x493: {  	v39 =	vsel vm7, s11, v0;
	s19 =	sshrl.u32 s17, $0x1F;
	v0 =	vsel vm0, s14, v3;
	s22 =	sld [smem:$0x7DB];
	v2 =	vsel vm9, s20, v2;
	s15 =	sshra.s32 s24, $0xD  }
0x494: {  	v0 =	vsel vm1, s8, v0;
	v3 =	vmov s19;
	s20 =	sld [smem:$0x7DE];
	s18 =	sshra.s32 s24, $0x1F;
	v2 =	vsel vm0, s15, v2  }
0x495: {  	s19 =	sld [smem:$0x7DD];
	v41 =	vsel vm2, s13, v0;
	s17 =	sshrl.u32 s24, $0x1F;
	v0 =	vsel vm10, s18, v2;
	v2 =	vnsel vm3, $0x0, v3  }
0x496: {  	v2 =	vsel vm0, s17, v2;
	s17 =	sld [smem:$0x7DF]  }
0x497: {  	s11 =	sshrl.u32 s22, $0x1F;
	s7 =	sshra.s32 s22, $0xD;
	s22 =	sshrl.u32 s20, $0x1F  }
0x498: {  	s24 =	sshra.s32 s20, $0xD;
	s15 =	sshra.s32 s20, $0x1F;
	s20 =	sld [smem:$0x7E0]  }
0x499: {  	s12 =	sshrl.u32 s19, $0x1F;
	s8 =	sshra.s32 s19, $0xD;
	v0 =	vsel vm1, s24, v0;
	s18 =	sshrl.u32 s17, $0x1F  }
0x49a: {  	v0 =	vsel vm11, s15, v0;
	s19 =	sshra.s32 s17, $0xD;
	s13 =	sshra.s32 s17, $0x1F;
	s17 =	sld [smem:$0x7E1]  }
0x49b: {  	s10 =	sld [smem:$0x7E8];
	v2 =	vsel vm1, s22, v2;
	s22 =	sshrl.u32 s20, $0x1F;
	s24 =	sshra.s32 s20, $0xD;
	v0 =	vsel vm2, s19, v0  }
0x49c: {  	s14 =	sshra.s32 s20, $0x1F;
	s20 =	sld [smem:$0x7E2];
	v0 =	vsel vm12, s13, v0;
	s13 =	sshra.s32 s16, $0xD  }
0x49d: {  	v2 =	vsel vm2, s18, v2;
	s18 =	sshrl.u32 s17, $0x1F;
	v0 =	vsel vm4, s24, v0;
	s24 =	sshrl.u32 s16, $0x1F;
	s16 =	sld [smem:$0x7E3]  }
0x49e: {  	v3 =	vmov s9;
	v2 =	vsel vm4, s22, v2;
	s19 =	sshra.s32 s17, $0xD;
	s9 =	sshra.s32 s17, $0x1F;
	s17 =	sld [smem:$0x7E4];
	v0 =	vsel vm13, s14, v0  }
0x49f: {  	v3 =	vsel vm0, s0, v3;
	s22 =	sshrl.u32 s20, $0x1F;
	v2 =	vsel vm5, s18, v2;
	v0 =	vsel vm5, s19, v0;
	s19 =	sld [smem:$0x7E5]  }
0x4a0: {  	v3 =	vsel vm1, s11, v3;
	v2 =	vsel vm6, s22, v2;
	s22 =	sld [smem:$0x7E6]  }
0x4a1: {  	v35 =	vsel vm2, s12, v3;
	v3 =	vmov s4;
	s12 =	sshra.s32 s20, $0xD;
	s11 =	sshra.s32 s20, $0x1F;
	v0 =	vsel vm14, s9, v0;
	s9 =	sld [smem:$0x7E7]  }
0x4a2: {  	v3 =	vsel vm0, s1, v3;
	s18 =	sshrl.u32 s17, $0x1F;
	s4 =	sshra.s32 s17, $0xD;
	s17 =	sld [smem:$0x7EB]  }
0x4a3: {  	s15 =	sshrl.u32 s16, $0x1F;
	s0 =	sshra.s32 s16, $0xD;
	v38 =	vsel vm7, s24, v2;
	v2 =	vsel vm1, s2, v3;
	v0 =	vsel vm6, s12, v0;
	s12 =	sld [smem:$0x7E9]  }
0x4a4: {  	v34 =	vsel vm2, s3, v2;
	v2 =	vmov s6;
	v3 =	vmov s18;
	s20 =	sshrl.u32 s19, $0x1F;
	s1 =	sshra.s32 s19, $0xD;
	s24 =	sshrl.u32 s22, $0x1F  }
0x4a5: {  	s2 =	sshra.s32 s22, $0xD;
	v2 =	vsel vm0, s5, v2;
	s5 =	sshrl.u32 s10, $0x1F;
	v3 =	vsel vm0, s15, v3;
	s15 =	sld [smem:$0x7EA]  }
0x4a6: {  	v0 =	vsel vm15, s11, v0;
	s19 =	sld [smem:$0x7EC];
	s16 =	sshrl.u32 s9, $0x1F;
	s6 =	sshra.s32 s9, $0xD  }
0x4a7: {  	v32 =	vsel vm7, s13, v0;
	v0 =	vsel vm1, s20, v3;
	s18 =	sshrl.u32 s17, $0x1F;
	s22 =	sshra.s32 s17, $0xD;
	s13 =	sld [smem:$0x7ED]  }
0x4a8: {  	s11 =	sshrl.u32 s12, $0x1F;
	s9 =	sshra.s32 s12, $0xD;
	v37 =	vsel vm2, s24, v0;
	v0 =	vmov s18;
	s18 =	sld [smem:$0x7EE]  }
0x4a9: {  	v2 =	vsel vm1, s7, v2;
	s24 =	sshra.s32 s17, $0x1F;
	s12 =	sshrl.u32 s15, $0x1F;
	s20 =	sshra.s32 s19, $0x1F  }
0x4aa: {  	v31 =	vsel vm2, s8, v2;
	s7 =	sshra.s32 s15, $0xD;
	v2 =	vmov s20;
	s15 =	sshrl.u32 s13, $0x1F;
	s17 =	sshra.s32 s13, $0xD  }
0x4ab: {  	v3 =	vmov s5;
	s5 =	sshra.s32 s13, $0x1F;
	v2 =	vsel vm3, s22, v2;
	s20 =	sshrl.u32 s18, $0x1F;
	s22 =	sld [smem:$0x7EF]  }
0x4ac: {  	v0 =	vnsel vm3, $0x0, v0;
	s8 =	sshra.s32 s18, $0xD;
	s13 =	sshra.s32 s18, $0x1F;
	s18 =	sld [smem:$0x7F0]  }
0x4ad: {  	v0 =	vsel vm0, s15, v0  }
0x4ae: {  	v2 =	vsel vm9, s24, v2;
	v0 =	vsel vm1, s20, v0;
	s24 =	sshrl.u32 s22, $0x1F;
	s3 =	sshra.s32 s22, $0xD  }
0x4af: {  	v2 =	vsel vm0, s17, v2;
	s14 =	sshra.s32 s22, $0x1F;
	s20 =	sshrl.u32 s18, $0x1F;
	s22 =	sld [smem:$0x7F1];
	v0 =	vsel vm2, s24, v0  }
0x4b0: {  	v2 =	vsel vm10, s5, v2;
	v0 =	vsel vm4, s20, v0;
	s20 =	sld [smem:$0x7F2]  }
0x4b1: {  	v2 =	vsel vm1, s8, v2  }
0x4b2: {  	v3 =	vsel vm0, s16, v3;
	s5 =	sshra.s32 s18, $0xD;
	v2 =	vsel vm11, s13, v2;
	s24 =	sshrl.u32 s22, $0x1F  }
0x4b3: {  	v3 =	vsel vm1, s11, v3;
	s11 =	sshra.s32 s22, $0xD;
	s16 =	sshra.s32 s22, $0x1F;
	v2 =	vsel vm2, s3, v2;
	s22 =	sshrl.u32 s20, $0x1F  }
0x4b4: {  	v29 =	vsel vm2, s12, v3;
	v0 =	vsel vm5, s24, v0;
	v2 =	vsel vm12, s14, v2;
	s12 =	sshra.s32 s20, $0xD;
	s13 =	sshra.s32 s20, $0x1F;
	s20 =	sld [smem:$0x7F3]  }
0x4b5: {  	s15 =	sshra.s32 s18, $0x1F;
	s24 =	sshrl.u32 s19, $0x1F;
	v2 =	vsel vm4, s5, v2;
	v0 =	vsel vm6, s22, v0;
	s22 =	sld [smem:$0x7F4]  }
0x4b6: {  	(v2sf) =	vpush v17, $0x1;
	v2 =	vsel vm13, s15, v2;
	v30 =	vsel vm7, s24, v0;
	s24 =	sld [smem:$0x7F5]  }
0x4b7: {  	s10 =	sshra.s32 s10, $0xD;
	s18 =	sshra.s32 s19, $0xD;
	v0 =	vmov s4;
	s4 =	sld [smem:$0x7F6];
	v2 =	vsel vm5, s11, v2  }
0x4b8: {  	(v2sf) =	vpush v17, $0x2;
	s19 =	sshrl.u32 s20, $0x1F;
	s3 =	sshra.s32 s20, $0xD;
	v2 =	vsel vm14, s16, v2;
	s16 =	sld [smem:$0x7FA]  }
0x4b9: {  	v0 =	vsel vm0, s0, v0;
	s14 =	sshrl.u32 s22, $0x1F;
	s8 =	sshra.s32 s22, $0xD;
	s22 =	sld [smem:$0x7F7]  }
0x4ba: {  	v3 =	vmov s10;
	v0 =	vsel vm1, s1, v0;
	s17 =	sshrl.u32 s24, $0x1F;
	s5 =	sshra.s32 s24, $0xD;
	s24 =	sld [smem:$0x7F8]  }
0x4bb: {  	(v2sf) =	vpush v17, $0x3;
	s0 =	sshra.s32 s23, $0x1F;
	s20 =	sshrl.u32 s4, $0x1F;
	v27 =	vsel vm2, s2, v0;
	v0 =	vsel vm0, s6, v3;
	s2 =	sld [smem:$0x7F9]  }
0x4bc: {  	v3 =	vmov s0;
	v0 =	vsel vm1, s9, v0;
	s10 =	sshrl.u32 s22, $0x1F;
	s1 =	sshra.s32 s22, $0xD;
	s22 =	sld [smem:$0x7FB]  }
0x4bd: {  	s4 =	sshra.s32 s4, $0xD;
	s0 =	rddreg [dreg:$0x1f];
	s9 =	sshrl.u32 s16, $0x1F;
	v25 =	vsel vm2, s7, v0;
	v0 =	vsel vm6, s12, v2;
	v2 =	vmov s14  }
0x4be: {  	(v2sf) =	vpush v17, $0x4;
	s14 =	sshrl.u32 s21, $0x1F;
	s15 =	sshrl.u32 s24, $0x1F;
	s6 =	sshra.s32 s24, $0xD;
	v2 =	vsel vm0, s19, v2  }
0x4bf: {  	(v2sf) =	vpush v17, $0x5;
	s11 =	sshrl.u32 s2, $0x1F;
	v2 =	vsel vm1, s17, v2;
	s17 =	sld [smem:$0x7FC];
	s12 =	sshra.s32 s22, $0xD  }
0x4c0: {  	(v2sf) =	vpush v17, $0x6;
	s24 =	sshra.s32 s16, $0xD;
	v0 =	vsel vm15, s13, v0;
	s16 =	sshrl.u32 s22, $0x1F;
	s22 =	sshra.s32 s22, $0x1F;
	v3 =	vsel vm3, s12, v3  }
0x4c1: {  	v4 =	vcombine.low v18, v4;
	s2 =	sshra.s32 s2, $0xD;
	s19 =	sshra.s32 s21, $0xD;
	v26 =	vsel vm7, s18, v0;
	v0 =	vsel vm9, s22, v3;
	s22 =	sld [smem:$0x7FD]  }
0x4c2: {  	(v2sf) =	vpush v17, $0x7;
	s21 =	sshra.s32 s21, $0x1F;
	v28 =	vsel vm2, s20, v2;
	v2 =	vmov s16;
	s16 =	sshrl.u32 s0, $0x1F;
	s7 =	sshrl.u32 s17, $0x1F  }
0x4c3: {  	v4 =	vperm.xlane v4, v58;
	s13 =	sshra.s32 s17, $0xD;
	s17 =	sshra.s32 s17, $0x1F;
	v3 =	vmov s15;
	v2 =	vnsel vm3, $0x0, v2;
	s15 =	sshra.s32 s0, $0x1F  }
0x4c4: {  	v53 =	vperm.xlane v53, v1;
	v0 =	vsel vm0, s19, v0;
	s19 =	sshra.s32 s0, $0xD;
	v2 =	vsel vm0, s14, v2;
	s14 =	rddreg [dreg:$0x1d];
	s12 =	sshrl.u32 s22, $0x1F  }
0x4c5: {  	v19 =	vcombine.low v20, v19;
	v3 =	vsel vm0, s10, v3;
	v0 =	vsel vm10, s21, v0;
	s18 =	sshra.s32 s22, $0xD;
	s20 =	sshra.s32 s22, $0x1F;
	s22 =	spop (v2sf)  }
0x4c6: {  	v3 =	vsel vm1, s11, v3;
	v2 =	vsel vm1, s7, v2;
	s7 =	sshra.s32 s14, $0xD;
	v0 =	vsel vm1, s13, v0;
	s21 =	smulhi.u32 $0x14F8B589, s22;
	s22 =	sshra.s32 s22, $0x1F  }
0x4c7: {  	v19 =	vperm.xlane v19, v58;
	s11 =	sshra.s32 s14, $0x1F;
	v24 =	vsel vm2, s9, v3;
	s0 =	spop (v2sf);
	v0 =	vsel vm11, s17, v0;
	s10 =	smul.u32 $0x14F8B589, s22  }
0x4c8: {  	s13 =	sshrl.u32 s14, $0x1F;
	v3 =	vmov s8;
	v2 =	vsel vm2, s12, v2;
	s12 =	rddreg [dreg:$0x1c];
	s17 =	smulhi.u32 $0x14F8B589, s0;
	v0 =	vsel vm2, s18, v0  }
0x4c9: {  	v3 =	vsel vm0, s3, v3;
	s0 =	sshra.s32 s0, $0x1F;
	s22 =	sshrl.u32 s12, $0x1F;
	s14 =	sshra.s32 s12, $0xD;
	v2 =	vsel vm4, s16, v2;
	v0 =	vsel vm12, s20, v0  }
0x4ca: {  	v3 =	vsel vm1, s5, v3;
	s5 =	sshra.s32 s23, $0xD;
	s9 =	smul.u32 $0x14F8B589, s0;
	s0 =	spop (v2sf);
	v2 =	vsel vm5, s13, v2;
	v0 =	vsel vm4, s19, v0  }
0x4cb: {  	v22 =	vsel vm2, s4, v3;
	s3 =	smulhi.u32 $0x14F8B589, s0;
	s19 =	sshrl.u32 s23, $0x1F;
	v2 =	vsel vm6, s22, v2;
	s23 =	rddreg [dreg:$0x1b];
	v0 =	vsel vm13, s15, v0  }
0x4cc: {  	s18 =	sshra.s32 s0, $0x1F;
	s22 =	rddreg [dreg:$0x1a];
	v23 =	vsel vm7, s19, v2;
	s0 =	sshrl.u32 s23, $0x1F;
	v2 =	vmov s6;
	v0 =	vsel vm5, s7, v0  }
0x4cd: {  	s8 =	sshra.s32 s12, $0x1F;
	s20 =	spop (v2sf);
	s4 =	sshrl.u32 s22, $0x1F;
	v2 =	vsel vm0, s1, v2;
	v52 =	vmov s0;
	v3 =	vsel vm14, s11, v0  }
0x4ce: {  	s10 =	sadd.s32 s10, s21;
	s21 =	sshrl.u32 s28, $0x1F;
	s13 =	smul.u32 $0x14F8B589, s18;
	v18 =	vsel vm0, s4, v52;
	v52 =	vperm.xlane v21, v1;
	v3 =	vsel vm6, s14, v3  }
0x4cf: {  	v19 =	vsel vm8, v53, v19;
	v53 =	vld [tilespmem:$0x1FE40];
	s16 =	smulhi.u32 $0x14F8B589, s20;
	s12 =	sshra.s32 s20, $0x1F;
	s18 =	sshrl.u32 s30, $0x1F;
	v2 =	vsel vm1, s2, v2;
	v3 =	vsel vm15, s8, v3  }
0x4d0: {  	s19 =	sshrl.u32 s31, $0x1F;
	s15 =	spop (v2sf);
	s1 =	smul.u32 $0x14F8B589, s12;
	v21 =	vsel vm7, s5, v3;
	v3 =	vsel vm8, v52, v4;
	v52 =	vcombine.low v57, v54;
	v54 =	vld [tilespmem:$0x1FE50]  }
0x4d1: {  	s6 =	sshra.s32 s15, $0x1F;
	s12 =	sadd.s32 s9, s17;
	s17 =	sshrl.u32 s25, $0x1F;
	v20 =	vsel vm2, s24, v2;
	v2 =	vsel vm1, s18, v18;
	v4 =	vperm.xlane v56, v1;
	v57 =	vld [tilespmem:$0x1FE60]  }
0x4d2: {  	s20 =	spop (v2sf);
	s11 =	sshrl.u32 s26, $0x1F;
	s2 =	smulhi.u32 $0x14F8B589, s15;
	v56 =	vmov s17;
	v3 =	vadd.s32 v3, v19;
	v19 =	vsel vm2, s19, v2  }
0x4d3: {  	s6 =	smul.u32 $0x14F8B589, s6;
	s18 =	sshrl.u32 s10, $0x1F;
	s8 =	sshra.s32 s20, $0x1F;
	v3 =	vmul.u32 $0x186A0, v3;
	v2 =	vperm.xlane v52, v58;
	v52 =	vnsel vm3, $0x0, v56  }
0x4d4: {  	s13 =	sadd.s32 s13, s3;
	s5 =	smul.u32 $0x14F8B589, s8;
	s8 =	spop (v2sf);
	v52 =	vsel vm0, s18, v52  }
0x4d5: {  	s9 =	sadd.s32 s1, s16;
	s16 =	smulhi.u32 $0x14F8B589, s8;
	s3 =	sshra.s32 s8, $0x1F;
	v7 =	vsub.s32 v7, v3;
	v18 =	vcombine.low v54, v53;
	v53 =	vmov s21  }
0x4d6: {  	s19 =	sshrl.u32 s12, $0x1F;
	s3 =	smul.u32 $0x14F8B589, s3;
	v54 =	vperm.xlane v57, v1;
	v57 =	vshra.s32 v7, $0x1F;
	v3 =	vsel vm0, s11, v53;
	v53 =	vld [tilespmem:$0x1FE80]  }
0x4d7: {  	s0 =	smulhi.u32 $0x14F8B589, s20;
	s15 =	sshrl.u32 s29, $0x1F;
	v56 =	vsel vm1, s19, v52;
	v52 =	vand.u32 $0x186A0, v57;
	v57 =	vld [tilespmem:$0x1FE90];
	v18 =	vperm.xlane v18, v58  }
0x4d8: {  	s4 =	sshra.s32 s29, $0xD;
	s24 =	sshrl.u32 s13, $0x1F;
	s1 =	sadd.s32 s3, s16  }
0x4d9: {  	s20 =	sshrl.u32 s9, $0x1F;
	s8 =	sadd.s32 s6, s2;
	v2 =	vsel vm8, v4, v2;
	s29 =	sshra.s32 s1, $0x1F;
	v4 =	vsel vm8, v54, v18;
	v18 =	vsel vm2, s24, v56;
	v56 =	vld [tilespmem:$0x1FE70]  }
0x4da: {  	s0 =	sadd.s32 s5, s0;
	s17 =	sshrl.u32 s8, $0x1F;
	s11 =	sshra.s32 s25, $0xD;
	v54 =	vmov s29;
	v18 =	vsel vm4, s20, v18  }
0x4db: {  	s3 =	sshra.s32 s31, $0xD;
	s31 =	sshra.s32 s25, $0x1F;
	s21 =	sshrl.u32 s0, $0x1F;
	v2 =	vadd.s32 v2, v4;
	v4 =	vsel vm3, s11, v54;
	v18 =	vsel vm5, s17, v18  }
0x4dc: {  	s16 =	sshra.s32 s22, $0xD;
	s22 =	sshrl.u32 s1, $0x1F;
	s24 =	sshra.s32 s10, $0xD;
	v53 =	vcombine.low v57, v53;
	v57 =	vsel vm9, s31, v4;
	v18 =	vsel vm6, s21, v18  }
0x4dd: {  	v4 =	vsel vm7, s22, v18;
	v18 =	vsel vm0, s24, v57;
	v57 =	vld [tilespmem:$0x1FEA0]  }
0x4de: {  	v7 =	vadd.s32 v7, v52;
	v52 =	vcombine.low v56, v55;
	v56 =	vld [tilespmem:$0x1FEB0];
	_ =	sdelay $0x3  }
0x4df: {  	v52 =	vperm.xlane v52, v58;
	v54 =	vperm.xlane v57, v1  }
0x4e0: {  	v53 =	vperm.xlane v53, v58;
	v56 =	vperm.xlane v56, v1  }
0x4e1: {  	v52 =	vsel vm8, v54, v52;
	v54 =	vld [tilespmem:$0x1FEC0]  }
0x4e2: {  	v53 =	vsel vm8, v56, v53;
	v56 =	vld [tilespmem:$0x1FED0];
	_ =	sdelay $0x1  }
0x4e3: {  	s23 =	sshra.s32 s23, $0xD;
	v0 =	vadd.s32 $0x7FD7D, v13  }
0x4e4: {  	(v2sf) =	vpush v0, $0xD;
	v57 =	vmov s23  }
0x4e5: {  	v55 =	vsel vm0, s16, v57;
	v57 =	vld [tilespmem:$0x1FEF0]  }
0x4e6: {  	(v2sf) =	vpush v0, $0xC;
	v54 =	vcombine.low v56, v54;
	v56 =	vld [tilespmem:$0x1FEE0];
	_ =	sdelay $0x1  }
0x4e7: {  	(v2sf) =	vpush v0, $0xE;
	_ =	sdelay $0x1  }
0x4e8: {  	(v2sf) =	vpush v0, $0xF  }
0x4e9: {  	v56 =	vcombine.low v57, v56;
	v57 =	vld [tilespmem:$0x1FF00]  }
0x4ea: {  	(v2sf) =	vpush v0, $0x9  }
0x4eb: {  	(v2sf) =	vpush v0, $0x8  }
0x4ec: {  	(v2sf) =	vpush v0, $0xA;
	_ =	sdelay $0x1  }
0x4ed: {  	s7 =	rddreg [dreg:$0x1e];
	v2 =	vmul.u32 $0x186A0, v2;
	v54 =	vperm.xlane v54, v58;
	v57 =	vperm.xlane v57, v1  }
0x4ee: {  	s14 =	sshrl.u32 s7, $0x1F;
	s6 =	sshra.s32 s26, $0xD;
	s2 =	sshra.s32 s7, $0xD;
	(v2sf) =	vpush v0, $0xB;
	v3 =	vsel vm1, s15, v3  }
0x4ef: {  	s26 =	sshra.s32 s13, $0xD;
	s5 =	sshra.s32 s30, $0xD;
	s30 =	sshra.s32 s28, $0xD;
	v2 =	vsub.s32 v5, v2;
	v5 =	vadd.s32 v52, v53;
	v52 =	vsel vm8, v57, v54;
	v57 =	vld [tilespmem:$0x1FF10]  }
0x4f0: {  	s25 =	sshra.s32 s12, $0x1F;
	v3 =	vsel vm2, s14, v3;
	s14 =	sshra.s32 s9, $0xD;
	s7 =	spop (v2sf)  }
0x4f1: {  	(v2sf) =	vpush v0, $0x0;
	s20 =	sshra.s32 s12, $0xD;
	s28 =	smulhi.u32 $0x14F8B589, s7;
	s12 =	sshra.s32 s7, $0x1F  }
0x4f2: {  	s17 =	sshra.s32 s13, $0x1F;
	s15 =	spop (v2sf);
	s13 =	smul.u32 $0x14F8B589, s12  }
0x4f3: {  	(v2sf) =	vpush v0, $0x1;
	s10 =	sshra.s32 s10, $0x1F;
	s18 =	smulhi.u32 $0x14F8B589, s15;
	s29 =	sshra.s32 s15, $0x1F;
	v53 =	vperm.xlane v56, v58;
	v56 =	vld [tilespmem:$0x1FF20]  }
0x4f4: {  	s11 =	sshra.s32 s8, $0xD;
	v18 =	vsel vm10, s10, v18;
	s31 =	spop (v2sf);
	s19 =	smul.u32 $0x14F8B589, s29;
	v54 =	vperm.xlane v57, v1;
	v57 =	vld [tilespmem:$0x1FF30]  }
0x4f5: {  	(v2sf) =	vpush v0, $0x2;
	s15 =	sshra.s32 s9, $0x1F;
	v18 =	vsel vm1, s20, v18;
	s21 =	smulhi.u32 $0x14F8B589, s31;
	s9 =	sshra.s32 s31, $0x1F  }
0x4f6: {  	v45 =	vcombine.low v45, v47;
	(v2sf) =	vpush v0, $0x3;
	s10 =	sshra.s32 s0, $0x1F;
	s7 =	spop (v2sf);
	v18 =	vsel vm11, s25, v18;
	s22 =	smul.u32 $0x14F8B589, s9  }
0x4f7: {  	v49 =	vperm.xlane v49, v1;
	s12 =	sshra.s32 s8, $0x1F;
	s8 =	sshra.s32 s7, $0x1F;
	v18 =	vsel vm2, s26, v18;
	s23 =	smulhi.u32 $0x14F8B589, s7  }
0x4f8: {  	v45 =	vperm.xlane v45, v58;
	s9 =	sshra.s32 s0, $0xD;
	s20 =	smul.u32 $0x14F8B589, s8;
	v18 =	vsel vm12, s17, v18;
	s16 =	spop (v2sf);
	(v2sf) =	vpush v0, $0x4  }
0x4f9: {  	v18 =	vsel vm4, s14, v18;
	s24 =	smulhi.u32 $0x14F8B589, s16;
	s25 =	sshra.s32 s16, $0x1F;
	s29 =	spop (v2sf);
	(v2sf) =	vpush v0, $0x5;
	v56 =	vcombine.low v57, v56  }
0x4fa: {  	s0 =	sadd.s32 s13, s28;
	v18 =	vsel vm13, s15, v18;
	s25 =	smul.u32 $0x14F8B589, s25;
	s7 =	spop (v2sf);
	(v2sf) =	vpush v0, $0x6;
	v53 =	vsel vm8, v54, v53  }
0x4fb: {  	s8 =	sshra.s32 s1, $0xD;
	s26 =	smulhi.u32 $0x14F8B589, s29;
	s31 =	sshra.s32 s29, $0x1F;
	v18 =	vsel vm5, s11, v18;
	v52 =	vadd.s32 v52, v53;
	v53 =	vperm.xlane v56, v58;
	v56 =	vld [tilespmem:$0x1FF40]  }
0x4fc: {  	v45 =	vsel vm8, v49, v45;
	s13 =	sshrl.u32 s0, $0x1F;
	s1 =	sadd.s32 s19, s18;
	v55 =	vsel vm1, s5, v55;
	s18 =	smul.u32 $0x14F8B589, s31;
	v18 =	vsel vm14, s12, v18  }
0x4fd: {  	s16 =	sshrl.u32 s1, $0x1F;
	v55 =	vsel vm2, s3, v55;
	s19 =	smulhi.u32 $0x14F8B589, s7;
	s5 =	sshra.s32 s7, $0x1F;
	v5 =	vmul.u32 $0x186A0, v5;
	v18 =	vsel vm6, s9, v18  }
0x4fe: {  	s3 =	sadd.s32 s22, s21;
	s28 =	spop (v2sf);
	(v2sf) =	vpush v0, $0x7;
	s21 =	smul.u32 $0x14F8B589, s5;
	v18 =	vsel vm15, s10, v18;
	v57 =	vmov s30  }
0x4ff: {  	s5 =	sadd.s32 s20, s23;
	s20 =	smulhi.u32 $0x14F8B589, s28;
	s29 =	sshra.s32 s28, $0x1F;
	v6 =	vsub.s32 v6, v5;
	v52 =	vmul.u32 $0x186A0, v52;
	v54 =	vsel vm0, s6, v57  }
0x500: {  	s1 =	sshra.s32 s1, $0xD;
	s31 =	spop (v2sf);
	s14 =	smul.u32 $0x14F8B589, s29;
	v49 =	vsel vm7, s8, v18;
	v57 =	vsel vm1, s4, v54;
	v56 =	vperm.xlane v56, v1  }
0x501: {  	s17 =	sshrl.u32 s3, $0x1F;
	s23 =	smulhi.u32 $0x14F8B589, s31;
	s28 =	sshra.s32 s31, $0x1F;
	v52 =	vsub.s32 v8, v52;
	v54 =	vmov s16;
	v47 =	vsel vm2, s2, v57  }
0x502: {  	s7 =	sshrl.u32 s5, $0x1F;
	s29 =	spop (v2sf);
	s22 =	smul.u32 $0x14F8B589, s28;
	v57 =	vsel vm8, v56, v53;
	v53 =	vshra.s32 v2, $0x1F;
	v56 =	vshra.s32 v6, $0x1F  }
0x503: {  	s15 =	sshra.s32 s29, $0x1F;
	s6 =	sadd.s32 s25, s24;
	s24 =	smulhi.u32 $0x14F8B589, s29;
	v5 =	vadd.s32 v57, v45;
	v8 =	vand.u32 $0x186A0, v53;
	v45 =	vsel vm0, s13, v54  }
0x504: {  	s30 =	spop (v2sf);
	s4 =	sadd.s32 s18, s26;
	s18 =	smul.u32 $0x14F8B589, s15;
	v57 =	vmul.u32 $0x186A0, v5;
	v8 =	vadd.s32 v8, v2;
	v2 =	vshra.s32 v52, $0x1F  }
0x505: {  	s12 =	sadd.s32 s14, s20;
	s25 =	spop (v2sf);
	s26 =	smulhi.u32 $0x14F8B589, s30;
	v53 =	vand.u32 $0x186A0, v56;
	v18 =	vsel vm1, s17, v45;
	v2 =	vand.u32 $0x186A0, v2  }
0x506: {  	s9 =	sshrl.u32 s12, $0x1F;
	s31 =	sshra.s32 s30, $0x1F;
	s20 =	smulhi.u32 $0x14F8B589, s25;
	v45 =	vadd.s32 v53, v6;
	v6 =	vsub.s32 v10, v57;
	v10 =	vadd.s32 v2, v52;
	v2 =	vld [tilespmem:$0x1FF50]  }
0x507: {  	s28 =	spop (v2sf);
	s2 =	sadd.s32 s21, s19;
	s19 =	smul.u32 $0x14F8B589, s31;
	v57 =	vld [tilespmem:$0x1FF60]  }
0x508: {  	s21 =	sshra.s32 s25, $0x1F;
	s10 =	smulhi.u32 $0x14F8B589, s28;
	s29 =	spop (v2sf)  }
0x509: {  	s11 =	sshrl.u32 s6, $0x1F;
	s21 =	smul.u32 $0x14F8B589, s21;
	s31 =	spop (v2sf);
	v5 =	vadd.s32 $0x99696, v13  }
0x50a: {  	s15 =	sshrl.u32 s4, $0x1F;
	s16 =	sshra.s32 s28, $0x1F;
	s25 =	smulhi.u32 $0x14F8B589, s31;
	(v2sf) =	vpush v5, $0xD  }
0x50b: {  	v51 =	vperm.xlane v51, v1;
	s14 =	sshrl.u32 s2, $0x1F;
	s13 =	sadd.s32 s22, s23;
	s22 =	smul.u32 $0x14F8B589, s16  }
0x50c: {  	v43 =	vcombine.low v43, v59;
	s30 =	sshra.s32 s29, $0x1F;
	s23 =	smulhi.u32 $0x14F8B589, s29;
	s16 =	sadd.s32 s18, s24;
	(v2sf) =	vpush v5, $0xC;
	v2 =	vcombine.low v57, v2;
	v57 =	vld [tilespmem:$0x1FF70]  }
0x50d: {  	v61 =	vperm.xlane v61, v1;
	v40 =	vcombine.low v40, v60;
	s18 =	smul.u32 $0x14F8B589, s30;
	s24 =	sshra.s32 s31, $0x1F;
	s29 =	spop (v2sf)  }
0x50e: {  	v43 =	vperm.xlane v43, v58;
	s8 =	sshrl.u32 s13, $0x1F;
	s17 =	sadd.s32 s19, s26;
	s28 =	smul.u32 $0x14F8B589, s24;
	v56 =	vshra.s32 v6, $0x1F;
	(v2sf) =	vpush v5, $0xE  }
0x50f: {  	v62 =	vperm.xlane v62, v1;
	v40 =	vperm.xlane v40, v58;
	s19 =	sadd.s32 s21, s20;
	s30 =	smulhi.u32 $0x14F8B589, s29;
	s21 =	sshra.s32 s29, $0x1F;
	v52 =	vand.u32 $0x186A0, v56;
	v56 =	vld [tilespmem:$0x1FF80]  }
0x510: {  	v39 =	vperm.xlane v39, v1;
	v32 =	vperm.xlane v32, v1;
	s31 =	sshrl.u32 s16, $0x1F;
	s22 =	sadd.s32 s22, s10;
	s21 =	smul.u32 $0x14F8B589, s21;
	(v2sf) =	vpush v5, $0xF  }
0x511: {  	v43 =	vsel vm8, v61, v43;
	v31 =	vcombine.low v31, v34;
	s23 =	sadd.s32 s18, s23;
	s26 =	sshrl.u32 s17, $0x1F;
	s18 =	sadd.s32 s28, s25;
	v50 =	vcombine.low v50, v57  }
0x512: {  	s28 =	sshrl.u32 s19, $0x1F;
	s29 =	sshrl.u32 s22, $0x1F;
	s20 =	sadd.s32 s21, s30;
	v6 =	vadd.s32 v52, v6;
	(v2sf) =	vpush v5, $0x9;
	v57 =	vmov s8  }
0x513: {  	s25 =	sshra.s32 s17, $0x1F;
	s30 =	sshrl.u32 s23, $0x1F;
	s24 =	sshrl.u32 s20, $0x1F;
	v53 =	vperm.xlane v50, v58;
	v50 =	vsel vm2, s7, v18;
	v18 =	vnsel vm3, $0x0, v57  }
0x514: {  	(v2sf) =	vpush v5, $0x8;
	v52 =	vperm.xlane v56, v1;
	v56 =	vld [tilespmem:$0x1FF90];
	s8 =	sshra.s32 s3, $0xD;
	s3 =	sshra.s32 s18, $0x1F;
	s7 =	sshra.s32 s0, $0xD;
	v18 =	vsel vm0, s31, v18  }
0x515: {  	(v2sf) =	vpush v5, $0xA;
	v57 =	vmov s15;
	s0 =	sshra.s32 s12, $0xD;
	s12 =	sshra.s32 s13, $0xD;
	s15 =	sshra.s32 s22, $0x1F;
	v18 =	vsel vm1, s26, v18  }
0x516: {  	v2 =	vperm.xlane v2, v58;
	s31 =	sshrl.u32 s18, $0x1F;
	v54 =	vsel vm0, s11, v57;
	s11 =	sshra.s32 s5, $0xD;
	s5 =	sshra.s32 s2, $0xD;
	v18 =	vsel vm2, s28, v18  }
0x517: {  	(v2sf) =	vpush v5, $0xB;
	v57 =	vsel vm1, s14, v54;
	s14 =	sshra.s32 s20, $0x1F;
	s26 =	sshra.s32 s19, $0xD;
	s28 =	sshra.s32 s13, $0x1F;
	v18 =	vsel vm4, s29, v18  }
0x518: {  	(v2sf) =	vpush v5, $0x0;
	v2 =	vsel vm8, v52, v2;
	s13 =	sshra.s32 s23, $0xD;
	s29 =	sshra.s32 s16, $0xD;
	v18 =	vsel vm5, s30, v18;
	s30 =	sshra.s32 s16, $0x1F  }
0x519: {  	v48 =	vcombine.low v48, v56;
	v51 =	vsel vm8, v51, v53;
	v18 =	vsel vm6, s31, v18;
	s31 =	sshra.s32 s17, $0xD;
	s17 =	sshra.s32 s19, $0x1F;
	s19 =	spop (v2sf)  }
0x51a: {  	v2 =	vadd.s32 v2, v51;
	v51 =	vsel vm2, s9, v57;
	v57 =	vmov s14;
	s16 =	sshra.s32 s22, $0xD;
	s22 =	smulhi.u32 $0x14F8B589, s19;
	s2 =	sshra.s32 s19, $0x1F  }
0x51b: {  	v53 =	vperm.xlane v48, v58;
	v59 =	vsel vm3, s12, v57;
	s12 =	sshra.s32 s23, $0x1F;
	v48 =	vsel vm7, s24, v18;
	s24 =	spop (v2sf);
	s23 =	smul.u32 $0x14F8B589, s2  }
0x51c: {  	v31 =	vperm.xlane v31, v58;
	v56 =	vld [tilespmem:$0x1FFA0];
	v54 =	vmov s1;
	s1 =	sshra.s32 s18, $0xD;
	v18 =	vsel vm9, s28, v59;
	s28 =	smulhi.u32 $0x14F8B589, s24;
	s18 =	sshra.s32 s24, $0x1F  }
0x51d: {  	v29 =	vcombine.low v29, v37;
	s10 =	sshra.s32 s6, $0xD;
	(v2sf) =	vpush v5, $0x1;
	v18 =	vsel vm0, s29, v18;
	s29 =	spop (v2sf);
	s18 =	smul.u32 $0x14F8B589, s18  }
0x51e: {  	v32 =	vsel vm8, v32, v31;
	v25 =	vcombine.low v25, v27;
	s2 =	sshra.s32 s20, $0xD;
	v18 =	vsel vm10, s30, v18;
	s30 =	smulhi.u32 $0x14F8B589, s29;
	s20 =	sshra.s32 s29, $0x1F  }
0x51f: {  	v29 =	vperm.xlane v29, v58;
	s6 =	sshra.s32 s4, $0xD;
	(v2sf) =	vpush v5, $0x2;
	s21 =	spop (v2sf);
	v18 =	vsel vm1, s31, v18;
	s31 =	smul.u32 $0x14F8B589, s20  }
0x520: {  	v30 =	vperm.xlane v30, v1;
	v25 =	vperm.xlane v25, v58;
	v2 =	vmul.u32 $0x186A0, v2;
	s4 =	sadd.s32 s23, s22;
	s22 =	smulhi.u32 $0x14F8B589, s21;
	s20 =	sshra.s32 s21, $0x1F  }
0x521: {  	v26 =	vperm.xlane v26, v1;
	(v2sf) =	vpush v5, $0x3;
	v57 =	vld [tilespmem:$0x1FFB0];
	v52 =	vperm.xlane v56, v1;
	s24 =	spop (v2sf);
	s14 =	sshrl.u32 s4, $0x1F;
	s23 =	smul.u32 $0x14F8B589, s20  }
0x522: {  	v2 =	vsub.s32 v9, v2;
	v59 =	vsel vm0, s7, v54;
	s7 =	sadd.s32 s18, s28;
	v18 =	vsel vm11, s25, v18;
	s25 =	smulhi.u32 $0x14F8B589, s24;
	s19 =	sshra.s32 s24, $0x1F  }
0x523: {  	v52 =	vsel vm8, v52, v53;
	v56 =	vshra.s32 v2, $0x1F;
	v61 =	vsel vm1, s8, v59;
	s4 =	sshra.s32 s4, $0xD;
	s18 =	sshrl.u32 s7, $0x1F;
	s8 =	sadd.s32 s31, s30  }
0x524: {  	v9 =	vadd.s32 v52, v43;
	(v2sf) =	vpush v5, $0x4;
	v18 =	vsel vm2, s26, v18;
	s26 =	spop (v2sf);
	s28 =	smul.u32 $0x14F8B589, s19;
	s7 =	sshra.s32 s7, $0xD  }
0x525: {  	v59 =	vand.u32 $0x186A0, v56;
	(v2sf) =	vpush v5, $0x5;
	v9 =	vmul.u32 $0x186A0, v9;
	s9 =	sadd.s32 s23, s22;
	s29 =	smulhi.u32 $0x14F8B589, s26;
	s30 =	sshra.s32 s26, $0x1F  }
0x526: {  	v53 =	vcombine.low v44, v57;
	v57 =	vmov s6;
	v43 =	vadd.s32 v59, v2;
	s20 =	sshrl.u32 s8, $0x1F;
	s22 =	spop (v2sf);
	s31 =	smul.u32 $0x14F8B589, s30  }
0x527: {  	(v2sf) =	vpush v5, $0x6;
	v2 =	vsub.s32 v12, v9;
	v18 =	vsel vm12, s17, v18;
	s6 =	sadd.s32 s28, s25;
	s24 =	smulhi.u32 $0x14F8B589, s22;
	s25 =	sshra.s32 s22, $0x1F  }
0x528: {  	v9 =	vadd.s32 $0xB2FAF, v13;
	(v2sf) =	vpush v5, $0x7;
	s8 =	sshra.s32 s8, $0xD;
	v18 =	vsel vm4, s16, v18;
	s26 =	spop (v2sf);
	s16 =	smul.u32 $0x14F8B589, s25  }
0x529: {  	v20 =	vcombine.low v20, v22;
	v59 =	vcombine.low v42, v46;
	(v2sf) =	vpush v9, $0xD;
	s19 =	sshrl.u32 s9, $0x1F;
	s28 =	smulhi.u32 $0x14F8B589, s26;
	s21 =	sshra.s32 s26, $0x1F  }
0x52a: {  	v44 =	vsel vm2, s11, v61;
	v61 =	vperm.xlane v53, v58;
	s30 =	spop (v2sf);
	(v2sf) =	vpush v9, $0xC;
	s11 =	sadd.s32 s31, s29;
	s29 =	smul.u32 $0x14F8B589, s21  }
0x52b: {  	v56 =	vperm.xlane v63, v1;
	v46 =	vperm.xlane v59, v58;
	s17 =	sshrl.u32 s6, $0x1F;
	v18 =	vsel vm13, s15, v18;
	s31 =	smulhi.u32 $0x14F8B589, s30;
	s21 =	sshra.s32 s30, $0x1F  }
0x52c: {  	v61 =	vsel vm8, v62, v61;
	v62 =	vsel vm0, s10, v57;
	v18 =	vsel vm5, s13, v18;
	s23 =	spop (v2sf);
	s15 =	sshrl.u32 s11, $0x1F;
	s22 =	smul.u32 $0x14F8B589, s21  }
0x52d: {  	v24 =	vcombine.low v24, v28;
	v42 =	vsel vm1, s5, v62;
	s10 =	sadd.s32 s16, s24;
	v18 =	vsel vm14, s12, v18;
	s12 =	smulhi.u32 $0x14F8B589, s23;
	s24 =	sshra.s32 s23, $0x1F  }
0x52e: {  	v20 =	vperm.xlane v20, v58;
	v46 =	vsel vm8, v56, v46;
	v42 =	vsel vm2, s0, v42;
	s25 =	spop (v2sf);
	s0 =	sshrl.u32 s10, $0x1F;
	s26 =	smul.u32 $0x14F8B589, s24  }
0x52f: {  	v53 =	vcombine.low v33, v36;
	v59 =	vmov s18;
	v12 =	vadd.s32 v61, v46;
	s5 =	sadd.s32 s29, s28;
	s29 =	smulhi.u32 $0x14F8B589, s25;
	s30 =	sshra.s32 s25, $0x1F  }
0x530: {  	v60 =	vld [tilespmem:$0x1FFC0];
	v61 =	vsel vm0, s14, v59;
	(v2sf) =	vpush v9, $0xE;
	s28 =	spop (v2sf);
	v18 =	vsel vm6, s1, v18;
	s10 =	sshra.s32 s10, $0xD;
	s14 =	smul.u32 $0x14F8B589, s30  }
0x531: {  	v33 =	vsel vm1, s20, v61;
	(v2sf) =	vpush v9, $0xF;
	s13 =	sadd.s32 s22, s31;
	v18 =	vsel vm15, s3, v18;
	s23 =	smulhi.u32 $0x14F8B589, s28;
	s18 =	sshra.s32 s28, $0x1F  }
0x532: {  	(v2sf) =	vpush v9, $0x9;
	s20 =	sshrl.u32 s13, $0x1F;
	v36 =	vsel vm7, s2, v18;
	v18 =	vmov s15;
	s15 =	sshrl.u32 s5, $0x1F;
	s25 =	smul.u32 $0x14F8B589, s18  }
0x533: {  	v21 =	vperm.xlane v21, v1;
	v57 =	vshra.s32 v2, $0x1F;
	(v2sf) =	vpush v9, $0x8;
	s16 =	sadd.s32 s26, s12;
	s14 =	sadd.s32 s14, s29;
	s31 =	spop (v2sf)  }
0x534: {  	v3 =	vcombine.low v3, v19;
	v52 =	vand.u32 $0x186A0, v57;
	s12 =	sadd.s32 s25, s23;
	(v2sf) =	vpush v9, $0xA;
	s26 =	smulhi.u32 $0x14F8B589, s31;
	s30 =	sshra.s32 s31, $0x1F  }
0x535: {  	v63 =	vmul.u32 $0x186A0, v12;
	v61 =	vperm.xlane v60, v1;
	s29 =	sshrl.u32 s14, $0x1F;
	s22 =	spop (v2sf);
	(v2sf) =	vpush v9, $0xB;
	s21 =	smul.u32 $0x14F8B589, s30  }
0x536: {  	v12 =	vadd.s32 v52, v2;
	v62 =	vmov s20;
	s24 =	spop (v2sf);
	(v2sf) =	vpush v9, $0x0;
	s23 =	smulhi.u32 $0x14F8B589, s22;
	s28 =	sshra.s32 s22, $0x1F  }
0x537: {  	v2 =	vperm.xlane v53, v58;
	v46 =	vnsel vm3, $0x0, v62;
	s31 =	sshrl.u32 s16, $0x1F;
	s20 =	smul.u32 $0x14F8B589, s28;
	s18 =	spop (v2sf);
	(v2sf) =	vpush v9, $0x1  }
0x538: {  	v33 =	vsel vm2, s19, v33;
	v62 =	vsel vm0, s31, v46;
	s31 =	smulhi.u32 $0x14F8B589, s24;
	s19 =	sshra.s32 s24, $0x1F;
	s24 =	spop (v2sf);
	(v2sf) =	vpush v9, $0x2  }
0x539: {  	v11 =	vsub.s32 v11, v63;
	v2 =	vsel vm8, v39, v2;
	s2 =	sadd.s32 s21, s26;
	s26 =	smul.u32 $0x14F8B589, s19;
	s22 =	spop (v2sf);
	(v2sf) =	vpush v9, $0x3  }
0x53a: {  	v18 =	vsel vm0, s17, v18;
	s30 =	sshrl.u32 s12, $0x1F;
	v39 =	vsel vm1, s29, v62;
	s28 =	smulhi.u32 $0x14F8B589, s18;
	s29 =	sshra.s32 s18, $0x1F;
	(v2sf) =	vpush v9, $0x4  }
0x53b: {  	v40 =	vsel vm8, v61, v40;
	v18 =	vsel vm1, s0, v18;
	v52 =	vsel vm2, s30, v39;
	s25 =	sshrl.u32 s2, $0x1F;
	s3 =	sadd.s32 s20, s23;
	s30 =	smul.u32 $0x14F8B589, s29  }
0x53c: {  	v63 =	vcombine.low v35, v41;
	v35 =	vsel vm2, s15, v18;
	v18 =	vsel vm4, s25, v52;
	s1 =	sadd.s32 s26, s31;
	s31 =	sshrl.u32 s3, $0x1F;
	s25 =	sshra.s32 s9, $0xD  }
0x53d: {  	v56 =	vperm.xlane v38, v1;
	v57 =	vmov s7;
	v2 =	vadd.s32 v40, v2;
	s26 =	sshra.s32 s11, $0xD;
	s29 =	sshra.s32 s13, $0xD;
	s9 =	smulhi.u32 $0x14F8B589, s24  }
0x53e: {  	v2 =	vmul.u32 $0x186A0, v2;
	v54 =	vperm.xlane v63, v58;
	v18 =	vsel vm5, s31, v18;
	s7 =	sshrl.u32 s1, $0x1F;
	s31 =	sshra.s32 s24, $0x1F;
	s24 =	sshra.s32 s16, $0x1F  }
0x53f: {  	v3 =	vperm.xlane v3, v58;
	v4 =	vperm.xlane v4, v1;
	v59 =	vsel vm0, s4, v57;
	s21 =	spop (v2sf);
	s0 =	sadd.s32 s30, s28;
	s30 =	sshra.s32 s13, $0x1F  }
0x540: {  	v34 =	vsel vm1, s8, v59;
	v2 =	vsub.s32 v13, v2;
	v13 =	vsel vm8, v56, v54;
	s13 =	sshra.s32 s6, $0xD;
	s6 =	sshra.s32 s16, $0xD;
	s20 =	spop (v2sf)  }
0x541: {  	v13 =	vadd.s32 v13, v32;
	v32 =	vsel vm2, s25, v34;
	v60 =	vmov s26;
	s25 =	smulhi.u32 $0x14F8B589, s22;
	s26 =	sshra.s32 s22, $0x1F;
	s19 =	spop (v2sf)  }
0x542: {  	v25 =	vsel vm8, v26, v25;
	v24 =	vperm.xlane v24, v58;
	v20 =	vsel vm8, v21, v20;
	s23 =	sshrl.u32 s0, $0x1F;
	s28 =	sshra.s32 s0, $0x1F;
	s18 =	spop (v2sf)  }
0x543: {  	v4 =	vsel vm8, v4, v3;
	v8 =	vadd.s32 $0x186A0, v8;
	v18 =	vsel vm6, s7, v18;
	s22 =	smul.u32 $0x14F8B589, s26;
	s26 =	sshra.s32 s5, $0xD;
	s17 =	spop (v2sf)  }
0x544: {  	v10 =	vadd.s32 $0x493E0, v10;
	s0 =	sshra.s32 s0, $0xD;
	v31 =	vsel vm7, s23, v18;
	v61 =	vmov s28;
	s23 =	smul.u32 $0x14F8B589, s31;
	s15 =	spop (v2sf)  }
0x545: {  	v6 =	vadd.s32 $0x61A80, v6;
	v40 =	vsel vm8, v30, v29;
	s28 =	sshra.s32 s14, $0xD;
	s31 =	sshra.s32 s21, $0x1F;
	v34 =	vsel vm3, s29, v61;
	s8 =	spop (v2sf)  }
0x546: {  	v57 =	vcombine.low v51, v50;
	v25 =	vadd.s32 v40, v25;
	s29 =	sshra.s32 s14, $0x1F;
	v34 =	vsel vm9, s30, v34;
	s30 =	smulhi.u32 $0x14F8B589, s21;
	s7 =	spop (v2sf)  }
0x547: {  	v41 =	vcombine.low v47, v55;
	v25 =	vmul.u32 $0x186A0, v25;
	(v2sf) =	vpush v9, $0x5;
	s21 =	smul.u32 $0x14F8B589, s31;
	s31 =	sshra.s32 s18, $0x1F;
	s11 =	spop (v2sf)  }
0x548: {  	v63 =	vmul.u32 $0x186A0, v13;
	v13 =	vsel vm0, s6, v34;
	s6 =	sadd.s32 s23, s9;
	s23 =	smulhi.u32 $0x14F8B589, s20;
	s9 =	spop (v2sf);
	(v2sf) =	vpush v9, $0x6  }
0x549: {  	v12 =	vadd.s32 $0x927C0, v12;
	v19 =	vperm.xlane v41, v58;
	s20 =	sshra.s32 s20, $0x1F;
	s14 =	smul.u32 $0x14F8B589, s31;
	s4 =	spop (v2sf);
	(v2sf) =	vpush v9, $0x7  }
0x54a: {  	v15 =	vsub.s32 v15, v25;
	v62 =	vshra.s32 v2, $0x1F;
	v18 =	vsel vm0, s13, v60;
	s13 =	sadd.s32 s22, s25;
	s22 =	sshra.s32 s12, $0xD;
	s20 =	smul.u32 $0x14F8B589, s20  }
0x54b: {  	v3 =	vshra.s32 v15, $0x1F;
	v27 =	vand.u32 $0x186A0, v62;
	s25 =	sshra.s32 s19, $0x1F;
	v38 =	vsel vm10, s24, v13;
	s24 =	smulhi.u32 $0x14F8B589, s19;
	s16 =	sadd.s32 s21, s30  }
0x54c: {  	v52 =	vperm.xlane v49, v1;
	v18 =	vsel vm1, s10, v18;
	s30 =	smulhi.u32 $0x14F8B589, s18;
	s18 =	sshra.s32 s2, $0xD;
	s2 =	sshra.s32 s2, $0x1F;
	v39 =	vsel vm1, s28, v38  }
0x54d: {  	v13 =	vadd.s32 v27, v2;
	v2 =	vsub.s32 v14, v63;
	s28 =	sshra.s32 s12, $0x1F;
	v14 =	vsel vm11, s29, v39;
	s29 =	smul.u32 $0x14F8B589, s25;
	s10 =	sadd.s32 s20, s23  }
0x54e: {  	v3 =	vand.u32 $0x186A0, v3;
	v46 =	vshra.s32 v11, $0x1F;
	v19 =	vsel vm8, v52, v19;
	s21 =	smulhi.u32 $0x14F8B589, s17;
	s17 =	sshra.s32 s17, $0x1F;
	s12 =	sadd.s32 s14, s30  }
0x54f: {  	v53 =	vand.u32 $0x186A0, v46;
	v4 =	vadd.s32 v4, v19;
	s25 =	sshrl.u32 s6, $0x1F;
	s6 =	sshra.s32 s6, $0xD;
	v14 =	vsel vm2, s22, v14;
	s22 =	sshrl.u32 s13, $0x1F  }
0x550: {  	v62 =	vperm.xlane v48, v1;
	v19 =	vperm.xlane v57, v58;
	v4 =	vmul.u32 $0x186A0, v4;
	s17 =	smul.u32 $0x14F8B589, s17;
	s23 =	sshrl.u32 s12, $0x1F;
	s13 =	sshra.s32 s13, $0xD  }
0x551: {  	v47 =	vperm.xlane v23, v1;
	v3 =	vadd.s32 v3, v15;
	v11 =	vadd.s32 v53, v11;
	s12 =	sshra.s32 s12, $0xD;
	s5 =	sadd.s32 s29, s24;
	s24 =	smulhi.u32 $0x14F8B589, s15  }
0x552: {  	v30 =	vsel vm8, v62, v19;
	v4 =	vsub.s32 v17, v4;
	s15 =	sshra.s32 s15, $0x1F;
	v53 =	vmov s22;
	s29 =	sshrl.u32 s16, $0x1F;
	s22 =	sshrl.u32 s10, $0x1F  }
0x553: {  	v37 =	vshra.s32 v4, $0x1F;
	v46 =	vshra.s32 v2, $0x1F;
	v14 =	vsel vm12, s28, v14;
	s16 =	sshra.s32 s16, $0xD;
	s10 =	sshra.s32 s10, $0xD;
	s28 =	smul.u32 $0x14F8B589, s15  }
0x554: {  	v18 =	vsel vm2, s26, v18;
	v19 =	vand.u32 $0x186A0, v37;
	v22 =	vand.u32 $0x186A0, v46;
	s15 =	sadd.s32 s17, s21;
	s17 =	smulhi.u32 $0x14F8B589, s8;
	s8 =	sshra.s32 s8, $0x1F  }
0x555: {  	v2 =	vadd.s32 v22, v2;
	v22 =	vsel vm8, v47, v24;
	v54 =	vmov s23;
	s26 =	sshrl.u32 s5, $0x1F;
	s5 =	sshra.s32 s5, $0xD;
	s23 =	smul.u32 $0x14F8B589, s8  }
0x556: {  	v4 =	vadd.s32 v19, v4;
	v56 =	vadd.s32 v22, v20;
	v63 =	vmov s13;
	s31 =	smulhi.u32 $0x14F8B589, s7;
	s7 =	sshra.s32 s7, $0x1F;
	s8 =	spop (v2sf)  }
0x557: {  	v38 =	vmov s12;
	v21 =	vsel vm0, s25, v53;
	v14 =	vsel vm4, s18, v14;
	s30 =	sshrl.u32 s15, $0x1F;
	s25 =	smul.u32 $0x14F8B589, s7;
	s7 =	spop (v2sf)  }
0x558: {  	v55 =	vsel vm0, s26, v54;
	v59 =	vsel vm1, s29, v21;
	v19 =	vsel vm0, s5, v38;
	s5 =	sshra.s32 s1, $0xD;
	s26 =	smulhi.u32 $0x14F8B589, s11;
	s29 =	spop (v2sf)  }
0x559: {  	v15 =	vmul.u32 $0x186A0, v56;
	v24 =	vsel vm0, s6, v63;
	s18 =	sshra.s32 s15, $0xD;
	v60 =	vsel vm1, s30, v55;
	s30 =	smulhi.u32 $0x14F8B589, s29;
	s6 =	sshra.s32 s29, $0x1F  }
0x55a: {  	v28 =	vperm.xlane v36, v1;
	v61 =	vcombine.low v42, v44;
	v29 =	vsel vm1, s16, v24;
	s14 =	sadd.s32 s28, s24;
	s11 =	sshra.s32 s11, $0x1F;
	s6 =	smul.u32 $0x14F8B589, s6  }
0x55b: {  	v18 =	vcombine.low v18, v32;
	v15 =	vsub.s32 v16, v15;
	v16 =	vsel vm2, s10, v29;
	s10 =	sshra.s32 s3, $0xD;
	s3 =	sshra.s32 s3, $0x1F;
	s24 =	sshrl.u32 s14, $0x1F  }
0x55c: {  	v3 =	vadd.s32 $0xF4240, v3;
	v42 =	vadd.s32 $0x30D40, v45;
	v22 =	vperm.xlane v61, v58;
	s11 =	smul.u32 $0x14F8B589, s11;
	s17 =	sadd.s32 s23, s17;
	s6 =	sadd.s32 s6, s30  }
0x55d: {  	v44 =	vperm.xlane v31, v1;
	v18 =	vperm.xlane v18, v58;
	v36 =	vshra.s32 v15, $0x1F;
	s14 =	sshra.s32 s14, $0xD;
	s28 =	smulhi.u32 $0x14F8B589, s9;
	s13 =	sshra.s32 s6, $0x1F  }
0x55e: {  	v34 =	vsel vm8, v28, v22;
	s9 =	sshra.s32 s9, $0x1F;
	s31 =	sadd.s32 s25, s31;
	v22 =	vand.u32 $0x186A0, v36;
	s16 =	sshra.s32 s17, $0xD;
	v40 =	vmov s13  }
0x55f: {  	v39 =	vcombine.low v35, v33;
	s20 =	sshra.s32 s17, $0x1F;
	s21 =	sshrl.u32 s17, $0x1F;
	s9 =	smul.u32 $0x14F8B589, s9;
	v15 =	vadd.s32 v22, v15;
	v22 =	vsel vm3, s16, v40  }
0x560: {  	v20 =	vsel vm2, s22, v59;
	v21 =	vsel vm2, s24, v60;
	s11 =	sadd.s32 s11, s26;
	s22 =	sshrl.u32 s31, $0x1F;
	s23 =	sshra.s32 s31, $0xD;
	v41 =	vsel vm9, s20, v22  }
0x561: {  	v14 =	vsel vm13, s2, v14;
	v20 =	vcombine.low v21, v20;
	s25 =	sshra.s32 s31, $0x1F;
	s26 =	smulhi.u32 $0x14F8B589, s4;
	s4 =	sshra.s32 s4, $0x1F;
	v21 =	vsel vm0, s23, v41  }
0x562: {  	v17 =	vadd.s32 v30, v34;
	v19 =	vsel vm1, s18, v19;
	s4 =	smul.u32 $0x14F8B589, s4;
	s9 =	sadd.s32 s9, s28;
	s28 =	sshra.s32 s11, $0xD;
	v21 =	vsel vm10, s25, v21  }
0x563: {  	v17 =	vmul.u32 $0x186A0, v17;
	v14 =	vsel vm5, s10, v14;
	s24 =	sshrl.u32 s11, $0x1F;
	s11 =	sshra.s32 s11, $0x1F;
	s31 =	sshra.s32 s9, $0xD;
	v21 =	vsel vm1, s28, v21  }
0x564: {  	v19 =	vsel vm2, s14, v19;
	v14 =	vsel vm14, s3, v14;
	s4 =	sadd.s32 s4, s26;
	s30 =	smulhi.u32 $0x14F8B589, s8;
	s8 =	sshra.s32 s8, $0x1F;
	v21 =	vsel vm11, s11, v21  }
0x565: {  	v0 =	vsub.s32 v0, v17;
	v45 =	vmov s21;
	s29 =	sshrl.u32 s9, $0x1F;
	s9 =	sshra.s32 s9, $0x1F;
	s8 =	smul.u32 $0x14F8B589, s8;
	v21 =	vsel vm2, s31, v21  }
0x566: {  	v16 =	vcombine.low v19, v16;
	v19 =	vnsel vm3, $0x0, v45;
	s18 =	sshra.s32 s4, $0xD;
	s17 =	smulhi.u32 $0x14F8B589, s7;
	s7 =	sshra.s32 s7, $0x1F;
	v21 =	vsel vm12, s9, v21  }
0x567: {  	v17 =	vperm.xlane v39, v58;
	v19 =	vsel vm0, s22, v19;
	s19 =	sshra.s32 s4, $0x1F;
	s7 =	smul.u32 $0x14F8B589, s7;
	s8 =	sadd.s32 s8, s30;
	v21 =	vsel vm4, s18, v21  }
0x568: {  	s1 =	sshra.s32 s1, $0x1F;
	v14 =	vsel vm6, s5, v14;
	v19 =	vsel vm1, s24, v19;
	s26 =	rddreg [dreg:$0x19];
	s21 =	sshra.s32 s8, $0xD;
	v21 =	vsel vm13, s19, v21  }
0x569: {  	v14 =	vsel vm15, s1, v14;
	v19 =	vsel vm2, s29, v19;
	s2 =	sadd.s32 s7, s17;
	s20 =	sshrl.u32 s4, $0x1F;
	s23 =	sshra.s32 s8, $0x1F;
	v21 =	vsel vm5, s21, v21  }
0x56a: {  	v46 =	vsel vm7, s0, v14;
	[tilespmem:s26+$0x288] =	vst v7;
	s22 =	sshrl.u32 s8, $0x1F;
	v19 =	vsel vm4, s20, v19;
	s25 =	sshra.s32 s2, $0xD;
	v21 =	vsel vm14, s23, v21  }
0x56b: {  	v51 =	vperm.xlane v20, v58;
	[tilespmem:s26+$0x488] =	vst v8;
	s24 =	sshrl.u32 s2, $0x1F;
	s29 =	sshra.s32 s2, $0x1F;
	v19 =	vsel vm5, s22, v19;
	v48 =	vsel vm6, s25, v21  }
0x56c: {  	v52 =	vperm.xlane v16, v58;
	[tilespmem:s26+$0x688] =	vst v42;
	s30 =	sshra.s32 s6, $0xD;
	v47 =	vsel vm6, s24, v19;
	s28 =	sshrl.u32 s6, $0x1F;
	v50 =	vsel vm15, s29, v48  }
0x56d: {  	v7 =	vperm.xlane v46, v1;
	[tilespmem:s26+$0x888] =	vst v10;
	v49 =	vsel vm7, s28, v47;
	v14 =	vsel vm7, s30, v50  }
0x56e: {  	v54 =	vadd.s32 $0x7A120, v43;
	[tilespmem:s26+$0xA88] =	vst v6;
	v8 =	vperm.xlane v49, v1;
	v14 =	vperm.xlane v14, v1  }
0x56f: {  	v56 =	vadd.s32 $0xAAE60, v11;
	v53 =	vsel vm8, v44, v17;
	[tilespmem:s26+$0xC88] =	vst v54;
	v7 =	vsel vm8, v7, v18  }
0x570: {  	[tilespmem:s26+$0xE88] =	vst v12;
	v6 =	vadd.s32 v53, v7;
	v8 =	vsel vm8, v8, v51;
	v10 =	vsel vm8, v14, v52  }
0x571: {  	v57 =	vadd.s32 $0xC3500, v13;
	[tilespmem:s26+$0x1088] =	vst v56;
	v6 =	vmul.u32 $0x186A0, v6;
	v55 =	vadd.s32 v8, v10  }
0x572: {  	v2 =	vadd.s32 $0xDBBA0, v2;
	v59 =	vadd.s32 $0x10C8E0, v15;
	[tilespmem:s26+$0x1288] =	vst v57;
	v7 =	vmul.u32 $0x186A0, v55  }
0x573: {  	v61 =	vshra.s32 v0, $0x1F;
	[tilespmem:s26+$0x1488] =	vst v2;
	v2 =	vadd.s32 $0x124F80, v4;
	v60 =	vsub.s32 v5, v6;
	s31 =	rddreg [dreg:$0x18]  }
0x574: {  	[tilespmem:s26+$0x1688] =	vst v3;
	v3 =	vand.u32 $0x186A0, v61;
	v6 =	vshra.s32 v60, $0x1F;
	p0 =	sne.s32 s31, $0x7C0;
	v62 =	vsub.s32 v9, v7  }
.Ltmp0:
0x575: {  	[tilespmem:s26+$0x1888] =	vst v59;
	v0 =	vadd.s32 v3, v0;
	v3 =	vand.u32 $0x186A0, v6;
	v63 =	vshra.s32 v62, $0x1F;
	(pc) =	sbr.rel @p0 .LBB2_2-.Ltmp0, $4  }
0x576: {  	[tilespmem:s26+$0x1A88] =	vst v2;
	v0 =	vadd.s32 $0x13D620, v0;
	v2 =	vadd.s32 v3, v60;
	v3 =	vand.u32 $0x186A0, v63  }
0x577: {  	[tilespmem:s26+$0x1C88] =	vst v0;
	v0 =	vadd.s32 $0x155CC0, v2;
	v2 =	vadd.s32 v3, v62  }
0x578: {  	[tilespmem:s26+$0x1E88] =	vst v0;
	v0 =	vadd.s32 $0x16E360, v2  }
0x579: {  	s0 =	sadd.s32 $0x40, s31;
	[tilespmem:s26+$0x2088] =	vst v0  }
0x57a: {  	s0 =	rddreg [dreg:$0x4]  }
0x57b: {  	s2 =	simm.s32 $0x200;
	s1 =	simm.s32 $0x288;
	s3 =	simm.s32 $0x2288  }
0x57c: {  	[tilespmem:s3], [sflag:$0x1] =	stream.indirect.gather [hbm4b:s0+s2], $0x20, s1, s2, $0xb8;
	[tilespmem:$0x12288] =	vst v63  }
0x57d: {  	s19 =	simm.s32 $0x488;
	s4 =	simm.s32 $0x6288  }
0x57e: {  	[tilespmem:s4], [sflag:$0x1] =	stream.indirect.gather [hbm4b:s0+s2], $0x20, s19, s2, $0xb8;
	[tilespmem:$0x12288] =	vst v63  }
0x57f: {  	s20 =	simm.s32 $0x688;
	s5 =	simm.s32 $0xA288;
	s6 =	simm.s32 $0x1  }
0x580: {  	[tilespmem:s5], [sflag:$0x1] =	stream.indirect.gather [hbm4b:s0+s2], $0x20, s20, s2, $0xb8;
	[tilespmem:$0x12288] =	vst v63  }
0x581: {  	_ =	swait.ge [sflag:s6], $0x4000  }
0x582: {  	[sflag:s6] =	ssyncset.done $0x0  }
0x583: {  	s7 =	simm.s32 $0x20;
	s21 =	rddreg [dreg:$0x5];
	[sflag:s6] =	ssyncadd.s32 $0xFFFFC000  }
0x584: {  	[hbm4b:s21+s7] =	stream.strided.scatter [tilespmem:s3], [sflag:$0x2], $0x4000, s2, s7, $0x38;
	[tilespmem:$0x12288] =	vst v63  }
0x585: {  	s22 =	simm.s32 $0x888;
	s8 =	simm.s32 $0xE288  }
0x586: {  	[tilespmem:s8], [sflag:$0x1] =	stream.indirect.gather [hbm4b:s0+s2], $0x20, s22, s2, $0xb8;
	[tilespmem:$0x12288] =	vst v63  }
0x587: {  	_ =	swait.ge [sflag:s6], $0x4000  }
0x588: {  	[sflag:s6] =	ssyncset.done $0x0  }
0x589: {  	s9 =	simm.s32 $0x2;
	s23 =	rddreg [dreg:$0x7];
	[sflag:s6] =	ssyncadd.s32 $0xFFFFC000  }
0x58a: {  	[hbm4b:s23+s7] =	stream.strided.scatter [tilespmem:s4], [sflag:$0x2], $0x4000, s2, s7, $0x38;
	[tilespmem:$0x12288] =	vst v63  }
0x58b: {  	_ =	swait.ge [sflag:s9], $0x4000  }
0x58c: {  	[sflag:s9] =	ssyncset.done $0x0  }
0x58d: {  	s24 =	simm.s32 $0xA88;
	[sflag:s9] =	ssyncadd.s32 $0xFFFFC000  }
0x58e: {  	[tilespmem:s3], [sflag:$0x1] =	stream.indirect.gather [hbm4b:s0+s2], $0x20, s24, s2, $0xb8;
	[tilespmem:$0x12288] =	vst v63  }
0x58f: {  	_ =	swait.ge [sflag:s6], $0x4000  }
0x590: {  	[sflag:s6] =	ssyncset.done $0x0  }
0x591: {  	s25 =	rddreg [dreg:$0x8];
	[sflag:s6] =	ssyncadd.s32 $0xFFFFC000  }
0x592: {  	[hbm4b:s25+s7] =	stream.strided.scatter [tilespmem:s5], [sflag:$0x2], $0x4000, s2, s7, $0x38;
	[tilespmem:$0x12288] =	vst v63  }
0x593: {  	_ =	swait.ge [sflag:s9], $0x4000  }
0x594: {  	[sflag:s9] =	ssyncset.done $0x0  }
0x595: {  	s26 =	simm.s32 $0xC88;
	[sflag:s9] =	ssyncadd.s32 $0xFFFFC000  }
0x596: {  	[tilespmem:s4], [sflag:$0x1] =	stream.indirect.gather [hbm4b:s0+s2], $0x20, s26, s2, $0xb8;
	[tilespmem:$0x12288] =	vst v63  }
0x597: {  	_ =	swait.ge [sflag:s6], $0x4000  }
0x598: {  	[sflag:s6] =	ssyncset.done $0x0  }
0x599: {  	s28 =	rddreg [dreg:$0x9];
	[sflag:s6] =	ssyncadd.s32 $0xFFFFC000  }
0x59a: {  	[hbm4b:s28+s7] =	stream.strided.scatter [tilespmem:s8], [sflag:$0x2], $0x4000, s2, s7, $0x38;
	[tilespmem:$0x12288] =	vst v63  }
0x59b: {  	_ =	swait.ge [sflag:s9], $0x4000  }
0x59c: {  	[sflag:s9] =	ssyncset.done $0x0  }
0x59d: {  	s29 =	simm.s32 $0xE88;
	[sflag:s9] =	ssyncadd.s32 $0xFFFFC000  }
0x59e: {  	[tilespmem:s5], [sflag:$0x1] =	stream.indirect.gather [hbm4b:s0+s2], $0x20, s29, s2, $0xb8;
	[tilespmem:$0x12288] =	vst v63  }
0x59f: {  	_ =	swait.ge [sflag:s6], $0x4000  }
0x5a0: {  	[sflag:s6] =	ssyncset.done $0x0  }
0x5a1: {  	s30 =	rddreg [dreg:$0xa];
	[sflag:s6] =	ssyncadd.s32 $0xFFFFC000  }
0x5a2: {  	[hbm4b:s30+s7] =	stream.strided.scatter [tilespmem:s3], [sflag:$0x2], $0x4000, s2, s7, $0x38;
	[tilespmem:$0x12288] =	vst v63  }
0x5a3: {  	_ =	swait.ge [sflag:s9], $0x4000  }
0x5a4: {  	[sflag:s9] =	ssyncset.done $0x0  }
0x5a5: {  	s31 =	simm.s32 $0x1088;
	[sflag:s9] =	ssyncadd.s32 $0xFFFFC000  }
0x5a6: {  	[tilespmem:s8], [sflag:$0x1] =	stream.indirect.gather [hbm4b:s0+s2], $0x20, s31, s2, $0xb8;
	[tilespmem:$0x12288] =	vst v63  }
0x5a7: {  	_ =	swait.ge [sflag:s6], $0x4000  }
0x5a8: {  	[sflag:s6] =	ssyncset.done $0x0  }
0x5a9: {  	s10 =	rddreg [dreg:$0xb];
	[sflag:s6] =	ssyncadd.s32 $0xFFFFC000  }
0x5aa: {  	[hbm4b:s10+s7] =	stream.strided.scatter [tilespmem:s4], [sflag:$0x2], $0x4000, s2, s7, $0x38;
	[tilespmem:$0x12288] =	vst v63  }
0x5ab: {  	_ =	swait.ge [sflag:s9], $0x4000  }
0x5ac: {  	[sflag:s9] =	ssyncset.done $0x0  }
0x5ad: {  	s11 =	simm.s32 $0x1288;
	[sflag:s9] =	ssyncadd.s32 $0xFFFFC000  }
0x5ae: {  	[tilespmem:s3], [sflag:$0x1] =	stream.indirect.gather [hbm4b:s0+s2], $0x20, s11, s2, $0xb8;
	[tilespmem:$0x12288] =	vst v63  }
0x5af: {  	_ =	swait.ge [sflag:s6], $0x4000  }
0x5b0: {  	[sflag:s6] =	ssyncset.done $0x0  }
0x5b1: {  	s12 =	rddreg [dreg:$0xc];
	[sflag:s6] =	ssyncadd.s32 $0xFFFFC000  }
0x5b2: {  	[hbm4b:s12+s7] =	stream.strided.scatter [tilespmem:s5], [sflag:$0x2], $0x4000, s2, s7, $0x38;
	[tilespmem:$0x12288] =	vst v63  }
0x5b3: {  	_ =	swait.ge [sflag:s9], $0x4000  }
0x5b4: {  	[sflag:s9] =	ssyncset.done $0x0  }
0x5b5: {  	s13 =	simm.s32 $0x1488;
	[sflag:s9] =	ssyncadd.s32 $0xFFFFC000  }
0x5b6: {  	[tilespmem:s4], [sflag:$0x1] =	stream.indirect.gather [hbm4b:s0+s2], $0x20, s13, s2, $0xb8;
	[tilespmem:$0x12288] =	vst v63  }
0x5b7: {  	_ =	swait.ge [sflag:s6], $0x4000  }
0x5b8: {  	[sflag:s6] =	ssyncset.done $0x0  }
0x5b9: {  	s14 =	rddreg [dreg:$0xd];
	[sflag:s6] =	ssyncadd.s32 $0xFFFFC000  }
0x5ba: {  	[hbm4b:s14+s7] =	stream.strided.scatter [tilespmem:s8], [sflag:$0x2], $0x4000, s2, s7, $0x38;
	[tilespmem:$0x12288] =	vst v63  }
0x5bb: {  	_ =	swait.ge [sflag:s9], $0x4000  }
0x5bc: {  	[sflag:s9] =	ssyncset.done $0x0  }
0x5bd: {  	s15 =	simm.s32 $0x1688;
	[sflag:s9] =	ssyncadd.s32 $0xFFFFC000  }
0x5be: {  	[tilespmem:s5], [sflag:$0x1] =	stream.indirect.gather [hbm4b:s0+s2], $0x20, s15, s2, $0xb8;
	[tilespmem:$0x12288] =	vst v63  }
0x5bf: {  	_ =	swait.ge [sflag:s6], $0x4000  }
0x5c0: {  	[sflag:s6] =	ssyncset.done $0x0  }
0x5c1: {  	s16 =	rddreg [dreg:$0xe];
	[sflag:s6] =	ssyncadd.s32 $0xFFFFC000  }
0x5c2: {  	[hbm4b:s16+s7] =	stream.strided.scatter [tilespmem:s3], [sflag:$0x2], $0x4000, s2, s7, $0x38;
	[tilespmem:$0x12288] =	vst v63  }
0x5c3: {  	_ =	swait.ge [sflag:s9], $0x4000  }
0x5c4: {  	[sflag:s9] =	ssyncset.done $0x0  }
0x5c5: {  	s17 =	simm.s32 $0x1888;
	[sflag:s9] =	ssyncadd.s32 $0xFFFFC000  }
0x5c6: {  	[tilespmem:s8], [sflag:$0x1] =	stream.indirect.gather [hbm4b:s0+s2], $0x20, s17, s2, $0xb8;
	[tilespmem:$0x12288] =	vst v63  }
0x5c7: {  	_ =	swait.ge [sflag:s6], $0x4000  }
0x5c8: {  	[sflag:s6] =	ssyncset.done $0x0  }
0x5c9: {  	s18 =	rddreg [dreg:$0xf];
	[sflag:s6] =	ssyncadd.s32 $0xFFFFC000  }
0x5ca: {  	[hbm4b:s18+s7] =	stream.strided.scatter [tilespmem:s4], [sflag:$0x2], $0x4000, s2, s7, $0x38;
	[tilespmem:$0x12288] =	vst v63  }
0x5cb: {  	_ =	swait.ge [sflag:s9], $0x4000  }
0x5cc: {  	[sflag:s9] =	ssyncset.done $0x0  }
0x5cd: {  	s19 =	simm.s32 $0x1A88;
	[sflag:s9] =	ssyncadd.s32 $0xFFFFC000  }
0x5ce: {  	[tilespmem:s3], [sflag:$0x1] =	stream.indirect.gather [hbm4b:s0+s2], $0x20, s19, s2, $0xb8;
	[tilespmem:$0x12288] =	vst v63  }
0x5cf: {  	_ =	swait.ge [sflag:s6], $0x4000  }
0x5d0: {  	[sflag:s6] =	ssyncset.done $0x0  }
0x5d1: {  	s20 =	rddreg [dreg:$0x10];
	[sflag:s6] =	ssyncadd.s32 $0xFFFFC000  }
0x5d2: {  	[hbm4b:s20+s7] =	stream.strided.scatter [tilespmem:s5], [sflag:$0x2], $0x4000, s2, s7, $0x38;
	[tilespmem:$0x12288] =	vst v63  }
0x5d3: {  	_ =	swait.ge [sflag:s9], $0x4000  }
0x5d4: {  	[sflag:s9] =	ssyncset.done $0x0  }
0x5d5: {  	s21 =	simm.s32 $0x1C88;
	[sflag:s9] =	ssyncadd.s32 $0xFFFFC000  }
0x5d6: {  	[tilespmem:s4], [sflag:$0x1] =	stream.indirect.gather [hbm4b:s0+s2], $0x20, s21, s2, $0xb8;
	[tilespmem:$0x12288] =	vst v63  }
0x5d7: {  	_ =	swait.ge [sflag:s6], $0x4000  }
0x5d8: {  	[sflag:s6] =	ssyncset.done $0x0  }
0x5d9: {  	s22 =	rddreg [dreg:$0x11];
	[sflag:s6] =	ssyncadd.s32 $0xFFFFC000  }
0x5da: {  	[hbm4b:s22+s7] =	stream.strided.scatter [tilespmem:s8], [sflag:$0x2], $0x4000, s2, s7, $0x38;
	[tilespmem:$0x12288] =	vst v63  }
0x5db: {  	_ =	swait.ge [sflag:s9], $0x4000  }
0x5dc: {  	[sflag:s9] =	ssyncset.done $0x0  }
0x5dd: {  	s23 =	simm.s32 $0x1E88;
	[sflag:s9] =	ssyncadd.s32 $0xFFFFC000  }
0x5de: {  	[tilespmem:s5], [sflag:$0x1] =	stream.indirect.gather [hbm4b:s0+s2], $0x20, s23, s2, $0xb8;
	[tilespmem:$0x12288] =	vst v63  }
0x5df: {  	_ =	swait.ge [sflag:s6], $0x4000  }
0x5e0: {  	[sflag:s6] =	ssyncset.done $0x0  }
0x5e1: {  	s24 =	rddreg [dreg:$0x12];
	[sflag:s6] =	ssyncadd.s32 $0xFFFFC000  }
0x5e2: {  	[hbm4b:s24+s7] =	stream.strided.scatter [tilespmem:s3], [sflag:$0x2], $0x4000, s2, s7, $0x38;
	[tilespmem:$0x12288] =	vst v63  }
0x5e3: {  	_ =	swait.ge [sflag:s9], $0x4000  }
0x5e4: {  	[sflag:s9] =	ssyncset.done $0x0  }
0x5e5: {  	s25 =	simm.s32 $0x2088;
	[sflag:s9] =	ssyncadd.s32 $0xFFFFC000  }
0x5e6: {  	[tilespmem:s8], [sflag:$0x1] =	stream.indirect.gather [hbm4b:s0+s2], $0x20, s25, s2, $0xb8;
	[tilespmem:$0x12288] =	vst v63  }
0x5e7: {  	_ =	swait.ge [sflag:s6], $0x4000  }
0x5e8: {  	[sflag:s6] =	ssyncset.done $0x0  }
0x5e9: {  	s26 =	rddreg [dreg:$0x13];
	[sflag:s6] =	ssyncadd.s32 $0xFFFFC000  }
0x5ea: {  	[hbm4b:s26+s7] =	stream.strided.scatter [tilespmem:s4], [sflag:$0x2], $0x4000, s2, s7, $0x38;
	[tilespmem:$0x12288] =	vst v63  }
0x5eb: {  	_ =	swait.ge [sflag:s6], $0x4000  }
0x5ec: {  	[sflag:s6] =	ssyncset.done $0x0  }
0x5ed: {  	s28 =	rddreg [dreg:$0x14];
	[sflag:s6] =	ssyncadd.s32 $0xFFFFC000  }
0x5ee: {  	[hbm4b:s28+s7] =	stream.strided.scatter [tilespmem:s5], [sflag:$0x2], $0x4000, s2, s7, $0x38;
	[tilespmem:$0x12288] =	vst v63  }
0x5ef: {  	_ =	swait.ge [sflag:s6], $0x4000  }
0x5f0: {  	[sflag:s6] =	ssyncset.done $0x0  }
0x5f1: {  	s29 =	rddreg [dreg:$0x15];
	[sflag:s6] =	ssyncadd.s32 $0xFFFFC000  }
0x5f2: {  	[hbm4b:s29+s7] =	stream.strided.scatter [tilespmem:s8], [sflag:$0x2], $0x4000, s2, s7, $0x38;
	[tilespmem:$0x12288] =	vst v63  }
0x5f3: {  	_ =	swait.ge [sflag:s9], $0x4000  }
0x5f4: {  	[sflag:s9] =	ssyncset.done $0x0  }
0x5f5: {  	[sflag:s9] =	ssyncadd.s32 $0xFFFFC000  }
0x5f6: {  	_ =	swait.ge [sflag:s9], $0x4000  }
0x5f7: {  	[sflag:s9] =	ssyncset.done $0x0  }
0x5f8: {  	[sflag:s9] =	ssyncadd.s32 $0xFFFFC000  }
0x5f9: {  	_ =	swait.ge [sflag:s9], $0x4000  }
0x5fa: {  	[sflag:s9] =	ssyncset.done $0x0  }
0x5fb: {  	[sflag:s9] =	ssyncadd.s32 $0xFFFFC000  }
0x5fc: {  	_ =	swait.ge [sflag:s9], $0x4000  }
0x5fd: {  	s30 =	rddreg [dreg:$0x17]  }
0x5fe: {  	s31 =	rddreg [dreg:$0x16];
	s1 =	sadd.s32 $0x1, s30  }
0x5ff: {  	p0 =	sne.s32 s1, s31  }
.Ltmp1:
0x600: {  	_ = 	snop;
	(pc) =	sbr.rel @p0 .LBB2_1-.Ltmp1, $3  }
0x601: {  	_ =	sdelay $0x1  }
0x602: {  	[sflag:s9] =	ssyncset.done $0x0  }
0x603: {  	[sflag:s9] =	ssyncadd.s32 $0xFFFFC000  }
0x604: {  	_ =	sfence.sel $0x180000  }
0x605: {  	[bflag:$0x0] =	sbarrier.arrive $0xFFFF  }
0x606: {  	_ =	strace $0x90000047  }
0x607: {  	s0 =	stileid.u32;
	[bflag:$0x2] =	sbarrier.arrive $0xFFFF  }
0x608: {  	p0 =	sne.s32 s0, $0x0;
	s0 =	rddreg [dreg:$0x2]  }
0x609: {  	s0 =	sadd.s32 @!p0 $0x100000, s0  }
0x60a: {  	[sflag:s0] =	ssyncadd.tile.s32 @!p0 $0x1;
	_ =	shalt  }
.Lfunc_end2:
_tile_overlayer_lowered:
.L_overlay_start_2:
0x60b: {  	(tag) =	ssettag $0x2  }
0x60c: {  	s0 =	rddreg [dreg:$0x0];
	s2 =	stileid.u32  }
0x60d: {  	s1 =	rddreg [dreg:$0x1];
	p0 =	sne.s32 s2, $0x0  }
0x60e: {  	s3 =	rddreg [dreg:$0x2];
	[bflag:$0x3] =	sbarrier.arrive $0xFFFF;
	s2 =	simm.s32 @!p0 $0x1C03  }
0x60f: {  	[timem:s3], [sflag:s2] =	dma.local @!p0 [hbm:s0], s1  }
0x610: {  	s0 =	simm.s32 @!p0 $0x3  }
0x611: {  	_ =	swait.ge @!p0 [sflag:s0], s1  }
0x612: {  	s1 =	ssub.s32 @!p0 $0x0, s1;
	[sflag:s0] =	ssyncset.done @!p0 $0x0  }
0x613: {  	[sflag:s0] =	ssyncadd.s32 @!p0 s1  }
0x614: {  	[bflag:$0x3] =	sbarrier.arrive $0xFFFF  }
0x615: {  	_ =	shalt  }

</sc_bundles>
